<compile_context>
chip_gen: v7x
topology: tpu7x:2x2x1
jax: 0.10.2.dev20260603
libtpu: 0.0.44.dev20260713+nightly
codegen_flags: <defaults>
</compile_context>

<pallas_src>
import functools

import jax
import jax.numpy as jnp
from jax import lax
from jax.experimental import pallas as pl
from jax.experimental.pallas import tpu as pltpu
from jax.experimental.pallas import tpu_sc as plsc

N = 10000
T = 12
IN_DIM = 2
H = 128
OUT_DIM = 12
E = 320000

NC = 2
NS = 16
NW = NC * NS
HALF = N // NC
TRASH = 96
ACC_R = HALF + TRASH
EPS = E // NS
K = 128
CHP = EPS // K + 2
CHPK = CHP * K
RPS = 320
RPS_LAST = ACC_R - (NS - 1) * RPS
RPW = 312
RPW_TAIL = HALF - NS * RPW

_SC_PARAMS = pltpu.CompilerParams(needs_layout_passes=False)


def _acc_setup(zeros_hbm, acc, s):
    @pl.when(s < NS - 1)
    def _():
        pltpu.sync_copy(zeros_hbm.at[pl.ds(s * RPS, RPS)],
                        acc.at[pl.ds(s * RPS, RPS)])

    @pl.when(s == NS - 1)
    def _():
        pltpu.sync_copy(zeros_hbm.at[pl.ds((NS - 1) * RPS, RPS_LAST)],
                        acc.at[pl.ds((NS - 1) * RPS, RPS_LAST)])
    plsc.subcore_barrier()


def _acc_writeout(acc, out_hbm, c, s):
    plsc.subcore_barrier()
    pltpu.sync_copy(acc.at[pl.ds(s * RPW, RPW)],
                    out_hbm.at[c, pl.ds(s * RPW, RPW)])

    @pl.when(s == NS - 1)
    def _():
        pltpu.sync_copy(acc.at[pl.ds(NS * RPW, RPW_TAIL)],
                        out_hbm.at[c, pl.ds(NS * RPW, RPW_TAIL)])


@functools.cache
def _compact_kernel():
    mesh = plsc.VectorSubcoreMesh(core_axis_name="c", subcore_axis_name="s")

    @functools.partial(
        pl.kernel,
        out_type=[
            jax.ShapeDtypeStruct((NW, CHP, K), jnp.int32),
            jax.ShapeDtypeStruct((NW, CHP + 1, K), jnp.int32),
        ],
        mesh=mesh,
        compiler_params=_SC_PARAMS,
        scratch_types=[
            pltpu.VMEM((EPS,), jnp.int32),
            pltpu.VMEM((EPS,), jnp.int32),
            pltpu.VMEM((CHPK + 16,), jnp.int32),
            pltpu.VMEM((CHPK + 16,), jnp.int32),
            pltpu.VMEM((CHP, K), jnp.int32),
            pltpu.VMEM((CHP + 1, K), jnp.int32),
        ],
    )
    def k(src_hbm, dst_hbm, csrc_hbm, cdst_hbm,
          sflat, dflat, csflat, cdflat, cs2d, cd2d):
        c = lax.axis_index("c")
        s = lax.axis_index("s")
        w = c * NS + s
        pltpu.sync_copy(src_hbm.at[s], sflat)
        pltpu.sync_copy(dst_hbm.at[s], dflat)

        iota = lax.iota(jnp.int32, 16)

        def prefix_sum(v):
            for step in (1, 2, 4, 8):
                idx = jnp.maximum(iota - step, 0)
                g = lax.gather(
                    v, idx[:, None],
                    lax.GatherDimensionNumbers(
                        offset_dims=(), collapsed_slice_dims=(0,),
                        start_index_map=(0,)),
                    (1,), mode=lax.GatherScatterMode.PROMISE_IN_BOUNDS)
                v = v + jnp.where(iota >= step, g, 0)
            return v

        def body(i, off):
            sv = sflat[pl.ds(i * 16, 16)]
            dv = dflat[pl.ds(i * 16, 16)]
            dl = dv - c * HALF
            m = (dl >= 0) & (dl < HALF)
            pre = prefix_sum(jnp.where(m, 1, 0))
            pos = jnp.where(m, off + pre - 1, CHPK + iota)
            plsc.store_scatter(csflat, [pos], sv)
            plsc.store_scatter(cdflat, [pos], dl)
            return off + pre[15]

        off = lax.fori_loop(0, EPS // 16, body, 0)

        for g in range(K // 16):
            csflat[pl.ds(off + 16 * g, 16)] = jnp.zeros((16,), jnp.int32)
            cdflat[pl.ds(off + 16 * g, 16)] = HALF + iota + 16 * g
        ncho = (off + K - 1) // K
        cd2d[CHP, pl.ds(0, 16)] = jnp.broadcast_to(ncho, (16,)).astype(jnp.int32)

        def rc(r, carry):
            for q in range(K // 16):
                cs2d[r, pl.ds(16 * q, 16)] = csflat[pl.ds(r * K + 16 * q, 16)]
                cd2d[r, pl.ds(16 * q, 16)] = cdflat[pl.ds(r * K + 16 * q, 16)]
            return carry

        lax.fori_loop(0, CHP, rc, 0)

        pltpu.sync_copy(cs2d, csrc_hbm.at[w])
        pltpu.sync_copy(cd2d, cdst_hbm.at[w])

    return k


@functools.cache
def _edge_agg():
    mesh = plsc.VectorSubcoreMesh(core_axis_name="c", subcore_axis_name="s")

    @functools.partial(
        pl.kernel,
        out_type=jax.ShapeDtypeStruct((NC, HALF, H), jnp.float32),
        mesh=mesh,
        compiler_params=_SC_PARAMS,
        scratch_types=[
            pltpu.VMEM((CHP, K), jnp.int32),
            pltpu.VMEM((CHP + 1, K), jnp.int32),
            pltpu.VMEM((K, H), jnp.float32),
            pltpu.VMEM((K, H), jnp.float32),
            pltpu.VMEM_SHARED((ACC_R, H), jnp.float32),
            pltpu.SemaphoreType.DMA,
            pltpu.SemaphoreType.DMA,
        ],
    )
    def k(csrc_hbm, cdst_hbm, y_hbm, zeros_hbm, out_hbm,
          srcv, dstv, buf0, buf1, acc, sem0, sem1):
        c = lax.axis_index("c")
        s = lax.axis_index("s")
        w = c * NS + s
        pltpu.sync_copy(csrc_hbm.at[w], srcv)
        pltpu.sync_copy(cdst_hbm.at[w], dstv)
        ncho = dstv[CHP, pl.ds(0, 16)][0]
        _acc_setup(zeros_hbm, acc, s)

        def wait(buf, sem):
            pltpu.make_async_copy(y_hbm.at[srcv.at[0]], buf, sem).wait()

        @pl.when(ncho > 0)
        def _():
            pltpu.async_copy(y_hbm.at[srcv.at[0]], buf0, sem0)

        def body(j, carry):
            @pl.when(lax.rem(j, 2) == 0)
            def _():
                wait(buf0, sem0)

                @pl.when(j + 1 < ncho)
                def _():
                    pltpu.async_copy(y_hbm.at[srcv.at[j + 1]], buf1, sem1)
                pltpu.sync_copy(buf0, acc.at[dstv.at[j]], add=True)

            @pl.when(lax.rem(j, 2) == 1)
            def _():
                wait(buf1, sem1)

                @pl.when(j + 1 < ncho)
                def _():
                    pltpu.async_copy(y_hbm.at[srcv.at[j + 1]], buf0, sem0)
                pltpu.sync_copy(buf1, acc.at[dstv.at[j]], add=True)
            return carry

        lax.fori_loop(0, ncho, body, 0)

        _acc_writeout(acc, out_hbm, c, s)

    return k


@functools.cache
def _deg_kernel():
    mesh = plsc.VectorSubcoreMesh(core_axis_name="c", subcore_axis_name="s")

    @functools.partial(
        pl.kernel,
        out_type=jax.ShapeDtypeStruct((NC, HALF, H), jnp.float32),
        mesh=mesh,
        compiler_params=_SC_PARAMS,
        scratch_types=[
            pltpu.VMEM((CHP + 1, K), jnp.int32),
            pltpu.VMEM((K, H), jnp.float32),
            pltpu.VMEM_SHARED((ACC_R, H), jnp.float32),
        ],
    )
    def k(cdst_hbm, ones_hbm, zeros_hbm, out_hbm,
          dstv, onesv, acc):
        c = lax.axis_index("c")
        s = lax.axis_index("s")
        w = c * NS + s
        pltpu.sync_copy(cdst_hbm.at[w], dstv)
        pltpu.sync_copy(ones_hbm, onesv)
        ncho = dstv[CHP, pl.ds(0, 16)][0]
        _acc_setup(zeros_hbm, acc, s)

        def body(j, carry):
            pltpu.sync_copy(onesv, acc.at[dstv.at[j]], add=True)
            return carry

        lax.fori_loop(0, ncho, body, 0)

        _acc_writeout(acc, out_hbm, c, s)

    return k


def _sigm(v):
    return 1.0 / (1.0 + jnp.exp(-v))


def _dot16(a, b):
    return jnp.dot(a.astype(jnp.bfloat16), b.astype(jnp.bfloat16),
                   preferred_element_type=jnp.float32)


def _lstm_body(x_ref, wi0_ref, wh0_ref, b0a_ref, b0b_ref,
               wi1_ref, wh1_ref, b1a_ref, b1b_ref, o_ref):
    bn = x_ref.shape[0]
    b0 = b0a_ref[...] + b0b_ref[...]
    b1 = b1a_ref[...] + b1b_ref[...]
    h0 = jnp.zeros((bn, H), jnp.float32)
    c0 = jnp.zeros((bn, H), jnp.float32)
    h1 = jnp.zeros((bn, H), jnp.float32)
    c1 = jnp.zeros((bn, H), jnp.float32)
    for t in range(T):
        xt = x_ref[:, 2 * t:2 * t + 2]
        g = _dot16(xt, wi0_ref[...]) + _dot16(h0, wh0_ref[...]) + b0
        i = _sigm(g[:, 0 * H:1 * H])
        f = _sigm(g[:, 1 * H:2 * H])
        gg = jnp.tanh(g[:, 2 * H:3 * H])
        o = _sigm(g[:, 3 * H:4 * H])
        c0 = f * c0 + i * gg
        h0 = o * jnp.tanh(c0)
        g = _dot16(h0, wi1_ref[...]) + _dot16(h1, wh1_ref[...]) + b1
        i = _sigm(g[:, 0 * H:1 * H])
        f = _sigm(g[:, 1 * H:2 * H])
        gg = jnp.tanh(g[:, 2 * H:3 * H])
        o = _sigm(g[:, 3 * H:4 * H])
        c1 = f * c1 + i * gg
        h1 = o * jnp.tanh(c1)
    o_ref[...] = h1


BN_LSTM = 1000
BN_MM = 2000


@functools.cache
def _lstm_call():
    full = lambda shape: pl.BlockSpec(shape, lambda i: (0,) * len(shape))
    return pl.pallas_call(
        _lstm_body,
        grid=(N // BN_LSTM,),
        in_specs=[
            pl.BlockSpec((BN_LSTM, T * IN_DIM), lambda i: (i, 0)),
            full((IN_DIM, 4 * H)), full((H, 4 * H)),
            full((1, 4 * H)), full((1, 4 * H)),
            full((H, 4 * H)), full((H, 4 * H)),
            full((1, 4 * H)), full((1, 4 * H)),
        ],
        out_specs=pl.BlockSpec((BN_LSTM, H), lambda i: (i, 0)),
        out_shape=jax.ShapeDtypeStruct((N, H), jnp.float32),
    )


def _mm_first_body(h_ref, w_ref, deg_ref, y_ref, dinv_ref):
    dv = lax.rsqrt(deg_ref[:, 0:1] + 1.0)
    dinv_ref[...] = jnp.broadcast_to(dv, dinv_ref.shape)
    y_ref[...] = (jnp.dot(h_ref[...], w_ref[...],
                          preferred_element_type=jnp.float32) * dv)


@functools.cache
def _mm_first_call():
    return pl.pallas_call(
        _mm_first_body,
        grid=(N // BN_MM,),
        in_specs=[
            pl.BlockSpec((BN_MM, H), lambda i: (i, 0)),
            pl.BlockSpec((H, H), lambda i: (0, 0)),
            pl.BlockSpec((BN_MM, H), lambda i: (i, 0)),
        ],
        out_specs=[
            pl.BlockSpec((BN_MM, H), lambda i: (i, 0)),
            pl.BlockSpec((BN_MM, 16), lambda i: (i, 0)),
        ],
        out_shape=[
            jax.ShapeDtypeStruct((N, H), jnp.float32),
            jax.ShapeDtypeStruct((N, 16), jnp.float32),
        ],
    )


def _mm_mid_body(agg_ref, y_ref, dinv_ref, b_ref, w_ref, o_ref):
    dv = dinv_ref[:, 0:1]
    pre = (agg_ref[...] + y_ref[...]) * dv + b_ref[...]
    hrelu = jnp.maximum(pre, 0.0)
    o_ref[...] = (jnp.dot(hrelu, w_ref[...],
                          preferred_element_type=jnp.float32) * dv)


@functools.cache
def _mm_mid_call():
    return pl.pallas_call(
        _mm_mid_body,
        grid=(N // BN_MM,),
        in_specs=[
            pl.BlockSpec((BN_MM, H), lambda i: (i, 0)),
            pl.BlockSpec((BN_MM, H), lambda i: (i, 0)),
            pl.BlockSpec((BN_MM, 16), lambda i: (i, 0)),
            pl.BlockSpec((1, H), lambda i: (0, 0)),
            pl.BlockSpec((H, H), lambda i: (0, 0)),
        ],
        out_specs=pl.BlockSpec((BN_MM, H), lambda i: (i, 0)),
        out_shape=jax.ShapeDtypeStruct((N, H), jnp.float32),
    )


def _mm_scale_body(agg_ref, y_ref, dinv_ref, b_ref, o_ref):
    dv = dinv_ref[:, 0:1]
    pre = (agg_ref[...] + y_ref[...]) * dv + b_ref[...]
    o_ref[...] = jnp.maximum(pre, 0.0) * dv


@functools.cache
def _mm_scale_call():
    return pl.pallas_call(
        _mm_scale_body,
        grid=(N // BN_MM,),
        in_specs=[
            pl.BlockSpec((BN_MM, H), lambda i: (i, 0)),
            pl.BlockSpec((BN_MM, H), lambda i: (i, 0)),
            pl.BlockSpec((BN_MM, 16), lambda i: (i, 0)),
            pl.BlockSpec((1, H), lambda i: (0, 0)),
        ],
        out_specs=pl.BlockSpec((BN_MM, H), lambda i: (i, 0)),
        out_shape=jax.ShapeDtypeStruct((N, H), jnp.float32),
    )


def _final_body(agg_ref, u_ref, dinv_ref, w_ref, b_ref, o_ref):
    du = (agg_ref[...] + u_ref[...]) * dinv_ref[:, 0:1]
    o_ref[...] = (jnp.dot(du, w_ref[...],
                          preferred_element_type=jnp.float32) + b_ref[...])


@functools.cache
def _final_call():
    return pl.pallas_call(
        _final_body,
        grid=(N // BN_MM,),
        in_specs=[
            pl.BlockSpec((BN_MM, H), lambda i: (i, 0)),
            pl.BlockSpec((BN_MM, H), lambda i: (i, 0)),
            pl.BlockSpec((BN_MM, 16), lambda i: (i, 0)),
            pl.BlockSpec((H, 16), lambda i: (0, 0)),
            pl.BlockSpec((1, 16), lambda i: (0, 0)),
        ],
        out_specs=pl.BlockSpec((BN_MM, 16), lambda i: (i, 0)),
        out_shape=jax.ShapeDtypeStruct((N, 16), jnp.float32),
    )


def kernel(x, edge_index, W_ih0, W_hh0, b_ih0, b_hh0,
           W_ih1, W_hh1, b_ih1, b_hh1, Wg1, bg1, Wg2, bg2, Wg3, bg3):
    x24 = x.reshape(N, T * IN_DIM)
    src2 = edge_index[0].reshape(NS, EPS)
    dst2 = edge_index[1].reshape(NS, EPS)
    onesK = jnp.ones((K, H), jnp.float32)
    zacc = jnp.zeros((ACC_R, H), jnp.float32)

    h = _lstm_call()(
        x24, W_ih0.T, W_hh0.T, b_ih0.reshape(1, -1), b_hh0.reshape(1, -1),
        W_ih1.T, W_hh1.T, b_ih1.reshape(1, -1), b_hh1.reshape(1, -1))

    csrc, cdst = _compact_kernel()(src2, dst2)

    deg = _deg_kernel()(cdst, onesK, zacc).reshape(N, H)
    y1, dinv16 = _mm_first_call()(h, Wg1, deg)

    agg1 = _edge_agg()(csrc, cdst, y1, zacc).reshape(N, H)
    y2 = _mm_mid_call()(agg1, y1, dinv16, bg1.reshape(1, H), Wg2)

    agg2 = _edge_agg()(csrc, cdst, y2, zacc).reshape(N, H)
    u3 = _mm_scale_call()(agg2, y2, dinv16, bg2.reshape(1, H))

    agg3 = _edge_agg()(csrc, cdst, u3, zacc).reshape(N, H)
    wg3p = jnp.zeros((H, 16), jnp.float32).at[:, :OUT_DIM].set(Wg3)
    bg3p = jnp.zeros((1, 16), jnp.float32).at[:, :OUT_DIM].set(bg3.reshape(1, -1))
    out16 = _final_call()(agg3, u3, dinv16, wg3p, bg3p)
    return out16[:, :OUT_DIM]

# --- scband reference (transcript-rebuilt; emitter-appended) ---
"""Pipeline reference for scband-traffic-prediction-gnn-33689723469921 (READ-ONLY COPY).

The authoritative reference and input builder live on the scoring server;
editing this copy changes nothing except your own understanding.
"""

import jax, jax.numpy as jnp
import numpy as np

N = 10000
T = 12
IN_DIM = 2
H = 128
OUT_DIM = 12
E = 320000


def _p(key, shape, scale=0.05):
    return jax.random.normal(key, shape, dtype=jnp.float32) * scale


def setup_inputs(seed: int = 0):
    key = jax.random.key(seed)
    ks = jax.random.split(key, 12)
    inp = {}
    inp['x'] = jax.random.normal(ks[0], (N, T, IN_DIM), dtype=jnp.float32)
    inp['edge_index'] = jax.random.randint(ks[1], (2, E), 0, N, dtype=jnp.int32)
    inp['W_ih0'] = _p(ks[2], (4 * H, IN_DIM))
    inp['W_hh0'] = _p(ks[3], (4 * H, H))
    inp['b_ih0'] = jnp.zeros((4 * H,), jnp.float32)
    inp['b_hh0'] = jnp.zeros((4 * H,), jnp.float32)
    inp['W_ih1'] = _p(ks[4], (4 * H, H))
    inp['W_hh1'] = _p(ks[5], (4 * H, H))
    inp['b_ih1'] = jnp.zeros((4 * H,), jnp.float32)
    inp['b_hh1'] = jnp.zeros((4 * H,), jnp.float32)
    inp['Wg1'] = _p(ks[6], (H, H))
    inp['bg1'] = jnp.zeros((H,), jnp.float32)
    inp['Wg2'] = _p(ks[7], (H, H))
    inp['bg2'] = jnp.zeros((H,), jnp.float32)
    inp['Wg3'] = _p(ks[8], (H, OUT_DIM))
    inp['bg3'] = jnp.zeros((OUT_DIM,), jnp.float32)
    return inp


def _lstm_layer(x_seq, W_ih, W_hh, b_ih, b_hh):
    n = x_seq.shape[0]
    h_dim = W_hh.shape[1]

    def step(carry, xt):
        h, c = carry
        gates = xt @ W_ih.T + h @ W_hh.T + b_ih + b_hh
        i, f, g, o = jnp.split(gates, 4, axis=-1)
        i = jax.nn.sigmoid(i)
        f = jax.nn.sigmoid(f)
        g = jnp.tanh(g)
        o = jax.nn.sigmoid(o)
        c2 = f * c + i * g
        h2 = o * jnp.tanh(c2)
        return (h2, c2), h2

    h0 = jnp.zeros((n, h_dim), x_seq.dtype)
    c0 = jnp.zeros((n, h_dim), x_seq.dtype)
    xs = jnp.swapaxes(x_seq, 0, 1)
    _, hs = jax.lax.scan(step, (h0, c0), xs)
    return jnp.swapaxes(hs, 0, 1)


def _gcn(x, W, b, src, dst, n):
    # PyG GCNConv: add self-loops, symmetric normalization D^-1/2 (A+I) D^-1/2 X W + b
    xw = x @ W
    loop = jnp.arange(n, dtype=src.dtype)
    s = jnp.concatenate([src, loop])
    d = jnp.concatenate([dst, loop])
    deg = jnp.zeros((n,), xw.dtype).at[d].add(1.0)
    dinv = jnp.where(deg > 0, 1.0 / jnp.sqrt(deg), 0.0)
    norm = dinv[s] * dinv[d]
    msg = xw[s] * norm[:, None]
    out = jnp.zeros((n, xw.shape[1]), xw.dtype).at[d].add(msg)
    return out + b


def reference(x, edge_index, W_ih0, W_hh0, b_ih0, b_hh0, W_ih1, W_hh1, b_ih1, b_hh1, Wg1, bg1, Wg2, bg2, Wg3, bg3):
    src = edge_index[0]
    dst = edge_index[1]
    n = x.shape[0]
    h = _lstm_layer(x, W_ih0, W_hh0, b_ih0, b_hh0)
    h = _lstm_layer(h, W_ih1, W_hh1, b_ih1, b_hh1)
    h = h[:, -1, :]
    h = jax.nn.relu(_gcn(h, Wg1, bg1, src, dst, n))
    h = jax.nn.relu(_gcn(h, Wg2, bg2, src, dst, n))
    out = _gcn(h, Wg3, bg3, src, dst, n)
    return out

if __name__ == "__main__":
    import jax
    _d = setup_inputs()
    print(jax.jit(kernel)(*tuple(_d.values())))

</pallas_src>

<mosaic_0001>
#map = affine_map<(d0, d1) -> (0, 0)>
#map1 = affine_map<(d0, d1) -> (0, 0, 0)>
module attributes {stable_mosaic.version = 14 : i64} {
  func.func @k(%arg0: i32, %arg1: i32, %arg2: memref<16x20000xi32, #tpu.memory_space<hbm>>, %arg3: memref<16x20000xi32, #tpu.memory_space<hbm>>, %arg4: memref<32x158x128xi32, #tpu.memory_space<hbm>>, %arg5: memref<32x159x128xi32, #tpu.memory_space<hbm>>, %arg6: memref<20000xi32, #tpu.memory_space<vmem>>, %arg7: memref<20000xi32, #tpu.memory_space<vmem>>, %arg8: memref<20240xi32, #tpu.memory_space<vmem>>, %arg9: memref<20240xi32, #tpu.memory_space<vmem>>, %arg10: memref<158x128xi32, #tpu.memory_space<vmem>>, %arg11: memref<159x128xi32, #tpu.memory_space<vmem>>) attributes {dimension_semantics = [#tpu.dimension_semantics<core_parallel>, #tpu.dimension_semantics<subcore_parallel>], iteration_bounds = array<i64: 2, 16>, scalar_prefetch = 0 : i64, scratch_operands = 6 : i64, tpu.core_type = #tpu.core_type<sc_vector_subcore>, window_params = [{transform_indices = #map}, {transform_indices = #map}, {transform_indices = #map1}, {transform_indices = #map1}]} {
    %mul3A = arith.constant 16 : i32
    %mul3A_0 = arith.muli %arg0, %mul3A : i32
    %add3A = arith.addi %mul3A_0, %arg1 : i32
    "tpu.region"() ({
      %run_scoped3A = tpu.sem_alloc : memref<!tpu.dma_semaphore, #tpu.memory_space<semaphore_mem>>
      %dma_start3A = arith.constant 0 : i32
      %dma_start3A_164 = tpu.memref_slice %arg2[%arg1, %dma_start3A] : memref<16x20000xi32, #tpu.memory_space<hbm>> -> memref<1x20000xi32, #tpu.memory_space<hbm>>
      %dma_start3A_165 = tpu.memref_squeeze %dma_start3A_164 : memref<1x20000xi32, #tpu.memory_space<hbm>> -> memref<20000xi32, #tpu.memory_space<hbm>>
      %dma_start3A_166 = arith.constant 0 : i32
      %dma_start3A_167 = tpu.memref_slice %arg2[%arg1, %dma_start3A_166] : memref<16x20000xi32, #tpu.memory_space<hbm>> -> memref<1x20000xi32, #tpu.memory_space<hbm>>
      %dma_start3A_168 = tpu.memref_squeeze %dma_start3A_167 : memref<1x20000xi32, #tpu.memory_space<hbm>> -> memref<20000xi32, #tpu.memory_space<hbm>>
      tpu.enqueue_dma source(%dma_start3A_168 : memref<20000xi32, #tpu.memory_space<hbm>>) target(%arg6 : memref<20000xi32, #tpu.memory_space<vmem>>) target_semaphore(%run_scoped3A : memref<!tpu.dma_semaphore, #tpu.memory_space<semaphore_mem>>)
      %dma_wait3A = arith.constant 0 : i32
      %dma_wait3A_169 = tpu.memref_slice %arg2[%arg1, %dma_wait3A] : memref<16x20000xi32, #tpu.memory_space<hbm>> -> memref<1x20000xi32, #tpu.memory_space<hbm>>
      %dma_wait3A_170 = tpu.memref_squeeze %dma_wait3A_169 : memref<1x20000xi32, #tpu.memory_space<hbm>> -> memref<20000xi32, #tpu.memory_space<hbm>>
      %dma_wait3A_171 = arith.constant 0 : i32
      %dma_wait3A_172 = tpu.memref_slice %arg2[%arg1, %dma_wait3A_171] : memref<16x20000xi32, #tpu.memory_space<hbm>> -> memref<1x20000xi32, #tpu.memory_space<hbm>>
      %dma_wait3A_173 = tpu.memref_squeeze %dma_wait3A_172 : memref<1x20000xi32, #tpu.memory_space<hbm>> -> memref<20000xi32, #tpu.memory_space<hbm>>
      tpu.wait_dma2 semaphore(%run_scoped3A : memref<!tpu.dma_semaphore, #tpu.memory_space<semaphore_mem>>) src(%dma_wait3A_173 : memref<20000xi32, #tpu.memory_space<hbm>>) dst(%arg6 : memref<20000xi32, #tpu.memory_space<vmem>>)
      tpu.yield
    }) : () -> ()
    "tpu.region"() ({
      %run_scoped3A = tpu.sem_alloc : memref<!tpu.dma_semaphore, #tpu.memory_space<semaphore_mem>>
      %dma_start3A = arith.constant 0 : i32
      %dma_start3A_164 = tpu.memref_slice %arg3[%arg1, %dma_start3A] : memref<16x20000xi32, #tpu.memory_space<hbm>> -> memref<1x20000xi32, #tpu.memory_space<hbm>>
      %dma_start3A_165 = tpu.memref_squeeze %dma_start3A_164 : memref<1x20000xi32, #tpu.memory_space<hbm>> -> memref<20000xi32, #tpu.memory_space<hbm>>
      %dma_start3A_166 = arith.constant 0 : i32
      %dma_start3A_167 = tpu.memref_slice %arg3[%arg1, %dma_start3A_166] : memref<16x20000xi32, #tpu.memory_space<hbm>> -> memref<1x20000xi32, #tpu.memory_space<hbm>>
      %dma_start3A_168 = tpu.memref_squeeze %dma_start3A_167 : memref<1x20000xi32, #tpu.memory_space<hbm>> -> memref<20000xi32, #tpu.memory_space<hbm>>
      tpu.enqueue_dma source(%dma_start3A_168 : memref<20000xi32, #tpu.memory_space<hbm>>) target(%arg7 : memref<20000xi32, #tpu.memory_space<vmem>>) target_semaphore(%run_scoped3A : memref<!tpu.dma_semaphore, #tpu.memory_space<semaphore_mem>>)
      %dma_wait3A = arith.constant 0 : i32
      %dma_wait3A_169 = tpu.memref_slice %arg3[%arg1, %dma_wait3A] : memref<16x20000xi32, #tpu.memory_space<hbm>> -> memref<1x20000xi32, #tpu.memory_space<hbm>>
      %dma_wait3A_170 = tpu.memref_squeeze %dma_wait3A_169 : memref<1x20000xi32, #tpu.memory_space<hbm>> -> memref<20000xi32, #tpu.memory_space<hbm>>
      %dma_wait3A_171 = arith.constant 0 : i32
      %dma_wait3A_172 = tpu.memref_slice %arg3[%arg1, %dma_wait3A_171] : memref<16x20000xi32, #tpu.memory_space<hbm>> -> memref<1x20000xi32, #tpu.memory_space<hbm>>
      %dma_wait3A_173 = tpu.memref_squeeze %dma_wait3A_172 : memref<1x20000xi32, #tpu.memory_space<hbm>> -> memref<20000xi32, #tpu.memory_space<hbm>>
      tpu.wait_dma2 semaphore(%run_scoped3A : memref<!tpu.dma_semaphore, #tpu.memory_space<semaphore_mem>>) src(%dma_wait3A_173 : memref<20000xi32, #tpu.memory_space<hbm>>) dst(%arg7 : memref<20000xi32, #tpu.memory_space<vmem>>)
      tpu.yield
    }) : () -> ()
    %iota3A = tpu.iota {dimensions = array<i32: 0>} : vector<16xi32>
    %scan3A = arith.constant 0 : i32
    %scan3A_1 = arith.constant 0 : i32
    %scan3A_2 = arith.constant 1250 : i32
    %scan3A_3 = arith.addi %scan3A_1, %scan3A_2 : i32
    %scan3A_4 = arith.constant 1 : i32
    %scan3A_5 = scf.for %scan3A_164 = %scan3A_1 to %scan3A_3 step %scan3A_4 iter_args(%scan3A_165 = %scan3A) -> (i32)  : i32 {
      %mul3A_166 = arith.constant 16 : i32
      %mul3A_167 = arith.muli %scan3A_164, %mul3A_166 : i32
      %get3A = arith.index_cast %mul3A_167 : i32 to index
      %get3A_168 = tpu.vector_load %arg6[%get3A] {strides = array<i32>} : memref<20000xi32, #tpu.memory_space<vmem>>, vector<16xi32>,
      %mul3A_169 = arith.constant 16 : i32
      %mul3A_170 = arith.muli %scan3A_164, %mul3A_169 : i32
      %get3A_171 = arith.index_cast %mul3A_170 : i32 to index
      %get3A_172 = tpu.vector_load %arg7[%get3A_171] {strides = array<i32>} : memref<20000xi32, #tpu.memory_space<vmem>>, vector<16xi32>,
      %mul3A_173 = arith.constant 5000 : i32
      %mul3A_174 = arith.muli %arg0, %mul3A_173 : i32
      %sub3A_175 = vector.broadcast %mul3A_174 : i32 to vector<16xi32>
      %sub3A_176 = arith.subi %get3A_172, %sub3A_175 : vector<16xi32>
      %ge3A = arith.constant 0 : i32
      %ge3A_177 = vector.broadcast %ge3A : i32 to vector<16xi32>
      %ge3A_178 = arith.cmpi sge, %sub3A_176, %ge3A_177 : vector<16xi32>
      %lt3A = arith.constant 5000 : i32
      %lt3A_179 = vector.broadcast %lt3A : i32 to vector<16xi32>
      %lt3A_180 = arith.cmpi slt, %sub3A_176, %lt3A_179 : vector<16xi32>
      %and3A_181 = arith.andi %ge3A_178, %lt3A_180 : vector<16xi1>
      %jit3A_182 = arith.constant 1 : i32
      %jit3A_183 = arith.constant 0 : i32
      %broadcast_in_dim3A_184 = vector.broadcast %jit3A_182 : i32 to vector<16xi32>
      %broadcast_in_dim3A_185 = vector.broadcast %jit3A_183 : i32 to vector<16xi32>
      %select_n3A_186 = arith.select %and3A_181, %broadcast_in_dim3A_184, %broadcast_in_dim3A_185 : vector<16xi1>, vector<16xi32>
      %sub3A_187 = arith.constant 1 : i32
      %sub3A_188 = vector.broadcast %sub3A_187 : i32 to vector<16xi32>
      %sub3A_189 = arith.subi %iota3A, %sub3A_188 : vector<16xi32>
      %max3A = arith.constant 0 : i32
      %max3A_190 = vector.broadcast %max3A : i32 to vector<16xi32>
      %max3A_191 = arith.maxsi %sub3A_189, %max3A_190 : vector<16xi32>
      %broadcast_in_dim3A_192 = vector.shape_cast %max3A_191 : vector<16xi32> to vector<16x1xi32>
      %gather3A = vector.shape_cast %broadcast_in_dim3A_192 : vector<16x1xi32> to vector<16xi32>
      %gather3A_193 = tpu.dynamic_gather %select_n3A_186[%gather3A] in [0] : vector<16xi32>, vector<16xi32> -> vector<16xi32>
      %ge3A_194 = arith.constant 1 : i32
      %ge3A_195 = vector.broadcast %ge3A_194 : i32 to vector<16xi32>
      %ge3A_196 = arith.cmpi sge, %iota3A, %ge3A_195 : vector<16xi32>
      %jit3A_197 = arith.constant 0 : i32
      %broadcast_in_dim3A_198 = vector.broadcast %jit3A_197 : i32 to vector<16xi32>
      %select_n3A_199 = arith.select %ge3A_196, %gather3A_193, %broadcast_in_dim3A_198 : vector<16xi1>, vector<16xi32>
      %add3A_200 = arith.addi %select_n3A_186, %select_n3A_199 : vector<16xi32>
      %sub3A_201 = arith.constant 2 : i32
      %sub3A_202 = vector.broadcast %sub3A_201 : i32 to vector<16xi32>
      %sub3A_203 = arith.subi %iota3A, %sub3A_202 : vector<16xi32>
      %max3A_204 = arith.constant 0 : i32
      %max3A_205 = vector.broadcast %max3A_204 : i32 to vector<16xi32>
      %max3A_206 = arith.maxsi %sub3A_203, %max3A_205 : vector<16xi32>
      %broadcast_in_dim3A_207 = vector.shape_cast %max3A_206 : vector<16xi32> to vector<16x1xi32>
      %gather3A_208 = vector.shape_cast %broadcast_in_dim3A_207 : vector<16x1xi32> to vector<16xi32>
      %gather3A_209 = tpu.dynamic_gather %add3A_200[%gather3A_208] in [0] : vector<16xi32>, vector<16xi32> -> vector<16xi32>
      %ge3A_210 = arith.constant 2 : i32
      %ge3A_211 = vector.broadcast %ge3A_210 : i32 to vector<16xi32>
      %ge3A_212 = arith.cmpi sge, %iota3A, %ge3A_211 : vector<16xi32>
      %jit3A_213 = arith.constant 0 : i32
      %broadcast_in_dim3A_214 = vector.broadcast %jit3A_213 : i32 to vector<16xi32>
      %select_n3A_215 = arith.select %ge3A_212, %gather3A_209, %broadcast_in_dim3A_214 : vector<16xi1>, vector<16xi32>
      %add3A_216 = arith.addi %add3A_200, %select_n3A_215 : vector<16xi32>
      %sub3A_217 = arith.constant 4 : i32
      %sub3A_218 = vector.broadcast %sub3A_217 : i32 to vector<16xi32>
      %sub3A_219 = arith.subi %iota3A, %sub3A_218 : vector<16xi32>
      %max3A_220 = arith.constant 0 : i32
      %max3A_221 = vector.broadcast %max3A_220 : i32 to vector<16xi32>
      %max3A_222 = arith.maxsi %sub3A_219, %max3A_221 : vector<16xi32>
      %broadcast_in_dim3A_223 = vector.shape_cast %max3A_222 : vector<16xi32> to vector<16x1xi32>
      %gather3A_224 = vector.shape_cast %broadcast_in_dim3A_223 : vector<16x1xi32> to vector<16xi32>
      %gather3A_225 = tpu.dynamic_gather %add3A_216[%gather3A_224] in [0] : vector<16xi32>, vector<16xi32> -> vector<16xi32>
      %ge3A_226 = arith.constant 4 : i32
      %ge3A_227 = vector.broadcast %ge3A_226 : i32 to vector<16xi32>
      %ge3A_228 = arith.cmpi sge, %iota3A, %ge3A_227 : vector<16xi32>
      %jit3A_229 = arith.constant 0 : i32
      %broadcast_in_dim3A_230 = vector.broadcast %jit3A_229 : i32 to vector<16xi32>
      %select_n3A_231 = arith.select %ge3A_228, %gather3A_225, %broadcast_in_dim3A_230 : vector<16xi1>, vector<16xi32>
      %add3A_232 = arith.addi %add3A_216, %select_n3A_231 : vector<16xi32>
      %sub3A_233 = arith.constant 8 : i32
      %sub3A_234 = vector.broadcast %sub3A_233 : i32 to vector<16xi32>
      %sub3A_235 = arith.subi %iota3A, %sub3A_234 : vector<16xi32>
      %max3A_236 = arith.constant 0 : i32
      %max3A_237 = vector.broadcast %max3A_236 : i32 to vector<16xi32>
      %max3A_238 = arith.maxsi %sub3A_235, %max3A_237 : vector<16xi32>
      %broadcast_in_dim3A_239 = vector.shape_cast %max3A_238 : vector<16xi32> to vector<16x1xi32>
      %gather3A_240 = vector.shape_cast %broadcast_in_dim3A_239 : vector<16x1xi32> to vector<16xi32>
      %gather3A_241 = tpu.dynamic_gather %add3A_232[%gather3A_240] in [0] : vector<16xi32>, vector<16xi32> -> vector<16xi32>
      %ge3A_242 = arith.constant 8 : i32
      %ge3A_243 = vector.broadcast %ge3A_242 : i32 to vector<16xi32>
      %ge3A_244 = arith.cmpi sge, %iota3A, %ge3A_243 : vector<16xi32>
      %jit3A_245 = arith.constant 0 : i32
      %broadcast_in_dim3A_246 = vector.broadcast %jit3A_245 : i32 to vector<16xi32>
      %select_n3A_247 = arith.select %ge3A_244, %gather3A_241, %broadcast_in_dim3A_246 : vector<16xi1>, vector<16xi32>
      %add3A_248 = arith.addi %add3A_232, %select_n3A_247 : vector<16xi32>
      %add3A_249 = vector.broadcast %scan3A_165 : i32 to vector<16xi32>
      %add3A_250 = arith.addi %add3A_249, %add3A_248 : vector<16xi32>
      %sub3A_251 = arith.constant 1 : i32
      %sub3A_252 = vector.broadcast %sub3A_251 : i32 to vector<16xi32>
      %sub3A_253 = arith.subi %add3A_250, %sub3A_252 : vector<16xi32>
      %add3A_254 = arith.constant 20224 : i32
      %add3A_255 = vector.broadcast %add3A_254 : i32 to vector<16xi32>
      %add3A_256 = arith.addi %add3A_255, %iota3A : vector<16xi32>
      %select_n3A_257 = arith.select %and3A_181, %sub3A_253, %add3A_256 : vector<16xi1>, vector<16xi32>
      tpu.vector_store_idx %arg8[%select_n3A_257], %get3A_168 : memref<20240xi32, #tpu.memory_space<vmem>>[vector<16xi32>], vector<16xi32>,
      tpu.vector_store_idx %arg9[%select_n3A_257], %sub3A_176 : memref<20240xi32, #tpu.memory_space<vmem>>[vector<16xi32>], vector<16xi32>,
      %slice3A = vector.extract_strided_slice %add3A_248 {offsets = [15], sizes = [1], strides = [1]} : vector<16xi32> to vector<1xi32>
      %squeeze3A = vector.extract %slice3A[0] : i32 from vector<1xi32>
      %add3A_258 = arith.addi %scan3A_165, %squeeze3A : i32
      scf.yield %add3A_258 : i32
    }
    %scan3A_6 = arith.constant 1250 : i32
    %broadcast_in_dim3A = arith.constant 0 : i32
    %broadcast_in_dim3A_7 = vector.broadcast %broadcast_in_dim3A : i32 to vector<16xi32>
    %add3A_8 = arith.constant 0 : i32
    %add3A_9 = arith.addi %scan3A_5, %add3A_8 : i32
    %swap3A = arith.index_cast %add3A_9 : i32 to index
    %swap3A_10 = tpu.vector_load %arg8[%swap3A] {strides = array<i32>} : memref<20240xi32, #tpu.memory_space<vmem>>, vector<16xi32>,
    tpu.vector_store %arg8[%swap3A], %broadcast_in_dim3A_7 {strides = array<i32>} : memref<20240xi32, #tpu.memory_space<vmem>>, vector<16xi32>,
    %add3A_11 = arith.constant 5000 : i32
    %add3A_12 = vector.broadcast %add3A_11 : i32 to vector<16xi32>
    %add3A_13 = arith.addi %add3A_12, %iota3A : vector<16xi32>
    %add3A_14 = arith.constant 0 : i32
    %add3A_15 = vector.broadcast %add3A_14 : i32 to vector<16xi32>
    %add3A_16 = arith.addi %add3A_13, %add3A_15 : vector<16xi32>
    %add3A_17 = arith.constant 0 : i32
    %add3A_18 = arith.addi %scan3A_5, %add3A_17 : i32
    %swap3A_19 = arith.index_cast %add3A_18 : i32 to index
    %swap3A_20 = tpu.vector_load %arg9[%swap3A_19] {strides = array<i32>} : memref<20240xi32, #tpu.memory_space<vmem>>, vector<16xi32>,
    tpu.vector_store %arg9[%swap3A_19], %add3A_16 {strides = array<i32>} : memref<20240xi32, #tpu.memory_space<vmem>>, vector<16xi32>,
    %broadcast_in_dim3A_21 = arith.constant 0 : i32
    %broadcast_in_dim3A_22 = vector.broadcast %broadcast_in_dim3A_21 : i32 to vector<16xi32>
    %add3A_23 = arith.constant 16 : i32
    %add3A_24 = arith.addi %scan3A_5, %add3A_23 : i32
    %swap3A_25 = arith.index_cast %add3A_24 : i32 to index
    %swap3A_26 = tpu.vector_load %arg8[%swap3A_25] {strides = array<i32>} : memref<20240xi32, #tpu.memory_space<vmem>>, vector<16xi32>,
    tpu.vector_store %arg8[%swap3A_25], %broadcast_in_dim3A_22 {strides = array<i32>} : memref<20240xi32, #tpu.memory_space<vmem>>, vector<16xi32>,
    %add3A_27 = arith.constant 5000 : i32
    %add3A_28 = vector.broadcast %add3A_27 : i32 to vector<16xi32>
    %add3A_29 = arith.addi %add3A_28, %iota3A : vector<16xi32>
    %add3A_30 = arith.constant 16 : i32
    %add3A_31 = vector.broadcast %add3A_30 : i32 to vector<16xi32>
    %add3A_32 = arith.addi %add3A_29, %add3A_31 : vector<16xi32>
    %add3A_33 = arith.constant 16 : i32
    %add3A_34 = arith.addi %scan3A_5, %add3A_33 : i32
    %swap3A_35 = arith.index_cast %add3A_34 : i32 to index
    %swap3A_36 = tpu.vector_load %arg9[%swap3A_35] {strides = array<i32>} : memref<20240xi32, #tpu.memory_space<vmem>>, vector<16xi32>,
    tpu.vector_store %arg9[%swap3A_35], %add3A_32 {strides = array<i32>} : memref<20240xi32, #tpu.memory_space<vmem>>, vector<16xi32>,
    %broadcast_in_dim3A_37 = arith.constant 0 : i32
    %broadcast_in_dim3A_38 = vector.broadcast %broadcast_in_dim3A_37 : i32 to vector<16xi32>
    %add3A_39 = arith.constant 32 : i32
    %add3A_40 = arith.addi %scan3A_5, %add3A_39 : i32
    %swap3A_41 = arith.index_cast %add3A_40 : i32 to index
    %swap3A_42 = tpu.vector_load %arg8[%swap3A_41] {strides = array<i32>} : memref<20240xi32, #tpu.memory_space<vmem>>, vector<16xi32>,
    tpu.vector_store %arg8[%swap3A_41], %broadcast_in_dim3A_38 {strides = array<i32>} : memref<20240xi32, #tpu.memory_space<vmem>>, vector<16xi32>,
    %add3A_43 = arith.constant 5000 : i32
    %add3A_44 = vector.broadcast %add3A_43 : i32 to vector<16xi32>
    %add3A_45 = arith.addi %add3A_44, %iota3A : vector<16xi32>
    %add3A_46 = arith.constant 32 : i32
    %add3A_47 = vector.broadcast %add3A_46 : i32 to vector<16xi32>
    %add3A_48 = arith.addi %add3A_45, %add3A_47 : vector<16xi32>
    %add3A_49 = arith.constant 32 : i32
    %add3A_50 = arith.addi %scan3A_5, %add3A_49 : i32
    %swap3A_51 = arith.index_cast %add3A_50 : i32 to index
    %swap3A_52 = tpu.vector_load %arg9[%swap3A_51] {strides = array<i32>} : memref<20240xi32, #tpu.memory_space<vmem>>, vector<16xi32>,
    tpu.vector_store %arg9[%swap3A_51], %add3A_48 {strides = array<i32>} : memref<20240xi32, #tpu.memory_space<vmem>>, vector<16xi32>,
    %broadcast_in_dim3A_53 = arith.constant 0 : i32
    %broadcast_in_dim3A_54 = vector.broadcast %broadcast_in_dim3A_53 : i32 to vector<16xi32>
    %add3A_55 = arith.constant 48 : i32
    %add3A_56 = arith.addi %scan3A_5, %add3A_55 : i32
    %swap3A_57 = arith.index_cast %add3A_56 : i32 to index
    %swap3A_58 = tpu.vector_load %arg8[%swap3A_57] {strides = array<i32>} : memref<20240xi32, #tpu.memory_space<vmem>>, vector<16xi32>,
    tpu.vector_store %arg8[%swap3A_57], %broadcast_in_dim3A_54 {strides = array<i32>} : memref<20240xi32, #tpu.memory_space<vmem>>, vector<16xi32>,
    %add3A_59 = arith.constant 5000 : i32
    %add3A_60 = vector.broadcast %add3A_59 : i32 to vector<16xi32>
    %add3A_61 = arith.addi %add3A_60, %iota3A : vector<16xi32>
    %add3A_62 = arith.constant 48 : i32
    %add3A_63 = vector.broadcast %add3A_62 : i32 to vector<16xi32>
    %add3A_64 = arith.addi %add3A_61, %add3A_63 : vector<16xi32>
    %add3A_65 = arith.constant 48 : i32
    %add3A_66 = arith.addi %scan3A_5, %add3A_65 : i32
    %swap3A_67 = arith.index_cast %add3A_66 : i32 to index
    %swap3A_68 = tpu.vector_load %arg9[%swap3A_67] {strides = array<i32>} : memref<20240xi32, #tpu.memory_space<vmem>>, vector<16xi32>,
    tpu.vector_store %arg9[%swap3A_67], %add3A_64 {strides = array<i32>} : memref<20240xi32, #tpu.memory_space<vmem>>, vector<16xi32>,
    %broadcast_in_dim3A_69 = arith.constant 0 : i32
    %broadcast_in_dim3A_70 = vector.broadcast %broadcast_in_dim3A_69 : i32 to vector<16xi32>
    %add3A_71 = arith.constant 64 : i32
    %add3A_72 = arith.addi %scan3A_5, %add3A_71 : i32
    %swap3A_73 = arith.index_cast %add3A_72 : i32 to index
    %swap3A_74 = tpu.vector_load %arg8[%swap3A_73] {strides = array<i32>} : memref<20240xi32, #tpu.memory_space<vmem>>, vector<16xi32>,
    tpu.vector_store %arg8[%swap3A_73], %broadcast_in_dim3A_70 {strides = array<i32>} : memref<20240xi32, #tpu.memory_space<vmem>>, vector<16xi32>,
    %add3A_75 = arith.constant 5000 : i32
    %add3A_76 = vector.broadcast %add3A_75 : i32 to vector<16xi32>
    %add3A_77 = arith.addi %add3A_76, %iota3A : vector<16xi32>
    %add3A_78 = arith.constant 64 : i32
    %add3A_79 = vector.broadcast %add3A_78 : i32 to vector<16xi32>
    %add3A_80 = arith.addi %add3A_77, %add3A_79 : vector<16xi32>
    %add3A_81 = arith.constant 64 : i32
    %add3A_82 = arith.addi %scan3A_5, %add3A_81 : i32
    %swap3A_83 = arith.index_cast %add3A_82 : i32 to index
    %swap3A_84 = tpu.vector_load %arg9[%swap3A_83] {strides = array<i32>} : memref<20240xi32, #tpu.memory_space<vmem>>, vector<16xi32>,
    tpu.vector_store %arg9[%swap3A_83], %add3A_80 {strides = array<i32>} : memref<20240xi32, #tpu.memory_space<vmem>>, vector<16xi32>,
    %broadcast_in_dim3A_85 = arith.constant 0 : i32
    %broadcast_in_dim3A_86 = vector.broadcast %broadcast_in_dim3A_85 : i32 to vector<16xi32>
    %add3A_87 = arith.constant 80 : i32
    %add3A_88 = arith.addi %scan3A_5, %add3A_87 : i32
    %swap3A_89 = arith.index_cast %add3A_88 : i32 to index
    %swap3A_90 = tpu.vector_load %arg8[%swap3A_89] {strides = array<i32>} : memref<20240xi32, #tpu.memory_space<vmem>>, vector<16xi32>,
    tpu.vector_store %arg8[%swap3A_89], %broadcast_in_dim3A_86 {strides = array<i32>} : memref<20240xi32, #tpu.memory_space<vmem>>, vector<16xi32>,
    %add3A_91 = arith.constant 5000 : i32
    %add3A_92 = vector.broadcast %add3A_91 : i32 to vector<16xi32>
    %add3A_93 = arith.addi %add3A_92, %iota3A : vector<16xi32>
    %add3A_94 = arith.constant 80 : i32
    %add3A_95 = vector.broadcast %add3A_94 : i32 to vector<16xi32>
    %add3A_96 = arith.addi %add3A_93, %add3A_95 : vector<16xi32>
    %add3A_97 = arith.constant 80 : i32
    %add3A_98 = arith.addi %scan3A_5, %add3A_97 : i32
    %swap3A_99 = arith.index_cast %add3A_98 : i32 to index
    %swap3A_100 = tpu.vector_load %arg9[%swap3A_99] {strides = array<i32>} : memref<20240xi32, #tpu.memory_space<vmem>>, vector<16xi32>,
    tpu.vector_store %arg9[%swap3A_99], %add3A_96 {strides = array<i32>} : memref<20240xi32, #tpu.memory_space<vmem>>, vector<16xi32>,
    %broadcast_in_dim3A_101 = arith.constant 0 : i32
    %broadcast_in_dim3A_102 = vector.broadcast %broadcast_in_dim3A_101 : i32 to vector<16xi32>
    %add3A_103 = arith.constant 96 : i32
    %add3A_104 = arith.addi %scan3A_5, %add3A_103 : i32
    %swap3A_105 = arith.index_cast %add3A_104 : i32 to index
    %swap3A_106 = tpu.vector_load %arg8[%swap3A_105] {strides = array<i32>} : memref<20240xi32, #tpu.memory_space<vmem>>, vector<16xi32>,
    tpu.vector_store %arg8[%swap3A_105], %broadcast_in_dim3A_102 {strides = array<i32>} : memref<20240xi32, #tpu.memory_space<vmem>>, vector<16xi32>,
    %add3A_107 = arith.constant 5000 : i32
    %add3A_108 = vector.broadcast %add3A_107 : i32 to vector<16xi32>
    %add3A_109 = arith.addi %add3A_108, %iota3A : vector<16xi32>
    %add3A_110 = arith.constant 96 : i32
    %add3A_111 = vector.broadcast %add3A_110 : i32 to vector<16xi32>
    %add3A_112 = arith.addi %add3A_109, %add3A_111 : vector<16xi32>
    %add3A_113 = arith.constant 96 : i32
    %add3A_114 = arith.addi %scan3A_5, %add3A_113 : i32
    %swap3A_115 = arith.index_cast %add3A_114 : i32 to index
    %swap3A_116 = tpu.vector_load %arg9[%swap3A_115] {strides = array<i32>} : memref<20240xi32, #tpu.memory_space<vmem>>, vector<16xi32>,
    tpu.vector_store %arg9[%swap3A_115], %add3A_112 {strides = array<i32>} : memref<20240xi32, #tpu.memory_space<vmem>>, vector<16xi32>,
    %broadcast_in_dim3A_117 = arith.constant 0 : i32
    %broadcast_in_dim3A_118 = vector.broadcast %broadcast_in_dim3A_117 : i32 to vector<16xi32>
    %add3A_119 = arith.constant 112 : i32
    %add3A_120 = arith.addi %scan3A_5, %add3A_119 : i32
    %swap3A_121 = arith.index_cast %add3A_120 : i32 to index
    %swap3A_122 = tpu.vector_load %arg8[%swap3A_121] {strides = array<i32>} : memref<20240xi32, #tpu.memory_space<vmem>>, vector<16xi32>,
    tpu.vector_store %arg8[%swap3A_121], %broadcast_in_dim3A_118 {strides = array<i32>} : memref<20240xi32, #tpu.memory_space<vmem>>, vector<16xi32>,
    %add3A_123 = arith.constant 5000 : i32
    %add3A_124 = vector.broadcast %add3A_123 : i32 to vector<16xi32>
    %add3A_125 = arith.addi %add3A_124, %iota3A : vector<16xi32>
    %add3A_126 = arith.constant 112 : i32
    %add3A_127 = vector.broadcast %add3A_126 : i32 to vector<16xi32>
    %add3A_128 = arith.addi %add3A_125, %add3A_127 : vector<16xi32>
    %add3A_129 = arith.constant 112 : i32
    %add3A_130 = arith.addi %scan3A_5, %add3A_129 : i32
    %swap3A_131 = arith.index_cast %add3A_130 : i32 to index
    %swap3A_132 = tpu.vector_load %arg9[%swap3A_131] {strides = array<i32>} : memref<20240xi32, #tpu.memory_space<vmem>>, vector<16xi32>,
    tpu.vector_store %arg9[%swap3A_131], %add3A_128 {strides = array<i32>} : memref<20240xi32, #tpu.memory_space<vmem>>, vector<16xi32>,
    %add3A_133 = arith.constant 128 : i32
    %add3A_134 = arith.addi %scan3A_5, %add3A_133 : i32
    %sub3A = arith.constant 1 : i32
    %sub3A_135 = arith.subi %add3A_134, %sub3A : i32
    %jit3A = arith.constant 128 : i32
    %div3A = arith.divsi %sub3A_135, %jit3A : i32
    %sign3A = arith.constant 0 : i32
    %sign3A_136 = arith.cmpi sgt, %sub3A_135, %sign3A : i32
    %sign3A_137 = arith.extui %sign3A_136 : i1 to i32
    %sign3A_138 = arith.constant 0 : i32
    %sign3A_139 = arith.cmpi slt, %sub3A_135, %sign3A_138 : i32
    %sign3A_140 = arith.extui %sign3A_139 : i1 to i32
    %sign3A_141 = arith.subi %sign3A_137, %sign3A_140 : i32
    %sign3A_142 = arith.constant 0 : i32
    %sign3A_143 = arith.cmpi sgt, %jit3A, %sign3A_142 : i32
    %sign3A_144 = arith.extui %sign3A_143 : i1 to i32
    %sign3A_145 = arith.constant 0 : i32
    %sign3A_146 = arith.cmpi slt, %jit3A, %sign3A_145 : i32
    %sign3A_147 = arith.extui %sign3A_146 : i1 to i32
    %sign3A_148 = arith.subi %sign3A_144, %sign3A_147 : i32
    %ne3A = arith.cmpi ne, %sign3A_141, %sign3A_148 : i32
    %rem3A = arith.remsi %sub3A_135, %jit3A : i32
    %ne3A_149 = arith.constant 0 : i32
    %ne3A_150 = arith.cmpi ne, %rem3A, %ne3A_149 : i32
    %and3A = arith.andi %ne3A, %ne3A_150 : i1
    %sub3A_151 = arith.constant 1 : i32
    %sub3A_152 = arith.subi %div3A, %sub3A_151 : i32
    %select_n3A = arith.select %and3A, %sub3A_152, %div3A : i32
    %broadcast_in_dim3A_153 = vector.broadcast %select_n3A : i32 to vector<16xi32>
    %swap3A_154 = arith.constant 158 : i32
    %swap3A_155 = arith.index_cast %swap3A_154 : i32 to index
    %swap3A_156 = arith.constant 0 : index
    %swap3A_157 = tpu.vector_load %arg11[%swap3A_155, %swap3A_156] {strides = array<i32>} : memref<159x128xi32, #tpu.memory_space<vmem>>, vector<16xi32>,
    tpu.vector_store %arg11[%swap3A_155, %swap3A_156], %broadcast_in_dim3A_153 {strides = array<i32>} : memref<159x128xi32, #tpu.memory_space<vmem>>, vector<16xi32>,
    %scan3A_158 = arith.constant 0 : i32
    %scan3A_159 = arith.constant 0 : i32
    %scan3A_160 = arith.constant 158 : i32
    %scan3A_161 = arith.addi %scan3A_159, %scan3A_160 : i32
    %scan3A_162 = arith.constant 1 : i32
    scf.for %scan3A_164 = %scan3A_159 to %scan3A_161 step %scan3A_162  : i32 {
      %mul3A_165 = arith.constant 128 : i32
      %mul3A_166 = arith.muli %scan3A_164, %mul3A_165 : i32
      %add3A_167 = arith.constant 0 : i32
      %add3A_168 = arith.addi %mul3A_166, %add3A_167 : i32
      %get3A = arith.index_cast %add3A_168 : i32 to index
      %get3A_169 = tpu.vector_load %arg8[%get3A] {strides = array<i32>} : memref<20240xi32, #tpu.memory_space<vmem>>, vector<16xi32>,
      %swap3A_170 = arith.index_cast %scan3A_164 : i32 to index
      %swap3A_171 = arith.constant 0 : index
      %swap3A_172 = tpu.vector_load %arg10[%swap3A_170, %swap3A_171] {strides = array<i32>} : memref<158x128xi32, #tpu.memory_space<vmem>>, vector<16xi32>,
      tpu.vector_store %arg10[%swap3A_170, %swap3A_171], %get3A_169 {strides = array<i32>} : memref<158x128xi32, #tpu.memory_space<vmem>>, vector<16xi32>,
      %mul3A_173 = arith.constant 128 : i32
      %mul3A_174 = arith.muli %scan3A_164, %mul3A_173 : i32
      %add3A_175 = arith.constant 0 : i32
      %add3A_176 = arith.addi %mul3A_174, %add3A_175 : i32
      %get3A_177 = arith.index_cast %add3A_176 : i32 to index
      %get3A_178 = tpu.vector_load %arg9[%get3A_177] {strides = array<i32>} : memref<20240xi32, #tpu.memory_space<vmem>>, vector<16xi32>,
      %swap3A_179 = arith.index_cast %scan3A_164 : i32 to index
      %swap3A_180 = arith.constant 0 : index
      %swap3A_181 = tpu.vector_load %arg11[%swap3A_179, %swap3A_180] {strides = array<i32>} : memref<159x128xi32, #tpu.memory_space<vmem>>, vector<16xi32>,
      tpu.vector_store %arg11[%swap3A_179, %swap3A_180], %get3A_178 {strides = array<i32>} : memref<159x128xi32, #tpu.memory_space<vmem>>, vector<16xi32>,
      %mul3A_182 = arith.constant 128 : i32
      %mul3A_183 = arith.muli %scan3A_164, %mul3A_182 : i32
      %add3A_184 = arith.constant 16 : i32
      %add3A_185 = arith.addi %mul3A_183, %add3A_184 : i32
      %get3A_186 = arith.index_cast %add3A_185 : i32 to index
      %get3A_187 = tpu.vector_load %arg8[%get3A_186] {strides = array<i32>} : memref<20240xi32, #tpu.memory_space<vmem>>, vector<16xi32>,
      %swap3A_188 = arith.index_cast %scan3A_164 : i32 to index
      %swap3A_189 = arith.constant 16 : index
      %swap3A_190 = tpu.vector_load %arg10[%swap3A_188, %swap3A_189] {strides = array<i32>} : memref<158x128xi32, #tpu.memory_space<vmem>>, vector<16xi32>,
      tpu.vector_store %arg10[%swap3A_188, %swap3A_189], %get3A_187 {strides = array<i32>} : memref<158x128xi32, #tpu.memory_space<vmem>>, vector<16xi32>,
      %mul3A_191 = arith.constant 128 : i32
      %mul3A_192 = arith.muli %scan3A_164, %mul3A_191 : i32
      %add3A_193 = arith.constant 16 : i32
      %add3A_194 = arith.addi %mul3A_192, %add3A_193 : i32
      %get3A_195 = arith.index_cast %add3A_194 : i32 to index
      %get3A_196 = tpu.vector_load %arg9[%get3A_195] {strides = array<i32>} : memref<20240xi32, #tpu.memory_space<vmem>>, vector<16xi32>,
      %swap3A_197 = arith.index_cast %scan3A_164 : i32 to index
      %swap3A_198 = arith.constant 16 : index
      %swap3A_199 = tpu.vector_load %arg11[%swap3A_197, %swap3A_198] {strides = array<i32>} : memref<159x128xi32, #tpu.memory_space<vmem>>, vector<16xi32>,
      tpu.vector_store %arg11[%swap3A_197, %swap3A_198], %get3A_196 {strides = array<i32>} : memref<159x128xi32, #tpu.memory_space<vmem>>, vector<16xi32>,
      %mul3A_200 = arith.constant 128 : i32
      %mul3A_201 = arith.muli %scan3A_164, %mul3A_200 : i32
      %add3A_202 = arith.constant 32 : i32
      %add3A_203 = arith.addi %mul3A_201, %add3A_202 : i32
      %get3A_204 = arith.index_cast %add3A_203 : i32 to index
      %get3A_205 = tpu.vector_load %arg8[%get3A_204] {strides = array<i32>} : memref<20240xi32, #tpu.memory_space<vmem>>, vector<16xi32>,
      %swap3A_206 = arith.index_cast %scan3A_164 : i32 to index
      %swap3A_207 = arith.constant 32 : index
      %swap3A_208 = tpu.vector_load %arg10[%swap3A_206, %swap3A_207] {strides = array<i32>} : memref<158x128xi32, #tpu.memory_space<vmem>>, vector<16xi32>,
      tpu.vector_store %arg10[%swap3A_206, %swap3A_207], %get3A_205 {strides = array<i32>} : memref<158x128xi32, #tpu.memory_space<vmem>>, vector<16xi32>,
      %mul3A_209 = arith.constant 128 : i32
      %mul3A_210 = arith.muli %scan3A_164, %mul3A_209 : i32
      %add3A_211 = arith.constant 32 : i32
      %add3A_212 = arith.addi %mul3A_210, %add3A_211 : i32
      %get3A_213 = arith.index_cast %add3A_212 : i32 to index
      %get3A_214 = tpu.vector_load %arg9[%get3A_213] {strides = array<i32>} : memref<20240xi32, #tpu.memory_space<vmem>>, vector<16xi32>,
      %swap3A_215 = arith.index_cast %scan3A_164 : i32 to index
      %swap3A_216 = arith.constant 32 : index
      %swap3A_217 = tpu.vector_load %arg11[%swap3A_215, %swap3A_216] {strides = array<i32>} : memref<159x128xi32, #tpu.memory_space<vmem>>, vector<16xi32>,
      tpu.vector_store %arg11[%swap3A_215, %swap3A_216], %get3A_214 {strides = array<i32>} : memref<159x128xi32, #tpu.memory_space<vmem>>, vector<16xi32>,
      %mul3A_218 = arith.constant 128 : i32
      %mul3A_219 = arith.muli %scan3A_164, %mul3A_218 : i32
      %add3A_220 = arith.constant 48 : i32
      %add3A_221 = arith.addi %mul3A_219, %add3A_220 : i32
      %get3A_222 = arith.index_cast %add3A_221 : i32 to index
      %get3A_223 = tpu.vector_load %arg8[%get3A_222] {strides = array<i32>} : memref<20240xi32, #tpu.memory_space<vmem>>, vector<16xi32>,
      %swap3A_224 = arith.index_cast %scan3A_164 : i32 to index
      %swap3A_225 = arith.constant 48 : index
      %swap3A_226 = tpu.vector_load %arg10[%swap3A_224, %swap3A_225] {strides = array<i32>} : memref<158x128xi32, #tpu.memory_space<vmem>>, vector<16xi32>,
      tpu.vector_store %arg10[%swap3A_224, %swap3A_225], %get3A_223 {strides = array<i32>} : memref<158x128xi32, #tpu.memory_space<vmem>>, vector<16xi32>,
      %mul3A_227 = arith.constant 128 : i32
      %mul3A_228 = arith.muli %scan3A_164, %mul3A_227 : i32
      %add3A_229 = arith.constant 48 : i32
      %add3A_230 = arith.addi %mul3A_228, %add3A_229 : i32
      %get3A_231 = arith.index_cast %add3A_230 : i32 to index
      %get3A_232 = tpu.vector_load %arg9[%get3A_231] {strides = array<i32>} : memref<20240xi32, #tpu.memory_space<vmem>>, vector<16xi32>,
      %swap3A_233 = arith.index_cast %scan3A_164 : i32 to index
      %swap3A_234 = arith.constant 48 : index
      %swap3A_235 = tpu.vector_load %arg11[%swap3A_233, %swap3A_234] {strides = array<i32>} : memref<159x128xi32, #tpu.memory_space<vmem>>, vector<16xi32>,
      tpu.vector_store %arg11[%swap3A_233, %swap3A_234], %get3A_232 {strides = array<i32>} : memref<159x128xi32, #tpu.memory_space<vmem>>, vector<16xi32>,
      %mul3A_236 = arith.constant 128 : i32
      %mul3A_237 = arith.muli %scan3A_164, %mul3A_236 : i32
      %add3A_238 = arith.constant 64 : i32
      %add3A_239 = arith.addi %mul3A_237, %add3A_238 : i32
      %get3A_240 = arith.index_cast %add3A_239 : i32 to index
      %get3A_241 = tpu.vector_load %arg8[%get3A_240] {strides = array<i32>} : memref<20240xi32, #tpu.memory_space<vmem>>, vector<16xi32>,
      %swap3A_242 = arith.index_cast %scan3A_164 : i32 to index
      %swap3A_243 = arith.constant 64 : index
      %swap3A_244 = tpu.vector_load %arg10[%swap3A_242, %swap3A_243] {strides = array<i32>} : memref<158x128xi32, #tpu.memory_space<vmem>>, vector<16xi32>,
      tpu.vector_store %arg10[%swap3A_242, %swap3A_243], %get3A_241 {strides = array<i32>} : memref<158x128xi32, #tpu.memory_space<vmem>>, vector<16xi32>,
      %mul3A_245 = arith.constant 128 : i32
      %mul3A_246 = arith.muli %scan3A_164, %mul3A_245 : i32
      %add3A_247 = arith.constant 64 : i32
      %add3A_248 = arith.addi %mul3A_246, %add3A_247 : i32
      %get3A_249 = arith.index_cast %add3A_248 : i32 to index
      %get3A_250 = tpu.vector_load %arg9[%get3A_249] {strides = array<i32>} : memref<20240xi32, #tpu.memory_space<vmem>>, vector<16xi32>,
      %swap3A_251 = arith.index_cast %scan3A_164 : i32 to index
      %swap3A_252 = arith.constant 64 : index
      %swap3A_253 = tpu.vector_load %arg11[%swap3A_251, %swap3A_252] {strides = array<i32>} : memref<159x128xi32, #tpu.memory_space<vmem>>, vector<16xi32>,
      tpu.vector_store %arg11[%swap3A_251, %swap3A_252], %get3A_250 {strides = array<i32>} : memref<159x128xi32, #tpu.memory_space<vmem>>, vector<16xi32>,
      %mul3A_254 = arith.constant 128 : i32
      %mul3A_255 = arith.muli %scan3A_164, %mul3A_254 : i32
      %add3A_256 = arith.constant 80 : i32
      %add3A_257 = arith.addi %mul3A_255, %add3A_256 : i32
      %get3A_258 = arith.index_cast %add3A_257 : i32 to index
      %get3A_259 = tpu.vector_load %arg8[%get3A_258] {strides = array<i32>} : memref<20240xi32, #tpu.memory_space<vmem>>, vector<16xi32>,
      %swap3A_260 = arith.index_cast %scan3A_164 : i32 to index
      %swap3A_261 = arith.constant 80 : index
      %swap3A_262 = tpu.vector_load %arg10[%swap3A_260, %swap3A_261] {strides = array<i32>} : memref<158x128xi32, #tpu.memory_space<vmem>>, vector<16xi32>,
      tpu.vector_store %arg10[%swap3A_260, %swap3A_261], %get3A_259 {strides = array<i32>} : memref<158x128xi32, #tpu.memory_space<vmem>>, vector<16xi32>,
      %mul3A_263 = arith.constant 128 : i32
      %mul3A_264 = arith.muli %scan3A_164, %mul3A_263 : i32
      %add3A_265 = arith.constant 80 : i32
      %add3A_266 = arith.addi %mul3A_264, %add3A_265 : i32
      %get3A_267 = arith.index_cast %add3A_266 : i32 to index
      %get3A_268 = tpu.vector_load %arg9[%get3A_267] {strides = array<i32>} : memref<20240xi32, #tpu.memory_space<vmem>>, vector<16xi32>,
      %swap3A_269 = arith.index_cast %scan3A_164 : i32 to index
      %swap3A_270 = arith.constant 80 : index
      %swap3A_271 = tpu.vector_load %arg11[%swap3A_269, %swap3A_270] {strides = array<i32>} : memref<159x128xi32, #tpu.memory_space<vmem>>, vector<16xi32>,
      tpu.vector_store %arg11[%swap3A_269, %swap3A_270], %get3A_268 {strides = array<i32>} : memref<159x128xi32, #tpu.memory_space<vmem>>, vector<16xi32>,
      %mul3A_272 = arith.constant 128 : i32
      %mul3A_273 = arith.muli %scan3A_164, %mul3A_272 : i32
      %add3A_274 = arith.constant 96 : i32
      %add3A_275 = arith.addi %mul3A_273, %add3A_274 : i32
      %get3A_276 = arith.index_cast %add3A_275 : i32 to index
      %get3A_277 = tpu.vector_load %arg8[%get3A_276] {strides = array<i32>} : memref<20240xi32, #tpu.memory_space<vmem>>, vector<16xi32>,
      %swap3A_278 = arith.index_cast %scan3A_164 : i32 to index
      %swap3A_279 = arith.constant 96 : index
      %swap3A_280 = tpu.vector_load %arg10[%swap3A_278, %swap3A_279] {strides = array<i32>} : memref<158x128xi32, #tpu.memory_space<vmem>>, vector<16xi32>,
      tpu.vector_store %arg10[%swap3A_278, %swap3A_279], %get3A_277 {strides = array<i32>} : memref<158x128xi32, #tpu.memory_space<vmem>>, vector<16xi32>,
      %mul3A_281 = arith.constant 128 : i32
      %mul3A_282 = arith.muli %scan3A_164, %mul3A_281 : i32
      %add3A_283 = arith.constant 96 : i32
      %add3A_284 = arith.addi %mul3A_282, %add3A_283 : i32
      %get3A_285 = arith.index_cast %add3A_284 : i32 to index
      %get3A_286 = tpu.vector_load %arg9[%get3A_285] {strides = array<i32>} : memref<20240xi32, #tpu.memory_space<vmem>>, vector<16xi32>,
      %swap3A_287 = arith.index_cast %scan3A_164 : i32 to index
      %swap3A_288 = arith.constant 96 : index
      %swap3A_289 = tpu.vector_load %arg11[%swap3A_287, %swap3A_288] {strides = array<i32>} : memref<159x128xi32, #tpu.memory_space<vmem>>, vector<16xi32>,
      tpu.vector_store %arg11[%swap3A_287, %swap3A_288], %get3A_286 {strides = array<i32>} : memref<159x128xi32, #tpu.memory_space<vmem>>, vector<16xi32>,
      %mul3A_290 = arith.constant 128 : i32
      %mul3A_291 = arith.muli %scan3A_164, %mul3A_290 : i32
      %add3A_292 = arith.constant 112 : i32
      %add3A_293 = arith.addi %mul3A_291, %add3A_292 : i32
      %get3A_294 = arith.index_cast %add3A_293 : i32 to index
      %get3A_295 = tpu.vector_load %arg8[%get3A_294] {strides = array<i32>} : memref<20240xi32, #tpu.memory_space<vmem>>, vector<16xi32>,
      %swap3A_296 = arith.index_cast %scan3A_164 : i32 to index
      %swap3A_297 = arith.constant 112 : index
      %swap3A_298 = tpu.vector_load %arg10[%swap3A_296, %swap3A_297] {strides = array<i32>} : memref<158x128xi32, #tpu.memory_space<vmem>>, vector<16xi32>,
      tpu.vector_store %arg10[%swap3A_296, %swap3A_297], %get3A_295 {strides = array<i32>} : memref<158x128xi32, #tpu.memory_space<vmem>>, vector<16xi32>,
      %mul3A_299 = arith.constant 128 : i32
      %mul3A_300 = arith.muli %scan3A_164, %mul3A_299 : i32
      %add3A_301 = arith.constant 112 : i32
      %add3A_302 = arith.addi %mul3A_300, %add3A_301 : i32
      %get3A_303 = arith.index_cast %add3A_302 : i32 to index
      %get3A_304 = tpu.vector_load %arg9[%get3A_303] {strides = array<i32>} : memref<20240xi32, #tpu.memory_space<vmem>>, vector<16xi32>,
      %swap3A_305 = arith.index_cast %scan3A_164 : i32 to index
      %swap3A_306 = arith.constant 112 : index
      %swap3A_307 = tpu.vector_load %arg11[%swap3A_305, %swap3A_306] {strides = array<i32>} : memref<159x128xi32, #tpu.memory_space<vmem>>, vector<16xi32>,
      tpu.vector_store %arg11[%swap3A_305, %swap3A_306], %get3A_304 {strides = array<i32>} : memref<159x128xi32, #tpu.memory_space<vmem>>, vector<16xi32>,
    }
    %scan3A_163 = arith.constant 158 : i32
    "tpu.region"() ({
      %run_scoped3A = tpu.sem_alloc : memref<!tpu.dma_semaphore, #tpu.memory_space<semaphore_mem>>
      %dma_start3A = arith.constant 0 : i32
      %dma_start3A_164 = arith.constant 0 : i32
      %dma_start3A_165 = tpu.memref_slice %arg4[%add3A, %dma_start3A, %dma_start3A_164] : memref<32x158x128xi32, #tpu.memory_space<hbm>> -> memref<1x158x128xi32, #tpu.memory_space<hbm>>
      %dma_start3A_166 = tpu.memref_squeeze %dma_start3A_165 : memref<1x158x128xi32, #tpu.memory_space<hbm>> -> memref<158x128xi32, #tpu.memory_space<hbm>>
      %dma_start3A_167 = arith.constant 0 : i32
      %dma_start3A_168 = arith.constant 0 : i32
      %dma_start3A_169 = tpu.memref_slice %arg4[%add3A, %dma_start3A_167, %dma_start3A_168] : memref<32x158x128xi32, #tpu.memory_space<hbm>> -> memref<1x158x128xi32, #tpu.memory_space<hbm>>
      %dma_start3A_170 = tpu.memref_squeeze %dma_start3A_169 : memref<1x158x128xi32, #tpu.memory_space<hbm>> -> memref<158x128xi32, #tpu.memory_space<hbm>>
      tpu.enqueue_dma source(%arg10 : memref<158x128xi32, #tpu.memory_space<vmem>>) target(%dma_start3A_170 : memref<158x128xi32, #tpu.memory_space<hbm>>) target_semaphore(%run_scoped3A : memref<!tpu.dma_semaphore, #tpu.memory_space<semaphore_mem>>)
      %dma_wait3A = arith.constant 0 : i32
      %dma_wait3A_171 = arith.constant 0 : i32
      %dma_wait3A_172 = tpu.memref_slice %arg4[%add3A, %dma_wait3A, %dma_wait3A_171] : memref<32x158x128xi32, #tpu.memory_space<hbm>> -> memref<1x158x128xi32, #tpu.memory_space<hbm>>
      %dma_wait3A_173 = tpu.memref_squeeze %dma_wait3A_172 : memref<1x158x128xi32, #tpu.memory_space<hbm>> -> memref<158x128xi32, #tpu.memory_space<hbm>>
      %dma_wait3A_174 = arith.constant 0 : i32
      %dma_wait3A_175 = arith.constant 0 : i32
      %dma_wait3A_176 = tpu.memref_slice %arg4[%add3A, %dma_wait3A_174, %dma_wait3A_175] : memref<32x158x128xi32, #tpu.memory_space<hbm>> -> memref<1x158x128xi32, #tpu.memory_space<hbm>>
      %dma_wait3A_177 = tpu.memref_squeeze %dma_wait3A_176 : memref<1x158x128xi32, #tpu.memory_space<hbm>> -> memref<158x128xi32, #tpu.memory_space<hbm>>
      tpu.wait_dma2 semaphore(%run_scoped3A : memref<!tpu.dma_semaphore, #tpu.memory_space<semaphore_mem>>) src(%arg10 : memref<158x128xi32, #tpu.memory_space<vmem>>) dst(%dma_wait3A_177 : memref<158x128xi32, #tpu.memory_space<hbm>>)
      tpu.yield
    }) : () -> ()
    "tpu.region"() ({
      %run_scoped3A = tpu.sem_alloc : memref<!tpu.dma_semaphore, #tpu.memory_space<semaphore_mem>>
      %dma_start3A = arith.constant 0 : i32
      %dma_start3A_164 = arith.constant 0 : i32
      %dma_start3A_165 = tpu.memref_slice %arg5[%add3A, %dma_start3A, %dma_start3A_164] : memref<32x159x128xi32, #tpu.memory_space<hbm>> -> memref<1x159x128xi32, #tpu.memory_space<hbm>>
      %dma_start3A_166 = tpu.memref_squeeze %dma_start3A_165 : memref<1x159x128xi32, #tpu.memory_space<hbm>> -> memref<159x128xi32, #tpu.memory_space<hbm>>
      %dma_start3A_167 = arith.constant 0 : i32
      %dma_start3A_168 = arith.constant 0 : i32
      %dma_start3A_169 = tpu.memref_slice %arg5[%add3A, %dma_start3A_167, %dma_start3A_168] : memref<32x159x128xi32, #tpu.memory_space<hbm>> -> memref<1x159x128xi32, #tpu.memory_space<hbm>>
      %dma_start3A_170 = tpu.memref_squeeze %dma_start3A_169 : memref<1x159x128xi32, #tpu.memory_space<hbm>> -> memref<159x128xi32, #tpu.memory_space<hbm>>
      tpu.enqueue_dma source(%arg11 : memref<159x128xi32, #tpu.memory_space<vmem>>) target(%dma_start3A_170 : memref<159x128xi32, #tpu.memory_space<hbm>>) target_semaphore(%run_scoped3A : memref<!tpu.dma_semaphore, #tpu.memory_space<semaphore_mem>>)
      %dma_wait3A = arith.constant 0 : i32
      %dma_wait3A_171 = arith.constant 0 : i32
      %dma_wait3A_172 = tpu.memref_slice %arg5[%add3A, %dma_wait3A, %dma_wait3A_171] : memref<32x159x128xi32, #tpu.memory_space<hbm>> -> memref<1x159x128xi32, #tpu.memory_space<hbm>>
      %dma_wait3A_173 = tpu.memref_squeeze %dma_wait3A_172 : memref<1x159x128xi32, #tpu.memory_space<hbm>> -> memref<159x128xi32, #tpu.memory_space<hbm>>
      %dma_wait3A_174 = arith.constant 0 : i32
      %dma_wait3A_175 = arith.constant 0 : i32
      %dma_wait3A_176 = tpu.memref_slice %arg5[%add3A, %dma_wait3A_174, %dma_wait3A_175] : memref<32x159x128xi32, #tpu.memory_space<hbm>> -> memref<1x159x128xi32, #tpu.memory_space<hbm>>
      %dma_wait3A_177 = tpu.memref_squeeze %dma_wait3A_176 : memref<1x159x128xi32, #tpu.memory_space<hbm>> -> memref<159x128xi32, #tpu.memory_space<hbm>>
      tpu.wait_dma2 semaphore(%run_scoped3A : memref<!tpu.dma_semaphore, #tpu.memory_space<semaphore_mem>>) src(%arg11 : memref<159x128xi32, #tpu.memory_space<vmem>>) dst(%dma_wait3A_177 : memref<159x128xi32, #tpu.memory_space<hbm>>)
      tpu.yield
    }) : () -> ()
    return
  }
}

#map = affine_map<(d0, d1) -> (0, 0, 0)>
#map1 = affine_map<(d0, d1) -> (0, 0)>
module attributes {stable_mosaic.version = 14 : i64} {
  func.func @k(%arg0: i32, %arg1: i32, %arg2: memref<32x159x128xi32, #tpu.memory_space<hbm>>, %arg3: memref<128x128xf32, #tpu.memory_space<hbm>>, %arg4: memref<5096x128xf32, #tpu.memory_space<hbm>>, %arg5: memref<2x5000x128xf32, #tpu.memory_space<hbm>>, %arg6: memref<159x128xi32, #tpu.memory_space<vmem>>, %arg7: memref<128x128xf32, #tpu.memory_space<vmem>>, %arg8: memref<5096x128xf32, #tpu.memory_space<vmem_shared>>) attributes {dimension_semantics = [#tpu.dimension_semantics<core_parallel>, #tpu.dimension_semantics<subcore_parallel>], iteration_bounds = array<i64: 2, 16>, scalar_prefetch = 0 : i64, scratch_operands = 3 : i64, tpu.core_type = #tpu.core_type<sc_vector_subcore>, window_params = [{transform_indices = #map}, {transform_indices = #map1}, {transform_indices = #map1}, {transform_indices = #map}]} {
    %mul3A = arith.constant 16 : i32
    %mul3A_0 = arith.muli %arg0, %mul3A : i32
    %add3A = arith.addi %mul3A_0, %arg1 : i32
    "tpu.region"() ({
      %run_scoped3A = tpu.sem_alloc : memref<!tpu.dma_semaphore, #tpu.memory_space<semaphore_mem>>
      %dma_start3A = arith.constant 0 : i32
      %dma_start3A_29 = arith.constant 0 : i32
      %dma_start3A_30 = tpu.memref_slice %arg2[%add3A, %dma_start3A, %dma_start3A_29] : memref<32x159x128xi32, #tpu.memory_space<hbm>> -> memref<1x159x128xi32, #tpu.memory_space<hbm>>
      %dma_start3A_31 = tpu.memref_squeeze %dma_start3A_30 : memref<1x159x128xi32, #tpu.memory_space<hbm>> -> memref<159x128xi32, #tpu.memory_space<hbm>>
      %dma_start3A_32 = arith.constant 0 : i32
      %dma_start3A_33 = arith.constant 0 : i32
      %dma_start3A_34 = tpu.memref_slice %arg2[%add3A, %dma_start3A_32, %dma_start3A_33] : memref<32x159x128xi32, #tpu.memory_space<hbm>> -> memref<1x159x128xi32, #tpu.memory_space<hbm>>
      %dma_start3A_35 = tpu.memref_squeeze %dma_start3A_34 : memref<1x159x128xi32, #tpu.memory_space<hbm>> -> memref<159x128xi32, #tpu.memory_space<hbm>>
      tpu.enqueue_dma source(%dma_start3A_35 : memref<159x128xi32, #tpu.memory_space<hbm>>) target(%arg6 : memref<159x128xi32, #tpu.memory_space<vmem>>) target_semaphore(%run_scoped3A : memref<!tpu.dma_semaphore, #tpu.memory_space<semaphore_mem>>)
      %dma_wait3A = arith.constant 0 : i32
      %dma_wait3A_36 = arith.constant 0 : i32
      %dma_wait3A_37 = tpu.memref_slice %arg2[%add3A, %dma_wait3A, %dma_wait3A_36] : memref<32x159x128xi32, #tpu.memory_space<hbm>> -> memref<1x159x128xi32, #tpu.memory_space<hbm>>
      %dma_wait3A_38 = tpu.memref_squeeze %dma_wait3A_37 : memref<1x159x128xi32, #tpu.memory_space<hbm>> -> memref<159x128xi32, #tpu.memory_space<hbm>>
      %dma_wait3A_39 = arith.constant 0 : i32
      %dma_wait3A_40 = arith.constant 0 : i32
      %dma_wait3A_41 = tpu.memref_slice %arg2[%add3A, %dma_wait3A_39, %dma_wait3A_40] : memref<32x159x128xi32, #tpu.memory_space<hbm>> -> memref<1x159x128xi32, #tpu.memory_space<hbm>>
      %dma_wait3A_42 = tpu.memref_squeeze %dma_wait3A_41 : memref<1x159x128xi32, #tpu.memory_space<hbm>> -> memref<159x128xi32, #tpu.memory_space<hbm>>
      tpu.wait_dma2 semaphore(%run_scoped3A : memref<!tpu.dma_semaphore, #tpu.memory_space<semaphore_mem>>) src(%dma_wait3A_42 : memref<159x128xi32, #tpu.memory_space<hbm>>) dst(%arg6 : memref<159x128xi32, #tpu.memory_space<vmem>>)
      tpu.yield
    }) : () -> ()
    "tpu.region"() ({
      %run_scoped3A = tpu.sem_alloc : memref<!tpu.dma_semaphore, #tpu.memory_space<semaphore_mem>>
      tpu.enqueue_dma source(%arg3 : memref<128x128xf32, #tpu.memory_space<hbm>>) target(%arg7 : memref<128x128xf32, #tpu.memory_space<vmem>>) target_semaphore(%run_scoped3A : memref<!tpu.dma_semaphore, #tpu.memory_space<semaphore_mem>>)
      tpu.wait_dma2 semaphore(%run_scoped3A : memref<!tpu.dma_semaphore, #tpu.memory_space<semaphore_mem>>) src(%arg3 : memref<128x128xf32, #tpu.memory_space<hbm>>) dst(%arg7 : memref<128x128xf32, #tpu.memory_space<vmem>>)
      tpu.yield
    }) : () -> ()
    %get3A = arith.constant 158 : i32
    %get3A_1 = arith.index_cast %get3A : i32 to index
    %get3A_2 = arith.constant 0 : index
    %get3A_3 = tpu.vector_load %arg6[%get3A_1, %get3A_2] {strides = array<i32>} : memref<159x128xi32, #tpu.memory_space<vmem>>, vector<16xi32>,
    %slice3A = vector.extract_strided_slice %get3A_3 {offsets = [0], sizes = [1], strides = [1]} : vector<16xi32> to vector<1xi32>
    %squeeze3A = vector.extract %slice3A[0] : i32 from vector<1xi32>
    %lt3A = arith.constant 15 : i32
    %lt3A_4 = arith.cmpi slt, %arg1, %lt3A : i32
    %convert_element_type3A = arith.extui %lt3A_4 : i1 to i32
    %cond3A = arith.constant 0 : i32
    %cond3A_5 = arith.cmpi ne, %convert_element_type3A, %cond3A : i32
    scf.if %cond3A_5 {
      %mul3A_29 = arith.constant 320 : i32
      %mul3A_30 = arith.muli %arg1, %mul3A_29 : i32
      %mul3A_31 = arith.constant 320 : i32
      %mul3A_32 = arith.muli %arg1, %mul3A_31 : i32
      "tpu.region"() ({
        %run_scoped3A = tpu.sem_alloc : memref<!tpu.dma_semaphore, #tpu.memory_space<semaphore_mem>>
        %dma_start3A = arith.constant 0 : i32
        %dma_start3A_33 = tpu.memref_slice %arg8[%mul3A_32, %dma_start3A] : memref<5096x128xf32, #tpu.memory_space<vmem_shared>> -> memref<320x128xf32, #tpu.memory_space<vmem_shared>>
        %dma_start3A_34 = arith.constant 0 : i32
        %dma_start3A_35 = tpu.memref_slice %arg4[%mul3A_30, %dma_start3A_34] : memref<5096x128xf32, #tpu.memory_space<hbm>> -> memref<320x128xf32, #tpu.memory_space<hbm>>
        tpu.enqueue_dma source(%dma_start3A_35 : memref<320x128xf32, #tpu.memory_space<hbm>>) target(%dma_start3A_33 : memref<320x128xf32, #tpu.memory_space<vmem_shared>>) target_semaphore(%run_scoped3A : memref<!tpu.dma_semaphore, #tpu.memory_space<semaphore_mem>>)
        %dma_wait3A = arith.constant 0 : i32
        %dma_wait3A_36 = tpu.memref_slice %arg8[%mul3A_32, %dma_wait3A] : memref<5096x128xf32, #tpu.memory_space<vmem_shared>> -> memref<320x128xf32, #tpu.memory_space<vmem_shared>>
        %dma_wait3A_37 = arith.constant 0 : i32
        %dma_wait3A_38 = tpu.memref_slice %arg4[%mul3A_30, %dma_wait3A_37] : memref<5096x128xf32, #tpu.memory_space<hbm>> -> memref<320x128xf32, #tpu.memory_space<hbm>>
        tpu.wait_dma2 semaphore(%run_scoped3A : memref<!tpu.dma_semaphore, #tpu.memory_space<semaphore_mem>>) src(%dma_wait3A_38 : memref<320x128xf32, #tpu.memory_space<hbm>>) dst(%dma_wait3A_36 : memref<320x128xf32, #tpu.memory_space<vmem_shared>>)
        tpu.yield
      }) : () -> ()
    } else {
    }
    %eq3A = arith.constant 15 : i32
    %eq3A_6 = arith.cmpi eq, %arg1, %eq3A : i32
    %convert_element_type3A_7 = arith.extui %eq3A_6 : i1 to i32
    %cond3A_8 = arith.constant 0 : i32
    %cond3A_9 = arith.cmpi ne, %convert_element_type3A_7, %cond3A_8 : i32
    scf.if %cond3A_9 {
      "tpu.region"() ({
        %run_scoped3A = tpu.sem_alloc : memref<!tpu.dma_semaphore, #tpu.memory_space<semaphore_mem>>
        %dma_start3A = arith.constant 4800 : i32
        %dma_start3A_29 = arith.constant 0 : i32
        %dma_start3A_30 = tpu.memref_slice %arg8[%dma_start3A, %dma_start3A_29] : memref<5096x128xf32, #tpu.memory_space<vmem_shared>> -> memref<296x128xf32, #tpu.memory_space<vmem_shared>>
        %dma_start3A_31 = arith.constant 4800 : i32
        %dma_start3A_32 = arith.constant 0 : i32
        %dma_start3A_33 = tpu.memref_slice %arg4[%dma_start3A_31, %dma_start3A_32] : memref<5096x128xf32, #tpu.memory_space<hbm>> -> memref<296x128xf32, #tpu.memory_space<hbm>>
        tpu.enqueue_dma source(%dma_start3A_33 : memref<296x128xf32, #tpu.memory_space<hbm>>) target(%dma_start3A_30 : memref<296x128xf32, #tpu.memory_space<vmem_shared>>) target_semaphore(%run_scoped3A : memref<!tpu.dma_semaphore, #tpu.memory_space<semaphore_mem>>)
        %dma_wait3A = arith.constant 4800 : i32
        %dma_wait3A_34 = arith.constant 0 : i32
        %dma_wait3A_35 = tpu.memref_slice %arg8[%dma_wait3A, %dma_wait3A_34] : memref<5096x128xf32, #tpu.memory_space<vmem_shared>> -> memref<296x128xf32, #tpu.memory_space<vmem_shared>>
        %dma_wait3A_36 = arith.constant 4800 : i32
        %dma_wait3A_37 = arith.constant 0 : i32
        %dma_wait3A_38 = tpu.memref_slice %arg4[%dma_wait3A_36, %dma_wait3A_37] : memref<5096x128xf32, #tpu.memory_space<hbm>> -> memref<296x128xf32, #tpu.memory_space<hbm>>
        tpu.wait_dma2 semaphore(%run_scoped3A : memref<!tpu.dma_semaphore, #tpu.memory_space<semaphore_mem>>) src(%dma_wait3A_38 : memref<296x128xf32, #tpu.memory_space<hbm>>) dst(%dma_wait3A_35 : memref<296x128xf32, #tpu.memory_space<vmem_shared>>)
        tpu.yield
      }) : () -> ()
    } else {
    }
    %barrier3A = arith.constant 0 : index
    tpu.barrier barrier_id(%barrier3A)
    %while3A = arith.constant 0 : i32
    %while3A_10 = arith.constant 0 : i32
    %while3A_11 = arith.subi %squeeze3A, %while3A_10 : i32
    %while3A_12 = arith.addi %while3A_10, %while3A_11 : i32
    %while3A_13 = arith.constant 1 : i32
    %while3A_14 = arith.divsi %while3A_11, %while3A_13 : i32
    %while3A_15 = arith.muli %while3A_14, %while3A_13 : i32
    %while3A_16 = arith.addi %while3A_10, %while3A_15 : i32
    %while3A_17 = arith.constant 1 : i32
    scf.for %while3A_29 = %while3A_10 to %while3A_16 step %while3A_17  : i32 {
      "tpu.region"() ({
        %run_scoped3A = tpu.sem_alloc : memref<!tpu.dma_semaphore, #tpu.memory_space<semaphore_mem>>
        %dma_start3A = arith.constant 0 : i32
        %dma_start3A_30 = tpu.memref_slice %arg6[%while3A_29, %dma_start3A] : memref<159x128xi32, #tpu.memory_space<vmem>> -> memref<1x128xi32, #tpu.memory_space<vmem>>
        %dma_start3A_31 = tpu.memref_squeeze %dma_start3A_30 : memref<1x128xi32, #tpu.memory_space<vmem>> -> memref<128xi32, #tpu.memory_space<vmem>>
        %dma_start3A_32 = arith.constant 0 : i32
        %dma_start3A_33 = arith.constant 0 : i32
        %dma_start3A_34 = tpu.memref_slice %arg8[%dma_start3A_32, %dma_start3A_33] : memref<5096x128xf32, #tpu.memory_space<vmem_shared>> -> memref<5096x128xf32, #tpu.memory_space<vmem_shared>>
        tpu.enqueue_indirect_dma source(%arg7 : memref<128x128xf32, #tpu.memory_space<vmem>>) target(%dma_start3A_34 : memref<5096x128xf32, #tpu.memory_space<vmem_shared>>) offsets(%dma_start3A_31 : memref<128xi32, #tpu.memory_space<vmem>>) semaphore(%run_scoped3A : memref<!tpu.dma_semaphore, #tpu.memory_space<semaphore_mem>>) {add = true}
        %dma_wait3A = arith.constant 0 : i32
        %dma_wait3A_35 = tpu.memref_slice %arg6[%while3A_29, %dma_wait3A] : memref<159x128xi32, #tpu.memory_space<vmem>> -> memref<1x128xi32, #tpu.memory_space<vmem>>
        %dma_wait3A_36 = tpu.memref_squeeze %dma_wait3A_35 : memref<1x128xi32, #tpu.memory_space<vmem>> -> memref<128xi32, #tpu.memory_space<vmem>>
        %dma_wait3A_37 = arith.constant 0 : i32
        %dma_wait3A_38 = arith.constant 0 : i32
        %dma_wait3A_39 = tpu.memref_slice %arg8[%dma_wait3A_37, %dma_wait3A_38] : memref<5096x128xf32, #tpu.memory_space<vmem_shared>> -> memref<5096x128xf32, #tpu.memory_space<vmem_shared>>
        tpu.wait_indirect_dma semaphore(%run_scoped3A : memref<!tpu.dma_semaphore, #tpu.memory_space<semaphore_mem>>) src(%arg7 : memref<128x128xf32, #tpu.memory_space<vmem>>) dst(%dma_wait3A_39 : memref<5096x128xf32, #tpu.memory_space<vmem_shared>>)
        tpu.yield
      }) : () -> ()
    }
    %while3A_18 = arith.constant 1 : i32
    scf.for %while3A_29 = %while3A_16 to %while3A_12 step %while3A_18  : i32 {
      "tpu.region"() ({
        %run_scoped3A = tpu.sem_alloc : memref<!tpu.dma_semaphore, #tpu.memory_space<semaphore_mem>>
        %dma_start3A = arith.constant 0 : i32
        %dma_start3A_30 = tpu.memref_slice %arg6[%while3A_29, %dma_start3A] : memref<159x128xi32, #tpu.memory_space<vmem>> -> memref<1x128xi32, #tpu.memory_space<vmem>>
        %dma_start3A_31 = tpu.memref_squeeze %dma_start3A_30 : memref<1x128xi32, #tpu.memory_space<vmem>> -> memref<128xi32, #tpu.memory_space<vmem>>
        %dma_start3A_32 = arith.constant 0 : i32
        %dma_start3A_33 = arith.constant 0 : i32
        %dma_start3A_34 = tpu.memref_slice %arg8[%dma_start3A_32, %dma_start3A_33] : memref<5096x128xf32, #tpu.memory_space<vmem_shared>> -> memref<5096x128xf32, #tpu.memory_space<vmem_shared>>
        tpu.enqueue_indirect_dma source(%arg7 : memref<128x128xf32, #tpu.memory_space<vmem>>) target(%dma_start3A_34 : memref<5096x128xf32, #tpu.memory_space<vmem_shared>>) offsets(%dma_start3A_31 : memref<128xi32, #tpu.memory_space<vmem>>) semaphore(%run_scoped3A : memref<!tpu.dma_semaphore, #tpu.memory_space<semaphore_mem>>) {add = true}
        %dma_wait3A = arith.constant 0 : i32
        %dma_wait3A_35 = tpu.memref_slice %arg6[%while3A_29, %dma_wait3A] : memref<159x128xi32, #tpu.memory_space<vmem>> -> memref<1x128xi32, #tpu.memory_space<vmem>>
        %dma_wait3A_36 = tpu.memref_squeeze %dma_wait3A_35 : memref<1x128xi32, #tpu.memory_space<vmem>> -> memref<128xi32, #tpu.memory_space<vmem>>
        %dma_wait3A_37 = arith.constant 0 : i32
        %dma_wait3A_38 = arith.constant 0 : i32
        %dma_wait3A_39 = tpu.memref_slice %arg8[%dma_wait3A_37, %dma_wait3A_38] : memref<5096x128xf32, #tpu.memory_space<vmem_shared>> -> memref<5096x128xf32, #tpu.memory_space<vmem_shared>>
        tpu.wait_indirect_dma semaphore(%run_scoped3A : memref<!tpu.dma_semaphore, #tpu.memory_space<semaphore_mem>>) src(%arg7 : memref<128x128xf32, #tpu.memory_space<vmem>>) dst(%dma_wait3A_39 : memref<5096x128xf32, #tpu.memory_space<vmem_shared>>)
        tpu.yield
      }) : () -> ()
    }
    %barrier3A_19 = arith.constant 0 : index
    tpu.barrier barrier_id(%barrier3A_19)
    %mul3A_20 = arith.constant 312 : i32
    %mul3A_21 = arith.muli %arg1, %mul3A_20 : i32
    %mul3A_22 = arith.constant 312 : i32
    %mul3A_23 = arith.muli %arg1, %mul3A_22 : i32
    "tpu.region"() ({
      %run_scoped3A = tpu.sem_alloc : memref<!tpu.dma_semaphore, #tpu.memory_space<semaphore_mem>>
      %dma_start3A = arith.constant 0 : i32
      %dma_start3A_29 = tpu.memref_slice %arg5[%arg0, %mul3A_23, %dma_start3A] : memref<2x5000x128xf32, #tpu.memory_space<hbm>> -> memref<1x312x128xf32, #tpu.memory_space<hbm>>
      %dma_start3A_30 = tpu.memref_squeeze %dma_start3A_29 : memref<1x312x128xf32, #tpu.memory_space<hbm>> -> memref<312x128xf32, #tpu.memory_space<hbm>>
      %dma_start3A_31 = arith.constant 0 : i32
      %dma_start3A_32 = tpu.memref_slice %arg8[%mul3A_21, %dma_start3A_31] : memref<5096x128xf32, #tpu.memory_space<vmem_shared>> -> memref<312x128xf32, #tpu.memory_space<vmem_shared>>
      tpu.enqueue_dma source(%dma_start3A_32 : memref<312x128xf32, #tpu.memory_space<vmem_shared>>) target(%dma_start3A_30 : memref<312x128xf32, #tpu.memory_space<hbm>>) target_semaphore(%run_scoped3A : memref<!tpu.dma_semaphore, #tpu.memory_space<semaphore_mem>>)
      %dma_wait3A = arith.constant 0 : i32
      %dma_wait3A_33 = tpu.memref_slice %arg5[%arg0, %mul3A_23, %dma_wait3A] : memref<2x5000x128xf32, #tpu.memory_space<hbm>> -> memref<1x312x128xf32, #tpu.memory_space<hbm>>
      %dma_wait3A_34 = tpu.memref_squeeze %dma_wait3A_33 : memref<1x312x128xf32, #tpu.memory_space<hbm>> -> memref<312x128xf32, #tpu.memory_space<hbm>>
      %dma_wait3A_35 = arith.constant 0 : i32
      %dma_wait3A_36 = tpu.memref_slice %arg8[%mul3A_21, %dma_wait3A_35] : memref<5096x128xf32, #tpu.memory_space<vmem_shared>> -> memref<312x128xf32, #tpu.memory_space<vmem_shared>>
      tpu.wait_dma2 semaphore(%run_scoped3A : memref<!tpu.dma_semaphore, #tpu.memory_space<semaphore_mem>>) src(%dma_wait3A_36 : memref<312x128xf32, #tpu.memory_space<vmem_shared>>) dst(%dma_wait3A_34 : memref<312x128xf32, #tpu.memory_space<hbm>>)
      tpu.yield
    }) : () -> ()
    %eq3A_24 = arith.constant 15 : i32
    %eq3A_25 = arith.cmpi eq, %arg1, %eq3A_24 : i32
    %convert_element_type3A_26 = arith.extui %eq3A_25 : i1 to i32
    %cond3A_27 = arith.constant 0 : i32
    %cond3A_28 = arith.cmpi ne, %convert_element_type3A_26, %cond3A_27 : i32
    scf.if %cond3A_28 {
      "tpu.region"() ({
        %run_scoped3A = tpu.sem_alloc : memref<!tpu.dma_semaphore, #tpu.memory_space<semaphore_mem>>
        %dma_start3A = arith.constant 4992 : i32
        %dma_start3A_29 = arith.constant 0 : i32
        %dma_start3A_30 = tpu.memref_slice %arg5[%arg0, %dma_start3A, %dma_start3A_29] : memref<2x5000x128xf32, #tpu.memory_space<hbm>> -> memref<1x8x128xf32, #tpu.memory_space<hbm>>
        %dma_start3A_31 = tpu.memref_squeeze %dma_start3A_30 : memref<1x8x128xf32, #tpu.memory_space<hbm>> -> memref<8x128xf32, #tpu.memory_space<hbm>>
        %dma_start3A_32 = arith.constant 4992 : i32
        %dma_start3A_33 = arith.constant 0 : i32
        %dma_start3A_34 = tpu.memref_slice %arg8[%dma_start3A_32, %dma_start3A_33] : memref<5096x128xf32, #tpu.memory_space<vmem_shared>> -> memref<8x128xf32, #tpu.memory_space<vmem_shared>>
        tpu.enqueue_dma source(%dma_start3A_34 : memref<8x128xf32, #tpu.memory_space<vmem_shared>>) target(%dma_start3A_31 : memref<8x128xf32, #tpu.memory_space<hbm>>) target_semaphore(%run_scoped3A : memref<!tpu.dma_semaphore, #tpu.memory_space<semaphore_mem>>)
        %dma_wait3A = arith.constant 4992 : i32
        %dma_wait3A_35 = arith.constant 0 : i32
        %dma_wait3A_36 = tpu.memref_slice %arg5[%arg0, %dma_wait3A, %dma_wait3A_35] : memref<2x5000x128xf32, #tpu.memory_space<hbm>> -> memref<1x8x128xf32, #tpu.memory_space<hbm>>
        %dma_wait3A_37 = tpu.memref_squeeze %dma_wait3A_36 : memref<1x8x128xf32, #tpu.memory_space<hbm>> -> memref<8x128xf32, #tpu.memory_space<hbm>>
        %dma_wait3A_38 = arith.constant 4992 : i32
        %dma_wait3A_39 = arith.constant 0 : i32
        %dma_wait3A_40 = tpu.memref_slice %arg8[%dma_wait3A_38, %dma_wait3A_39] : memref<5096x128xf32, #tpu.memory_space<vmem_shared>> -> memref<8x128xf32, #tpu.memory_space<vmem_shared>>
        tpu.wait_dma2 semaphore(%run_scoped3A : memref<!tpu.dma_semaphore, #tpu.memory_space<semaphore_mem>>) src(%dma_wait3A_40 : memref<8x128xf32, #tpu.memory_space<vmem_shared>>) dst(%dma_wait3A_37 : memref<8x128xf32, #tpu.memory_space<hbm>>)
        tpu.yield
      }) : () -> ()
    } else {
    }
    return
  }
}

#map = affine_map<(d0, d1) -> (0, 0, 0)>
#map1 = affine_map<(d0, d1) -> (0, 0)>
module attributes {stable_mosaic.version = 14 : i64} {
  func.func @k(%arg0: i32, %arg1: i32, %arg2: memref<32x158x128xi32, #tpu.memory_space<hbm>>, %arg3: memref<32x159x128xi32, #tpu.memory_space<hbm>>, %arg4: memref<10000x128xf32, #tpu.memory_space<hbm>>, %arg5: memref<5096x128xf32, #tpu.memory_space<hbm>>, %arg6: memref<2x5000x128xf32, #tpu.memory_space<hbm>>, %arg7: memref<158x128xi32, #tpu.memory_space<vmem>>, %arg8: memref<159x128xi32, #tpu.memory_space<vmem>>, %arg9: memref<128x128xf32, #tpu.memory_space<vmem>>, %arg10: memref<128x128xf32, #tpu.memory_space<vmem>>, %arg11: memref<5096x128xf32, #tpu.memory_space<vmem_shared>>, %arg12: memref<!tpu.dma_semaphore, #tpu.memory_space<semaphore_mem>>, %arg13: memref<!tpu.dma_semaphore, #tpu.memory_space<semaphore_mem>>) attributes {dimension_semantics = [#tpu.dimension_semantics<core_parallel>, #tpu.dimension_semantics<subcore_parallel>], iteration_bounds = array<i64: 2, 16>, scalar_prefetch = 0 : i64, scratch_operands = 7 : i64, tpu.core_type = #tpu.core_type<sc_vector_subcore>, window_params = [{transform_indices = #map}, {transform_indices = #map}, {transform_indices = #map1}, {transform_indices = #map1}, {transform_indices = #map}]} {
    %mul3A = arith.constant 16 : i32
    %mul3A_0 = arith.muli %arg0, %mul3A : i32
    %add3A = arith.addi %mul3A_0, %arg1 : i32
    "tpu.region"() ({
      %run_scoped3A = tpu.sem_alloc : memref<!tpu.dma_semaphore, #tpu.memory_space<semaphore_mem>>
      %dma_start3A = arith.constant 0 : i32
      %dma_start3A_33 = arith.constant 0 : i32
      %dma_start3A_34 = tpu.memref_slice %arg2[%add3A, %dma_start3A, %dma_start3A_33] : memref<32x158x128xi32, #tpu.memory_space<hbm>> -> memref<1x158x128xi32, #tpu.memory_space<hbm>>
      %dma_start3A_35 = tpu.memref_squeeze %dma_start3A_34 : memref<1x158x128xi32, #tpu.memory_space<hbm>> -> memref<158x128xi32, #tpu.memory_space<hbm>>
      %dma_start3A_36 = arith.constant 0 : i32
      %dma_start3A_37 = arith.constant 0 : i32
      %dma_start3A_38 = tpu.memref_slice %arg2[%add3A, %dma_start3A_36, %dma_start3A_37] : memref<32x158x128xi32, #tpu.memory_space<hbm>> -> memref<1x158x128xi32, #tpu.memory_space<hbm>>
      %dma_start3A_39 = tpu.memref_squeeze %dma_start3A_38 : memref<1x158x128xi32, #tpu.memory_space<hbm>> -> memref<158x128xi32, #tpu.memory_space<hbm>>
      tpu.enqueue_dma source(%dma_start3A_39 : memref<158x128xi32, #tpu.memory_space<hbm>>) target(%arg7 : memref<158x128xi32, #tpu.memory_space<vmem>>) target_semaphore(%run_scoped3A : memref<!tpu.dma_semaphore, #tpu.memory_space<semaphore_mem>>)
      %dma_wait3A = arith.constant 0 : i32
      %dma_wait3A_40 = arith.constant 0 : i32
      %dma_wait3A_41 = tpu.memref_slice %arg2[%add3A, %dma_wait3A, %dma_wait3A_40] : memref<32x158x128xi32, #tpu.memory_space<hbm>> -> memref<1x158x128xi32, #tpu.memory_space<hbm>>
      %dma_wait3A_42 = tpu.memref_squeeze %dma_wait3A_41 : memref<1x158x128xi32, #tpu.memory_space<hbm>> -> memref<158x128xi32, #tpu.memory_space<hbm>>
      %dma_wait3A_43 = arith.constant 0 : i32
      %dma_wait3A_44 = arith.constant 0 : i32
      %dma_wait3A_45 = tpu.memref_slice %arg2[%add3A, %dma_wait3A_43, %dma_wait3A_44] : memref<32x158x128xi32, #tpu.memory_space<hbm>> -> memref<1x158x128xi32, #tpu.memory_space<hbm>>
      %dma_wait3A_46 = tpu.memref_squeeze %dma_wait3A_45 : memref<1x158x128xi32, #tpu.memory_space<hbm>> -> memref<158x128xi32, #tpu.memory_space<hbm>>
      tpu.wait_dma2 semaphore(%run_scoped3A : memref<!tpu.dma_semaphore, #tpu.memory_space<semaphore_mem>>) src(%dma_wait3A_46 : memref<158x128xi32, #tpu.memory_space<hbm>>) dst(%arg7 : memref<158x128xi32, #tpu.memory_space<vmem>>)
      tpu.yield
    }) : () -> ()
    "tpu.region"() ({
      %run_scoped3A = tpu.sem_alloc : memref<!tpu.dma_semaphore, #tpu.memory_space<semaphore_mem>>
      %dma_start3A = arith.constant 0 : i32
      %dma_start3A_33 = arith.constant 0 : i32
      %dma_start3A_34 = tpu.memref_slice %arg3[%add3A, %dma_start3A, %dma_start3A_33] : memref<32x159x128xi32, #tpu.memory_space<hbm>> -> memref<1x159x128xi32, #tpu.memory_space<hbm>>
      %dma_start3A_35 = tpu.memref_squeeze %dma_start3A_34 : memref<1x159x128xi32, #tpu.memory_space<hbm>> -> memref<159x128xi32, #tpu.memory_space<hbm>>
      %dma_start3A_36 = arith.constant 0 : i32
      %dma_start3A_37 = arith.constant 0 : i32
      %dma_start3A_38 = tpu.memref_slice %arg3[%add3A, %dma_start3A_36, %dma_start3A_37] : memref<32x159x128xi32, #tpu.memory_space<hbm>> -> memref<1x159x128xi32, #tpu.memory_space<hbm>>
      %dma_start3A_39 = tpu.memref_squeeze %dma_start3A_38 : memref<1x159x128xi32, #tpu.memory_space<hbm>> -> memref<159x128xi32, #tpu.memory_space<hbm>>
      tpu.enqueue_dma source(%dma_start3A_39 : memref<159x128xi32, #tpu.memory_space<hbm>>) target(%arg8 : memref<159x128xi32, #tpu.memory_space<vmem>>) target_semaphore(%run_scoped3A : memref<!tpu.dma_semaphore, #tpu.memory_space<semaphore_mem>>)
      %dma_wait3A = arith.constant 0 : i32
      %dma_wait3A_40 = arith.constant 0 : i32
      %dma_wait3A_41 = tpu.memref_slice %arg3[%add3A, %dma_wait3A, %dma_wait3A_40] : memref<32x159x128xi32, #tpu.memory_space<hbm>> -> memref<1x159x128xi32, #tpu.memory_space<hbm>>
      %dma_wait3A_42 = tpu.memref_squeeze %dma_wait3A_41 : memref<1x159x128xi32, #tpu.memory_space<hbm>> -> memref<159x128xi32, #tpu.memory_space<hbm>>
      %dma_wait3A_43 = arith.constant 0 : i32
      %dma_wait3A_44 = arith.constant 0 : i32
      %dma_wait3A_45 = tpu.memref_slice %arg3[%add3A, %dma_wait3A_43, %dma_wait3A_44] : memref<32x159x128xi32, #tpu.memory_space<hbm>> -> memref<1x159x128xi32, #tpu.memory_space<hbm>>
      %dma_wait3A_46 = tpu.memref_squeeze %dma_wait3A_45 : memref<1x159x128xi32, #tpu.memory_space<hbm>> -> memref<159x128xi32, #tpu.memory_space<hbm>>
      tpu.wait_dma2 semaphore(%run_scoped3A : memref<!tpu.dma_semaphore, #tpu.memory_space<semaphore_mem>>) src(%dma_wait3A_46 : memref<159x128xi32, #tpu.memory_space<hbm>>) dst(%arg8 : memref<159x128xi32, #tpu.memory_space<vmem>>)
      tpu.yield
    }) : () -> ()
    %get3A = arith.constant 158 : i32
    %get3A_1 = arith.index_cast %get3A : i32 to index
    %get3A_2 = arith.constant 0 : index
    %get3A_3 = tpu.vector_load %arg8[%get3A_1, %get3A_2] {strides = array<i32>} : memref<159x128xi32, #tpu.memory_space<vmem>>, vector<16xi32>,
    %slice3A = vector.extract_strided_slice %get3A_3 {offsets = [0], sizes = [1], strides = [1]} : vector<16xi32> to vector<1xi32>
    %squeeze3A = vector.extract %slice3A[0] : i32 from vector<1xi32>
    %lt3A = arith.constant 15 : i32
    %lt3A_4 = arith.cmpi slt, %arg1, %lt3A : i32
    %convert_element_type3A = arith.extui %lt3A_4 : i1 to i32
    %cond3A = arith.constant 0 : i32
    %cond3A_5 = arith.cmpi ne, %convert_element_type3A, %cond3A : i32
    scf.if %cond3A_5 {
      %mul3A_33 = arith.constant 320 : i32
      %mul3A_34 = arith.muli %arg1, %mul3A_33 : i32
      %mul3A_35 = arith.constant 320 : i32
      %mul3A_36 = arith.muli %arg1, %mul3A_35 : i32
      "tpu.region"() ({
        %run_scoped3A = tpu.sem_alloc : memref<!tpu.dma_semaphore, #tpu.memory_space<semaphore_mem>>
        %dma_start3A = arith.constant 0 : i32
        %dma_start3A_37 = tpu.memref_slice %arg11[%mul3A_36, %dma_start3A] : memref<5096x128xf32, #tpu.memory_space<vmem_shared>> -> memref<320x128xf32, #tpu.memory_space<vmem_shared>>
        %dma_start3A_38 = arith.constant 0 : i32
        %dma_start3A_39 = tpu.memref_slice %arg5[%mul3A_34, %dma_start3A_38] : memref<5096x128xf32, #tpu.memory_space<hbm>> -> memref<320x128xf32, #tpu.memory_space<hbm>>
        tpu.enqueue_dma source(%dma_start3A_39 : memref<320x128xf32, #tpu.memory_space<hbm>>) target(%dma_start3A_37 : memref<320x128xf32, #tpu.memory_space<vmem_shared>>) target_semaphore(%run_scoped3A : memref<!tpu.dma_semaphore, #tpu.memory_space<semaphore_mem>>)
        %dma_wait3A = arith.constant 0 : i32
        %dma_wait3A_40 = tpu.memref_slice %arg11[%mul3A_36, %dma_wait3A] : memref<5096x128xf32, #tpu.memory_space<vmem_shared>> -> memref<320x128xf32, #tpu.memory_space<vmem_shared>>
        %dma_wait3A_41 = arith.constant 0 : i32
        %dma_wait3A_42 = tpu.memref_slice %arg5[%mul3A_34, %dma_wait3A_41] : memref<5096x128xf32, #tpu.memory_space<hbm>> -> memref<320x128xf32, #tpu.memory_space<hbm>>
        tpu.wait_dma2 semaphore(%run_scoped3A : memref<!tpu.dma_semaphore, #tpu.memory_space<semaphore_mem>>) src(%dma_wait3A_42 : memref<320x128xf32, #tpu.memory_space<hbm>>) dst(%dma_wait3A_40 : memref<320x128xf32, #tpu.memory_space<vmem_shared>>)
        tpu.yield
      }) : () -> ()
    } else {
    }
    %eq3A = arith.constant 15 : i32
    %eq3A_6 = arith.cmpi eq, %arg1, %eq3A : i32
    %convert_element_type3A_7 = arith.extui %eq3A_6 : i1 to i32
    %cond3A_8 = arith.constant 0 : i32
    %cond3A_9 = arith.cmpi ne, %convert_element_type3A_7, %cond3A_8 : i32
    scf.if %cond3A_9 {
      "tpu.region"() ({
        %run_scoped3A = tpu.sem_alloc : memref<!tpu.dma_semaphore, #tpu.memory_space<semaphore_mem>>
        %dma_start3A = arith.constant 4800 : i32
        %dma_start3A_33 = arith.constant 0 : i32
        %dma_start3A_34 = tpu.memref_slice %arg11[%dma_start3A, %dma_start3A_33] : memref<5096x128xf32, #tpu.memory_space<vmem_shared>> -> memref<296x128xf32, #tpu.memory_space<vmem_shared>>
        %dma_start3A_35 = arith.constant 4800 : i32
        %dma_start3A_36 = arith.constant 0 : i32
        %dma_start3A_37 = tpu.memref_slice %arg5[%dma_start3A_35, %dma_start3A_36] : memref<5096x128xf32, #tpu.memory_space<hbm>> -> memref<296x128xf32, #tpu.memory_space<hbm>>
        tpu.enqueue_dma source(%dma_start3A_37 : memref<296x128xf32, #tpu.memory_space<hbm>>) target(%dma_start3A_34 : memref<296x128xf32, #tpu.memory_space<vmem_shared>>) target_semaphore(%run_scoped3A : memref<!tpu.dma_semaphore, #tpu.memory_space<semaphore_mem>>)
        %dma_wait3A = arith.constant 4800 : i32
        %dma_wait3A_38 = arith.constant 0 : i32
        %dma_wait3A_39 = tpu.memref_slice %arg11[%dma_wait3A, %dma_wait3A_38] : memref<5096x128xf32, #tpu.memory_space<vmem_shared>> -> memref<296x128xf32, #tpu.memory_space<vmem_shared>>
        %dma_wait3A_40 = arith.constant 4800 : i32
        %dma_wait3A_41 = arith.constant 0 : i32
        %dma_wait3A_42 = tpu.memref_slice %arg5[%dma_wait3A_40, %dma_wait3A_41] : memref<5096x128xf32, #tpu.memory_space<hbm>> -> memref<296x128xf32, #tpu.memory_space<hbm>>
        tpu.wait_dma2 semaphore(%run_scoped3A : memref<!tpu.dma_semaphore, #tpu.memory_space<semaphore_mem>>) src(%dma_wait3A_42 : memref<296x128xf32, #tpu.memory_space<hbm>>) dst(%dma_wait3A_39 : memref<296x128xf32, #tpu.memory_space<vmem_shared>>)
        tpu.yield
      }) : () -> ()
    } else {
    }
    %barrier3A = arith.constant 0 : index
    tpu.barrier barrier_id(%barrier3A)
    %gt3A = arith.constant 0 : i32
    %gt3A_10 = arith.cmpi sgt, %squeeze3A, %gt3A : i32
    %convert_element_type3A_11 = arith.extui %gt3A_10 : i1 to i32
    %cond3A_12 = arith.constant 0 : i32
    %cond3A_13 = arith.cmpi ne, %convert_element_type3A_11, %cond3A_12 : i32
    scf.if %cond3A_13 {
      %dma_start3A = arith.constant 0 : i32
      %dma_start3A_33 = arith.constant 0 : i32
      %dma_start3A_34 = tpu.memref_slice %arg7[%dma_start3A, %dma_start3A_33] : memref<158x128xi32, #tpu.memory_space<vmem>> -> memref<1x128xi32, #tpu.memory_space<vmem>>
      %dma_start3A_35 = tpu.memref_squeeze %dma_start3A_34 : memref<1x128xi32, #tpu.memory_space<vmem>> -> memref<128xi32, #tpu.memory_space<vmem>>
      %dma_start3A_36 = arith.constant 0 : i32
      %dma_start3A_37 = arith.constant 0 : i32
      %dma_start3A_38 = tpu.memref_slice %arg4[%dma_start3A_36, %dma_start3A_37] : memref<10000x128xf32, #tpu.memory_space<hbm>> -> memref<10000x128xf32, #tpu.memory_space<hbm>>
      tpu.enqueue_indirect_dma source(%dma_start3A_38 : memref<10000x128xf32, #tpu.memory_space<hbm>>) target(%arg9 : memref<128x128xf32, #tpu.memory_space<vmem>>) offsets(%dma_start3A_35 : memref<128xi32, #tpu.memory_space<vmem>>) semaphore(%arg12 : memref<!tpu.dma_semaphore, #tpu.memory_space<semaphore_mem>>)
    } else {
    }
    %while3A = arith.constant 0 : i32
    %while3A_14 = arith.constant 0 : i32
    %while3A_15 = arith.subi %squeeze3A, %while3A_14 : i32
    %while3A_16 = arith.addi %while3A_14, %while3A_15 : i32
    %while3A_17 = arith.constant 1 : i32
    %while3A_18 = arith.divsi %while3A_15, %while3A_17 : i32
    %while3A_19 = arith.muli %while3A_18, %while3A_17 : i32
    %while3A_20 = arith.addi %while3A_14, %while3A_19 : i32
    %while3A_21 = arith.constant 1 : i32
    scf.for %while3A_33 = %while3A_14 to %while3A_20 step %while3A_21  : i32 {
      %rem3A = arith.constant 2 : i32
      %rem3A_34 = arith.remsi %while3A_33, %rem3A : i32
      %eq3A_35 = arith.constant 0 : i32
      %eq3A_36 = arith.cmpi eq, %rem3A_34, %eq3A_35 : i32
      %convert_element_type3A_37 = arith.extui %eq3A_36 : i1 to i32
      %cond3A_38 = arith.constant 0 : i32
      %cond3A_39 = arith.cmpi ne, %convert_element_type3A_37, %cond3A_38 : i32
      scf.if %cond3A_39 {
        %dma_wait3A = arith.constant 0 : i32
        %dma_wait3A_47 = arith.constant 0 : i32
        %dma_wait3A_48 = tpu.memref_slice %arg7[%dma_wait3A, %dma_wait3A_47] : memref<158x128xi32, #tpu.memory_space<vmem>> -> memref<1x128xi32, #tpu.memory_space<vmem>>
        %dma_wait3A_49 = tpu.memref_squeeze %dma_wait3A_48 : memref<1x128xi32, #tpu.memory_space<vmem>> -> memref<128xi32, #tpu.memory_space<vmem>>
        %dma_wait3A_50 = arith.constant 0 : i32
        %dma_wait3A_51 = arith.constant 0 : i32
        %dma_wait3A_52 = tpu.memref_slice %arg4[%dma_wait3A_50, %dma_wait3A_51] : memref<10000x128xf32, #tpu.memory_space<hbm>> -> memref<10000x128xf32, #tpu.memory_space<hbm>>
        tpu.wait_indirect_dma semaphore(%arg12 : memref<!tpu.dma_semaphore, #tpu.memory_space<semaphore_mem>>) src(%dma_wait3A_52 : memref<10000x128xf32, #tpu.memory_space<hbm>>) dst(%arg9 : memref<128x128xf32, #tpu.memory_space<vmem>>)
        %add3A_53 = arith.constant 1 : i32
        %add3A_54 = arith.addi %while3A_33, %add3A_53 : i32
        %lt3A_55 = arith.cmpi slt, %add3A_54, %squeeze3A : i32
        %convert_element_type3A_56 = arith.extui %lt3A_55 : i1 to i32
        %cond3A_57 = arith.constant 0 : i32
        %cond3A_58 = arith.cmpi ne, %convert_element_type3A_56, %cond3A_57 : i32
        scf.if %cond3A_58 {
          %add3A_59 = arith.constant 1 : i32
          %add3A_60 = arith.addi %while3A_33, %add3A_59 : i32
          %dma_start3A = arith.constant 0 : i32
          %dma_start3A_61 = tpu.memref_slice %arg7[%add3A_60, %dma_start3A] : memref<158x128xi32, #tpu.memory_space<vmem>> -> memref<1x128xi32, #tpu.memory_space<vmem>>
          %dma_start3A_62 = tpu.memref_squeeze %dma_start3A_61 : memref<1x128xi32, #tpu.memory_space<vmem>> -> memref<128xi32, #tpu.memory_space<vmem>>
          %dma_start3A_63 = arith.constant 0 : i32
          %dma_start3A_64 = arith.constant 0 : i32
          %dma_start3A_65 = tpu.memref_slice %arg4[%dma_start3A_63, %dma_start3A_64] : memref<10000x128xf32, #tpu.memory_space<hbm>> -> memref<10000x128xf32, #tpu.memory_space<hbm>>
          tpu.enqueue_indirect_dma source(%dma_start3A_65 : memref<10000x128xf32, #tpu.memory_space<hbm>>) target(%arg10 : memref<128x128xf32, #tpu.memory_space<vmem>>) offsets(%dma_start3A_62 : memref<128xi32, #tpu.memory_space<vmem>>) semaphore(%arg13 : memref<!tpu.dma_semaphore, #tpu.memory_space<semaphore_mem>>)
        } else {
        }
        "tpu.region"() ({
          %run_scoped3A = tpu.sem_alloc : memref<!tpu.dma_semaphore, #tpu.memory_space<semaphore_mem>>
          %dma_start3A = arith.constant 0 : i32
          %dma_start3A_59 = tpu.memref_slice %arg8[%while3A_33, %dma_start3A] : memref<159x128xi32, #tpu.memory_space<vmem>> -> memref<1x128xi32, #tpu.memory_space<vmem>>
          %dma_start3A_60 = tpu.memref_squeeze %dma_start3A_59 : memref<1x128xi32, #tpu.memory_space<vmem>> -> memref<128xi32, #tpu.memory_space<vmem>>
          %dma_start3A_61 = arith.constant 0 : i32
          %dma_start3A_62 = arith.constant 0 : i32
          %dma_start3A_63 = tpu.memref_slice %arg11[%dma_start3A_61, %dma_start3A_62] : memref<5096x128xf32, #tpu.memory_space<vmem_shared>> -> memref<5096x128xf32, #tpu.memory_space<vmem_shared>>
          tpu.enqueue_indirect_dma source(%arg9 : memref<128x128xf32, #tpu.memory_space<vmem>>) target(%dma_start3A_63 : memref<5096x128xf32, #tpu.memory_space<vmem_shared>>) offsets(%dma_start3A_60 : memref<128xi32, #tpu.memory_space<vmem>>) semaphore(%run_scoped3A : memref<!tpu.dma_semaphore, #tpu.memory_space<semaphore_mem>>) {add = true}
          %dma_wait3A_64 = arith.constant 0 : i32
          %dma_wait3A_65 = tpu.memref_slice %arg8[%while3A_33, %dma_wait3A_64] : memref<159x128xi32, #tpu.memory_space<vmem>> -> memref<1x128xi32, #tpu.memory_space<vmem>>
          %dma_wait3A_66 = tpu.memref_squeeze %dma_wait3A_65 : memref<1x128xi32, #tpu.memory_space<vmem>> -> memref<128xi32, #tpu.memory_space<vmem>>
          %dma_wait3A_67 = arith.constant 0 : i32
          %dma_wait3A_68 = arith.constant 0 : i32
          %dma_wait3A_69 = tpu.memref_slice %arg11[%dma_wait3A_67, %dma_wait3A_68] : memref<5096x128xf32, #tpu.memory_space<vmem_shared>> -> memref<5096x128xf32, #tpu.memory_space<vmem_shared>>
          tpu.wait_indirect_dma semaphore(%run_scoped3A : memref<!tpu.dma_semaphore, #tpu.memory_space<semaphore_mem>>) src(%arg9 : memref<128x128xf32, #tpu.memory_space<vmem>>) dst(%dma_wait3A_69 : memref<5096x128xf32, #tpu.memory_space<vmem_shared>>)
          tpu.yield
        }) : () -> ()
      } else {
      }
      %rem3A_40 = arith.constant 2 : i32
      %rem3A_41 = arith.remsi %while3A_33, %rem3A_40 : i32
      %eq3A_42 = arith.constant 1 : i32
      %eq3A_43 = arith.cmpi eq, %rem3A_41, %eq3A_42 : i32
      %convert_element_type3A_44 = arith.extui %eq3A_43 : i1 to i32
      %cond3A_45 = arith.constant 0 : i32
      %cond3A_46 = arith.cmpi ne, %convert_element_type3A_44, %cond3A_45 : i32
      scf.if %cond3A_46 {
        %dma_wait3A = arith.constant 0 : i32
        %dma_wait3A_47 = arith.constant 0 : i32
        %dma_wait3A_48 = tpu.memref_slice %arg7[%dma_wait3A, %dma_wait3A_47] : memref<158x128xi32, #tpu.memory_space<vmem>> -> memref<1x128xi32, #tpu.memory_space<vmem>>
        %dma_wait3A_49 = tpu.memref_squeeze %dma_wait3A_48 : memref<1x128xi32, #tpu.memory_space<vmem>> -> memref<128xi32, #tpu.memory_space<vmem>>
        %dma_wait3A_50 = arith.constant 0 : i32
        %dma_wait3A_51 = arith.constant 0 : i32
        %dma_wait3A_52 = tpu.memref_slice %arg4[%dma_wait3A_50, %dma_wait3A_51] : memref<10000x128xf32, #tpu.memory_space<hbm>> -> memref<10000x128xf32, #tpu.memory_space<hbm>>
        tpu.wait_indirect_dma semaphore(%arg13 : memref<!tpu.dma_semaphore, #tpu.memory_space<semaphore_mem>>) src(%dma_wait3A_52 : memref<10000x128xf32, #tpu.memory_space<hbm>>) dst(%arg10 : memref<128x128xf32, #tpu.memory_space<vmem>>)
        %add3A_53 = arith.constant 1 : i32
        %add3A_54 = arith.addi %while3A_33, %add3A_53 : i32
        %lt3A_55 = arith.cmpi slt, %add3A_54, %squeeze3A : i32
        %convert_element_type3A_56 = arith.extui %lt3A_55 : i1 to i32
        %cond3A_57 = arith.constant 0 : i32
        %cond3A_58 = arith.cmpi ne, %convert_element_type3A_56, %cond3A_57 : i32
        scf.if %cond3A_58 {
          %add3A_59 = arith.constant 1 : i32
          %add3A_60 = arith.addi %while3A_33, %add3A_59 : i32
          %dma_start3A = arith.constant 0 : i32
          %dma_start3A_61 = tpu.memref_slice %arg7[%add3A_60, %dma_start3A] : memref<158x128xi32, #tpu.memory_space<vmem>> -> memref<1x128xi32, #tpu.memory_space<vmem>>
          %dma_start3A_62 = tpu.memref_squeeze %dma_start3A_61 : memref<1x128xi32, #tpu.memory_space<vmem>> -> memref<128xi32, #tpu.memory_space<vmem>>
          %dma_start3A_63 = arith.constant 0 : i32
          %dma_start3A_64 = arith.constant 0 : i32
          %dma_start3A_65 = tpu.memref_slice %arg4[%dma_start3A_63, %dma_start3A_64] : memref<10000x128xf32, #tpu.memory_space<hbm>> -> memref<10000x128xf32, #tpu.memory_space<hbm>>
          tpu.enqueue_indirect_dma source(%dma_start3A_65 : memref<10000x128xf32, #tpu.memory_space<hbm>>) target(%arg9 : memref<128x128xf32, #tpu.memory_space<vmem>>) offsets(%dma_start3A_62 : memref<128xi32, #tpu.memory_space<vmem>>) semaphore(%arg12 : memref<!tpu.dma_semaphore, #tpu.memory_space<semaphore_mem>>)
        } else {
        }
        "tpu.region"() ({
          %run_scoped3A = tpu.sem_alloc : memref<!tpu.dma_semaphore, #tpu.memory_space<semaphore_mem>>
          %dma_start3A = arith.constant 0 : i32
          %dma_start3A_59 = tpu.memref_slice %arg8[%while3A_33, %dma_start3A] : memref<159x128xi32, #tpu.memory_space<vmem>> -> memref<1x128xi32, #tpu.memory_space<vmem>>
          %dma_start3A_60 = tpu.memref_squeeze %dma_start3A_59 : memref<1x128xi32, #tpu.memory_space<vmem>> -> memref<128xi32, #tpu.memory_space<vmem>>
          %dma_start3A_61 = arith.constant 0 : i32
          %dma_start3A_62 = arith.constant 0 : i32
          %dma_start3A_63 = tpu.memref_slice %arg11[%dma_start3A_61, %dma_start3A_62] : memref<5096x128xf32, #tpu.memory_space<vmem_shared>> -> memref<5096x128xf32, #tpu.memory_space<vmem_shared>>
          tpu.enqueue_indirect_dma source(%arg10 : memref<128x128xf32, #tpu.memory_space<vmem>>) target(%dma_start3A_63 : memref<5096x128xf32, #tpu.memory_space<vmem_shared>>) offsets(%dma_start3A_60 : memref<128xi32, #tpu.memory_space<vmem>>) semaphore(%run_scoped3A : memref<!tpu.dma_semaphore, #tpu.memory_space<semaphore_mem>>) {add = true}
          %dma_wait3A_64 = arith.constant 0 : i32
          %dma_wait3A_65 = tpu.memref_slice %arg8[%while3A_33, %dma_wait3A_64] : memref<159x128xi32, #tpu.memory_space<vmem>> -> memref<1x128xi32, #tpu.memory_space<vmem>>
          %dma_wait3A_66 = tpu.memref_squeeze %dma_wait3A_65 : memref<1x128xi32, #tpu.memory_space<vmem>> -> memref<128xi32, #tpu.memory_space<vmem>>
          %dma_wait3A_67 = arith.constant 0 : i32
          %dma_wait3A_68 = arith.constant 0 : i32
          %dma_wait3A_69 = tpu.memref_slice %arg11[%dma_wait3A_67, %dma_wait3A_68] : memref<5096x128xf32, #tpu.memory_space<vmem_shared>> -> memref<5096x128xf32, #tpu.memory_space<vmem_shared>>
          tpu.wait_indirect_dma semaphore(%run_scoped3A : memref<!tpu.dma_semaphore, #tpu.memory_space<semaphore_mem>>) src(%arg10 : memref<128x128xf32, #tpu.memory_space<vmem>>) dst(%dma_wait3A_69 : memref<5096x128xf32, #tpu.memory_space<vmem_shared>>)
          tpu.yield
        }) : () -> ()
      } else {
      }
    }
    %while3A_22 = arith.constant 1 : i32
    scf.for %while3A_33 = %while3A_20 to %while3A_16 step %while3A_22  : i32 {
      %rem3A = arith.constant 2 : i32
      %rem3A_34 = arith.remsi %while3A_33, %rem3A : i32
      %eq3A_35 = arith.constant 0 : i32
      %eq3A_36 = arith.cmpi eq, %rem3A_34, %eq3A_35 : i32
      %convert_element_type3A_37 = arith.extui %eq3A_36 : i1 to i32
      %cond3A_38 = arith.constant 0 : i32
      %cond3A_39 = arith.cmpi ne, %convert_element_type3A_37, %cond3A_38 : i32
      scf.if %cond3A_39 {
        %dma_wait3A = arith.constant 0 : i32
        %dma_wait3A_47 = arith.constant 0 : i32
        %dma_wait3A_48 = tpu.memref_slice %arg7[%dma_wait3A, %dma_wait3A_47] : memref<158x128xi32, #tpu.memory_space<vmem>> -> memref<1x128xi32, #tpu.memory_space<vmem>>
        %dma_wait3A_49 = tpu.memref_squeeze %dma_wait3A_48 : memref<1x128xi32, #tpu.memory_space<vmem>> -> memref<128xi32, #tpu.memory_space<vmem>>
        %dma_wait3A_50 = arith.constant 0 : i32
        %dma_wait3A_51 = arith.constant 0 : i32
        %dma_wait3A_52 = tpu.memref_slice %arg4[%dma_wait3A_50, %dma_wait3A_51] : memref<10000x128xf32, #tpu.memory_space<hbm>> -> memref<10000x128xf32, #tpu.memory_space<hbm>>
        tpu.wait_indirect_dma semaphore(%arg12 : memref<!tpu.dma_semaphore, #tpu.memory_space<semaphore_mem>>) src(%dma_wait3A_52 : memref<10000x128xf32, #tpu.memory_space<hbm>>) dst(%arg9 : memref<128x128xf32, #tpu.memory_space<vmem>>)
        %add3A_53 = arith.constant 1 : i32
        %add3A_54 = arith.addi %while3A_33, %add3A_53 : i32
        %lt3A_55 = arith.cmpi slt, %add3A_54, %squeeze3A : i32
        %convert_element_type3A_56 = arith.extui %lt3A_55 : i1 to i32
        %cond3A_57 = arith.constant 0 : i32
        %cond3A_58 = arith.cmpi ne, %convert_element_type3A_56, %cond3A_57 : i32
        scf.if %cond3A_58 {
          %add3A_59 = arith.constant 1 : i32
          %add3A_60 = arith.addi %while3A_33, %add3A_59 : i32
          %dma_start3A = arith.constant 0 : i32
          %dma_start3A_61 = tpu.memref_slice %arg7[%add3A_60, %dma_start3A] : memref<158x128xi32, #tpu.memory_space<vmem>> -> memref<1x128xi32, #tpu.memory_space<vmem>>
          %dma_start3A_62 = tpu.memref_squeeze %dma_start3A_61 : memref<1x128xi32, #tpu.memory_space<vmem>> -> memref<128xi32, #tpu.memory_space<vmem>>
          %dma_start3A_63 = arith.constant 0 : i32
          %dma_start3A_64 = arith.constant 0 : i32
          %dma_start3A_65 = tpu.memref_slice %arg4[%dma_start3A_63, %dma_start3A_64] : memref<10000x128xf32, #tpu.memory_space<hbm>> -> memref<10000x128xf32, #tpu.memory_space<hbm>>
          tpu.enqueue_indirect_dma source(%dma_start3A_65 : memref<10000x128xf32, #tpu.memory_space<hbm>>) target(%arg10 : memref<128x128xf32, #tpu.memory_space<vmem>>) offsets(%dma_start3A_62 : memref<128xi32, #tpu.memory_space<vmem>>) semaphore(%arg13 : memref<!tpu.dma_semaphore, #tpu.memory_space<semaphore_mem>>)
        } else {
        }
        "tpu.region"() ({
          %run_scoped3A = tpu.sem_alloc : memref<!tpu.dma_semaphore, #tpu.memory_space<semaphore_mem>>
          %dma_start3A = arith.constant 0 : i32
          %dma_start3A_59 = tpu.memref_slice %arg8[%while3A_33, %dma_start3A] : memref<159x128xi32, #tpu.memory_space<vmem>> -> memref<1x128xi32, #tpu.memory_space<vmem>>
          %dma_start3A_60 = tpu.memref_squeeze %dma_start3A_59 : memref<1x128xi32, #tpu.memory_space<vmem>> -> memref<128xi32, #tpu.memory_space<vmem>>
          %dma_start3A_61 = arith.constant 0 : i32
          %dma_start3A_62 = arith.constant 0 : i32
          %dma_start3A_63 = tpu.memref_slice %arg11[%dma_start3A_61, %dma_start3A_62] : memref<5096x128xf32, #tpu.memory_space<vmem_shared>> -> memref<5096x128xf32, #tpu.memory_space<vmem_shared>>
          tpu.enqueue_indirect_dma source(%arg9 : memref<128x128xf32, #tpu.memory_space<vmem>>) target(%dma_start3A_63 : memref<5096x128xf32, #tpu.memory_space<vmem_shared>>) offsets(%dma_start3A_60 : memref<128xi32, #tpu.memory_space<vmem>>) semaphore(%run_scoped3A : memref<!tpu.dma_semaphore, #tpu.memory_space<semaphore_mem>>) {add = true}
          %dma_wait3A_64 = arith.constant 0 : i32
          %dma_wait3A_65 = tpu.memref_slice %arg8[%while3A_33, %dma_wait3A_64] : memref<159x128xi32, #tpu.memory_space<vmem>> -> memref<1x128xi32, #tpu.memory_space<vmem>>
          %dma_wait3A_66 = tpu.memref_squeeze %dma_wait3A_65 : memref<1x128xi32, #tpu.memory_space<vmem>> -> memref<128xi32, #tpu.memory_space<vmem>>
          %dma_wait3A_67 = arith.constant 0 : i32
          %dma_wait3A_68 = arith.constant 0 : i32
          %dma_wait3A_69 = tpu.memref_slice %arg11[%dma_wait3A_67, %dma_wait3A_68] : memref<5096x128xf32, #tpu.memory_space<vmem_shared>> -> memref<5096x128xf32, #tpu.memory_space<vmem_shared>>
          tpu.wait_indirect_dma semaphore(%run_scoped3A : memref<!tpu.dma_semaphore, #tpu.memory_space<semaphore_mem>>) src(%arg9 : memref<128x128xf32, #tpu.memory_space<vmem>>) dst(%dma_wait3A_69 : memref<5096x128xf32, #tpu.memory_space<vmem_shared>>)
          tpu.yield
        }) : () -> ()
      } else {
      }
      %rem3A_40 = arith.constant 2 : i32
      %rem3A_41 = arith.remsi %while3A_33, %rem3A_40 : i32
      %eq3A_42 = arith.constant 1 : i32
      %eq3A_43 = arith.cmpi eq, %rem3A_41, %eq3A_42 : i32
      %convert_element_type3A_44 = arith.extui %eq3A_43 : i1 to i32
      %cond3A_45 = arith.constant 0 : i32
      %cond3A_46 = arith.cmpi ne, %convert_element_type3A_44, %cond3A_45 : i32
      scf.if %cond3A_46 {
        %dma_wait3A = arith.constant 0 : i32
        %dma_wait3A_47 = arith.constant 0 : i32
        %dma_wait3A_48 = tpu.memref_slice %arg7[%dma_wait3A, %dma_wait3A_47] : memref<158x128xi32, #tpu.memory_space<vmem>> -> memref<1x128xi32, #tpu.memory_space<vmem>>
        %dma_wait3A_49 = tpu.memref_squeeze %dma_wait3A_48 : memref<1x128xi32, #tpu.memory_space<vmem>> -> memref<128xi32, #tpu.memory_space<vmem>>
        %dma_wait3A_50 = arith.constant 0 : i32
        %dma_wait3A_51 = arith.constant 0 : i32
        %dma_wait3A_52 = tpu.memref_slice %arg4[%dma_wait3A_50, %dma_wait3A_51] : memref<10000x128xf32, #tpu.memory_space<hbm>> -> memref<10000x128xf32, #tpu.memory_space<hbm>>
        tpu.wait_indirect_dma semaphore(%arg13 : memref<!tpu.dma_semaphore, #tpu.memory_space<semaphore_mem>>) src(%dma_wait3A_52 : memref<10000x128xf32, #tpu.memory_space<hbm>>) dst(%arg10 : memref<128x128xf32, #tpu.memory_space<vmem>>)
        %add3A_53 = arith.constant 1 : i32
        %add3A_54 = arith.addi %while3A_33, %add3A_53 : i32
        %lt3A_55 = arith.cmpi slt, %add3A_54, %squeeze3A : i32
        %convert_element_type3A_56 = arith.extui %lt3A_55 : i1 to i32
        %cond3A_57 = arith.constant 0 : i32
        %cond3A_58 = arith.cmpi ne, %convert_element_type3A_56, %cond3A_57 : i32
        scf.if %cond3A_58 {
          %add3A_59 = arith.constant 1 : i32
          %add3A_60 = arith.addi %while3A_33, %add3A_59 : i32
          %dma_start3A = arith.constant 0 : i32
          %dma_start3A_61 = tpu.memref_slice %arg7[%add3A_60, %dma_start3A] : memref<158x128xi32, #tpu.memory_space<vmem>> -> memref<1x128xi32, #tpu.memory_space<vmem>>
          %dma_start3A_62 = tpu.memref_squeeze %dma_start3A_61 : memref<1x128xi32, #tpu.memory_space<vmem>> -> memref<128xi32, #tpu.memory_space<vmem>>
          %dma_start3A_63 = arith.constant 0 : i32
          %dma_start3A_64 = arith.constant 0 : i32
          %dma_start3A_65 = tpu.memref_slice %arg4[%dma_start3A_63, %dma_start3A_64] : memref<10000x128xf32, #tpu.memory_space<hbm>> -> memref<10000x128xf32, #tpu.memory_space<hbm>>
          tpu.enqueue_indirect_dma source(%dma_start3A_65 : memref<10000x128xf32, #tpu.memory_space<hbm>>) target(%arg9 : memref<128x128xf32, #tpu.memory_space<vmem>>) offsets(%dma_start3A_62 : memref<128xi32, #tpu.memory_space<vmem>>) semaphore(%arg12 : memref<!tpu.dma_semaphore, #tpu.memory_space<semaphore_mem>>)
        } else {
        }
        "tpu.region"() ({
          %run_scoped3A = tpu.sem_alloc : memref<!tpu.dma_semaphore, #tpu.memory_space<semaphore_mem>>
          %dma_start3A = arith.constant 0 : i32
          %dma_start3A_59 = tpu.memref_slice %arg8[%while3A_33, %dma_start3A] : memref<159x128xi32, #tpu.memory_space<vmem>> -> memref<1x128xi32, #tpu.memory_space<vmem>>
          %dma_start3A_60 = tpu.memref_squeeze %dma_start3A_59 : memref<1x128xi32, #tpu.memory_space<vmem>> -> memref<128xi32, #tpu.memory_space<vmem>>
          %dma_start3A_61 = arith.constant 0 : i32
          %dma_start3A_62 = arith.constant 0 : i32
          %dma_start3A_63 = tpu.memref_slice %arg11[%dma_start3A_61, %dma_start3A_62] : memref<5096x128xf32, #tpu.memory_space<vmem_shared>> -> memref<5096x128xf32, #tpu.memory_space<vmem_shared>>
          tpu.enqueue_indirect_dma source(%arg10 : memref<128x128xf32, #tpu.memory_space<vmem>>) target(%dma_start3A_63 : memref<5096x128xf32, #tpu.memory_space<vmem_shared>>) offsets(%dma_start3A_60 : memref<128xi32, #tpu.memory_space<vmem>>) semaphore(%run_scoped3A : memref<!tpu.dma_semaphore, #tpu.memory_space<semaphore_mem>>) {add = true}
          %dma_wait3A_64 = arith.constant 0 : i32
          %dma_wait3A_65 = tpu.memref_slice %arg8[%while3A_33, %dma_wait3A_64] : memref<159x128xi32, #tpu.memory_space<vmem>> -> memref<1x128xi32, #tpu.memory_space<vmem>>
          %dma_wait3A_66 = tpu.memref_squeeze %dma_wait3A_65 : memref<1x128xi32, #tpu.memory_space<vmem>> -> memref<128xi32, #tpu.memory_space<vmem>>
          %dma_wait3A_67 = arith.constant 0 : i32
          %dma_wait3A_68 = arith.constant 0 : i32
          %dma_wait3A_69 = tpu.memref_slice %arg11[%dma_wait3A_67, %dma_wait3A_68] : memref<5096x128xf32, #tpu.memory_space<vmem_shared>> -> memref<5096x128xf32, #tpu.memory_space<vmem_shared>>
          tpu.wait_indirect_dma semaphore(%run_scoped3A : memref<!tpu.dma_semaphore, #tpu.memory_space<semaphore_mem>>) src(%arg10 : memref<128x128xf32, #tpu.memory_space<vmem>>) dst(%dma_wait3A_69 : memref<5096x128xf32, #tpu.memory_space<vmem_shared>>)
          tpu.yield
        }) : () -> ()
      } else {
      }
    }
    %barrier3A_23 = arith.constant 0 : index
    tpu.barrier barrier_id(%barrier3A_23)
    %mul3A_24 = arith.constant 312 : i32
    %mul3A_25 = arith.muli %arg1, %mul3A_24 : i32
    %mul3A_26 = arith.constant 312 : i32
    %mul3A_27 = arith.muli %arg1, %mul3A_26 : i32
    "tpu.region"() ({
      %run_scoped3A = tpu.sem_alloc : memref<!tpu.dma_semaphore, #tpu.memory_space<semaphore_mem>>
      %dma_start3A = arith.constant 0 : i32
      %dma_start3A_33 = tpu.memref_slice %arg6[%arg0, %mul3A_27, %dma_start3A] : memref<2x5000x128xf32, #tpu.memory_space<hbm>> -> memref<1x312x128xf32, #tpu.memory_space<hbm>>
      %dma_start3A_34 = tpu.memref_squeeze %dma_start3A_33 : memref<1x312x128xf32, #tpu.memory_space<hbm>> -> memref<312x128xf32, #tpu.memory_space<hbm>>
      %dma_start3A_35 = arith.constant 0 : i32
      %dma_start3A_36 = tpu.memref_slice %arg11[%mul3A_25, %dma_start3A_35] : memref<5096x128xf32, #tpu.memory_space<vmem_shared>> -> memref<312x128xf32, #tpu.memory_space<vmem_shared>>
      tpu.enqueue_dma source(%dma_start3A_36 : memref<312x128xf32, #tpu.memory_space<vmem_shared>>) target(%dma_start3A_34 : memref<312x128xf32, #tpu.memory_space<hbm>>) target_semaphore(%run_scoped3A : memref<!tpu.dma_semaphore, #tpu.memory_space<semaphore_mem>>)
      %dma_wait3A = arith.constant 0 : i32
      %dma_wait3A_37 = tpu.memref_slice %arg6[%arg0, %mul3A_27, %dma_wait3A] : memref<2x5000x128xf32, #tpu.memory_space<hbm>> -> memref<1x312x128xf32, #tpu.memory_space<hbm>>
      %dma_wait3A_38 = tpu.memref_squeeze %dma_wait3A_37 : memref<1x312x128xf32, #tpu.memory_space<hbm>> -> memref<312x128xf32, #tpu.memory_space<hbm>>
      %dma_wait3A_39 = arith.constant 0 : i32
      %dma_wait3A_40 = tpu.memref_slice %arg11[%mul3A_25, %dma_wait3A_39] : memref<5096x128xf32, #tpu.memory_space<vmem_shared>> -> memref<312x128xf32, #tpu.memory_space<vmem_shared>>
      tpu.wait_dma2 semaphore(%run_scoped3A : memref<!tpu.dma_semaphore, #tpu.memory_space<semaphore_mem>>) src(%dma_wait3A_40 : memref<312x128xf32, #tpu.memory_space<vmem_shared>>) dst(%dma_wait3A_38 : memref<312x128xf32, #tpu.memory_space<hbm>>)
      tpu.yield
    }) : () -> ()
    %eq3A_28 = arith.constant 15 : i32
    %eq3A_29 = arith.cmpi eq, %arg1, %eq3A_28 : i32
    %convert_element_type3A_30 = arith.extui %eq3A_29 : i1 to i32
    %cond3A_31 = arith.constant 0 : i32
    %cond3A_32 = arith.cmpi ne, %convert_element_type3A_30, %cond3A_31 : i32
    scf.if %cond3A_32 {
      "tpu.region"() ({
        %run_scoped3A = tpu.sem_alloc : memref<!tpu.dma_semaphore, #tpu.memory_space<semaphore_mem>>
        %dma_start3A = arith.constant 4992 : i32
        %dma_start3A_33 = arith.constant 0 : i32
        %dma_start3A_34 = tpu.memref_slice %arg6[%arg0, %dma_start3A, %dma_start3A_33] : memref<2x5000x128xf32, #tpu.memory_space<hbm>> -> memref<1x8x128xf32, #tpu.memory_space<hbm>>
        %dma_start3A_35 = tpu.memref_squeeze %dma_start3A_34 : memref<1x8x128xf32, #tpu.memory_space<hbm>> -> memref<8x128xf32, #tpu.memory_space<hbm>>
        %dma_start3A_36 = arith.constant 4992 : i32
        %dma_start3A_37 = arith.constant 0 : i32
        %dma_start3A_38 = tpu.memref_slice %arg11[%dma_start3A_36, %dma_start3A_37] : memref<5096x128xf32, #tpu.memory_space<vmem_shared>> -> memref<8x128xf32, #tpu.memory_space<vmem_shared>>
        tpu.enqueue_dma source(%dma_start3A_38 : memref<8x128xf32, #tpu.memory_space<vmem_shared>>) target(%dma_start3A_35 : memref<8x128xf32, #tpu.memory_space<hbm>>) target_semaphore(%run_scoped3A : memref<!tpu.dma_semaphore, #tpu.memory_space<semaphore_mem>>)
        %dma_wait3A = arith.constant 4992 : i32
        %dma_wait3A_39 = arith.constant 0 : i32
        %dma_wait3A_40 = tpu.memref_slice %arg6[%arg0, %dma_wait3A, %dma_wait3A_39] : memref<2x5000x128xf32, #tpu.memory_space<hbm>> -> memref<1x8x128xf32, #tpu.memory_space<hbm>>
        %dma_wait3A_41 = tpu.memref_squeeze %dma_wait3A_40 : memref<1x8x128xf32, #tpu.memory_space<hbm>> -> memref<8x128xf32, #tpu.memory_space<hbm>>
        %dma_wait3A_42 = arith.constant 4992 : i32
        %dma_wait3A_43 = arith.constant 0 : i32
        %dma_wait3A_44 = tpu.memref_slice %arg11[%dma_wait3A_42, %dma_wait3A_43] : memref<5096x128xf32, #tpu.memory_space<vmem_shared>> -> memref<8x128xf32, #tpu.memory_space<vmem_shared>>
        tpu.wait_dma2 semaphore(%run_scoped3A : memref<!tpu.dma_semaphore, #tpu.memory_space<semaphore_mem>>) src(%dma_wait3A_44 : memref<8x128xf32, #tpu.memory_space<vmem_shared>>) dst(%dma_wait3A_41 : memref<8x128xf32, #tpu.memory_space<hbm>>)
        tpu.yield
      }) : () -> ()
    } else {
    }
    return
  }
}

#map = affine_map<(d0, d1) -> (0, 0, 0)>
#map1 = affine_map<(d0, d1) -> (0, 0)>
module attributes {stable_mosaic.version = 14 : i64} {
  func.func @k(%arg0: i32, %arg1: i32, %arg2: memref<32x158x128xi32, #tpu.memory_space<hbm>>, %arg3: memref<32x159x128xi32, #tpu.memory_space<hbm>>, %arg4: memref<10000x128xf32, #tpu.memory_space<hbm>>, %arg5: memref<5096x128xf32, #tpu.memory_space<hbm>>, %arg6: memref<2x5000x128xf32, #tpu.memory_space<hbm>>, %arg7: memref<158x128xi32, #tpu.memory_space<vmem>>, %arg8: memref<159x128xi32, #tpu.memory_space<vmem>>, %arg9: memref<128x128xf32, #tpu.memory_space<vmem>>, %arg10: memref<128x128xf32, #tpu.memory_space<vmem>>, %arg11: memref<5096x128xf32, #tpu.memory_space<vmem_shared>>, %arg12: memref<!tpu.dma_semaphore, #tpu.memory_space<semaphore_mem>>, %arg13: memref<!tpu.dma_semaphore, #tpu.memory_space<semaphore_mem>>) attributes {dimension_semantics = [#tpu.dimension_semantics<core_parallel>, #tpu.dimension_semantics<subcore_parallel>], iteration_bounds = array<i64: 2, 16>, scalar_prefetch = 0 : i64, scratch_operands = 7 : i64, tpu.core_type = #tpu.core_type<sc_vector_subcore>, window_params = [{transform_indices = #map}, {transform_indices = #map}, {transform_indices = #map1}, {transform_indices = #map1}, {transform_indices = #map}]} {
    %mul3A = arith.constant 16 : i32
    %mul3A_0 = arith.muli %arg0, %mul3A : i32
    %add3A = arith.addi %mul3A_0, %arg1 : i32
    "tpu.region"() ({
      %run_scoped3A = tpu.sem_alloc : memref<!tpu.dma_semaphore, #tpu.memory_space<semaphore_mem>>
      %dma_start3A = arith.constant 0 : i32
      %dma_start3A_33 = arith.constant 0 : i32
      %dma_start3A_34 = tpu.memref_slice %arg2[%add3A, %dma_start3A, %dma_start3A_33] : memref<32x158x128xi32, #tpu.memory_space<hbm>> -> memref<1x158x128xi32, #tpu.memory_space<hbm>>
      %dma_start3A_35 = tpu.memref_squeeze %dma_start3A_34 : memref<1x158x128xi32, #tpu.memory_space<hbm>> -> memref<158x128xi32, #tpu.memory_space<hbm>>
      %dma_start3A_36 = arith.constant 0 : i32
      %dma_start3A_37 = arith.constant 0 : i32
      %dma_start3A_38 = tpu.memref_slice %arg2[%add3A, %dma_start3A_36, %dma_start3A_37] : memref<32x158x128xi32, #tpu.memory_space<hbm>> -> memref<1x158x128xi32, #tpu.memory_space<hbm>>
      %dma_start3A_39 = tpu.memref_squeeze %dma_start3A_38 : memref<1x158x128xi32, #tpu.memory_space<hbm>> -> memref<158x128xi32, #tpu.memory_space<hbm>>
      tpu.enqueue_dma source(%dma_start3A_39 : memref<158x128xi32, #tpu.memory_space<hbm>>) target(%arg7 : memref<158x128xi32, #tpu.memory_space<vmem>>) target_semaphore(%run_scoped3A : memref<!tpu.dma_semaphore, #tpu.memory_space<semaphore_mem>>)
      %dma_wait3A = arith.constant 0 : i32
      %dma_wait3A_40 = arith.constant 0 : i32
      %dma_wait3A_41 = tpu.memref_slice %arg2[%add3A, %dma_wait3A, %dma_wait3A_40] : memref<32x158x128xi32, #tpu.memory_space<hbm>> -> memref<1x158x128xi32, #tpu.memory_space<hbm>>
      %dma_wait3A_42 = tpu.memref_squeeze %dma_wait3A_41 : memref<1x158x128xi32, #tpu.memory_space<hbm>> -> memref<158x128xi32, #tpu.memory_space<hbm>>
      %dma_wait3A_43 = arith.constant 0 : i32
      %dma_wait3A_44 = arith.constant 0 : i32
      %dma_wait3A_45 = tpu.memref_slice %arg2[%add3A, %dma_wait3A_43, %dma_wait3A_44] : memref<32x158x128xi32, #tpu.memory_space<hbm>> -> memref<1x158x128xi32, #tpu.memory_space<hbm>>
      %dma_wait3A_46 = tpu.memref_squeeze %dma_wait3A_45 : memref<1x158x128xi32, #tpu.memory_space<hbm>> -> memref<158x128xi32, #tpu.memory_space<hbm>>
      tpu.wait_dma2 semaphore(%run_scoped3A : memref<!tpu.dma_semaphore, #tpu.memory_space<semaphore_mem>>) src(%dma_wait3A_46 : memref<158x128xi32, #tpu.memory_space<hbm>>) dst(%arg7 : memref<158x128xi32, #tpu.memory_space<vmem>>)
      tpu.yield
    }) : () -> ()
    "tpu.region"() ({
      %run_scoped3A = tpu.sem_alloc : memref<!tpu.dma_semaphore, #tpu.memory_space<semaphore_mem>>
      %dma_start3A = arith.constant 0 : i32
      %dma_start3A_33 = arith.constant 0 : i32
      %dma_start3A_34 = tpu.memref_slice %arg3[%add3A, %dma_start3A, %dma_start3A_33] : memref<32x159x128xi32, #tpu.memory_space<hbm>> -> memref<1x159x128xi32, #tpu.memory_space<hbm>>
      %dma_start3A_35 = tpu.memref_squeeze %dma_start3A_34 : memref<1x159x128xi32, #tpu.memory_space<hbm>> -> memref<159x128xi32, #tpu.memory_space<hbm>>
      %dma_start3A_36 = arith.constant 0 : i32
      %dma_start3A_37 = arith.constant 0 : i32
      %dma_start3A_38 = tpu.memref_slice %arg3[%add3A, %dma_start3A_36, %dma_start3A_37] : memref<32x159x128xi32, #tpu.memory_space<hbm>> -> memref<1x159x128xi32, #tpu.memory_space<hbm>>
      %dma_start3A_39 = tpu.memref_squeeze %dma_start3A_38 : memref<1x159x128xi32, #tpu.memory_space<hbm>> -> memref<159x128xi32, #tpu.memory_space<hbm>>
      tpu.enqueue_dma source(%dma_start3A_39 : memref<159x128xi32, #tpu.memory_space<hbm>>) target(%arg8 : memref<159x128xi32, #tpu.memory_space<vmem>>) target_semaphore(%run_scoped3A : memref<!tpu.dma_semaphore, #tpu.memory_space<semaphore_mem>>)
      %dma_wait3A = arith.constant 0 : i32
      %dma_wait3A_40 = arith.constant 0 : i32
      %dma_wait3A_41 = tpu.memref_slice %arg3[%add3A, %dma_wait3A, %dma_wait3A_40] : memref<32x159x128xi32, #tpu.memory_space<hbm>> -> memref<1x159x128xi32, #tpu.memory_space<hbm>>
      %dma_wait3A_42 = tpu.memref_squeeze %dma_wait3A_41 : memref<1x159x128xi32, #tpu.memory_space<hbm>> -> memref<159x128xi32, #tpu.memory_space<hbm>>
      %dma_wait3A_43 = arith.constant 0 : i32
      %dma_wait3A_44 = arith.constant 0 : i32
      %dma_wait3A_45 = tpu.memref_slice %arg3[%add3A, %dma_wait3A_43, %dma_wait3A_44] : memref<32x159x128xi32, #tpu.memory_space<hbm>> -> memref<1x159x128xi32, #tpu.memory_space<hbm>>
      %dma_wait3A_46 = tpu.memref_squeeze %dma_wait3A_45 : memref<1x159x128xi32, #tpu.memory_space<hbm>> -> memref<159x128xi32, #tpu.memory_space<hbm>>
      tpu.wait_dma2 semaphore(%run_scoped3A : memref<!tpu.dma_semaphore, #tpu.memory_space<semaphore_mem>>) src(%dma_wait3A_46 : memref<159x128xi32, #tpu.memory_space<hbm>>) dst(%arg8 : memref<159x128xi32, #tpu.memory_space<vmem>>)
      tpu.yield
    }) : () -> ()
    %get3A = arith.constant 158 : i32
    %get3A_1 = arith.index_cast %get3A : i32 to index
    %get3A_2 = arith.constant 0 : index
    %get3A_3 = tpu.vector_load %arg8[%get3A_1, %get3A_2] {strides = array<i32>} : memref<159x128xi32, #tpu.memory_space<vmem>>, vector<16xi32>,
    %slice3A = vector.extract_strided_slice %get3A_3 {offsets = [0], sizes = [1], strides = [1]} : vector<16xi32> to vector<1xi32>
    %squeeze3A = vector.extract %slice3A[0] : i32 from vector<1xi32>
    %lt3A = arith.constant 15 : i32
    %lt3A_4 = arith.cmpi slt, %arg1, %lt3A : i32
    %convert_element_type3A = arith.extui %lt3A_4 : i1 to i32
    %cond3A = arith.constant 0 : i32
    %cond3A_5 = arith.cmpi ne, %convert_element_type3A, %cond3A : i32
    scf.if %cond3A_5 {
      %mul3A_33 = arith.constant 320 : i32
      %mul3A_34 = arith.muli %arg1, %mul3A_33 : i32
      %mul3A_35 = arith.constant 320 : i32
      %mul3A_36 = arith.muli %arg1, %mul3A_35 : i32
      "tpu.region"() ({
        %run_scoped3A = tpu.sem_alloc : memref<!tpu.dma_semaphore, #tpu.memory_space<semaphore_mem>>
        %dma_start3A = arith.constant 0 : i32
        %dma_start3A_37 = tpu.memref_slice %arg11[%mul3A_36, %dma_start3A] : memref<5096x128xf32, #tpu.memory_space<vmem_shared>> -> memref<320x128xf32, #tpu.memory_space<vmem_shared>>
        %dma_start3A_38 = arith.constant 0 : i32
        %dma_start3A_39 = tpu.memref_slice %arg5[%mul3A_34, %dma_start3A_38] : memref<5096x128xf32, #tpu.memory_space<hbm>> -> memref<320x128xf32, #tpu.memory_space<hbm>>
        tpu.enqueue_dma source(%dma_start3A_39 : memref<320x128xf32, #tpu.memory_space<hbm>>) target(%dma_start3A_37 : memref<320x128xf32, #tpu.memory_space<vmem_shared>>) target_semaphore(%run_scoped3A : memref<!tpu.dma_semaphore, #tpu.memory_space<semaphore_mem>>)
        %dma_wait3A = arith.constant 0 : i32
        %dma_wait3A_40 = tpu.memref_slice %arg11[%mul3A_36, %dma_wait3A] : memref<5096x128xf32, #tpu.memory_space<vmem_shared>> -> memref<320x128xf32, #tpu.memory_space<vmem_shared>>
        %dma_wait3A_41 = arith.constant 0 : i32
        %dma_wait3A_42 = tpu.memref_slice %arg5[%mul3A_34, %dma_wait3A_41] : memref<5096x128xf32, #tpu.memory_space<hbm>> -> memref<320x128xf32, #tpu.memory_space<hbm>>
        tpu.wait_dma2 semaphore(%run_scoped3A : memref<!tpu.dma_semaphore, #tpu.memory_space<semaphore_mem>>) src(%dma_wait3A_42 : memref<320x128xf32, #tpu.memory_space<hbm>>) dst(%dma_wait3A_40 : memref<320x128xf32, #tpu.memory_space<vmem_shared>>)
        tpu.yield
      }) : () -> ()
    } else {
    }
    %eq3A = arith.constant 15 : i32
    %eq3A_6 = arith.cmpi eq, %arg1, %eq3A : i32
    %convert_element_type3A_7 = arith.extui %eq3A_6 : i1 to i32
    %cond3A_8 = arith.constant 0 : i32
    %cond3A_9 = arith.cmpi ne, %convert_element_type3A_7, %cond3A_8 : i32
    scf.if %cond3A_9 {
      "tpu.region"() ({
        %run_scoped3A = tpu.sem_alloc : memref<!tpu.dma_semaphore, #tpu.memory_space<semaphore_mem>>
        %dma_start3A = arith.constant 4800 : i32
        %dma_start3A_33 = arith.constant 0 : i32
        %dma_start3A_34 = tpu.memref_slice %arg11[%dma_start3A, %dma_start3A_33] : memref<5096x128xf32, #tpu.memory_space<vmem_shared>> -> memref<296x128xf32, #tpu.memory_space<vmem_shared>>
        %dma_start3A_35 = arith.constant 4800 : i32
        %dma_start3A_36 = arith.constant 0 : i32
        %dma_start3A_37 = tpu.memref_slice %arg5[%dma_start3A_35, %dma_start3A_36] : memref<5096x128xf32, #tpu.memory_space<hbm>> -> memref<296x128xf32, #tpu.memory_space<hbm>>
        tpu.enqueue_dma source(%dma_start3A_37 : memref<296x128xf32, #tpu.memory_space<hbm>>) target(%dma_start3A_34 : memref<296x128xf32, #tpu.memory_space<vmem_shared>>) target_semaphore(%run_scoped3A : memref<!tpu.dma_semaphore, #tpu.memory_space<semaphore_mem>>)
        %dma_wait3A = arith.constant 4800 : i32
        %dma_wait3A_38 = arith.constant 0 : i32
        %dma_wait3A_39 = tpu.memref_slice %arg11[%dma_wait3A, %dma_wait3A_38] : memref<5096x128xf32, #tpu.memory_space<vmem_shared>> -> memref<296x128xf32, #tpu.memory_space<vmem_shared>>
        %dma_wait3A_40 = arith.constant 4800 : i32
        %dma_wait3A_41 = arith.constant 0 : i32
        %dma_wait3A_42 = tpu.memref_slice %arg5[%dma_wait3A_40, %dma_wait3A_41] : memref<5096x128xf32, #tpu.memory_space<hbm>> -> memref<296x128xf32, #tpu.memory_space<hbm>>
        tpu.wait_dma2 semaphore(%run_scoped3A : memref<!tpu.dma_semaphore, #tpu.memory_space<semaphore_mem>>) src(%dma_wait3A_42 : memref<296x128xf32, #tpu.memory_space<hbm>>) dst(%dma_wait3A_39 : memref<296x128xf32, #tpu.memory_space<vmem_shared>>)
        tpu.yield
      }) : () -> ()
    } else {
    }
    %barrier3A = arith.constant 0 : index
    tpu.barrier barrier_id(%barrier3A)
    %gt3A = arith.constant 0 : i32
    %gt3A_10 = arith.cmpi sgt, %squeeze3A, %gt3A : i32
    %convert_element_type3A_11 = arith.extui %gt3A_10 : i1 to i32
    %cond3A_12 = arith.constant 0 : i32
    %cond3A_13 = arith.cmpi ne, %convert_element_type3A_11, %cond3A_12 : i32
    scf.if %cond3A_13 {
      %dma_start3A = arith.constant 0 : i32
      %dma_start3A_33 = arith.constant 0 : i32
      %dma_start3A_34 = tpu.memref_slice %arg7[%dma_start3A, %dma_start3A_33] : memref<158x128xi32, #tpu.memory_space<vmem>> -> memref<1x128xi32, #tpu.memory_space<vmem>>
      %dma_start3A_35 = tpu.memref_squeeze %dma_start3A_34 : memref<1x128xi32, #tpu.memory_space<vmem>> -> memref<128xi32, #tpu.memory_space<vmem>>
      %dma_start3A_36 = arith.constant 0 : i32
      %dma_start3A_37 = arith.constant 0 : i32
      %dma_start3A_38 = tpu.memref_slice %arg4[%dma_start3A_36, %dma_start3A_37] : memref<10000x128xf32, #tpu.memory_space<hbm>> -> memref<10000x128xf32, #tpu.memory_space<hbm>>
      tpu.enqueue_indirect_dma source(%dma_start3A_38 : memref<10000x128xf32, #tpu.memory_space<hbm>>) target(%arg9 : memref<128x128xf32, #tpu.memory_space<vmem>>) offsets(%dma_start3A_35 : memref<128xi32, #tpu.memory_space<vmem>>) semaphore(%arg12 : memref<!tpu.dma_semaphore, #tpu.memory_space<semaphore_mem>>)
    } else {
    }
    %while3A = arith.constant 0 : i32
    %while3A_14 = arith.constant 0 : i32
    %while3A_15 = arith.subi %squeeze3A, %while3A_14 : i32
    %while3A_16 = arith.addi %while3A_14, %while3A_15 : i32
    %while3A_17 = arith.constant 1 : i32
    %while3A_18 = arith.divsi %while3A_15, %while3A_17 : i32
    %while3A_19 = arith.muli %while3A_18, %while3A_17 : i32
    %while3A_20 = arith.addi %while3A_14, %while3A_19 : i32
    %while3A_21 = arith.constant 1 : i32
    scf.for %while3A_33 = %while3A_14 to %while3A_20 step %while3A_21  : i32 {
      %rem3A = arith.constant 2 : i32
      %rem3A_34 = arith.remsi %while3A_33, %rem3A : i32
      %eq3A_35 = arith.constant 0 : i32
      %eq3A_36 = arith.cmpi eq, %rem3A_34, %eq3A_35 : i32
      %convert_element_type3A_37 = arith.extui %eq3A_36 : i1 to i32
      %cond3A_38 = arith.constant 0 : i32
      %cond3A_39 = arith.cmpi ne, %convert_element_type3A_37, %cond3A_38 : i32
      scf.if %cond3A_39 {
        %dma_wait3A = arith.constant 0 : i32
        %dma_wait3A_47 = arith.constant 0 : i32
        %dma_wait3A_48 = tpu.memref_slice %arg7[%dma_wait3A, %dma_wait3A_47] : memref<158x128xi32, #tpu.memory_space<vmem>> -> memref<1x128xi32, #tpu.memory_space<vmem>>
        %dma_wait3A_49 = tpu.memref_squeeze %dma_wait3A_48 : memref<1x128xi32, #tpu.memory_space<vmem>> -> memref<128xi32, #tpu.memory_space<vmem>>
        %dma_wait3A_50 = arith.constant 0 : i32
        %dma_wait3A_51 = arith.constant 0 : i32
        %dma_wait3A_52 = tpu.memref_slice %arg4[%dma_wait3A_50, %dma_wait3A_51] : memref<10000x128xf32, #tpu.memory_space<hbm>> -> memref<10000x128xf32, #tpu.memory_space<hbm>>
        tpu.wait_indirect_dma semaphore(%arg12 : memref<!tpu.dma_semaphore, #tpu.memory_space<semaphore_mem>>) src(%dma_wait3A_52 : memref<10000x128xf32, #tpu.memory_space<hbm>>) dst(%arg9 : memref<128x128xf32, #tpu.memory_space<vmem>>)
        %add3A_53 = arith.constant 1 : i32
        %add3A_54 = arith.addi %while3A_33, %add3A_53 : i32
        %lt3A_55 = arith.cmpi slt, %add3A_54, %squeeze3A : i32
        %convert_element_type3A_56 = arith.extui %lt3A_55 : i1 to i32
        %cond3A_57 = arith.constant 0 : i32
        %cond3A_58 = arith.cmpi ne, %convert_element_type3A_56, %cond3A_57 : i32
        scf.if %cond3A_58 {
          %add3A_59 = arith.constant 1 : i32
          %add3A_60 = arith.addi %while3A_33, %add3A_59 : i32
          %dma_start3A = arith.constant 0 : i32
          %dma_start3A_61 = tpu.memref_slice %arg7[%add3A_60, %dma_start3A] : memref<158x128xi32, #tpu.memory_space<vmem>> -> memref<1x128xi32, #tpu.memory_space<vmem>>
          %dma_start3A_62 = tpu.memref_squeeze %dma_start3A_61 : memref<1x128xi32, #tpu.memory_space<vmem>> -> memref<128xi32, #tpu.memory_space<vmem>>
          %dma_start3A_63 = arith.constant 0 : i32
          %dma_start3A_64 = arith.constant 0 : i32
          %dma_start3A_65 = tpu.memref_slice %arg4[%dma_start3A_63, %dma_start3A_64] : memref<10000x128xf32, #tpu.memory_space<hbm>> -> memref<10000x128xf32, #tpu.memory_space<hbm>>
          tpu.enqueue_indirect_dma source(%dma_start3A_65 : memref<10000x128xf32, #tpu.memory_space<hbm>>) target(%arg10 : memref<128x128xf32, #tpu.memory_space<vmem>>) offsets(%dma_start3A_62 : memref<128xi32, #tpu.memory_space<vmem>>) semaphore(%arg13 : memref<!tpu.dma_semaphore, #tpu.memory_space<semaphore_mem>>)
        } else {
        }
        "tpu.region"() ({
          %run_scoped3A = tpu.sem_alloc : memref<!tpu.dma_semaphore, #tpu.memory_space<semaphore_mem>>
          %dma_start3A = arith.constant 0 : i32
          %dma_start3A_59 = tpu.memref_slice %arg8[%while3A_33, %dma_start3A] : memref<159x128xi32, #tpu.memory_space<vmem>> -> memref<1x128xi32, #tpu.memory_space<vmem>>
          %dma_start3A_60 = tpu.memref_squeeze %dma_start3A_59 : memref<1x128xi32, #tpu.memory_space<vmem>> -> memref<128xi32, #tpu.memory_space<vmem>>
          %dma_start3A_61 = arith.constant 0 : i32
          %dma_start3A_62 = arith.constant 0 : i32
          %dma_start3A_63 = tpu.memref_slice %arg11[%dma_start3A_61, %dma_start3A_62] : memref<5096x128xf32, #tpu.memory_space<vmem_shared>> -> memref<5096x128xf32, #tpu.memory_space<vmem_shared>>
          tpu.enqueue_indirect_dma source(%arg9 : memref<128x128xf32, #tpu.memory_space<vmem>>) target(%dma_start3A_63 : memref<5096x128xf32, #tpu.memory_space<vmem_shared>>) offsets(%dma_start3A_60 : memref<128xi32, #tpu.memory_space<vmem>>) semaphore(%run_scoped3A : memref<!tpu.dma_semaphore, #tpu.memory_space<semaphore_mem>>) {add = true}
          %dma_wait3A_64 = arith.constant 0 : i32
          %dma_wait3A_65 = tpu.memref_slice %arg8[%while3A_33, %dma_wait3A_64] : memref<159x128xi32, #tpu.memory_space<vmem>> -> memref<1x128xi32, #tpu.memory_space<vmem>>
          %dma_wait3A_66 = tpu.memref_squeeze %dma_wait3A_65 : memref<1x128xi32, #tpu.memory_space<vmem>> -> memref<128xi32, #tpu.memory_space<vmem>>
          %dma_wait3A_67 = arith.constant 0 : i32
          %dma_wait3A_68 = arith.constant 0 : i32
          %dma_wait3A_69 = tpu.memref_slice %arg11[%dma_wait3A_67, %dma_wait3A_68] : memref<5096x128xf32, #tpu.memory_space<vmem_shared>> -> memref<5096x128xf32, #tpu.memory_space<vmem_shared>>
          tpu.wait_indirect_dma semaphore(%run_scoped3A : memref<!tpu.dma_semaphore, #tpu.memory_space<semaphore_mem>>) src(%arg9 : memref<128x128xf32, #tpu.memory_space<vmem>>) dst(%dma_wait3A_69 : memref<5096x128xf32, #tpu.memory_space<vmem_shared>>)
          tpu.yield
        }) : () -> ()
      } else {
      }
      %rem3A_40 = arith.constant 2 : i32
      %rem3A_41 = arith.remsi %while3A_33, %rem3A_40 : i32
      %eq3A_42 = arith.constant 1 : i32
      %eq3A_43 = arith.cmpi eq, %rem3A_41, %eq3A_42 : i32
      %convert_element_type3A_44 = arith.extui %eq3A_43 : i1 to i32
      %cond3A_45 = arith.constant 0 : i32
      %cond3A_46 = arith.cmpi ne, %convert_element_type3A_44, %cond3A_45 : i32
      scf.if %cond3A_46 {
        %dma_wait3A = arith.constant 0 : i32
        %dma_wait3A_47 = arith.constant 0 : i32
        %dma_wait3A_48 = tpu.memref_slice %arg7[%dma_wait3A, %dma_wait3A_47] : memref<158x128xi32, #tpu.memory_space<vmem>> -> memref<1x128xi32, #tpu.memory_space<vmem>>
        %dma_wait3A_49 = tpu.memref_squeeze %dma_wait3A_48 : memref<1x128xi32, #tpu.memory_space<vmem>> -> memref<128xi32, #tpu.memory_space<vmem>>
        %dma_wait3A_50 = arith.constant 0 : i32
        %dma_wait3A_51 = arith.constant 0 : i32
        %dma_wait3A_52 = tpu.memref_slice %arg4[%dma_wait3A_50, %dma_wait3A_51] : memref<10000x128xf32, #tpu.memory_space<hbm>> -> memref<10000x128xf32, #tpu.memory_space<hbm>>
        tpu.wait_indirect_dma semaphore(%arg13 : memref<!tpu.dma_semaphore, #tpu.memory_space<semaphore_mem>>) src(%dma_wait3A_52 : memref<10000x128xf32, #tpu.memory_space<hbm>>) dst(%arg10 : memref<128x128xf32, #tpu.memory_space<vmem>>)
        %add3A_53 = arith.constant 1 : i32
        %add3A_54 = arith.addi %while3A_33, %add3A_53 : i32
        %lt3A_55 = arith.cmpi slt, %add3A_54, %squeeze3A : i32
        %convert_element_type3A_56 = arith.extui %lt3A_55 : i1 to i32
        %cond3A_57 = arith.constant 0 : i32
        %cond3A_58 = arith.cmpi ne, %convert_element_type3A_56, %cond3A_57 : i32
        scf.if %cond3A_58 {
          %add3A_59 = arith.constant 1 : i32
          %add3A_60 = arith.addi %while3A_33, %add3A_59 : i32
          %dma_start3A = arith.constant 0 : i32
          %dma_start3A_61 = tpu.memref_slice %arg7[%add3A_60, %dma_start3A] : memref<158x128xi32, #tpu.memory_space<vmem>> -> memref<1x128xi32, #tpu.memory_space<vmem>>
          %dma_start3A_62 = tpu.memref_squeeze %dma_start3A_61 : memref<1x128xi32, #tpu.memory_space<vmem>> -> memref<128xi32, #tpu.memory_space<vmem>>
          %dma_start3A_63 = arith.constant 0 : i32
          %dma_start3A_64 = arith.constant 0 : i32
          %dma_start3A_65 = tpu.memref_slice %arg4[%dma_start3A_63, %dma_start3A_64] : memref<10000x128xf32, #tpu.memory_space<hbm>> -> memref<10000x128xf32, #tpu.memory_space<hbm>>
          tpu.enqueue_indirect_dma source(%dma_start3A_65 : memref<10000x128xf32, #tpu.memory_space<hbm>>) target(%arg9 : memref<128x128xf32, #tpu.memory_space<vmem>>) offsets(%dma_start3A_62 : memref<128xi32, #tpu.memory_space<vmem>>) semaphore(%arg12 : memref<!tpu.dma_semaphore, #tpu.memory_space<semaphore_mem>>)
        } else {
        }
        "tpu.region"() ({
          %run_scoped3A = tpu.sem_alloc : memref<!tpu.dma_semaphore, #tpu.memory_space<semaphore_mem>>
          %dma_start3A = arith.constant 0 : i32
          %dma_start3A_59 = tpu.memref_slice %arg8[%while3A_33, %dma_start3A] : memref<159x128xi32, #tpu.memory_space<vmem>> -> memref<1x128xi32, #tpu.memory_space<vmem>>
          %dma_start3A_60 = tpu.memref_squeeze %dma_start3A_59 : memref<1x128xi32, #tpu.memory_space<vmem>> -> memref<128xi32, #tpu.memory_space<vmem>>
          %dma_start3A_61 = arith.constant 0 : i32
          %dma_start3A_62 = arith.constant 0 : i32
          %dma_start3A_63 = tpu.memref_slice %arg11[%dma_start3A_61, %dma_start3A_62] : memref<5096x128xf32, #tpu.memory_space<vmem_shared>> -> memref<5096x128xf32, #tpu.memory_space<vmem_shared>>
          tpu.enqueue_indirect_dma source(%arg10 : memref<128x128xf32, #tpu.memory_space<vmem>>) target(%dma_start3A_63 : memref<5096x128xf32, #tpu.memory_space<vmem_shared>>) offsets(%dma_start3A_60 : memref<128xi32, #tpu.memory_space<vmem>>) semaphore(%run_scoped3A : memref<!tpu.dma_semaphore, #tpu.memory_space<semaphore_mem>>) {add = true}
          %dma_wait3A_64 = arith.constant 0 : i32
          %dma_wait3A_65 = tpu.memref_slice %arg8[%while3A_33, %dma_wait3A_64] : memref<159x128xi32, #tpu.memory_space<vmem>> -> memref<1x128xi32, #tpu.memory_space<vmem>>
          %dma_wait3A_66 = tpu.memref_squeeze %dma_wait3A_65 : memref<1x128xi32, #tpu.memory_space<vmem>> -> memref<128xi32, #tpu.memory_space<vmem>>
          %dma_wait3A_67 = arith.constant 0 : i32
          %dma_wait3A_68 = arith.constant 0 : i32
          %dma_wait3A_69 = tpu.memref_slice %arg11[%dma_wait3A_67, %dma_wait3A_68] : memref<5096x128xf32, #tpu.memory_space<vmem_shared>> -> memref<5096x128xf32, #tpu.memory_space<vmem_shared>>
          tpu.wait_indirect_dma semaphore(%run_scoped3A : memref<!tpu.dma_semaphore, #tpu.memory_space<semaphore_mem>>) src(%arg10 : memref<128x128xf32, #tpu.memory_space<vmem>>) dst(%dma_wait3A_69 : memref<5096x128xf32, #tpu.memory_space<vmem_shared>>)
          tpu.yield
        }) : () -> ()
      } else {
      }
    }
    %while3A_22 = arith.constant 1 : i32
    scf.for %while3A_33 = %while3A_20 to %while3A_16 step %while3A_22  : i32 {
      %rem3A = arith.constant 2 : i32
      %rem3A_34 = arith.remsi %while3A_33, %rem3A : i32
      %eq3A_35 = arith.constant 0 : i32
      %eq3A_36 = arith.cmpi eq, %rem3A_34, %eq3A_35 : i32
      %convert_element_type3A_37 = arith.extui %eq3A_36 : i1 to i32
      %cond3A_38 = arith.constant 0 : i32
      %cond3A_39 = arith.cmpi ne, %convert_element_type3A_37, %cond3A_38 : i32
      scf.if %cond3A_39 {
        %dma_wait3A = arith.constant 0 : i32
        %dma_wait3A_47 = arith.constant 0 : i32
        %dma_wait3A_48 = tpu.memref_slice %arg7[%dma_wait3A, %dma_wait3A_47] : memref<158x128xi32, #tpu.memory_space<vmem>> -> memref<1x128xi32, #tpu.memory_space<vmem>>
        %dma_wait3A_49 = tpu.memref_squeeze %dma_wait3A_48 : memref<1x128xi32, #tpu.memory_space<vmem>> -> memref<128xi32, #tpu.memory_space<vmem>>
        %dma_wait3A_50 = arith.constant 0 : i32
        %dma_wait3A_51 = arith.constant 0 : i32
        %dma_wait3A_52 = tpu.memref_slice %arg4[%dma_wait3A_50, %dma_wait3A_51] : memref<10000x128xf32, #tpu.memory_space<hbm>> -> memref<10000x128xf32, #tpu.memory_space<hbm>>
        tpu.wait_indirect_dma semaphore(%arg12 : memref<!tpu.dma_semaphore, #tpu.memory_space<semaphore_mem>>) src(%dma_wait3A_52 : memref<10000x128xf32, #tpu.memory_space<hbm>>) dst(%arg9 : memref<128x128xf32, #tpu.memory_space<vmem>>)
        %add3A_53 = arith.constant 1 : i32
        %add3A_54 = arith.addi %while3A_33, %add3A_53 : i32
        %lt3A_55 = arith.cmpi slt, %add3A_54, %squeeze3A : i32
        %convert_element_type3A_56 = arith.extui %lt3A_55 : i1 to i32
        %cond3A_57 = arith.constant 0 : i32
        %cond3A_58 = arith.cmpi ne, %convert_element_type3A_56, %cond3A_57 : i32
        scf.if %cond3A_58 {
          %add3A_59 = arith.constant 1 : i32
          %add3A_60 = arith.addi %while3A_33, %add3A_59 : i32
          %dma_start3A = arith.constant 0 : i32
          %dma_start3A_61 = tpu.memref_slice %arg7[%add3A_60, %dma_start3A] : memref<158x128xi32, #tpu.memory_space<vmem>> -> memref<1x128xi32, #tpu.memory_space<vmem>>
          %dma_start3A_62 = tpu.memref_squeeze %dma_start3A_61 : memref<1x128xi32, #tpu.memory_space<vmem>> -> memref<128xi32, #tpu.memory_space<vmem>>
          %dma_start3A_63 = arith.constant 0 : i32
          %dma_start3A_64 = arith.constant 0 : i32
          %dma_start3A_65 = tpu.memref_slice %arg4[%dma_start3A_63, %dma_start3A_64] : memref<10000x128xf32, #tpu.memory_space<hbm>> -> memref<10000x128xf32, #tpu.memory_space<hbm>>
          tpu.enqueue_indirect_dma source(%dma_start3A_65 : memref<10000x128xf32, #tpu.memory_space<hbm>>) target(%arg10 : memref<128x128xf32, #tpu.memory_space<vmem>>) offsets(%dma_start3A_62 : memref<128xi32, #tpu.memory_space<vmem>>) semaphore(%arg13 : memref<!tpu.dma_semaphore, #tpu.memory_space<semaphore_mem>>)
        } else {
        }
        "tpu.region"() ({
          %run_scoped3A = tpu.sem_alloc : memref<!tpu.dma_semaphore, #tpu.memory_space<semaphore_mem>>
          %dma_start3A = arith.constant 0 : i32
          %dma_start3A_59 = tpu.memref_slice %arg8[%while3A_33, %dma_start3A] : memref<159x128xi32, #tpu.memory_space<vmem>> -> memref<1x128xi32, #tpu.memory_space<vmem>>
          %dma_start3A_60 = tpu.memref_squeeze %dma_start3A_59 : memref<1x128xi32, #tpu.memory_space<vmem>> -> memref<128xi32, #tpu.memory_space<vmem>>
          %dma_start3A_61 = arith.constant 0 : i32
          %dma_start3A_62 = arith.constant 0 : i32
          %dma_start3A_63 = tpu.memref_slice %arg11[%dma_start3A_61, %dma_start3A_62] : memref<5096x128xf32, #tpu.memory_space<vmem_shared>> -> memref<5096x128xf32, #tpu.memory_space<vmem_shared>>
          tpu.enqueue_indirect_dma source(%arg9 : memref<128x128xf32, #tpu.memory_space<vmem>>) target(%dma_start3A_63 : memref<5096x128xf32, #tpu.memory_space<vmem_shared>>) offsets(%dma_start3A_60 : memref<128xi32, #tpu.memory_space<vmem>>) semaphore(%run_scoped3A : memref<!tpu.dma_semaphore, #tpu.memory_space<semaphore_mem>>) {add = true}
          %dma_wait3A_64 = arith.constant 0 : i32
          %dma_wait3A_65 = tpu.memref_slice %arg8[%while3A_33, %dma_wait3A_64] : memref<159x128xi32, #tpu.memory_space<vmem>> -> memref<1x128xi32, #tpu.memory_space<vmem>>
          %dma_wait3A_66 = tpu.memref_squeeze %dma_wait3A_65 : memref<1x128xi32, #tpu.memory_space<vmem>> -> memref<128xi32, #tpu.memory_space<vmem>>
          %dma_wait3A_67 = arith.constant 0 : i32
          %dma_wait3A_68 = arith.constant 0 : i32
          %dma_wait3A_69 = tpu.memref_slice %arg11[%dma_wait3A_67, %dma_wait3A_68] : memref<5096x128xf32, #tpu.memory_space<vmem_shared>> -> memref<5096x128xf32, #tpu.memory_space<vmem_shared>>
          tpu.wait_indirect_dma semaphore(%run_scoped3A : memref<!tpu.dma_semaphore, #tpu.memory_space<semaphore_mem>>) src(%arg9 : memref<128x128xf32, #tpu.memory_space<vmem>>) dst(%dma_wait3A_69 : memref<5096x128xf32, #tpu.memory_space<vmem_shared>>)
          tpu.yield
        }) : () -> ()
      } else {
      }
      %rem3A_40 = arith.constant 2 : i32
      %rem3A_41 = arith.remsi %while3A_33, %rem3A_40 : i32
      %eq3A_42 = arith.constant 1 : i32
      %eq3A_43 = arith.cmpi eq, %rem3A_41, %eq3A_42 : i32
      %convert_element_type3A_44 = arith.extui %eq3A_43 : i1 to i32
      %cond3A_45 = arith.constant 0 : i32
      %cond3A_46 = arith.cmpi ne, %convert_element_type3A_44, %cond3A_45 : i32
      scf.if %cond3A_46 {
        %dma_wait3A = arith.constant 0 : i32
        %dma_wait3A_47 = arith.constant 0 : i32
        %dma_wait3A_48 = tpu.memref_slice %arg7[%dma_wait3A, %dma_wait3A_47] : memref<158x128xi32, #tpu.memory_space<vmem>> -> memref<1x128xi32, #tpu.memory_space<vmem>>
        %dma_wait3A_49 = tpu.memref_squeeze %dma_wait3A_48 : memref<1x128xi32, #tpu.memory_space<vmem>> -> memref<128xi32, #tpu.memory_space<vmem>>
        %dma_wait3A_50 = arith.constant 0 : i32
        %dma_wait3A_51 = arith.constant 0 : i32
        %dma_wait3A_52 = tpu.memref_slice %arg4[%dma_wait3A_50, %dma_wait3A_51] : memref<10000x128xf32, #tpu.memory_space<hbm>> -> memref<10000x128xf32, #tpu.memory_space<hbm>>
        tpu.wait_indirect_dma semaphore(%arg13 : memref<!tpu.dma_semaphore, #tpu.memory_space<semaphore_mem>>) src(%dma_wait3A_52 : memref<10000x128xf32, #tpu.memory_space<hbm>>) dst(%arg10 : memref<128x128xf32, #tpu.memory_space<vmem>>)
        %add3A_53 = arith.constant 1 : i32
        %add3A_54 = arith.addi %while3A_33, %add3A_53 : i32
        %lt3A_55 = arith.cmpi slt, %add3A_54, %squeeze3A : i32
        %convert_element_type3A_56 = arith.extui %lt3A_55 : i1 to i32
        %cond3A_57 = arith.constant 0 : i32
        %cond3A_58 = arith.cmpi ne, %convert_element_type3A_56, %cond3A_57 : i32
        scf.if %cond3A_58 {
          %add3A_59 = arith.constant 1 : i32
          %add3A_60 = arith.addi %while3A_33, %add3A_59 : i32
          %dma_start3A = arith.constant 0 : i32
          %dma_start3A_61 = tpu.memref_slice %arg7[%add3A_60, %dma_start3A] : memref<158x128xi32, #tpu.memory_space<vmem>> -> memref<1x128xi32, #tpu.memory_space<vmem>>
          %dma_start3A_62 = tpu.memref_squeeze %dma_start3A_61 : memref<1x128xi32, #tpu.memory_space<vmem>> -> memref<128xi32, #tpu.memory_space<vmem>>
          %dma_start3A_63 = arith.constant 0 : i32
          %dma_start3A_64 = arith.constant 0 : i32
          %dma_start3A_65 = tpu.memref_slice %arg4[%dma_start3A_63, %dma_start3A_64] : memref<10000x128xf32, #tpu.memory_space<hbm>> -> memref<10000x128xf32, #tpu.memory_space<hbm>>
          tpu.enqueue_indirect_dma source(%dma_start3A_65 : memref<10000x128xf32, #tpu.memory_space<hbm>>) target(%arg9 : memref<128x128xf32, #tpu.memory_space<vmem>>) offsets(%dma_start3A_62 : memref<128xi32, #tpu.memory_space<vmem>>) semaphore(%arg12 : memref<!tpu.dma_semaphore, #tpu.memory_space<semaphore_mem>>)
        } else {
        }
        "tpu.region"() ({
          %run_scoped3A = tpu.sem_alloc : memref<!tpu.dma_semaphore, #tpu.memory_space<semaphore_mem>>
          %dma_start3A = arith.constant 0 : i32
          %dma_start3A_59 = tpu.memref_slice %arg8[%while3A_33, %dma_start3A] : memref<159x128xi32, #tpu.memory_space<vmem>> -> memref<1x128xi32, #tpu.memory_space<vmem>>
          %dma_start3A_60 = tpu.memref_squeeze %dma_start3A_59 : memref<1x128xi32, #tpu.memory_space<vmem>> -> memref<128xi32, #tpu.memory_space<vmem>>
          %dma_start3A_61 = arith.constant 0 : i32
          %dma_start3A_62 = arith.constant 0 : i32
          %dma_start3A_63 = tpu.memref_slice %arg11[%dma_start3A_61, %dma_start3A_62] : memref<5096x128xf32, #tpu.memory_space<vmem_shared>> -> memref<5096x128xf32, #tpu.memory_space<vmem_shared>>
          tpu.enqueue_indirect_dma source(%arg10 : memref<128x128xf32, #tpu.memory_space<vmem>>) target(%dma_start3A_63 : memref<5096x128xf32, #tpu.memory_space<vmem_shared>>) offsets(%dma_start3A_60 : memref<128xi32, #tpu.memory_space<vmem>>) semaphore(%run_scoped3A : memref<!tpu.dma_semaphore, #tpu.memory_space<semaphore_mem>>) {add = true}
          %dma_wait3A_64 = arith.constant 0 : i32
          %dma_wait3A_65 = tpu.memref_slice %arg8[%while3A_33, %dma_wait3A_64] : memref<159x128xi32, #tpu.memory_space<vmem>> -> memref<1x128xi32, #tpu.memory_space<vmem>>
          %dma_wait3A_66 = tpu.memref_squeeze %dma_wait3A_65 : memref<1x128xi32, #tpu.memory_space<vmem>> -> memref<128xi32, #tpu.memory_space<vmem>>
          %dma_wait3A_67 = arith.constant 0 : i32
          %dma_wait3A_68 = arith.constant 0 : i32
          %dma_wait3A_69 = tpu.memref_slice %arg11[%dma_wait3A_67, %dma_wait3A_68] : memref<5096x128xf32, #tpu.memory_space<vmem_shared>> -> memref<5096x128xf32, #tpu.memory_space<vmem_shared>>
          tpu.wait_indirect_dma semaphore(%run_scoped3A : memref<!tpu.dma_semaphore, #tpu.memory_space<semaphore_mem>>) src(%arg10 : memref<128x128xf32, #tpu.memory_space<vmem>>) dst(%dma_wait3A_69 : memref<5096x128xf32, #tpu.memory_space<vmem_shared>>)
          tpu.yield
        }) : () -> ()
      } else {
      }
    }
    %barrier3A_23 = arith.constant 0 : index
    tpu.barrier barrier_id(%barrier3A_23)
    %mul3A_24 = arith.constant 312 : i32
    %mul3A_25 = arith.muli %arg1, %mul3A_24 : i32
    %mul3A_26 = arith.constant 312 : i32
    %mul3A_27 = arith.muli %arg1, %mul3A_26 : i32
    "tpu.region"() ({
      %run_scoped3A = tpu.sem_alloc : memref<!tpu.dma_semaphore, #tpu.memory_space<semaphore_mem>>
      %dma_start3A = arith.constant 0 : i32
      %dma_start3A_33 = tpu.memref_slice %arg6[%arg0, %mul3A_27, %dma_start3A] : memref<2x5000x128xf32, #tpu.memory_space<hbm>> -> memref<1x312x128xf32, #tpu.memory_space<hbm>>
      %dma_start3A_34 = tpu.memref_squeeze %dma_start3A_33 : memref<1x312x128xf32, #tpu.memory_space<hbm>> -> memref<312x128xf32, #tpu.memory_space<hbm>>
      %dma_start3A_35 = arith.constant 0 : i32
      %dma_start3A_36 = tpu.memref_slice %arg11[%mul3A_25, %dma_start3A_35] : memref<5096x128xf32, #tpu.memory_space<vmem_shared>> -> memref<312x128xf32, #tpu.memory_space<vmem_shared>>
      tpu.enqueue_dma source(%dma_start3A_36 : memref<312x128xf32, #tpu.memory_space<vmem_shared>>) target(%dma_start3A_34 : memref<312x128xf32, #tpu.memory_space<hbm>>) target_semaphore(%run_scoped3A : memref<!tpu.dma_semaphore, #tpu.memory_space<semaphore_mem>>)
      %dma_wait3A = arith.constant 0 : i32
      %dma_wait3A_37 = tpu.memref_slice %arg6[%arg0, %mul3A_27, %dma_wait3A] : memref<2x5000x128xf32, #tpu.memory_space<hbm>> -> memref<1x312x128xf32, #tpu.memory_space<hbm>>
      %dma_wait3A_38 = tpu.memref_squeeze %dma_wait3A_37 : memref<1x312x128xf32, #tpu.memory_space<hbm>> -> memref<312x128xf32, #tpu.memory_space<hbm>>
      %dma_wait3A_39 = arith.constant 0 : i32
      %dma_wait3A_40 = tpu.memref_slice %arg11[%mul3A_25, %dma_wait3A_39] : memref<5096x128xf32, #tpu.memory_space<vmem_shared>> -> memref<312x128xf32, #tpu.memory_space<vmem_shared>>
      tpu.wait_dma2 semaphore(%run_scoped3A : memref<!tpu.dma_semaphore, #tpu.memory_space<semaphore_mem>>) src(%dma_wait3A_40 : memref<312x128xf32, #tpu.memory_space<vmem_shared>>) dst(%dma_wait3A_38 : memref<312x128xf32, #tpu.memory_space<hbm>>)
      tpu.yield
    }) : () -> ()
    %eq3A_28 = arith.constant 15 : i32
    %eq3A_29 = arith.cmpi eq, %arg1, %eq3A_28 : i32
    %convert_element_type3A_30 = arith.extui %eq3A_29 : i1 to i32
    %cond3A_31 = arith.constant 0 : i32
    %cond3A_32 = arith.cmpi ne, %convert_element_type3A_30, %cond3A_31 : i32
    scf.if %cond3A_32 {
      "tpu.region"() ({
        %run_scoped3A = tpu.sem_alloc : memref<!tpu.dma_semaphore, #tpu.memory_space<semaphore_mem>>
        %dma_start3A = arith.constant 4992 : i32
        %dma_start3A_33 = arith.constant 0 : i32
        %dma_start3A_34 = tpu.memref_slice %arg6[%arg0, %dma_start3A, %dma_start3A_33] : memref<2x5000x128xf32, #tpu.memory_space<hbm>> -> memref<1x8x128xf32, #tpu.memory_space<hbm>>
        %dma_start3A_35 = tpu.memref_squeeze %dma_start3A_34 : memref<1x8x128xf32, #tpu.memory_space<hbm>> -> memref<8x128xf32, #tpu.memory_space<hbm>>
        %dma_start3A_36 = arith.constant 4992 : i32
        %dma_start3A_37 = arith.constant 0 : i32
        %dma_start3A_38 = tpu.memref_slice %arg11[%dma_start3A_36, %dma_start3A_37] : memref<5096x128xf32, #tpu.memory_space<vmem_shared>> -> memref<8x128xf32, #tpu.memory_space<vmem_shared>>
        tpu.enqueue_dma source(%dma_start3A_38 : memref<8x128xf32, #tpu.memory_space<vmem_shared>>) target(%dma_start3A_35 : memref<8x128xf32, #tpu.memory_space<hbm>>) target_semaphore(%run_scoped3A : memref<!tpu.dma_semaphore, #tpu.memory_space<semaphore_mem>>)
        %dma_wait3A = arith.constant 4992 : i32
        %dma_wait3A_39 = arith.constant 0 : i32
        %dma_wait3A_40 = tpu.memref_slice %arg6[%arg0, %dma_wait3A, %dma_wait3A_39] : memref<2x5000x128xf32, #tpu.memory_space<hbm>> -> memref<1x8x128xf32, #tpu.memory_space<hbm>>
        %dma_wait3A_41 = tpu.memref_squeeze %dma_wait3A_40 : memref<1x8x128xf32, #tpu.memory_space<hbm>> -> memref<8x128xf32, #tpu.memory_space<hbm>>
        %dma_wait3A_42 = arith.constant 4992 : i32
        %dma_wait3A_43 = arith.constant 0 : i32
        %dma_wait3A_44 = tpu.memref_slice %arg11[%dma_wait3A_42, %dma_wait3A_43] : memref<5096x128xf32, #tpu.memory_space<vmem_shared>> -> memref<8x128xf32, #tpu.memory_space<vmem_shared>>
        tpu.wait_dma2 semaphore(%run_scoped3A : memref<!tpu.dma_semaphore, #tpu.memory_space<semaphore_mem>>) src(%dma_wait3A_44 : memref<8x128xf32, #tpu.memory_space<vmem_shared>>) dst(%dma_wait3A_41 : memref<8x128xf32, #tpu.memory_space<hbm>>)
        tpu.yield
      }) : () -> ()
    } else {
    }
    return
  }
}

#map = affine_map<(d0, d1) -> (0, 0, 0)>
#map1 = affine_map<(d0, d1) -> (0, 0)>
module attributes {stable_mosaic.version = 14 : i64} {
  func.func @k(%arg0: i32, %arg1: i32, %arg2: memref<32x158x128xi32, #tpu.memory_space<hbm>>, %arg3: memref<32x159x128xi32, #tpu.memory_space<hbm>>, %arg4: memref<10000x128xf32, #tpu.memory_space<hbm>>, %arg5: memref<5096x128xf32, #tpu.memory_space<hbm>>, %arg6: memref<2x5000x128xf32, #tpu.memory_space<hbm>>, %arg7: memref<158x128xi32, #tpu.memory_space<vmem>>, %arg8: memref<159x128xi32, #tpu.memory_space<vmem>>, %arg9: memref<128x128xf32, #tpu.memory_space<vmem>>, %arg10: memref<128x128xf32, #tpu.memory_space<vmem>>, %arg11: memref<5096x128xf32, #tpu.memory_space<vmem_shared>>, %arg12: memref<!tpu.dma_semaphore, #tpu.memory_space<semaphore_mem>>, %arg13: memref<!tpu.dma_semaphore, #tpu.memory_space<semaphore_mem>>) attributes {dimension_semantics = [#tpu.dimension_semantics<core_parallel>, #tpu.dimension_semantics<subcore_parallel>], iteration_bounds = array<i64: 2, 16>, scalar_prefetch = 0 : i64, scratch_operands = 7 : i64, tpu.core_type = #tpu.core_type<sc_vector_subcore>, window_params = [{transform_indices = #map}, {transform_indices = #map}, {transform_indices = #map1}, {transform_indices = #map1}, {transform_indices = #map}]} {
    %mul3A = arith.constant 16 : i32
    %mul3A_0 = arith.muli %arg0, %mul3A : i32
    %add3A = arith.addi %mul3A_0, %arg1 : i32
    "tpu.region"() ({
      %run_scoped3A = tpu.sem_alloc : memref<!tpu.dma_semaphore, #tpu.memory_space<semaphore_mem>>
      %dma_start3A = arith.constant 0 : i32
      %dma_start3A_33 = arith.constant 0 : i32
      %dma_start3A_34 = tpu.memref_slice %arg2[%add3A, %dma_start3A, %dma_start3A_33] : memref<32x158x128xi32, #tpu.memory_space<hbm>> -> memref<1x158x128xi32, #tpu.memory_space<hbm>>
      %dma_start3A_35 = tpu.memref_squeeze %dma_start3A_34 : memref<1x158x128xi32, #tpu.memory_space<hbm>> -> memref<158x128xi32, #tpu.memory_space<hbm>>
      %dma_start3A_36 = arith.constant 0 : i32
      %dma_start3A_37 = arith.constant 0 : i32
      %dma_start3A_38 = tpu.memref_slice %arg2[%add3A, %dma_start3A_36, %dma_start3A_37] : memref<32x158x128xi32, #tpu.memory_space<hbm>> -> memref<1x158x128xi32, #tpu.memory_space<hbm>>
      %dma_start3A_39 = tpu.memref_squeeze %dma_start3A_38 : memref<1x158x128xi32, #tpu.memory_space<hbm>> -> memref<158x128xi32, #tpu.memory_space<hbm>>
      tpu.enqueue_dma source(%dma_start3A_39 : memref<158x128xi32, #tpu.memory_space<hbm>>) target(%arg7 : memref<158x128xi32, #tpu.memory_space<vmem>>) target_semaphore(%run_scoped3A : memref<!tpu.dma_semaphore, #tpu.memory_space<semaphore_mem>>)
      %dma_wait3A = arith.constant 0 : i32
      %dma_wait3A_40 = arith.constant 0 : i32
      %dma_wait3A_41 = tpu.memref_slice %arg2[%add3A, %dma_wait3A, %dma_wait3A_40] : memref<32x158x128xi32, #tpu.memory_space<hbm>> -> memref<1x158x128xi32, #tpu.memory_space<hbm>>
      %dma_wait3A_42 = tpu.memref_squeeze %dma_wait3A_41 : memref<1x158x128xi32, #tpu.memory_space<hbm>> -> memref<158x128xi32, #tpu.memory_space<hbm>>
      %dma_wait3A_43 = arith.constant 0 : i32
      %dma_wait3A_44 = arith.constant 0 : i32
      %dma_wait3A_45 = tpu.memref_slice %arg2[%add3A, %dma_wait3A_43, %dma_wait3A_44] : memref<32x158x128xi32, #tpu.memory_space<hbm>> -> memref<1x158x128xi32, #tpu.memory_space<hbm>>
      %dma_wait3A_46 = tpu.memref_squeeze %dma_wait3A_45 : memref<1x158x128xi32, #tpu.memory_space<hbm>> -> memref<158x128xi32, #tpu.memory_space<hbm>>
      tpu.wait_dma2 semaphore(%run_scoped3A : memref<!tpu.dma_semaphore, #tpu.memory_space<semaphore_mem>>) src(%dma_wait3A_46 : memref<158x128xi32, #tpu.memory_space<hbm>>) dst(%arg7 : memref<158x128xi32, #tpu.memory_space<vmem>>)
      tpu.yield
    }) : () -> ()
    "tpu.region"() ({
      %run_scoped3A = tpu.sem_alloc : memref<!tpu.dma_semaphore, #tpu.memory_space<semaphore_mem>>
      %dma_start3A = arith.constant 0 : i32
      %dma_start3A_33 = arith.constant 0 : i32
      %dma_start3A_34 = tpu.memref_slice %arg3[%add3A, %dma_start3A, %dma_start3A_33] : memref<32x159x128xi32, #tpu.memory_space<hbm>> -> memref<1x159x128xi32, #tpu.memory_space<hbm>>
      %dma_start3A_35 = tpu.memref_squeeze %dma_start3A_34 : memref<1x159x128xi32, #tpu.memory_space<hbm>> -> memref<159x128xi32, #tpu.memory_space<hbm>>
      %dma_start3A_36 = arith.constant 0 : i32
      %dma_start3A_37 = arith.constant 0 : i32
      %dma_start3A_38 = tpu.memref_slice %arg3[%add3A, %dma_start3A_36, %dma_start3A_37] : memref<32x159x128xi32, #tpu.memory_space<hbm>> -> memref<1x159x128xi32, #tpu.memory_space<hbm>>
      %dma_start3A_39 = tpu.memref_squeeze %dma_start3A_38 : memref<1x159x128xi32, #tpu.memory_space<hbm>> -> memref<159x128xi32, #tpu.memory_space<hbm>>
      tpu.enqueue_dma source(%dma_start3A_39 : memref<159x128xi32, #tpu.memory_space<hbm>>) target(%arg8 : memref<159x128xi32, #tpu.memory_space<vmem>>) target_semaphore(%run_scoped3A : memref<!tpu.dma_semaphore, #tpu.memory_space<semaphore_mem>>)
      %dma_wait3A = arith.constant 0 : i32
      %dma_wait3A_40 = arith.constant 0 : i32
      %dma_wait3A_41 = tpu.memref_slice %arg3[%add3A, %dma_wait3A, %dma_wait3A_40] : memref<32x159x128xi32, #tpu.memory_space<hbm>> -> memref<1x159x128xi32, #tpu.memory_space<hbm>>
      %dma_wait3A_42 = tpu.memref_squeeze %dma_wait3A_41 : memref<1x159x128xi32, #tpu.memory_space<hbm>> -> memref<159x128xi32, #tpu.memory_space<hbm>>
      %dma_wait3A_43 = arith.constant 0 : i32
      %dma_wait3A_44 = arith.constant 0 : i32
      %dma_wait3A_45 = tpu.memref_slice %arg3[%add3A, %dma_wait3A_43, %dma_wait3A_44] : memref<32x159x128xi32, #tpu.memory_space<hbm>> -> memref<1x159x128xi32, #tpu.memory_space<hbm>>
      %dma_wait3A_46 = tpu.memref_squeeze %dma_wait3A_45 : memref<1x159x128xi32, #tpu.memory_space<hbm>> -> memref<159x128xi32, #tpu.memory_space<hbm>>
      tpu.wait_dma2 semaphore(%run_scoped3A : memref<!tpu.dma_semaphore, #tpu.memory_space<semaphore_mem>>) src(%dma_wait3A_46 : memref<159x128xi32, #tpu.memory_space<hbm>>) dst(%arg8 : memref<159x128xi32, #tpu.memory_space<vmem>>)
      tpu.yield
    }) : () -> ()
    %get3A = arith.constant 158 : i32
    %get3A_1 = arith.index_cast %get3A : i32 to index
    %get3A_2 = arith.constant 0 : index
    %get3A_3 = tpu.vector_load %arg8[%get3A_1, %get3A_2] {strides = array<i32>} : memref<159x128xi32, #tpu.memory_space<vmem>>, vector<16xi32>,
    %slice3A = vector.extract_strided_slice %get3A_3 {offsets = [0], sizes = [1], strides = [1]} : vector<16xi32> to vector<1xi32>
    %squeeze3A = vector.extract %slice3A[0] : i32 from vector<1xi32>
    %lt3A = arith.constant 15 : i32
    %lt3A_4 = arith.cmpi slt, %arg1, %lt3A : i32
    %convert_element_type3A = arith.extui %lt3A_4 : i1 to i32
    %cond3A = arith.constant 0 : i32
    %cond3A_5 = arith.cmpi ne, %convert_element_type3A, %cond3A : i32
    scf.if %cond3A_5 {
      %mul3A_33 = arith.constant 320 : i32
      %mul3A_34 = arith.muli %arg1, %mul3A_33 : i32
      %mul3A_35 = arith.constant 320 : i32
      %mul3A_36 = arith.muli %arg1, %mul3A_35 : i32
      "tpu.region"() ({
        %run_scoped3A = tpu.sem_alloc : memref<!tpu.dma_semaphore, #tpu.memory_space<semaphore_mem>>
        %dma_start3A = arith.constant 0 : i32
        %dma_start3A_37 = tpu.memref_slice %arg11[%mul3A_36, %dma_start3A] : memref<5096x128xf32, #tpu.memory_space<vmem_shared>> -> memref<320x128xf32, #tpu.memory_space<vmem_shared>>
        %dma_start3A_38 = arith.constant 0 : i32
        %dma_start3A_39 = tpu.memref_slice %arg5[%mul3A_34, %dma_start3A_38] : memref<5096x128xf32, #tpu.memory_space<hbm>> -> memref<320x128xf32, #tpu.memory_space<hbm>>
        tpu.enqueue_dma source(%dma_start3A_39 : memref<320x128xf32, #tpu.memory_space<hbm>>) target(%dma_start3A_37 : memref<320x128xf32, #tpu.memory_space<vmem_shared>>) target_semaphore(%run_scoped3A : memref<!tpu.dma_semaphore, #tpu.memory_space<semaphore_mem>>)
        %dma_wait3A = arith.constant 0 : i32
        %dma_wait3A_40 = tpu.memref_slice %arg11[%mul3A_36, %dma_wait3A] : memref<5096x128xf32, #tpu.memory_space<vmem_shared>> -> memref<320x128xf32, #tpu.memory_space<vmem_shared>>
        %dma_wait3A_41 = arith.constant 0 : i32
        %dma_wait3A_42 = tpu.memref_slice %arg5[%mul3A_34, %dma_wait3A_41] : memref<5096x128xf32, #tpu.memory_space<hbm>> -> memref<320x128xf32, #tpu.memory_space<hbm>>
        tpu.wait_dma2 semaphore(%run_scoped3A : memref<!tpu.dma_semaphore, #tpu.memory_space<semaphore_mem>>) src(%dma_wait3A_42 : memref<320x128xf32, #tpu.memory_space<hbm>>) dst(%dma_wait3A_40 : memref<320x128xf32, #tpu.memory_space<vmem_shared>>)
        tpu.yield
      }) : () -> ()
    } else {
    }
    %eq3A = arith.constant 15 : i32
    %eq3A_6 = arith.cmpi eq, %arg1, %eq3A : i32
    %convert_element_type3A_7 = arith.extui %eq3A_6 : i1 to i32
    %cond3A_8 = arith.constant 0 : i32
    %cond3A_9 = arith.cmpi ne, %convert_element_type3A_7, %cond3A_8 : i32
    scf.if %cond3A_9 {
      "tpu.region"() ({
        %run_scoped3A = tpu.sem_alloc : memref<!tpu.dma_semaphore, #tpu.memory_space<semaphore_mem>>
        %dma_start3A = arith.constant 4800 : i32
        %dma_start3A_33 = arith.constant 0 : i32
        %dma_start3A_34 = tpu.memref_slice %arg11[%dma_start3A, %dma_start3A_33] : memref<5096x128xf32, #tpu.memory_space<vmem_shared>> -> memref<296x128xf32, #tpu.memory_space<vmem_shared>>
        %dma_start3A_35 = arith.constant 4800 : i32
        %dma_start3A_36 = arith.constant 0 : i32
        %dma_start3A_37 = tpu.memref_slice %arg5[%dma_start3A_35, %dma_start3A_36] : memref<5096x128xf32, #tpu.memory_space<hbm>> -> memref<296x128xf32, #tpu.memory_space<hbm>>
        tpu.enqueue_dma source(%dma_start3A_37 : memref<296x128xf32, #tpu.memory_space<hbm>>) target(%dma_start3A_34 : memref<296x128xf32, #tpu.memory_space<vmem_shared>>) target_semaphore(%run_scoped3A : memref<!tpu.dma_semaphore, #tpu.memory_space<semaphore_mem>>)
        %dma_wait3A = arith.constant 4800 : i32
        %dma_wait3A_38 = arith.constant 0 : i32
        %dma_wait3A_39 = tpu.memref_slice %arg11[%dma_wait3A, %dma_wait3A_38] : memref<5096x128xf32, #tpu.memory_space<vmem_shared>> -> memref<296x128xf32, #tpu.memory_space<vmem_shared>>
        %dma_wait3A_40 = arith.constant 4800 : i32
        %dma_wait3A_41 = arith.constant 0 : i32
        %dma_wait3A_42 = tpu.memref_slice %arg5[%dma_wait3A_40, %dma_wait3A_41] : memref<5096x128xf32, #tpu.memory_space<hbm>> -> memref<296x128xf32, #tpu.memory_space<hbm>>
        tpu.wait_dma2 semaphore(%run_scoped3A : memref<!tpu.dma_semaphore, #tpu.memory_space<semaphore_mem>>) src(%dma_wait3A_42 : memref<296x128xf32, #tpu.memory_space<hbm>>) dst(%dma_wait3A_39 : memref<296x128xf32, #tpu.memory_space<vmem_shared>>)
        tpu.yield
      }) : () -> ()
    } else {
    }
    %barrier3A = arith.constant 0 : index
    tpu.barrier barrier_id(%barrier3A)
    %gt3A = arith.constant 0 : i32
    %gt3A_10 = arith.cmpi sgt, %squeeze3A, %gt3A : i32
    %convert_element_type3A_11 = arith.extui %gt3A_10 : i1 to i32
    %cond3A_12 = arith.constant 0 : i32
    %cond3A_13 = arith.cmpi ne, %convert_element_type3A_11, %cond3A_12 : i32
    scf.if %cond3A_13 {
      %dma_start3A = arith.constant 0 : i32
      %dma_start3A_33 = arith.constant 0 : i32
      %dma_start3A_34 = tpu.memref_slice %arg7[%dma_start3A, %dma_start3A_33] : memref<158x128xi32, #tpu.memory_space<vmem>> -> memref<1x128xi32, #tpu.memory_space<vmem>>
      %dma_start3A_35 = tpu.memref_squeeze %dma_start3A_34 : memref<1x128xi32, #tpu.memory_space<vmem>> -> memref<128xi32, #tpu.memory_space<vmem>>
      %dma_start3A_36 = arith.constant 0 : i32
      %dma_start3A_37 = arith.constant 0 : i32
      %dma_start3A_38 = tpu.memref_slice %arg4[%dma_start3A_36, %dma_start3A_37] : memref<10000x128xf32, #tpu.memory_space<hbm>> -> memref<10000x128xf32, #tpu.memory_space<hbm>>
      tpu.enqueue_indirect_dma source(%dma_start3A_38 : memref<10000x128xf32, #tpu.memory_space<hbm>>) target(%arg9 : memref<128x128xf32, #tpu.memory_space<vmem>>) offsets(%dma_start3A_35 : memref<128xi32, #tpu.memory_space<vmem>>) semaphore(%arg12 : memref<!tpu.dma_semaphore, #tpu.memory_space<semaphore_mem>>)
    } else {
    }
    %while3A = arith.constant 0 : i32
    %while3A_14 = arith.constant 0 : i32
    %while3A_15 = arith.subi %squeeze3A, %while3A_14 : i32
    %while3A_16 = arith.addi %while3A_14, %while3A_15 : i32
    %while3A_17 = arith.constant 1 : i32
    %while3A_18 = arith.divsi %while3A_15, %while3A_17 : i32
    %while3A_19 = arith.muli %while3A_18, %while3A_17 : i32
    %while3A_20 = arith.addi %while3A_14, %while3A_19 : i32
    %while3A_21 = arith.constant 1 : i32
    scf.for %while3A_33 = %while3A_14 to %while3A_20 step %while3A_21  : i32 {
      %rem3A = arith.constant 2 : i32
      %rem3A_34 = arith.remsi %while3A_33, %rem3A : i32
      %eq3A_35 = arith.constant 0 : i32
      %eq3A_36 = arith.cmpi eq, %rem3A_34, %eq3A_35 : i32
      %convert_element_type3A_37 = arith.extui %eq3A_36 : i1 to i32
      %cond3A_38 = arith.constant 0 : i32
      %cond3A_39 = arith.cmpi ne, %convert_element_type3A_37, %cond3A_38 : i32
      scf.if %cond3A_39 {
        %dma_wait3A = arith.constant 0 : i32
        %dma_wait3A_47 = arith.constant 0 : i32
        %dma_wait3A_48 = tpu.memref_slice %arg7[%dma_wait3A, %dma_wait3A_47] : memref<158x128xi32, #tpu.memory_space<vmem>> -> memref<1x128xi32, #tpu.memory_space<vmem>>
        %dma_wait3A_49 = tpu.memref_squeeze %dma_wait3A_48 : memref<1x128xi32, #tpu.memory_space<vmem>> -> memref<128xi32, #tpu.memory_space<vmem>>
        %dma_wait3A_50 = arith.constant 0 : i32
        %dma_wait3A_51 = arith.constant 0 : i32
        %dma_wait3A_52 = tpu.memref_slice %arg4[%dma_wait3A_50, %dma_wait3A_51] : memref<10000x128xf32, #tpu.memory_space<hbm>> -> memref<10000x128xf32, #tpu.memory_space<hbm>>
        tpu.wait_indirect_dma semaphore(%arg12 : memref<!tpu.dma_semaphore, #tpu.memory_space<semaphore_mem>>) src(%dma_wait3A_52 : memref<10000x128xf32, #tpu.memory_space<hbm>>) dst(%arg9 : memref<128x128xf32, #tpu.memory_space<vmem>>)
        %add3A_53 = arith.constant 1 : i32
        %add3A_54 = arith.addi %while3A_33, %add3A_53 : i32
        %lt3A_55 = arith.cmpi slt, %add3A_54, %squeeze3A : i32
        %convert_element_type3A_56 = arith.extui %lt3A_55 : i1 to i32
        %cond3A_57 = arith.constant 0 : i32
        %cond3A_58 = arith.cmpi ne, %convert_element_type3A_56, %cond3A_57 : i32
        scf.if %cond3A_58 {
          %add3A_59 = arith.constant 1 : i32
          %add3A_60 = arith.addi %while3A_33, %add3A_59 : i32
          %dma_start3A = arith.constant 0 : i32
          %dma_start3A_61 = tpu.memref_slice %arg7[%add3A_60, %dma_start3A] : memref<158x128xi32, #tpu.memory_space<vmem>> -> memref<1x128xi32, #tpu.memory_space<vmem>>
          %dma_start3A_62 = tpu.memref_squeeze %dma_start3A_61 : memref<1x128xi32, #tpu.memory_space<vmem>> -> memref<128xi32, #tpu.memory_space<vmem>>
          %dma_start3A_63 = arith.constant 0 : i32
          %dma_start3A_64 = arith.constant 0 : i32
          %dma_start3A_65 = tpu.memref_slice %arg4[%dma_start3A_63, %dma_start3A_64] : memref<10000x128xf32, #tpu.memory_space<hbm>> -> memref<10000x128xf32, #tpu.memory_space<hbm>>
          tpu.enqueue_indirect_dma source(%dma_start3A_65 : memref<10000x128xf32, #tpu.memory_space<hbm>>) target(%arg10 : memref<128x128xf32, #tpu.memory_space<vmem>>) offsets(%dma_start3A_62 : memref<128xi32, #tpu.memory_space<vmem>>) semaphore(%arg13 : memref<!tpu.dma_semaphore, #tpu.memory_space<semaphore_mem>>)
        } else {
        }
        "tpu.region"() ({
          %run_scoped3A = tpu.sem_alloc : memref<!tpu.dma_semaphore, #tpu.memory_space<semaphore_mem>>
          %dma_start3A = arith.constant 0 : i32
          %dma_start3A_59 = tpu.memref_slice %arg8[%while3A_33, %dma_start3A] : memref<159x128xi32, #tpu.memory_space<vmem>> -> memref<1x128xi32, #tpu.memory_space<vmem>>
          %dma_start3A_60 = tpu.memref_squeeze %dma_start3A_59 : memref<1x128xi32, #tpu.memory_space<vmem>> -> memref<128xi32, #tpu.memory_space<vmem>>
          %dma_start3A_61 = arith.constant 0 : i32
          %dma_start3A_62 = arith.constant 0 : i32
          %dma_start3A_63 = tpu.memref_slice %arg11[%dma_start3A_61, %dma_start3A_62] : memref<5096x128xf32, #tpu.memory_space<vmem_shared>> -> memref<5096x128xf32, #tpu.memory_space<vmem_shared>>
          tpu.enqueue_indirect_dma source(%arg9 : memref<128x128xf32, #tpu.memory_space<vmem>>) target(%dma_start3A_63 : memref<5096x128xf32, #tpu.memory_space<vmem_shared>>) offsets(%dma_start3A_60 : memref<128xi32, #tpu.memory_space<vmem>>) semaphore(%run_scoped3A : memref<!tpu.dma_semaphore, #tpu.memory_space<semaphore_mem>>) {add = true}
          %dma_wait3A_64 = arith.constant 0 : i32
          %dma_wait3A_65 = tpu.memref_slice %arg8[%while3A_33, %dma_wait3A_64] : memref<159x128xi32, #tpu.memory_space<vmem>> -> memref<1x128xi32, #tpu.memory_space<vmem>>
          %dma_wait3A_66 = tpu.memref_squeeze %dma_wait3A_65 : memref<1x128xi32, #tpu.memory_space<vmem>> -> memref<128xi32, #tpu.memory_space<vmem>>
          %dma_wait3A_67 = arith.constant 0 : i32
          %dma_wait3A_68 = arith.constant 0 : i32
          %dma_wait3A_69 = tpu.memref_slice %arg11[%dma_wait3A_67, %dma_wait3A_68] : memref<5096x128xf32, #tpu.memory_space<vmem_shared>> -> memref<5096x128xf32, #tpu.memory_space<vmem_shared>>
          tpu.wait_indirect_dma semaphore(%run_scoped3A : memref<!tpu.dma_semaphore, #tpu.memory_space<semaphore_mem>>) src(%arg9 : memref<128x128xf32, #tpu.memory_space<vmem>>) dst(%dma_wait3A_69 : memref<5096x128xf32, #tpu.memory_space<vmem_shared>>)
          tpu.yield
        }) : () -> ()
      } else {
      }
      %rem3A_40 = arith.constant 2 : i32
      %rem3A_41 = arith.remsi %while3A_33, %rem3A_40 : i32
      %eq3A_42 = arith.constant 1 : i32
      %eq3A_43 = arith.cmpi eq, %rem3A_41, %eq3A_42 : i32
      %convert_element_type3A_44 = arith.extui %eq3A_43 : i1 to i32
      %cond3A_45 = arith.constant 0 : i32
      %cond3A_46 = arith.cmpi ne, %convert_element_type3A_44, %cond3A_45 : i32
      scf.if %cond3A_46 {
        %dma_wait3A = arith.constant 0 : i32
        %dma_wait3A_47 = arith.constant 0 : i32
        %dma_wait3A_48 = tpu.memref_slice %arg7[%dma_wait3A, %dma_wait3A_47] : memref<158x128xi32, #tpu.memory_space<vmem>> -> memref<1x128xi32, #tpu.memory_space<vmem>>
        %dma_wait3A_49 = tpu.memref_squeeze %dma_wait3A_48 : memref<1x128xi32, #tpu.memory_space<vmem>> -> memref<128xi32, #tpu.memory_space<vmem>>
        %dma_wait3A_50 = arith.constant 0 : i32
        %dma_wait3A_51 = arith.constant 0 : i32
        %dma_wait3A_52 = tpu.memref_slice %arg4[%dma_wait3A_50, %dma_wait3A_51] : memref<10000x128xf32, #tpu.memory_space<hbm>> -> memref<10000x128xf32, #tpu.memory_space<hbm>>
        tpu.wait_indirect_dma semaphore(%arg13 : memref<!tpu.dma_semaphore, #tpu.memory_space<semaphore_mem>>) src(%dma_wait3A_52 : memref<10000x128xf32, #tpu.memory_space<hbm>>) dst(%arg10 : memref<128x128xf32, #tpu.memory_space<vmem>>)
        %add3A_53 = arith.constant 1 : i32
        %add3A_54 = arith.addi %while3A_33, %add3A_53 : i32
        %lt3A_55 = arith.cmpi slt, %add3A_54, %squeeze3A : i32
        %convert_element_type3A_56 = arith.extui %lt3A_55 : i1 to i32
        %cond3A_57 = arith.constant 0 : i32
        %cond3A_58 = arith.cmpi ne, %convert_element_type3A_56, %cond3A_57 : i32
        scf.if %cond3A_58 {
          %add3A_59 = arith.constant 1 : i32
          %add3A_60 = arith.addi %while3A_33, %add3A_59 : i32
          %dma_start3A = arith.constant 0 : i32
          %dma_start3A_61 = tpu.memref_slice %arg7[%add3A_60, %dma_start3A] : memref<158x128xi32, #tpu.memory_space<vmem>> -> memref<1x128xi32, #tpu.memory_space<vmem>>
          %dma_start3A_62 = tpu.memref_squeeze %dma_start3A_61 : memref<1x128xi32, #tpu.memory_space<vmem>> -> memref<128xi32, #tpu.memory_space<vmem>>
          %dma_start3A_63 = arith.constant 0 : i32
          %dma_start3A_64 = arith.constant 0 : i32
          %dma_start3A_65 = tpu.memref_slice %arg4[%dma_start3A_63, %dma_start3A_64] : memref<10000x128xf32, #tpu.memory_space<hbm>> -> memref<10000x128xf32, #tpu.memory_space<hbm>>
          tpu.enqueue_indirect_dma source(%dma_start3A_65 : memref<10000x128xf32, #tpu.memory_space<hbm>>) target(%arg9 : memref<128x128xf32, #tpu.memory_space<vmem>>) offsets(%dma_start3A_62 : memref<128xi32, #tpu.memory_space<vmem>>) semaphore(%arg12 : memref<!tpu.dma_semaphore, #tpu.memory_space<semaphore_mem>>)
        } else {
        }
        "tpu.region"() ({
          %run_scoped3A = tpu.sem_alloc : memref<!tpu.dma_semaphore, #tpu.memory_space<semaphore_mem>>
          %dma_start3A = arith.constant 0 : i32
          %dma_start3A_59 = tpu.memref_slice %arg8[%while3A_33, %dma_start3A] : memref<159x128xi32, #tpu.memory_space<vmem>> -> memref<1x128xi32, #tpu.memory_space<vmem>>
          %dma_start3A_60 = tpu.memref_squeeze %dma_start3A_59 : memref<1x128xi32, #tpu.memory_space<vmem>> -> memref<128xi32, #tpu.memory_space<vmem>>
          %dma_start3A_61 = arith.constant 0 : i32
          %dma_start3A_62 = arith.constant 0 : i32
          %dma_start3A_63 = tpu.memref_slice %arg11[%dma_start3A_61, %dma_start3A_62] : memref<5096x128xf32, #tpu.memory_space<vmem_shared>> -> memref<5096x128xf32, #tpu.memory_space<vmem_shared>>
          tpu.enqueue_indirect_dma source(%arg10 : memref<128x128xf32, #tpu.memory_space<vmem>>) target(%dma_start3A_63 : memref<5096x128xf32, #tpu.memory_space<vmem_shared>>) offsets(%dma_start3A_60 : memref<128xi32, #tpu.memory_space<vmem>>) semaphore(%run_scoped3A : memref<!tpu.dma_semaphore, #tpu.memory_space<semaphore_mem>>) {add = true}
          %dma_wait3A_64 = arith.constant 0 : i32
          %dma_wait3A_65 = tpu.memref_slice %arg8[%while3A_33, %dma_wait3A_64] : memref<159x128xi32, #tpu.memory_space<vmem>> -> memref<1x128xi32, #tpu.memory_space<vmem>>
          %dma_wait3A_66 = tpu.memref_squeeze %dma_wait3A_65 : memref<1x128xi32, #tpu.memory_space<vmem>> -> memref<128xi32, #tpu.memory_space<vmem>>
          %dma_wait3A_67 = arith.constant 0 : i32
          %dma_wait3A_68 = arith.constant 0 : i32
          %dma_wait3A_69 = tpu.memref_slice %arg11[%dma_wait3A_67, %dma_wait3A_68] : memref<5096x128xf32, #tpu.memory_space<vmem_shared>> -> memref<5096x128xf32, #tpu.memory_space<vmem_shared>>
          tpu.wait_indirect_dma semaphore(%run_scoped3A : memref<!tpu.dma_semaphore, #tpu.memory_space<semaphore_mem>>) src(%arg10 : memref<128x128xf32, #tpu.memory_space<vmem>>) dst(%dma_wait3A_69 : memref<5096x128xf32, #tpu.memory_space<vmem_shared>>)
          tpu.yield
        }) : () -> ()
      } else {
      }
    }
    %while3A_22 = arith.constant 1 : i32
    scf.for %while3A_33 = %while3A_20 to %while3A_16 step %while3A_22  : i32 {
      %rem3A = arith.constant 2 : i32
      %rem3A_34 = arith.remsi %while3A_33, %rem3A : i32
      %eq3A_35 = arith.constant 0 : i32
      %eq3A_36 = arith.cmpi eq, %rem3A_34, %eq3A_35 : i32
      %convert_element_type3A_37 = arith.extui %eq3A_36 : i1 to i32
      %cond3A_38 = arith.constant 0 : i32
      %cond3A_39 = arith.cmpi ne, %convert_element_type3A_37, %cond3A_38 : i32
      scf.if %cond3A_39 {
        %dma_wait3A = arith.constant 0 : i32
        %dma_wait3A_47 = arith.constant 0 : i32
        %dma_wait3A_48 = tpu.memref_slice %arg7[%dma_wait3A, %dma_wait3A_47] : memref<158x128xi32, #tpu.memory_space<vmem>> -> memref<1x128xi32, #tpu.memory_space<vmem>>
        %dma_wait3A_49 = tpu.memref_squeeze %dma_wait3A_48 : memref<1x128xi32, #tpu.memory_space<vmem>> -> memref<128xi32, #tpu.memory_space<vmem>>
        %dma_wait3A_50 = arith.constant 0 : i32
        %dma_wait3A_51 = arith.constant 0 : i32
        %dma_wait3A_52 = tpu.memref_slice %arg4[%dma_wait3A_50, %dma_wait3A_51] : memref<10000x128xf32, #tpu.memory_space<hbm>> -> memref<10000x128xf32, #tpu.memory_space<hbm>>
        tpu.wait_indirect_dma semaphore(%arg12 : memref<!tpu.dma_semaphore, #tpu.memory_space<semaphore_mem>>) src(%dma_wait3A_52 : memref<10000x128xf32, #tpu.memory_space<hbm>>) dst(%arg9 : memref<128x128xf32, #tpu.memory_space<vmem>>)
        %add3A_53 = arith.constant 1 : i32
        %add3A_54 = arith.addi %while3A_33, %add3A_53 : i32
        %lt3A_55 = arith.cmpi slt, %add3A_54, %squeeze3A : i32
        %convert_element_type3A_56 = arith.extui %lt3A_55 : i1 to i32
        %cond3A_57 = arith.constant 0 : i32
        %cond3A_58 = arith.cmpi ne, %convert_element_type3A_56, %cond3A_57 : i32
        scf.if %cond3A_58 {
          %add3A_59 = arith.constant 1 : i32
          %add3A_60 = arith.addi %while3A_33, %add3A_59 : i32
          %dma_start3A = arith.constant 0 : i32
          %dma_start3A_61 = tpu.memref_slice %arg7[%add3A_60, %dma_start3A] : memref<158x128xi32, #tpu.memory_space<vmem>> -> memref<1x128xi32, #tpu.memory_space<vmem>>
          %dma_start3A_62 = tpu.memref_squeeze %dma_start3A_61 : memref<1x128xi32, #tpu.memory_space<vmem>> -> memref<128xi32, #tpu.memory_space<vmem>>
          %dma_start3A_63 = arith.constant 0 : i32
          %dma_start3A_64 = arith.constant 0 : i32
          %dma_start3A_65 = tpu.memref_slice %arg4[%dma_start3A_63, %dma_start3A_64] : memref<10000x128xf32, #tpu.memory_space<hbm>> -> memref<10000x128xf32, #tpu.memory_space<hbm>>
          tpu.enqueue_indirect_dma source(%dma_start3A_65 : memref<10000x128xf32, #tpu.memory_space<hbm>>) target(%arg10 : memref<128x128xf32, #tpu.memory_space<vmem>>) offsets(%dma_start3A_62 : memref<128xi32, #tpu.memory_space<vmem>>) semaphore(%arg13 : memref<!tpu.dma_semaphore, #tpu.memory_space<semaphore_mem>>)
        } else {
        }
        "tpu.region"() ({
          %run_scoped3A = tpu.sem_alloc : memref<!tpu.dma_semaphore, #tpu.memory_space<semaphore_mem>>
          %dma_start3A = arith.constant 0 : i32
          %dma_start3A_59 = tpu.memref_slice %arg8[%while3A_33, %dma_start3A] : memref<159x128xi32, #tpu.memory_space<vmem>> -> memref<1x128xi32, #tpu.memory_space<vmem>>
          %dma_start3A_60 = tpu.memref_squeeze %dma_start3A_59 : memref<1x128xi32, #tpu.memory_space<vmem>> -> memref<128xi32, #tpu.memory_space<vmem>>
          %dma_start3A_61 = arith.constant 0 : i32
          %dma_start3A_62 = arith.constant 0 : i32
          %dma_start3A_63 = tpu.memref_slice %arg11[%dma_start3A_61, %dma_start3A_62] : memref<5096x128xf32, #tpu.memory_space<vmem_shared>> -> memref<5096x128xf32, #tpu.memory_space<vmem_shared>>
          tpu.enqueue_indirect_dma source(%arg9 : memref<128x128xf32, #tpu.memory_space<vmem>>) target(%dma_start3A_63 : memref<5096x128xf32, #tpu.memory_space<vmem_shared>>) offsets(%dma_start3A_60 : memref<128xi32, #tpu.memory_space<vmem>>) semaphore(%run_scoped3A : memref<!tpu.dma_semaphore, #tpu.memory_space<semaphore_mem>>) {add = true}
          %dma_wait3A_64 = arith.constant 0 : i32
          %dma_wait3A_65 = tpu.memref_slice %arg8[%while3A_33, %dma_wait3A_64] : memref<159x128xi32, #tpu.memory_space<vmem>> -> memref<1x128xi32, #tpu.memory_space<vmem>>
          %dma_wait3A_66 = tpu.memref_squeeze %dma_wait3A_65 : memref<1x128xi32, #tpu.memory_space<vmem>> -> memref<128xi32, #tpu.memory_space<vmem>>
          %dma_wait3A_67 = arith.constant 0 : i32
          %dma_wait3A_68 = arith.constant 0 : i32
          %dma_wait3A_69 = tpu.memref_slice %arg11[%dma_wait3A_67, %dma_wait3A_68] : memref<5096x128xf32, #tpu.memory_space<vmem_shared>> -> memref<5096x128xf32, #tpu.memory_space<vmem_shared>>
          tpu.wait_indirect_dma semaphore(%run_scoped3A : memref<!tpu.dma_semaphore, #tpu.memory_space<semaphore_mem>>) src(%arg9 : memref<128x128xf32, #tpu.memory_space<vmem>>) dst(%dma_wait3A_69 : memref<5096x128xf32, #tpu.memory_space<vmem_shared>>)
          tpu.yield
        }) : () -> ()
      } else {
      }
      %rem3A_40 = arith.constant 2 : i32
      %rem3A_41 = arith.remsi %while3A_33, %rem3A_40 : i32
      %eq3A_42 = arith.constant 1 : i32
      %eq3A_43 = arith.cmpi eq, %rem3A_41, %eq3A_42 : i32
      %convert_element_type3A_44 = arith.extui %eq3A_43 : i1 to i32
      %cond3A_45 = arith.constant 0 : i32
      %cond3A_46 = arith.cmpi ne, %convert_element_type3A_44, %cond3A_45 : i32
      scf.if %cond3A_46 {
        %dma_wait3A = arith.constant 0 : i32
        %dma_wait3A_47 = arith.constant 0 : i32
        %dma_wait3A_48 = tpu.memref_slice %arg7[%dma_wait3A, %dma_wait3A_47] : memref<158x128xi32, #tpu.memory_space<vmem>> -> memref<1x128xi32, #tpu.memory_space<vmem>>
        %dma_wait3A_49 = tpu.memref_squeeze %dma_wait3A_48 : memref<1x128xi32, #tpu.memory_space<vmem>> -> memref<128xi32, #tpu.memory_space<vmem>>
        %dma_wait3A_50 = arith.constant 0 : i32
        %dma_wait3A_51 = arith.constant 0 : i32
        %dma_wait3A_52 = tpu.memref_slice %arg4[%dma_wait3A_50, %dma_wait3A_51] : memref<10000x128xf32, #tpu.memory_space<hbm>> -> memref<10000x128xf32, #tpu.memory_space<hbm>>
        tpu.wait_indirect_dma semaphore(%arg13 : memref<!tpu.dma_semaphore, #tpu.memory_space<semaphore_mem>>) src(%dma_wait3A_52 : memref<10000x128xf32, #tpu.memory_space<hbm>>) dst(%arg10 : memref<128x128xf32, #tpu.memory_space<vmem>>)
        %add3A_53 = arith.constant 1 : i32
        %add3A_54 = arith.addi %while3A_33, %add3A_53 : i32
        %lt3A_55 = arith.cmpi slt, %add3A_54, %squeeze3A : i32
        %convert_element_type3A_56 = arith.extui %lt3A_55 : i1 to i32
        %cond3A_57 = arith.constant 0 : i32
        %cond3A_58 = arith.cmpi ne, %convert_element_type3A_56, %cond3A_57 : i32
        scf.if %cond3A_58 {
          %add3A_59 = arith.constant 1 : i32
          %add3A_60 = arith.addi %while3A_33, %add3A_59 : i32
          %dma_start3A = arith.constant 0 : i32
          %dma_start3A_61 = tpu.memref_slice %arg7[%add3A_60, %dma_start3A] : memref<158x128xi32, #tpu.memory_space<vmem>> -> memref<1x128xi32, #tpu.memory_space<vmem>>
          %dma_start3A_62 = tpu.memref_squeeze %dma_start3A_61 : memref<1x128xi32, #tpu.memory_space<vmem>> -> memref<128xi32, #tpu.memory_space<vmem>>
          %dma_start3A_63 = arith.constant 0 : i32
          %dma_start3A_64 = arith.constant 0 : i32
          %dma_start3A_65 = tpu.memref_slice %arg4[%dma_start3A_63, %dma_start3A_64] : memref<10000x128xf32, #tpu.memory_space<hbm>> -> memref<10000x128xf32, #tpu.memory_space<hbm>>
          tpu.enqueue_indirect_dma source(%dma_start3A_65 : memref<10000x128xf32, #tpu.memory_space<hbm>>) target(%arg9 : memref<128x128xf32, #tpu.memory_space<vmem>>) offsets(%dma_start3A_62 : memref<128xi32, #tpu.memory_space<vmem>>) semaphore(%arg12 : memref<!tpu.dma_semaphore, #tpu.memory_space<semaphore_mem>>)
        } else {
        }
        "tpu.region"() ({
          %run_scoped3A = tpu.sem_alloc : memref<!tpu.dma_semaphore, #tpu.memory_space<semaphore_mem>>
          %dma_start3A = arith.constant 0 : i32
          %dma_start3A_59 = tpu.memref_slice %arg8[%while3A_33, %dma_start3A] : memref<159x128xi32, #tpu.memory_space<vmem>> -> memref<1x128xi32, #tpu.memory_space<vmem>>
          %dma_start3A_60 = tpu.memref_squeeze %dma_start3A_59 : memref<1x128xi32, #tpu.memory_space<vmem>> -> memref<128xi32, #tpu.memory_space<vmem>>
          %dma_start3A_61 = arith.constant 0 : i32
          %dma_start3A_62 = arith.constant 0 : i32
          %dma_start3A_63 = tpu.memref_slice %arg11[%dma_start3A_61, %dma_start3A_62] : memref<5096x128xf32, #tpu.memory_space<vmem_shared>> -> memref<5096x128xf32, #tpu.memory_space<vmem_shared>>
          tpu.enqueue_indirect_dma source(%arg10 : memref<128x128xf32, #tpu.memory_space<vmem>>) target(%dma_start3A_63 : memref<5096x128xf32, #tpu.memory_space<vmem_shared>>) offsets(%dma_start3A_60 : memref<128xi32, #tpu.memory_space<vmem>>) semaphore(%run_scoped3A : memref<!tpu.dma_semaphore, #tpu.memory_space<semaphore_mem>>) {add = true}
          %dma_wait3A_64 = arith.constant 0 : i32
          %dma_wait3A_65 = tpu.memref_slice %arg8[%while3A_33, %dma_wait3A_64] : memref<159x128xi32, #tpu.memory_space<vmem>> -> memref<1x128xi32, #tpu.memory_space<vmem>>
          %dma_wait3A_66 = tpu.memref_squeeze %dma_wait3A_65 : memref<1x128xi32, #tpu.memory_space<vmem>> -> memref<128xi32, #tpu.memory_space<vmem>>
          %dma_wait3A_67 = arith.constant 0 : i32
          %dma_wait3A_68 = arith.constant 0 : i32
          %dma_wait3A_69 = tpu.memref_slice %arg11[%dma_wait3A_67, %dma_wait3A_68] : memref<5096x128xf32, #tpu.memory_space<vmem_shared>> -> memref<5096x128xf32, #tpu.memory_space<vmem_shared>>
          tpu.wait_indirect_dma semaphore(%run_scoped3A : memref<!tpu.dma_semaphore, #tpu.memory_space<semaphore_mem>>) src(%arg10 : memref<128x128xf32, #tpu.memory_space<vmem>>) dst(%dma_wait3A_69 : memref<5096x128xf32, #tpu.memory_space<vmem_shared>>)
          tpu.yield
        }) : () -> ()
      } else {
      }
    }
    %barrier3A_23 = arith.constant 0 : index
    tpu.barrier barrier_id(%barrier3A_23)
    %mul3A_24 = arith.constant 312 : i32
    %mul3A_25 = arith.muli %arg1, %mul3A_24 : i32
    %mul3A_26 = arith.constant 312 : i32
    %mul3A_27 = arith.muli %arg1, %mul3A_26 : i32
    "tpu.region"() ({
      %run_scoped3A = tpu.sem_alloc : memref<!tpu.dma_semaphore, #tpu.memory_space<semaphore_mem>>
      %dma_start3A = arith.constant 0 : i32
      %dma_start3A_33 = tpu.memref_slice %arg6[%arg0, %mul3A_27, %dma_start3A] : memref<2x5000x128xf32, #tpu.memory_space<hbm>> -> memref<1x312x128xf32, #tpu.memory_space<hbm>>
      %dma_start3A_34 = tpu.memref_squeeze %dma_start3A_33 : memref<1x312x128xf32, #tpu.memory_space<hbm>> -> memref<312x128xf32, #tpu.memory_space<hbm>>
      %dma_start3A_35 = arith.constant 0 : i32
      %dma_start3A_36 = tpu.memref_slice %arg11[%mul3A_25, %dma_start3A_35] : memref<5096x128xf32, #tpu.memory_space<vmem_shared>> -> memref<312x128xf32, #tpu.memory_space<vmem_shared>>
      tpu.enqueue_dma source(%dma_start3A_36 : memref<312x128xf32, #tpu.memory_space<vmem_shared>>) target(%dma_start3A_34 : memref<312x128xf32, #tpu.memory_space<hbm>>) target_semaphore(%run_scoped3A : memref<!tpu.dma_semaphore, #tpu.memory_space<semaphore_mem>>)
      %dma_wait3A = arith.constant 0 : i32
      %dma_wait3A_37 = tpu.memref_slice %arg6[%arg0, %mul3A_27, %dma_wait3A] : memref<2x5000x128xf32, #tpu.memory_space<hbm>> -> memref<1x312x128xf32, #tpu.memory_space<hbm>>
      %dma_wait3A_38 = tpu.memref_squeeze %dma_wait3A_37 : memref<1x312x128xf32, #tpu.memory_space<hbm>> -> memref<312x128xf32, #tpu.memory_space<hbm>>
      %dma_wait3A_39 = arith.constant 0 : i32
      %dma_wait3A_40 = tpu.memref_slice %arg11[%mul3A_25, %dma_wait3A_39] : memref<5096x128xf32, #tpu.memory_space<vmem_shared>> -> memref<312x128xf32, #tpu.memory_space<vmem_shared>>
      tpu.wait_dma2 semaphore(%run_scoped3A : memref<!tpu.dma_semaphore, #tpu.memory_space<semaphore_mem>>) src(%dma_wait3A_40 : memref<312x128xf32, #tpu.memory_space<vmem_shared>>) dst(%dma_wait3A_38 : memref<312x128xf32, #tpu.memory_space<hbm>>)
      tpu.yield
    }) : () -> ()
    %eq3A_28 = arith.constant 15 : i32
    %eq3A_29 = arith.cmpi eq, %arg1, %eq3A_28 : i32
    %convert_element_type3A_30 = arith.extui %eq3A_29 : i1 to i32
    %cond3A_31 = arith.constant 0 : i32
    %cond3A_32 = arith.cmpi ne, %convert_element_type3A_30, %cond3A_31 : i32
    scf.if %cond3A_32 {
      "tpu.region"() ({
        %run_scoped3A = tpu.sem_alloc : memref<!tpu.dma_semaphore, #tpu.memory_space<semaphore_mem>>
        %dma_start3A = arith.constant 4992 : i32
        %dma_start3A_33 = arith.constant 0 : i32
        %dma_start3A_34 = tpu.memref_slice %arg6[%arg0, %dma_start3A, %dma_start3A_33] : memref<2x5000x128xf32, #tpu.memory_space<hbm>> -> memref<1x8x128xf32, #tpu.memory_space<hbm>>
        %dma_start3A_35 = tpu.memref_squeeze %dma_start3A_34 : memref<1x8x128xf32, #tpu.memory_space<hbm>> -> memref<8x128xf32, #tpu.memory_space<hbm>>
        %dma_start3A_36 = arith.constant 4992 : i32
        %dma_start3A_37 = arith.constant 0 : i32
        %dma_start3A_38 = tpu.memref_slice %arg11[%dma_start3A_36, %dma_start3A_37] : memref<5096x128xf32, #tpu.memory_space<vmem_shared>> -> memref<8x128xf32, #tpu.memory_space<vmem_shared>>
        tpu.enqueue_dma source(%dma_start3A_38 : memref<8x128xf32, #tpu.memory_space<vmem_shared>>) target(%dma_start3A_35 : memref<8x128xf32, #tpu.memory_space<hbm>>) target_semaphore(%run_scoped3A : memref<!tpu.dma_semaphore, #tpu.memory_space<semaphore_mem>>)
        %dma_wait3A = arith.constant 4992 : i32
        %dma_wait3A_39 = arith.constant 0 : i32
        %dma_wait3A_40 = tpu.memref_slice %arg6[%arg0, %dma_wait3A, %dma_wait3A_39] : memref<2x5000x128xf32, #tpu.memory_space<hbm>> -> memref<1x8x128xf32, #tpu.memory_space<hbm>>
        %dma_wait3A_41 = tpu.memref_squeeze %dma_wait3A_40 : memref<1x8x128xf32, #tpu.memory_space<hbm>> -> memref<8x128xf32, #tpu.memory_space<hbm>>
        %dma_wait3A_42 = arith.constant 4992 : i32
        %dma_wait3A_43 = arith.constant 0 : i32
        %dma_wait3A_44 = tpu.memref_slice %arg11[%dma_wait3A_42, %dma_wait3A_43] : memref<5096x128xf32, #tpu.memory_space<vmem_shared>> -> memref<8x128xf32, #tpu.memory_space<vmem_shared>>
        tpu.wait_dma2 semaphore(%run_scoped3A : memref<!tpu.dma_semaphore, #tpu.memory_space<semaphore_mem>>) src(%dma_wait3A_44 : memref<8x128xf32, #tpu.memory_space<vmem_shared>>) dst(%dma_wait3A_41 : memref<8x128xf32, #tpu.memory_space<hbm>>)
        tpu.yield
      }) : () -> ()
    } else {
    }
    return
  }
}

module attributes {stable_mosaic.version = 14 : i64} {
  func.func @_lstm_body(%arg0: i32, %arg1: memref<1000x24xf32, #tpu.memory_space<vmem>>, %arg2: memref<2x512xf32, #tpu.memory_space<vmem>>, %arg3: memref<128x512xf32, #tpu.memory_space<vmem>>, %arg4: memref<1x512xf32, #tpu.memory_space<vmem>>, %arg5: memref<1x512xf32, #tpu.memory_space<vmem>>, %arg6: memref<128x512xf32, #tpu.memory_space<vmem>>, %arg7: memref<128x512xf32, #tpu.memory_space<vmem>>, %arg8: memref<1x512xf32, #tpu.memory_space<vmem>>, %arg9: memref<1x512xf32, #tpu.memory_space<vmem>>, %arg10: memref<1000x128xf32, #tpu.memory_space<vmem>>) attributes {dimension_semantics = [#tpu.dimension_semantics<arbitrary>], iteration_bounds = array<i64: 10>, scalar_prefetch = 0 : i64, scratch_operands = 0 : i64, tpu.core_type = #tpu.core_type<tc>, window_params = [{transform_indices = @transform_0, window_bounds = array<i64: 1000, 24>}, {pipeline_mode = #tpu.pipeline_mode<synchronous>, transform_indices = @transform_1, window_bounds = array<i64: 2, 512>}, {pipeline_mode = #tpu.pipeline_mode<synchronous>, transform_indices = @transform_2, window_bounds = array<i64: 128, 512>}, {pipeline_mode = #tpu.pipeline_mode<synchronous>, transform_indices = @transform_3, window_bounds = array<i64: 1, 512>}, {pipeline_mode = #tpu.pipeline_mode<synchronous>, transform_indices = @transform_4, window_bounds = array<i64: 1, 512>}, {pipeline_mode = #tpu.pipeline_mode<synchronous>, transform_indices = @transform_5, window_bounds = array<i64: 128, 512>}, {pipeline_mode = #tpu.pipeline_mode<synchronous>, transform_indices = @transform_6, window_bounds = array<i64: 128, 512>}, {pipeline_mode = #tpu.pipeline_mode<synchronous>, transform_indices = @transform_7, window_bounds = array<i64: 1, 512>}, {pipeline_mode = #tpu.pipeline_mode<synchronous>, transform_indices = @transform_8, window_bounds = array<i64: 1, 512>}, {transform_indices = @transform_9, window_bounds = array<i64: 1000, 128>}]} {
    %get3A = arith.constant 0 : index
    %get3A_0 = arith.constant 0 : index
    %get3A_1 = vector.load %arg4[%get3A, %get3A_0] : memref<1x512xf32, #tpu.memory_space<vmem>>, vector<1x512xf32>
    %get3A_2 = arith.constant 0 : index
    %get3A_3 = arith.constant 0 : index
    %get3A_4 = vector.load %arg5[%get3A_2, %get3A_3] : memref<1x512xf32, #tpu.memory_space<vmem>>, vector<1x512xf32>
    %add3A = arith.addf %get3A_1, %get3A_4 : vector<1x512xf32>
    %get3A_5 = arith.constant 0 : index
    %get3A_6 = arith.constant 0 : index
    %get3A_7 = vector.load %arg8[%get3A_5, %get3A_6] : memref<1x512xf32, #tpu.memory_space<vmem>>, vector<1x512xf32>
    %get3A_8 = arith.constant 0 : index
    %get3A_9 = arith.constant 0 : index
    %get3A_10 = vector.load %arg9[%get3A_8, %get3A_9] : memref<1x512xf32, #tpu.memory_space<vmem>>, vector<1x512xf32>
    %add3A_11 = arith.addf %get3A_7, %get3A_10 : vector<1x512xf32>
    %broadcast_in_dim3A = arith.constant 0.000000e+00 : f32
    %broadcast_in_dim3A_12 = vector.broadcast %broadcast_in_dim3A : f32 to vector<1000x128xf32>
    %broadcast_in_dim3A_13 = arith.constant 0.000000e+00 : f32
    %broadcast_in_dim3A_14 = vector.broadcast %broadcast_in_dim3A_13 : f32 to vector<1000x128xf32>
    %broadcast_in_dim3A_15 = arith.constant 0.000000e+00 : f32
    %broadcast_in_dim3A_16 = vector.broadcast %broadcast_in_dim3A_15 : f32 to vector<1000x128xf32>
    %broadcast_in_dim3A_17 = arith.constant 0.000000e+00 : f32
    %broadcast_in_dim3A_18 = vector.broadcast %broadcast_in_dim3A_17 : f32 to vector<1000x128xf32>
    %get3A_19 = arith.constant 0 : index
    %get3A_20 = arith.constant 0 : index
    %get3A_21 = vector.load %arg1[%get3A_19, %get3A_20] : memref<1000x24xf32, #tpu.memory_space<vmem>>, vector<1000x2xf32>
    %get3A_22 = arith.constant 0 : index
    %get3A_23 = arith.constant 0 : index
    %get3A_24 = vector.load %arg2[%get3A_22, %get3A_23] : memref<2x512xf32, #tpu.memory_space<vmem>>, vector<2x512xf32>
    %convert_element_type3A = arith.truncf %get3A_21 : vector<1000x2xf32> to vector<1000x2xbf16>
    %convert_element_type3A_25 = arith.truncf %get3A_24 : vector<2x512xf32> to vector<2x512xbf16>
    %dot_general3A = arith.constant dense<0.000000e+00> : vector<1000x512xf32>
    %dot_general3A_26 = tpu.matmul %convert_element_type3A, %convert_element_type3A_25, %dot_general3A {dimension_numbers = #tpu.dot_dimension_numbers<[1], [0], [0], [1], [0, 0, 1, 1], [], []>, transpose_lhs_hint = false} : vector<1000x2xbf16>, vector<2x512xbf16>, vector<1000x512xf32> -> vector<1000x512xf32>
    %get3A_27 = arith.constant 0 : index
    %get3A_28 = arith.constant 0 : index
    %get3A_29 = vector.load %arg3[%get3A_27, %get3A_28] : memref<128x512xf32, #tpu.memory_space<vmem>>, vector<128x512xf32>
    %convert_element_type3A_30 = arith.truncf %broadcast_in_dim3A_12 : vector<1000x128xf32> to vector<1000x128xbf16>
    %convert_element_type3A_31 = arith.truncf %get3A_29 : vector<128x512xf32> to vector<128x512xbf16>
    %dot_general3A_32 = arith.constant dense<0.000000e+00> : vector<1000x512xf32>
    %dot_general3A_33 = tpu.matmul %convert_element_type3A_30, %convert_element_type3A_31, %dot_general3A_32 {dimension_numbers = #tpu.dot_dimension_numbers<[1], [0], [0], [1], [0, 0, 1, 1], [], []>, transpose_lhs_hint = false} : vector<1000x128xbf16>, vector<128x512xbf16>, vector<1000x512xf32> -> vector<1000x512xf32>
    %add3A_34 = arith.addf %dot_general3A_26, %dot_general3A_33 : vector<1000x512xf32>
    %add3A_35 = vector.broadcast %add3A : vector<1x512xf32> to vector<1000x512xf32>
    %add3A_36 = arith.addf %add3A_34, %add3A_35 : vector<1000x512xf32>
    %slice3A = vector.extract_strided_slice %add3A_36 {offsets = [0, 0], sizes = [1000, 128], strides = [1, 1]} : vector<1000x512xf32> to vector<1000x128xf32>
    %neg3A = arith.constant 0.000000e+00 : f32
    %neg3A_37 = vector.broadcast %neg3A : f32 to vector<1000x128xf32>
    %neg3A_38 = arith.subf %neg3A_37, %slice3A : vector<1000x128xf32>
    %exp3A = math.exp %neg3A_38 : vector<1000x128xf32>
    %add3A_39 = arith.constant 1.000000e+00 : f32
    %add3A_40 = vector.broadcast %add3A_39 : f32 to vector<1000x128xf32>
    %add3A_41 = arith.addf %add3A_40, %exp3A : vector<1000x128xf32>
    %div3A = arith.constant 1.000000e+00 : f32
    %div3A_42 = vector.broadcast %div3A : f32 to vector<1000x128xf32>
    %div3A_43 = arith.divf %div3A_42, %add3A_41 : vector<1000x128xf32>
    %slice3A_44 = vector.extract_strided_slice %add3A_36 {offsets = [0, 128], sizes = [1000, 128], strides = [1, 1]} : vector<1000x512xf32> to vector<1000x128xf32>
    %neg3A_45 = arith.constant 0.000000e+00 : f32
    %neg3A_46 = vector.broadcast %neg3A_45 : f32 to vector<1000x128xf32>
    %neg3A_47 = arith.subf %neg3A_46, %slice3A_44 : vector<1000x128xf32>
    %exp3A_48 = math.exp %neg3A_47 : vector<1000x128xf32>
    %add3A_49 = arith.constant 1.000000e+00 : f32
    %add3A_50 = vector.broadcast %add3A_49 : f32 to vector<1000x128xf32>
    %add3A_51 = arith.addf %add3A_50, %exp3A_48 : vector<1000x128xf32>
    %div3A_52 = arith.constant 1.000000e+00 : f32
    %div3A_53 = vector.broadcast %div3A_52 : f32 to vector<1000x128xf32>
    %div3A_54 = arith.divf %div3A_53, %add3A_51 : vector<1000x128xf32>
    %slice3A_55 = vector.extract_strided_slice %add3A_36 {offsets = [0, 256], sizes = [1000, 128], strides = [1, 1]} : vector<1000x512xf32> to vector<1000x128xf32>
    %tanh3A = math.tanh %slice3A_55 : vector<1000x128xf32>
    %slice3A_56 = vector.extract_strided_slice %add3A_36 {offsets = [0, 384], sizes = [1000, 128], strides = [1, 1]} : vector<1000x512xf32> to vector<1000x128xf32>
    %neg3A_57 = arith.constant 0.000000e+00 : f32
    %neg3A_58 = vector.broadcast %neg3A_57 : f32 to vector<1000x128xf32>
    %neg3A_59 = arith.subf %neg3A_58, %slice3A_56 : vector<1000x128xf32>
    %exp3A_60 = math.exp %neg3A_59 : vector<1000x128xf32>
    %add3A_61 = arith.constant 1.000000e+00 : f32
    %add3A_62 = vector.broadcast %add3A_61 : f32 to vector<1000x128xf32>
    %add3A_63 = arith.addf %add3A_62, %exp3A_60 : vector<1000x128xf32>
    %div3A_64 = arith.constant 1.000000e+00 : f32
    %div3A_65 = vector.broadcast %div3A_64 : f32 to vector<1000x128xf32>
    %div3A_66 = arith.divf %div3A_65, %add3A_63 : vector<1000x128xf32>
    %mul3A = arith.mulf %div3A_54, %broadcast_in_dim3A_14 : vector<1000x128xf32>
    %mul3A_67 = arith.mulf %div3A_43, %tanh3A : vector<1000x128xf32>
    %add3A_68 = arith.addf %mul3A, %mul3A_67 : vector<1000x128xf32>
    %tanh3A_69 = math.tanh %add3A_68 : vector<1000x128xf32>
    %mul3A_70 = arith.mulf %div3A_66, %tanh3A_69 : vector<1000x128xf32>
    %get3A_71 = arith.constant 0 : index
    %get3A_72 = arith.constant 0 : index
    %get3A_73 = vector.load %arg6[%get3A_71, %get3A_72] : memref<128x512xf32, #tpu.memory_space<vmem>>, vector<128x512xf32>
    %convert_element_type3A_74 = arith.truncf %mul3A_70 : vector<1000x128xf32> to vector<1000x128xbf16>
    %convert_element_type3A_75 = arith.truncf %get3A_73 : vector<128x512xf32> to vector<128x512xbf16>
    %dot_general3A_76 = arith.constant dense<0.000000e+00> : vector<1000x512xf32>
    %dot_general3A_77 = tpu.matmul %convert_element_type3A_74, %convert_element_type3A_75, %dot_general3A_76 {dimension_numbers = #tpu.dot_dimension_numbers<[1], [0], [0], [1], [0, 0, 1, 1], [], []>, transpose_lhs_hint = false} : vector<1000x128xbf16>, vector<128x512xbf16>, vector<1000x512xf32> -> vector<1000x512xf32>
    %get3A_78 = arith.constant 0 : index
    %get3A_79 = arith.constant 0 : index
    %get3A_80 = vector.load %arg7[%get3A_78, %get3A_79] : memref<128x512xf32, #tpu.memory_space<vmem>>, vector<128x512xf32>
    %convert_element_type3A_81 = arith.truncf %broadcast_in_dim3A_16 : vector<1000x128xf32> to vector<1000x128xbf16>
    %convert_element_type3A_82 = arith.truncf %get3A_80 : vector<128x512xf32> to vector<128x512xbf16>
    %dot_general3A_83 = arith.constant dense<0.000000e+00> : vector<1000x512xf32>
    %dot_general3A_84 = tpu.matmul %convert_element_type3A_81, %convert_element_type3A_82, %dot_general3A_83 {dimension_numbers = #tpu.dot_dimension_numbers<[1], [0], [0], [1], [0, 0, 1, 1], [], []>, transpose_lhs_hint = false} : vector<1000x128xbf16>, vector<128x512xbf16>, vector<1000x512xf32> -> vector<1000x512xf32>
    %add3A_85 = arith.addf %dot_general3A_77, %dot_general3A_84 : vector<1000x512xf32>
    %add3A_86 = vector.broadcast %add3A_11 : vector<1x512xf32> to vector<1000x512xf32>
    %add3A_87 = arith.addf %add3A_85, %add3A_86 : vector<1000x512xf32>
    %slice3A_88 = vector.extract_strided_slice %add3A_87 {offsets = [0, 0], sizes = [1000, 128], strides = [1, 1]} : vector<1000x512xf32> to vector<1000x128xf32>
    %neg3A_89 = arith.constant 0.000000e+00 : f32
    %neg3A_90 = vector.broadcast %neg3A_89 : f32 to vector<1000x128xf32>
    %neg3A_91 = arith.subf %neg3A_90, %slice3A_88 : vector<1000x128xf32>
    %exp3A_92 = math.exp %neg3A_91 : vector<1000x128xf32>
    %add3A_93 = arith.constant 1.000000e+00 : f32
    %add3A_94 = vector.broadcast %add3A_93 : f32 to vector<1000x128xf32>
    %add3A_95 = arith.addf %add3A_94, %exp3A_92 : vector<1000x128xf32>
    %div3A_96 = arith.constant 1.000000e+00 : f32
    %div3A_97 = vector.broadcast %div3A_96 : f32 to vector<1000x128xf32>
    %div3A_98 = arith.divf %div3A_97, %add3A_95 : vector<1000x128xf32>
    %slice3A_99 = vector.extract_strided_slice %add3A_87 {offsets = [0, 128], sizes = [1000, 128], strides = [1, 1]} : vector<1000x512xf32> to vector<1000x128xf32>
    %neg3A_100 = arith.constant 0.000000e+00 : f32
    %neg3A_101 = vector.broadcast %neg3A_100 : f32 to vector<1000x128xf32>
    %neg3A_102 = arith.subf %neg3A_101, %slice3A_99 : vector<1000x128xf32>
    %exp3A_103 = math.exp %neg3A_102 : vector<1000x128xf32>
    %add3A_104 = arith.constant 1.000000e+00 : f32
    %add3A_105 = vector.broadcast %add3A_104 : f32 to vector<1000x128xf32>
    %add3A_106 = arith.addf %add3A_105, %exp3A_103 : vector<1000x128xf32>
    %div3A_107 = arith.constant 1.000000e+00 : f32
    %div3A_108 = vector.broadcast %div3A_107 : f32 to vector<1000x128xf32>
    %div3A_109 = arith.divf %div3A_108, %add3A_106 : vector<1000x128xf32>
    %slice3A_110 = vector.extract_strided_slice %add3A_87 {offsets = [0, 256], sizes = [1000, 128], strides = [1, 1]} : vector<1000x512xf32> to vector<1000x128xf32>
    %tanh3A_111 = math.tanh %slice3A_110 : vector<1000x128xf32>
    %slice3A_112 = vector.extract_strided_slice %add3A_87 {offsets = [0, 384], sizes = [1000, 128], strides = [1, 1]} : vector<1000x512xf32> to vector<1000x128xf32>
    %neg3A_113 = arith.constant 0.000000e+00 : f32
    %neg3A_114 = vector.broadcast %neg3A_113 : f32 to vector<1000x128xf32>
    %neg3A_115 = arith.subf %neg3A_114, %slice3A_112 : vector<1000x128xf32>
    %exp3A_116 = math.exp %neg3A_115 : vector<1000x128xf32>
    %add3A_117 = arith.constant 1.000000e+00 : f32
    %add3A_118 = vector.broadcast %add3A_117 : f32 to vector<1000x128xf32>
    %add3A_119 = arith.addf %add3A_118, %exp3A_116 : vector<1000x128xf32>
    %div3A_120 = arith.constant 1.000000e+00 : f32
    %div3A_121 = vector.broadcast %div3A_120 : f32 to vector<1000x128xf32>
    %div3A_122 = arith.divf %div3A_121, %add3A_119 : vector<1000x128xf32>
    %mul3A_123 = arith.mulf %div3A_109, %broadcast_in_dim3A_18 : vector<1000x128xf32>
    %mul3A_124 = arith.mulf %div3A_98, %tanh3A_111 : vector<1000x128xf32>
    %add3A_125 = arith.addf %mul3A_123, %mul3A_124 : vector<1000x128xf32>
    %tanh3A_126 = math.tanh %add3A_125 : vector<1000x128xf32>
    %mul3A_127 = arith.mulf %div3A_122, %tanh3A_126 : vector<1000x128xf32>
    %get3A_128 = arith.constant 0 : index
    %get3A_129 = arith.constant 2 : index
    %get3A_130 = vector.load %arg1[%get3A_128, %get3A_129] : memref<1000x24xf32, #tpu.memory_space<vmem>>, vector<1000x2xf32>
    %get3A_131 = arith.constant 0 : index
    %get3A_132 = arith.constant 0 : index
    %get3A_133 = vector.load %arg2[%get3A_131, %get3A_132] : memref<2x512xf32, #tpu.memory_space<vmem>>, vector<2x512xf32>
    %convert_element_type3A_134 = arith.truncf %get3A_130 : vector<1000x2xf32> to vector<1000x2xbf16>
    %convert_element_type3A_135 = arith.truncf %get3A_133 : vector<2x512xf32> to vector<2x512xbf16>
    %dot_general3A_136 = arith.constant dense<0.000000e+00> : vector<1000x512xf32>
    %dot_general3A_137 = tpu.matmul %convert_element_type3A_134, %convert_element_type3A_135, %dot_general3A_136 {dimension_numbers = #tpu.dot_dimension_numbers<[1], [0], [0], [1], [0, 0, 1, 1], [], []>, transpose_lhs_hint = false} : vector<1000x2xbf16>, vector<2x512xbf16>, vector<1000x512xf32> -> vector<1000x512xf32>
    %get3A_138 = arith.constant 0 : index
    %get3A_139 = arith.constant 0 : index
    %get3A_140 = vector.load %arg3[%get3A_138, %get3A_139] : memref<128x512xf32, #tpu.memory_space<vmem>>, vector<128x512xf32>
    %convert_element_type3A_141 = arith.truncf %mul3A_70 : vector<1000x128xf32> to vector<1000x128xbf16>
    %convert_element_type3A_142 = arith.truncf %get3A_140 : vector<128x512xf32> to vector<128x512xbf16>
    %dot_general3A_143 = arith.constant dense<0.000000e+00> : vector<1000x512xf32>
    %dot_general3A_144 = tpu.matmul %convert_element_type3A_141, %convert_element_type3A_142, %dot_general3A_143 {dimension_numbers = #tpu.dot_dimension_numbers<[1], [0], [0], [1], [0, 0, 1, 1], [], []>, transpose_lhs_hint = false} : vector<1000x128xbf16>, vector<128x512xbf16>, vector<1000x512xf32> -> vector<1000x512xf32>
    %add3A_145 = arith.addf %dot_general3A_137, %dot_general3A_144 : vector<1000x512xf32>
    %add3A_146 = vector.broadcast %add3A : vector<1x512xf32> to vector<1000x512xf32>
    %add3A_147 = arith.addf %add3A_145, %add3A_146 : vector<1000x512xf32>
    %slice3A_148 = vector.extract_strided_slice %add3A_147 {offsets = [0, 0], sizes = [1000, 128], strides = [1, 1]} : vector<1000x512xf32> to vector<1000x128xf32>
    %neg3A_149 = arith.constant 0.000000e+00 : f32
    %neg3A_150 = vector.broadcast %neg3A_149 : f32 to vector<1000x128xf32>
    %neg3A_151 = arith.subf %neg3A_150, %slice3A_148 : vector<1000x128xf32>
    %exp3A_152 = math.exp %neg3A_151 : vector<1000x128xf32>
    %add3A_153 = arith.constant 1.000000e+00 : f32
    %add3A_154 = vector.broadcast %add3A_153 : f32 to vector<1000x128xf32>
    %add3A_155 = arith.addf %add3A_154, %exp3A_152 : vector<1000x128xf32>
    %div3A_156 = arith.constant 1.000000e+00 : f32
    %div3A_157 = vector.broadcast %div3A_156 : f32 to vector<1000x128xf32>
    %div3A_158 = arith.divf %div3A_157, %add3A_155 : vector<1000x128xf32>
    %slice3A_159 = vector.extract_strided_slice %add3A_147 {offsets = [0, 128], sizes = [1000, 128], strides = [1, 1]} : vector<1000x512xf32> to vector<1000x128xf32>
    %neg3A_160 = arith.constant 0.000000e+00 : f32
    %neg3A_161 = vector.broadcast %neg3A_160 : f32 to vector<1000x128xf32>
    %neg3A_162 = arith.subf %neg3A_161, %slice3A_159 : vector<1000x128xf32>
    %exp3A_163 = math.exp %neg3A_162 : vector<1000x128xf32>
    %add3A_164 = arith.constant 1.000000e+00 : f32
    %add3A_165 = vector.broadcast %add3A_164 : f32 to vector<1000x128xf32>
    %add3A_166 = arith.addf %add3A_165, %exp3A_163 : vector<1000x128xf32>
    %div3A_167 = arith.constant 1.000000e+00 : f32
    %div3A_168 = vector.broadcast %div3A_167 : f32 to vector<1000x128xf32>
    %div3A_169 = arith.divf %div3A_168, %add3A_166 : vector<1000x128xf32>
    %slice3A_170 = vector.extract_strided_slice %add3A_147 {offsets = [0, 256], sizes = [1000, 128], strides = [1, 1]} : vector<1000x512xf32> to vector<1000x128xf32>
    %tanh3A_171 = math.tanh %slice3A_170 : vector<1000x128xf32>
    %slice3A_172 = vector.extract_strided_slice %add3A_147 {offsets = [0, 384], sizes = [1000, 128], strides = [1, 1]} : vector<1000x512xf32> to vector<1000x128xf32>
    %neg3A_173 = arith.constant 0.000000e+00 : f32
    %neg3A_174 = vector.broadcast %neg3A_173 : f32 to vector<1000x128xf32>
    %neg3A_175 = arith.subf %neg3A_174, %slice3A_172 : vector<1000x128xf32>
    %exp3A_176 = math.exp %neg3A_175 : vector<1000x128xf32>
    %add3A_177 = arith.constant 1.000000e+00 : f32
    %add3A_178 = vector.broadcast %add3A_177 : f32 to vector<1000x128xf32>
    %add3A_179 = arith.addf %add3A_178, %exp3A_176 : vector<1000x128xf32>
    %div3A_180 = arith.constant 1.000000e+00 : f32
    %div3A_181 = vector.broadcast %div3A_180 : f32 to vector<1000x128xf32>
    %div3A_182 = arith.divf %div3A_181, %add3A_179 : vector<1000x128xf32>
    %mul3A_183 = arith.mulf %div3A_169, %add3A_68 : vector<1000x128xf32>
    %mul3A_184 = arith.mulf %div3A_158, %tanh3A_171 : vector<1000x128xf32>
    %add3A_185 = arith.addf %mul3A_183, %mul3A_184 : vector<1000x128xf32>
    %tanh3A_186 = math.tanh %add3A_185 : vector<1000x128xf32>
    %mul3A_187 = arith.mulf %div3A_182, %tanh3A_186 : vector<1000x128xf32>
    %get3A_188 = arith.constant 0 : index
    %get3A_189 = arith.constant 0 : index
    %get3A_190 = vector.load %arg6[%get3A_188, %get3A_189] : memref<128x512xf32, #tpu.memory_space<vmem>>, vector<128x512xf32>
    %convert_element_type3A_191 = arith.truncf %mul3A_187 : vector<1000x128xf32> to vector<1000x128xbf16>
    %convert_element_type3A_192 = arith.truncf %get3A_190 : vector<128x512xf32> to vector<128x512xbf16>
    %dot_general3A_193 = arith.constant dense<0.000000e+00> : vector<1000x512xf32>
    %dot_general3A_194 = tpu.matmul %convert_element_type3A_191, %convert_element_type3A_192, %dot_general3A_193 {dimension_numbers = #tpu.dot_dimension_numbers<[1], [0], [0], [1], [0, 0, 1, 1], [], []>, transpose_lhs_hint = false} : vector<1000x128xbf16>, vector<128x512xbf16>, vector<1000x512xf32> -> vector<1000x512xf32>
    %get3A_195 = arith.constant 0 : index
    %get3A_196 = arith.constant 0 : index
    %get3A_197 = vector.load %arg7[%get3A_195, %get3A_196] : memref<128x512xf32, #tpu.memory_space<vmem>>, vector<128x512xf32>
    %convert_element_type3A_198 = arith.truncf %mul3A_127 : vector<1000x128xf32> to vector<1000x128xbf16>
    %convert_element_type3A_199 = arith.truncf %get3A_197 : vector<128x512xf32> to vector<128x512xbf16>
    %dot_general3A_200 = arith.constant dense<0.000000e+00> : vector<1000x512xf32>
    %dot_general3A_201 = tpu.matmul %convert_element_type3A_198, %convert_element_type3A_199, %dot_general3A_200 {dimension_numbers = #tpu.dot_dimension_numbers<[1], [0], [0], [1], [0, 0, 1, 1], [], []>, transpose_lhs_hint = false} : vector<1000x128xbf16>, vector<128x512xbf16>, vector<1000x512xf32> -> vector<1000x512xf32>
    %add3A_202 = arith.addf %dot_general3A_194, %dot_general3A_201 : vector<1000x512xf32>
    %add3A_203 = vector.broadcast %add3A_11 : vector<1x512xf32> to vector<1000x512xf32>
    %add3A_204 = arith.addf %add3A_202, %add3A_203 : vector<1000x512xf32>
    %slice3A_205 = vector.extract_strided_slice %add3A_204 {offsets = [0, 0], sizes = [1000, 128], strides = [1, 1]} : vector<1000x512xf32> to vector<1000x128xf32>
    %neg3A_206 = arith.constant 0.000000e+00 : f32
    %neg3A_207 = vector.broadcast %neg3A_206 : f32 to vector<1000x128xf32>
    %neg3A_208 = arith.subf %neg3A_207, %slice3A_205 : vector<1000x128xf32>
    %exp3A_209 = math.exp %neg3A_208 : vector<1000x128xf32>
    %add3A_210 = arith.constant 1.000000e+00 : f32
    %add3A_211 = vector.broadcast %add3A_210 : f32 to vector<1000x128xf32>
    %add3A_212 = arith.addf %add3A_211, %exp3A_209 : vector<1000x128xf32>
    %div3A_213 = arith.constant 1.000000e+00 : f32
    %div3A_214 = vector.broadcast %div3A_213 : f32 to vector<1000x128xf32>
    %div3A_215 = arith.divf %div3A_214, %add3A_212 : vector<1000x128xf32>
    %slice3A_216 = vector.extract_strided_slice %add3A_204 {offsets = [0, 128], sizes = [1000, 128], strides = [1, 1]} : vector<1000x512xf32> to vector<1000x128xf32>
    %neg3A_217 = arith.constant 0.000000e+00 : f32
    %neg3A_218 = vector.broadcast %neg3A_217 : f32 to vector<1000x128xf32>
    %neg3A_219 = arith.subf %neg3A_218, %slice3A_216 : vector<1000x128xf32>
    %exp3A_220 = math.exp %neg3A_219 : vector<1000x128xf32>
    %add3A_221 = arith.constant 1.000000e+00 : f32
    %add3A_222 = vector.broadcast %add3A_221 : f32 to vector<1000x128xf32>
    %add3A_223 = arith.addf %add3A_222, %exp3A_220 : vector<1000x128xf32>
    %div3A_224 = arith.constant 1.000000e+00 : f32
    %div3A_225 = vector.broadcast %div3A_224 : f32 to vector<1000x128xf32>
    %div3A_226 = arith.divf %div3A_225, %add3A_223 : vector<1000x128xf32>
    %slice3A_227 = vector.extract_strided_slice %add3A_204 {offsets = [0, 256], sizes = [1000, 128], strides = [1, 1]} : vector<1000x512xf32> to vector<1000x128xf32>
    %tanh3A_228 = math.tanh %slice3A_227 : vector<1000x128xf32>
    %slice3A_229 = vector.extract_strided_slice %add3A_204 {offsets = [0, 384], sizes = [1000, 128], strides = [1, 1]} : vector<1000x512xf32> to vector<1000x128xf32>
    %neg3A_230 = arith.constant 0.000000e+00 : f32
    %neg3A_231 = vector.broadcast %neg3A_230 : f32 to vector<1000x128xf32>
    %neg3A_232 = arith.subf %neg3A_231, %slice3A_229 : vector<1000x128xf32>
    %exp3A_233 = math.exp %neg3A_232 : vector<1000x128xf32>
    %add3A_234 = arith.constant 1.000000e+00 : f32
    %add3A_235 = vector.broadcast %add3A_234 : f32 to vector<1000x128xf32>
    %add3A_236 = arith.addf %add3A_235, %exp3A_233 : vector<1000x128xf32>
    %div3A_237 = arith.constant 1.000000e+00 : f32
    %div3A_238 = vector.broadcast %div3A_237 : f32 to vector<1000x128xf32>
    %div3A_239 = arith.divf %div3A_238, %add3A_236 : vector<1000x128xf32>
    %mul3A_240 = arith.mulf %div3A_226, %add3A_125 : vector<1000x128xf32>
    %mul3A_241 = arith.mulf %div3A_215, %tanh3A_228 : vector<1000x128xf32>
    %add3A_242 = arith.addf %mul3A_240, %mul3A_241 : vector<1000x128xf32>
    %tanh3A_243 = math.tanh %add3A_242 : vector<1000x128xf32>
    %mul3A_244 = arith.mulf %div3A_239, %tanh3A_243 : vector<1000x128xf32>
    %get3A_245 = arith.constant 0 : index
    %get3A_246 = arith.constant 4 : index
    %get3A_247 = vector.load %arg1[%get3A_245, %get3A_246] : memref<1000x24xf32, #tpu.memory_space<vmem>>, vector<1000x2xf32>
    %get3A_248 = arith.constant 0 : index
    %get3A_249 = arith.constant 0 : index
    %get3A_250 = vector.load %arg2[%get3A_248, %get3A_249] : memref<2x512xf32, #tpu.memory_space<vmem>>, vector<2x512xf32>
    %convert_element_type3A_251 = arith.truncf %get3A_247 : vector<1000x2xf32> to vector<1000x2xbf16>
    %convert_element_type3A_252 = arith.truncf %get3A_250 : vector<2x512xf32> to vector<2x512xbf16>
    %dot_general3A_253 = arith.constant dense<0.000000e+00> : vector<1000x512xf32>
    %dot_general3A_254 = tpu.matmul %convert_element_type3A_251, %convert_element_type3A_252, %dot_general3A_253 {dimension_numbers = #tpu.dot_dimension_numbers<[1], [0], [0], [1], [0, 0, 1, 1], [], []>, transpose_lhs_hint = false} : vector<1000x2xbf16>, vector<2x512xbf16>, vector<1000x512xf32> -> vector<1000x512xf32>
    %get3A_255 = arith.constant 0 : index
    %get3A_256 = arith.constant 0 : index
    %get3A_257 = vector.load %arg3[%get3A_255, %get3A_256] : memref<128x512xf32, #tpu.memory_space<vmem>>, vector<128x512xf32>
    %convert_element_type3A_258 = arith.truncf %mul3A_187 : vector<1000x128xf32> to vector<1000x128xbf16>
    %convert_element_type3A_259 = arith.truncf %get3A_257 : vector<128x512xf32> to vector<128x512xbf16>
    %dot_general3A_260 = arith.constant dense<0.000000e+00> : vector<1000x512xf32>
    %dot_general3A_261 = tpu.matmul %convert_element_type3A_258, %convert_element_type3A_259, %dot_general3A_260 {dimension_numbers = #tpu.dot_dimension_numbers<[1], [0], [0], [1], [0, 0, 1, 1], [], []>, transpose_lhs_hint = false} : vector<1000x128xbf16>, vector<128x512xbf16>, vector<1000x512xf32> -> vector<1000x512xf32>
    %add3A_262 = arith.addf %dot_general3A_254, %dot_general3A_261 : vector<1000x512xf32>
    %add3A_263 = vector.broadcast %add3A : vector<1x512xf32> to vector<1000x512xf32>
    %add3A_264 = arith.addf %add3A_262, %add3A_263 : vector<1000x512xf32>
    %slice3A_265 = vector.extract_strided_slice %add3A_264 {offsets = [0, 0], sizes = [1000, 128], strides = [1, 1]} : vector<1000x512xf32> to vector<1000x128xf32>
    %neg3A_266 = arith.constant 0.000000e+00 : f32
    %neg3A_267 = vector.broadcast %neg3A_266 : f32 to vector<1000x128xf32>
    %neg3A_268 = arith.subf %neg3A_267, %slice3A_265 : vector<1000x128xf32>
    %exp3A_269 = math.exp %neg3A_268 : vector<1000x128xf32>
    %add3A_270 = arith.constant 1.000000e+00 : f32
    %add3A_271 = vector.broadcast %add3A_270 : f32 to vector<1000x128xf32>
    %add3A_272 = arith.addf %add3A_271, %exp3A_269 : vector<1000x128xf32>
    %div3A_273 = arith.constant 1.000000e+00 : f32
    %div3A_274 = vector.broadcast %div3A_273 : f32 to vector<1000x128xf32>
    %div3A_275 = arith.divf %div3A_274, %add3A_272 : vector<1000x128xf32>
    %slice3A_276 = vector.extract_strided_slice %add3A_264 {offsets = [0, 128], sizes = [1000, 128], strides = [1, 1]} : vector<1000x512xf32> to vector<1000x128xf32>
    %neg3A_277 = arith.constant 0.000000e+00 : f32
    %neg3A_278 = vector.broadcast %neg3A_277 : f32 to vector<1000x128xf32>
    %neg3A_279 = arith.subf %neg3A_278, %slice3A_276 : vector<1000x128xf32>
    %exp3A_280 = math.exp %neg3A_279 : vector<1000x128xf32>
    %add3A_281 = arith.constant 1.000000e+00 : f32
    %add3A_282 = vector.broadcast %add3A_281 : f32 to vector<1000x128xf32>
    %add3A_283 = arith.addf %add3A_282, %exp3A_280 : vector<1000x128xf32>
    %div3A_284 = arith.constant 1.000000e+00 : f32
    %div3A_285 = vector.broadcast %div3A_284 : f32 to vector<1000x128xf32>
    %div3A_286 = arith.divf %div3A_285, %add3A_283 : vector<1000x128xf32>
    %slice3A_287 = vector.extract_strided_slice %add3A_264 {offsets = [0, 256], sizes = [1000, 128], strides = [1, 1]} : vector<1000x512xf32> to vector<1000x128xf32>
    %tanh3A_288 = math.tanh %slice3A_287 : vector<1000x128xf32>
    %slice3A_289 = vector.extract_strided_slice %add3A_264 {offsets = [0, 384], sizes = [1000, 128], strides = [1, 1]} : vector<1000x512xf32> to vector<1000x128xf32>
    %neg3A_290 = arith.constant 0.000000e+00 : f32
    %neg3A_291 = vector.broadcast %neg3A_290 : f32 to vector<1000x128xf32>
    %neg3A_292 = arith.subf %neg3A_291, %slice3A_289 : vector<1000x128xf32>
    %exp3A_293 = math.exp %neg3A_292 : vector<1000x128xf32>
    %add3A_294 = arith.constant 1.000000e+00 : f32
    %add3A_295 = vector.broadcast %add3A_294 : f32 to vector<1000x128xf32>
    %add3A_296 = arith.addf %add3A_295, %exp3A_293 : vector<1000x128xf32>
    %div3A_297 = arith.constant 1.000000e+00 : f32
    %div3A_298 = vector.broadcast %div3A_297 : f32 to vector<1000x128xf32>
    %div3A_299 = arith.divf %div3A_298, %add3A_296 : vector<1000x128xf32>
    %mul3A_300 = arith.mulf %div3A_286, %add3A_185 : vector<1000x128xf32>
    %mul3A_301 = arith.mulf %div3A_275, %tanh3A_288 : vector<1000x128xf32>
    %add3A_302 = arith.addf %mul3A_300, %mul3A_301 : vector<1000x128xf32>
    %tanh3A_303 = math.tanh %add3A_302 : vector<1000x128xf32>
    %mul3A_304 = arith.mulf %div3A_299, %tanh3A_303 : vector<1000x128xf32>
    %get3A_305 = arith.constant 0 : index
    %get3A_306 = arith.constant 0 : index
    %get3A_307 = vector.load %arg6[%get3A_305, %get3A_306] : memref<128x512xf32, #tpu.memory_space<vmem>>, vector<128x512xf32>
    %convert_element_type3A_308 = arith.truncf %mul3A_304 : vector<1000x128xf32> to vector<1000x128xbf16>
    %convert_element_type3A_309 = arith.truncf %get3A_307 : vector<128x512xf32> to vector<128x512xbf16>
    %dot_general3A_310 = arith.constant dense<0.000000e+00> : vector<1000x512xf32>
    %dot_general3A_311 = tpu.matmul %convert_element_type3A_308, %convert_element_type3A_309, %dot_general3A_310 {dimension_numbers = #tpu.dot_dimension_numbers<[1], [0], [0], [1], [0, 0, 1, 1], [], []>, transpose_lhs_hint = false} : vector<1000x128xbf16>, vector<128x512xbf16>, vector<1000x512xf32> -> vector<1000x512xf32>
    %get3A_312 = arith.constant 0 : index
    %get3A_313 = arith.constant 0 : index
    %get3A_314 = vector.load %arg7[%get3A_312, %get3A_313] : memref<128x512xf32, #tpu.memory_space<vmem>>, vector<128x512xf32>
    %convert_element_type3A_315 = arith.truncf %mul3A_244 : vector<1000x128xf32> to vector<1000x128xbf16>
    %convert_element_type3A_316 = arith.truncf %get3A_314 : vector<128x512xf32> to vector<128x512xbf16>
    %dot_general3A_317 = arith.constant dense<0.000000e+00> : vector<1000x512xf32>
    %dot_general3A_318 = tpu.matmul %convert_element_type3A_315, %convert_element_type3A_316, %dot_general3A_317 {dimension_numbers = #tpu.dot_dimension_numbers<[1], [0], [0], [1], [0, 0, 1, 1], [], []>, transpose_lhs_hint = false} : vector<1000x128xbf16>, vector<128x512xbf16>, vector<1000x512xf32> -> vector<1000x512xf32>
    %add3A_319 = arith.addf %dot_general3A_311, %dot_general3A_318 : vector<1000x512xf32>
    %add3A_320 = vector.broadcast %add3A_11 : vector<1x512xf32> to vector<1000x512xf32>
    %add3A_321 = arith.addf %add3A_319, %add3A_320 : vector<1000x512xf32>
    %slice3A_322 = vector.extract_strided_slice %add3A_321 {offsets = [0, 0], sizes = [1000, 128], strides = [1, 1]} : vector<1000x512xf32> to vector<1000x128xf32>
    %neg3A_323 = arith.constant 0.000000e+00 : f32
    %neg3A_324 = vector.broadcast %neg3A_323 : f32 to vector<1000x128xf32>
    %neg3A_325 = arith.subf %neg3A_324, %slice3A_322 : vector<1000x128xf32>
    %exp3A_326 = math.exp %neg3A_325 : vector<1000x128xf32>
    %add3A_327 = arith.constant 1.000000e+00 : f32
    %add3A_328 = vector.broadcast %add3A_327 : f32 to vector<1000x128xf32>
    %add3A_329 = arith.addf %add3A_328, %exp3A_326 : vector<1000x128xf32>
    %div3A_330 = arith.constant 1.000000e+00 : f32
    %div3A_331 = vector.broadcast %div3A_330 : f32 to vector<1000x128xf32>
    %div3A_332 = arith.divf %div3A_331, %add3A_329 : vector<1000x128xf32>
    %slice3A_333 = vector.extract_strided_slice %add3A_321 {offsets = [0, 128], sizes = [1000, 128], strides = [1, 1]} : vector<1000x512xf32> to vector<1000x128xf32>
    %neg3A_334 = arith.constant 0.000000e+00 : f32
    %neg3A_335 = vector.broadcast %neg3A_334 : f32 to vector<1000x128xf32>
    %neg3A_336 = arith.subf %neg3A_335, %slice3A_333 : vector<1000x128xf32>
    %exp3A_337 = math.exp %neg3A_336 : vector<1000x128xf32>
    %add3A_338 = arith.constant 1.000000e+00 : f32
    %add3A_339 = vector.broadcast %add3A_338 : f32 to vector<1000x128xf32>
    %add3A_340 = arith.addf %add3A_339, %exp3A_337 : vector<1000x128xf32>
    %div3A_341 = arith.constant 1.000000e+00 : f32
    %div3A_342 = vector.broadcast %div3A_341 : f32 to vector<1000x128xf32>
    %div3A_343 = arith.divf %div3A_342, %add3A_340 : vector<1000x128xf32>
    %slice3A_344 = vector.extract_strided_slice %add3A_321 {offsets = [0, 256], sizes = [1000, 128], strides = [1, 1]} : vector<1000x512xf32> to vector<1000x128xf32>
    %tanh3A_345 = math.tanh %slice3A_344 : vector<1000x128xf32>
    %slice3A_346 = vector.extract_strided_slice %add3A_321 {offsets = [0, 384], sizes = [1000, 128], strides = [1, 1]} : vector<1000x512xf32> to vector<1000x128xf32>
    %neg3A_347 = arith.constant 0.000000e+00 : f32
    %neg3A_348 = vector.broadcast %neg3A_347 : f32 to vector<1000x128xf32>
    %neg3A_349 = arith.subf %neg3A_348, %slice3A_346 : vector<1000x128xf32>
    %exp3A_350 = math.exp %neg3A_349 : vector<1000x128xf32>
    %add3A_351 = arith.constant 1.000000e+00 : f32
    %add3A_352 = vector.broadcast %add3A_351 : f32 to vector<1000x128xf32>
    %add3A_353 = arith.addf %add3A_352, %exp3A_350 : vector<1000x128xf32>
    %div3A_354 = arith.constant 1.000000e+00 : f32
    %div3A_355 = vector.broadcast %div3A_354 : f32 to vector<1000x128xf32>
    %div3A_356 = arith.divf %div3A_355, %add3A_353 : vector<1000x128xf32>
    %mul3A_357 = arith.mulf %div3A_343, %add3A_242 : vector<1000x128xf32>
    %mul3A_358 = arith.mulf %div3A_332, %tanh3A_345 : vector<1000x128xf32>
    %add3A_359 = arith.addf %mul3A_357, %mul3A_358 : vector<1000x128xf32>
    %tanh3A_360 = math.tanh %add3A_359 : vector<1000x128xf32>
    %mul3A_361 = arith.mulf %div3A_356, %tanh3A_360 : vector<1000x128xf32>
    %get3A_362 = arith.constant 0 : index
    %get3A_363 = arith.constant 6 : index
    %get3A_364 = vector.load %arg1[%get3A_362, %get3A_363] : memref<1000x24xf32, #tpu.memory_space<vmem>>, vector<1000x2xf32>
    %get3A_365 = arith.constant 0 : index
    %get3A_366 = arith.constant 0 : index
    %get3A_367 = vector.load %arg2[%get3A_365, %get3A_366] : memref<2x512xf32, #tpu.memory_space<vmem>>, vector<2x512xf32>
    %convert_element_type3A_368 = arith.truncf %get3A_364 : vector<1000x2xf32> to vector<1000x2xbf16>
    %convert_element_type3A_369 = arith.truncf %get3A_367 : vector<2x512xf32> to vector<2x512xbf16>
    %dot_general3A_370 = arith.constant dense<0.000000e+00> : vector<1000x512xf32>
    %dot_general3A_371 = tpu.matmul %convert_element_type3A_368, %convert_element_type3A_369, %dot_general3A_370 {dimension_numbers = #tpu.dot_dimension_numbers<[1], [0], [0], [1], [0, 0, 1, 1], [], []>, transpose_lhs_hint = false} : vector<1000x2xbf16>, vector<2x512xbf16>, vector<1000x512xf32> -> vector<1000x512xf32>
    %get3A_372 = arith.constant 0 : index
    %get3A_373 = arith.constant 0 : index
    %get3A_374 = vector.load %arg3[%get3A_372, %get3A_373] : memref<128x512xf32, #tpu.memory_space<vmem>>, vector<128x512xf32>
    %convert_element_type3A_375 = arith.truncf %mul3A_304 : vector<1000x128xf32> to vector<1000x128xbf16>
    %convert_element_type3A_376 = arith.truncf %get3A_374 : vector<128x512xf32> to vector<128x512xbf16>
    %dot_general3A_377 = arith.constant dense<0.000000e+00> : vector<1000x512xf32>
    %dot_general3A_378 = tpu.matmul %convert_element_type3A_375, %convert_element_type3A_376, %dot_general3A_377 {dimension_numbers = #tpu.dot_dimension_numbers<[1], [0], [0], [1], [0, 0, 1, 1], [], []>, transpose_lhs_hint = false} : vector<1000x128xbf16>, vector<128x512xbf16>, vector<1000x512xf32> -> vector<1000x512xf32>
    %add3A_379 = arith.addf %dot_general3A_371, %dot_general3A_378 : vector<1000x512xf32>
    %add3A_380 = vector.broadcast %add3A : vector<1x512xf32> to vector<1000x512xf32>
    %add3A_381 = arith.addf %add3A_379, %add3A_380 : vector<1000x512xf32>
    %slice3A_382 = vector.extract_strided_slice %add3A_381 {offsets = [0, 0], sizes = [1000, 128], strides = [1, 1]} : vector<1000x512xf32> to vector<1000x128xf32>
    %neg3A_383 = arith.constant 0.000000e+00 : f32
    %neg3A_384 = vector.broadcast %neg3A_383 : f32 to vector<1000x128xf32>
    %neg3A_385 = arith.subf %neg3A_384, %slice3A_382 : vector<1000x128xf32>
    %exp3A_386 = math.exp %neg3A_385 : vector<1000x128xf32>
    %add3A_387 = arith.constant 1.000000e+00 : f32
    %add3A_388 = vector.broadcast %add3A_387 : f32 to vector<1000x128xf32>
    %add3A_389 = arith.addf %add3A_388, %exp3A_386 : vector<1000x128xf32>
    %div3A_390 = arith.constant 1.000000e+00 : f32
    %div3A_391 = vector.broadcast %div3A_390 : f32 to vector<1000x128xf32>
    %div3A_392 = arith.divf %div3A_391, %add3A_389 : vector<1000x128xf32>
    %slice3A_393 = vector.extract_strided_slice %add3A_381 {offsets = [0, 128], sizes = [1000, 128], strides = [1, 1]} : vector<1000x512xf32> to vector<1000x128xf32>
    %neg3A_394 = arith.constant 0.000000e+00 : f32
    %neg3A_395 = vector.broadcast %neg3A_394 : f32 to vector<1000x128xf32>
    %neg3A_396 = arith.subf %neg3A_395, %slice3A_393 : vector<1000x128xf32>
    %exp3A_397 = math.exp %neg3A_396 : vector<1000x128xf32>
    %add3A_398 = arith.constant 1.000000e+00 : f32
    %add3A_399 = vector.broadcast %add3A_398 : f32 to vector<1000x128xf32>
    %add3A_400 = arith.addf %add3A_399, %exp3A_397 : vector<1000x128xf32>
    %div3A_401 = arith.constant 1.000000e+00 : f32
    %div3A_402 = vector.broadcast %div3A_401 : f32 to vector<1000x128xf32>
    %div3A_403 = arith.divf %div3A_402, %add3A_400 : vector<1000x128xf32>
    %slice3A_404 = vector.extract_strided_slice %add3A_381 {offsets = [0, 256], sizes = [1000, 128], strides = [1, 1]} : vector<1000x512xf32> to vector<1000x128xf32>
    %tanh3A_405 = math.tanh %slice3A_404 : vector<1000x128xf32>
    %slice3A_406 = vector.extract_strided_slice %add3A_381 {offsets = [0, 384], sizes = [1000, 128], strides = [1, 1]} : vector<1000x512xf32> to vector<1000x128xf32>
    %neg3A_407 = arith.constant 0.000000e+00 : f32
    %neg3A_408 = vector.broadcast %neg3A_407 : f32 to vector<1000x128xf32>
    %neg3A_409 = arith.subf %neg3A_408, %slice3A_406 : vector<1000x128xf32>
    %exp3A_410 = math.exp %neg3A_409 : vector<1000x128xf32>
    %add3A_411 = arith.constant 1.000000e+00 : f32
    %add3A_412 = vector.broadcast %add3A_411 : f32 to vector<1000x128xf32>
    %add3A_413 = arith.addf %add3A_412, %exp3A_410 : vector<1000x128xf32>
    %div3A_414 = arith.constant 1.000000e+00 : f32
    %div3A_415 = vector.broadcast %div3A_414 : f32 to vector<1000x128xf32>
    %div3A_416 = arith.divf %div3A_415, %add3A_413 : vector<1000x128xf32>
    %mul3A_417 = arith.mulf %div3A_403, %add3A_302 : vector<1000x128xf32>
    %mul3A_418 = arith.mulf %div3A_392, %tanh3A_405 : vector<1000x128xf32>
    %add3A_419 = arith.addf %mul3A_417, %mul3A_418 : vector<1000x128xf32>
    %tanh3A_420 = math.tanh %add3A_419 : vector<1000x128xf32>
    %mul3A_421 = arith.mulf %div3A_416, %tanh3A_420 : vector<1000x128xf32>
    %get3A_422 = arith.constant 0 : index
    %get3A_423 = arith.constant 0 : index
    %get3A_424 = vector.load %arg6[%get3A_422, %get3A_423] : memref<128x512xf32, #tpu.memory_space<vmem>>, vector<128x512xf32>
    %convert_element_type3A_425 = arith.truncf %mul3A_421 : vector<1000x128xf32> to vector<1000x128xbf16>
    %convert_element_type3A_426 = arith.truncf %get3A_424 : vector<128x512xf32> to vector<128x512xbf16>
    %dot_general3A_427 = arith.constant dense<0.000000e+00> : vector<1000x512xf32>
    %dot_general3A_428 = tpu.matmul %convert_element_type3A_425, %convert_element_type3A_426, %dot_general3A_427 {dimension_numbers = #tpu.dot_dimension_numbers<[1], [0], [0], [1], [0, 0, 1, 1], [], []>, transpose_lhs_hint = false} : vector<1000x128xbf16>, vector<128x512xbf16>, vector<1000x512xf32> -> vector<1000x512xf32>
    %get3A_429 = arith.constant 0 : index
    %get3A_430 = arith.constant 0 : index
    %get3A_431 = vector.load %arg7[%get3A_429, %get3A_430] : memref<128x512xf32, #tpu.memory_space<vmem>>, vector<128x512xf32>
    %convert_element_type3A_432 = arith.truncf %mul3A_361 : vector<1000x128xf32> to vector<1000x128xbf16>
    %convert_element_type3A_433 = arith.truncf %get3A_431 : vector<128x512xf32> to vector<128x512xbf16>
    %dot_general3A_434 = arith.constant dense<0.000000e+00> : vector<1000x512xf32>
    %dot_general3A_435 = tpu.matmul %convert_element_type3A_432, %convert_element_type3A_433, %dot_general3A_434 {dimension_numbers = #tpu.dot_dimension_numbers<[1], [0], [0], [1], [0, 0, 1, 1], [], []>, transpose_lhs_hint = false} : vector<1000x128xbf16>, vector<128x512xbf16>, vector<1000x512xf32> -> vector<1000x512xf32>
    %add3A_436 = arith.addf %dot_general3A_428, %dot_general3A_435 : vector<1000x512xf32>
    %add3A_437 = vector.broadcast %add3A_11 : vector<1x512xf32> to vector<1000x512xf32>
    %add3A_438 = arith.addf %add3A_436, %add3A_437 : vector<1000x512xf32>
    %slice3A_439 = vector.extract_strided_slice %add3A_438 {offsets = [0, 0], sizes = [1000, 128], strides = [1, 1]} : vector<1000x512xf32> to vector<1000x128xf32>
    %neg3A_440 = arith.constant 0.000000e+00 : f32
    %neg3A_441 = vector.broadcast %neg3A_440 : f32 to vector<1000x128xf32>
    %neg3A_442 = arith.subf %neg3A_441, %slice3A_439 : vector<1000x128xf32>
    %exp3A_443 = math.exp %neg3A_442 : vector<1000x128xf32>
    %add3A_444 = arith.constant 1.000000e+00 : f32
    %add3A_445 = vector.broadcast %add3A_444 : f32 to vector<1000x128xf32>
    %add3A_446 = arith.addf %add3A_445, %exp3A_443 : vector<1000x128xf32>
    %div3A_447 = arith.constant 1.000000e+00 : f32
    %div3A_448 = vector.broadcast %div3A_447 : f32 to vector<1000x128xf32>
    %div3A_449 = arith.divf %div3A_448, %add3A_446 : vector<1000x128xf32>
    %slice3A_450 = vector.extract_strided_slice %add3A_438 {offsets = [0, 128], sizes = [1000, 128], strides = [1, 1]} : vector<1000x512xf32> to vector<1000x128xf32>
    %neg3A_451 = arith.constant 0.000000e+00 : f32
    %neg3A_452 = vector.broadcast %neg3A_451 : f32 to vector<1000x128xf32>
    %neg3A_453 = arith.subf %neg3A_452, %slice3A_450 : vector<1000x128xf32>
    %exp3A_454 = math.exp %neg3A_453 : vector<1000x128xf32>
    %add3A_455 = arith.constant 1.000000e+00 : f32
    %add3A_456 = vector.broadcast %add3A_455 : f32 to vector<1000x128xf32>
    %add3A_457 = arith.addf %add3A_456, %exp3A_454 : vector<1000x128xf32>
    %div3A_458 = arith.constant 1.000000e+00 : f32
    %div3A_459 = vector.broadcast %div3A_458 : f32 to vector<1000x128xf32>
    %div3A_460 = arith.divf %div3A_459, %add3A_457 : vector<1000x128xf32>
    %slice3A_461 = vector.extract_strided_slice %add3A_438 {offsets = [0, 256], sizes = [1000, 128], strides = [1, 1]} : vector<1000x512xf32> to vector<1000x128xf32>
    %tanh3A_462 = math.tanh %slice3A_461 : vector<1000x128xf32>
    %slice3A_463 = vector.extract_strided_slice %add3A_438 {offsets = [0, 384], sizes = [1000, 128], strides = [1, 1]} : vector<1000x512xf32> to vector<1000x128xf32>
    %neg3A_464 = arith.constant 0.000000e+00 : f32
    %neg3A_465 = vector.broadcast %neg3A_464 : f32 to vector<1000x128xf32>
    %neg3A_466 = arith.subf %neg3A_465, %slice3A_463 : vector<1000x128xf32>
    %exp3A_467 = math.exp %neg3A_466 : vector<1000x128xf32>
    %add3A_468 = arith.constant 1.000000e+00 : f32
    %add3A_469 = vector.broadcast %add3A_468 : f32 to vector<1000x128xf32>
    %add3A_470 = arith.addf %add3A_469, %exp3A_467 : vector<1000x128xf32>
    %div3A_471 = arith.constant 1.000000e+00 : f32
    %div3A_472 = vector.broadcast %div3A_471 : f32 to vector<1000x128xf32>
    %div3A_473 = arith.divf %div3A_472, %add3A_470 : vector<1000x128xf32>
    %mul3A_474 = arith.mulf %div3A_460, %add3A_359 : vector<1000x128xf32>
    %mul3A_475 = arith.mulf %div3A_449, %tanh3A_462 : vector<1000x128xf32>
    %add3A_476 = arith.addf %mul3A_474, %mul3A_475 : vector<1000x128xf32>
    %tanh3A_477 = math.tanh %add3A_476 : vector<1000x128xf32>
    %mul3A_478 = arith.mulf %div3A_473, %tanh3A_477 : vector<1000x128xf32>
    %get3A_479 = arith.constant 0 : index
    %get3A_480 = arith.constant 8 : index
    %get3A_481 = vector.load %arg1[%get3A_479, %get3A_480] : memref<1000x24xf32, #tpu.memory_space<vmem>>, vector<1000x2xf32>
    %get3A_482 = arith.constant 0 : index
    %get3A_483 = arith.constant 0 : index
    %get3A_484 = vector.load %arg2[%get3A_482, %get3A_483] : memref<2x512xf32, #tpu.memory_space<vmem>>, vector<2x512xf32>
    %convert_element_type3A_485 = arith.truncf %get3A_481 : vector<1000x2xf32> to vector<1000x2xbf16>
    %convert_element_type3A_486 = arith.truncf %get3A_484 : vector<2x512xf32> to vector<2x512xbf16>
    %dot_general3A_487 = arith.constant dense<0.000000e+00> : vector<1000x512xf32>
    %dot_general3A_488 = tpu.matmul %convert_element_type3A_485, %convert_element_type3A_486, %dot_general3A_487 {dimension_numbers = #tpu.dot_dimension_numbers<[1], [0], [0], [1], [0, 0, 1, 1], [], []>, transpose_lhs_hint = false} : vector<1000x2xbf16>, vector<2x512xbf16>, vector<1000x512xf32> -> vector<1000x512xf32>
    %get3A_489 = arith.constant 0 : index
    %get3A_490 = arith.constant 0 : index
    %get3A_491 = vector.load %arg3[%get3A_489, %get3A_490] : memref<128x512xf32, #tpu.memory_space<vmem>>, vector<128x512xf32>
    %convert_element_type3A_492 = arith.truncf %mul3A_421 : vector<1000x128xf32> to vector<1000x128xbf16>
    %convert_element_type3A_493 = arith.truncf %get3A_491 : vector<128x512xf32> to vector<128x512xbf16>
    %dot_general3A_494 = arith.constant dense<0.000000e+00> : vector<1000x512xf32>
    %dot_general3A_495 = tpu.matmul %convert_element_type3A_492, %convert_element_type3A_493, %dot_general3A_494 {dimension_numbers = #tpu.dot_dimension_numbers<[1], [0], [0], [1], [0, 0, 1, 1], [], []>, transpose_lhs_hint = false} : vector<1000x128xbf16>, vector<128x512xbf16>, vector<1000x512xf32> -> vector<1000x512xf32>
    %add3A_496 = arith.addf %dot_general3A_488, %dot_general3A_495 : vector<1000x512xf32>
    %add3A_497 = vector.broadcast %add3A : vector<1x512xf32> to vector<1000x512xf32>
    %add3A_498 = arith.addf %add3A_496, %add3A_497 : vector<1000x512xf32>
    %slice3A_499 = vector.extract_strided_slice %add3A_498 {offsets = [0, 0], sizes = [1000, 128], strides = [1, 1]} : vector<1000x512xf32> to vector<1000x128xf32>
    %neg3A_500 = arith.constant 0.000000e+00 : f32
    %neg3A_501 = vector.broadcast %neg3A_500 : f32 to vector<1000x128xf32>
    %neg3A_502 = arith.subf %neg3A_501, %slice3A_499 : vector<1000x128xf32>
    %exp3A_503 = math.exp %neg3A_502 : vector<1000x128xf32>
    %add3A_504 = arith.constant 1.000000e+00 : f32
    %add3A_505 = vector.broadcast %add3A_504 : f32 to vector<1000x128xf32>
    %add3A_506 = arith.addf %add3A_505, %exp3A_503 : vector<1000x128xf32>
    %div3A_507 = arith.constant 1.000000e+00 : f32
    %div3A_508 = vector.broadcast %div3A_507 : f32 to vector<1000x128xf32>
    %div3A_509 = arith.divf %div3A_508, %add3A_506 : vector<1000x128xf32>
    %slice3A_510 = vector.extract_strided_slice %add3A_498 {offsets = [0, 128], sizes = [1000, 128], strides = [1, 1]} : vector<1000x512xf32> to vector<1000x128xf32>
    %neg3A_511 = arith.constant 0.000000e+00 : f32
    %neg3A_512 = vector.broadcast %neg3A_511 : f32 to vector<1000x128xf32>
    %neg3A_513 = arith.subf %neg3A_512, %slice3A_510 : vector<1000x128xf32>
    %exp3A_514 = math.exp %neg3A_513 : vector<1000x128xf32>
    %add3A_515 = arith.constant 1.000000e+00 : f32
    %add3A_516 = vector.broadcast %add3A_515 : f32 to vector<1000x128xf32>
    %add3A_517 = arith.addf %add3A_516, %exp3A_514 : vector<1000x128xf32>
    %div3A_518 = arith.constant 1.000000e+00 : f32
    %div3A_519 = vector.broadcast %div3A_518 : f32 to vector<1000x128xf32>
    %div3A_520 = arith.divf %div3A_519, %add3A_517 : vector<1000x128xf32>
    %slice3A_521 = vector.extract_strided_slice %add3A_498 {offsets = [0, 256], sizes = [1000, 128], strides = [1, 1]} : vector<1000x512xf32> to vector<1000x128xf32>
    %tanh3A_522 = math.tanh %slice3A_521 : vector<1000x128xf32>
    %slice3A_523 = vector.extract_strided_slice %add3A_498 {offsets = [0, 384], sizes = [1000, 128], strides = [1, 1]} : vector<1000x512xf32> to vector<1000x128xf32>
    %neg3A_524 = arith.constant 0.000000e+00 : f32
    %neg3A_525 = vector.broadcast %neg3A_524 : f32 to vector<1000x128xf32>
    %neg3A_526 = arith.subf %neg3A_525, %slice3A_523 : vector<1000x128xf32>
    %exp3A_527 = math.exp %neg3A_526 : vector<1000x128xf32>
    %add3A_528 = arith.constant 1.000000e+00 : f32
    %add3A_529 = vector.broadcast %add3A_528 : f32 to vector<1000x128xf32>
    %add3A_530 = arith.addf %add3A_529, %exp3A_527 : vector<1000x128xf32>
    %div3A_531 = arith.constant 1.000000e+00 : f32
    %div3A_532 = vector.broadcast %div3A_531 : f32 to vector<1000x128xf32>
    %div3A_533 = arith.divf %div3A_532, %add3A_530 : vector<1000x128xf32>
    %mul3A_534 = arith.mulf %div3A_520, %add3A_419 : vector<1000x128xf32>
    %mul3A_535 = arith.mulf %div3A_509, %tanh3A_522 : vector<1000x128xf32>
    %add3A_536 = arith.addf %mul3A_534, %mul3A_535 : vector<1000x128xf32>
    %tanh3A_537 = math.tanh %add3A_536 : vector<1000x128xf32>
    %mul3A_538 = arith.mulf %div3A_533, %tanh3A_537 : vector<1000x128xf32>
    %get3A_539 = arith.constant 0 : index
    %get3A_540 = arith.constant 0 : index
    %get3A_541 = vector.load %arg6[%get3A_539, %get3A_540] : memref<128x512xf32, #tpu.memory_space<vmem>>, vector<128x512xf32>
    %convert_element_type3A_542 = arith.truncf %mul3A_538 : vector<1000x128xf32> to vector<1000x128xbf16>
    %convert_element_type3A_543 = arith.truncf %get3A_541 : vector<128x512xf32> to vector<128x512xbf16>
    %dot_general3A_544 = arith.constant dense<0.000000e+00> : vector<1000x512xf32>
    %dot_general3A_545 = tpu.matmul %convert_element_type3A_542, %convert_element_type3A_543, %dot_general3A_544 {dimension_numbers = #tpu.dot_dimension_numbers<[1], [0], [0], [1], [0, 0, 1, 1], [], []>, transpose_lhs_hint = false} : vector<1000x128xbf16>, vector<128x512xbf16>, vector<1000x512xf32> -> vector<1000x512xf32>
    %get3A_546 = arith.constant 0 : index
    %get3A_547 = arith.constant 0 : index
    %get3A_548 = vector.load %arg7[%get3A_546, %get3A_547] : memref<128x512xf32, #tpu.memory_space<vmem>>, vector<128x512xf32>
    %convert_element_type3A_549 = arith.truncf %mul3A_478 : vector<1000x128xf32> to vector<1000x128xbf16>
    %convert_element_type3A_550 = arith.truncf %get3A_548 : vector<128x512xf32> to vector<128x512xbf16>
    %dot_general3A_551 = arith.constant dense<0.000000e+00> : vector<1000x512xf32>
    %dot_general3A_552 = tpu.matmul %convert_element_type3A_549, %convert_element_type3A_550, %dot_general3A_551 {dimension_numbers = #tpu.dot_dimension_numbers<[1], [0], [0], [1], [0, 0, 1, 1], [], []>, transpose_lhs_hint = false} : vector<1000x128xbf16>, vector<128x512xbf16>, vector<1000x512xf32> -> vector<1000x512xf32>
    %add3A_553 = arith.addf %dot_general3A_545, %dot_general3A_552 : vector<1000x512xf32>
    %add3A_554 = vector.broadcast %add3A_11 : vector<1x512xf32> to vector<1000x512xf32>
    %add3A_555 = arith.addf %add3A_553, %add3A_554 : vector<1000x512xf32>
    %slice3A_556 = vector.extract_strided_slice %add3A_555 {offsets = [0, 0], sizes = [1000, 128], strides = [1, 1]} : vector<1000x512xf32> to vector<1000x128xf32>
    %neg3A_557 = arith.constant 0.000000e+00 : f32
    %neg3A_558 = vector.broadcast %neg3A_557 : f32 to vector<1000x128xf32>
    %neg3A_559 = arith.subf %neg3A_558, %slice3A_556 : vector<1000x128xf32>
    %exp3A_560 = math.exp %neg3A_559 : vector<1000x128xf32>
    %add3A_561 = arith.constant 1.000000e+00 : f32
    %add3A_562 = vector.broadcast %add3A_561 : f32 to vector<1000x128xf32>
    %add3A_563 = arith.addf %add3A_562, %exp3A_560 : vector<1000x128xf32>
    %div3A_564 = arith.constant 1.000000e+00 : f32
    %div3A_565 = vector.broadcast %div3A_564 : f32 to vector<1000x128xf32>
    %div3A_566 = arith.divf %div3A_565, %add3A_563 : vector<1000x128xf32>
    %slice3A_567 = vector.extract_strided_slice %add3A_555 {offsets = [0, 128], sizes = [1000, 128], strides = [1, 1]} : vector<1000x512xf32> to vector<1000x128xf32>
    %neg3A_568 = arith.constant 0.000000e+00 : f32
    %neg3A_569 = vector.broadcast %neg3A_568 : f32 to vector<1000x128xf32>
    %neg3A_570 = arith.subf %neg3A_569, %slice3A_567 : vector<1000x128xf32>
    %exp3A_571 = math.exp %neg3A_570 : vector<1000x128xf32>
    %add3A_572 = arith.constant 1.000000e+00 : f32
    %add3A_573 = vector.broadcast %add3A_572 : f32 to vector<1000x128xf32>
    %add3A_574 = arith.addf %add3A_573, %exp3A_571 : vector<1000x128xf32>
    %div3A_575 = arith.constant 1.000000e+00 : f32
    %div3A_576 = vector.broadcast %div3A_575 : f32 to vector<1000x128xf32>
    %div3A_577 = arith.divf %div3A_576, %add3A_574 : vector<1000x128xf32>
    %slice3A_578 = vector.extract_strided_slice %add3A_555 {offsets = [0, 256], sizes = [1000, 128], strides = [1, 1]} : vector<1000x512xf32> to vector<1000x128xf32>
    %tanh3A_579 = math.tanh %slice3A_578 : vector<1000x128xf32>
    %slice3A_580 = vector.extract_strided_slice %add3A_555 {offsets = [0, 384], sizes = [1000, 128], strides = [1, 1]} : vector<1000x512xf32> to vector<1000x128xf32>
    %neg3A_581 = arith.constant 0.000000e+00 : f32
    %neg3A_582 = vector.broadcast %neg3A_581 : f32 to vector<1000x128xf32>
    %neg3A_583 = arith.subf %neg3A_582, %slice3A_580 : vector<1000x128xf32>
    %exp3A_584 = math.exp %neg3A_583 : vector<1000x128xf32>
    %add3A_585 = arith.constant 1.000000e+00 : f32
    %add3A_586 = vector.broadcast %add3A_585 : f32 to vector<1000x128xf32>
    %add3A_587 = arith.addf %add3A_586, %exp3A_584 : vector<1000x128xf32>
    %div3A_588 = arith.constant 1.000000e+00 : f32
    %div3A_589 = vector.broadcast %div3A_588 : f32 to vector<1000x128xf32>
    %div3A_590 = arith.divf %div3A_589, %add3A_587 : vector<1000x128xf32>
    %mul3A_591 = arith.mulf %div3A_577, %add3A_476 : vector<1000x128xf32>
    %mul3A_592 = arith.mulf %div3A_566, %tanh3A_579 : vector<1000x128xf32>
    %add3A_593 = arith.addf %mul3A_591, %mul3A_592 : vector<1000x128xf32>
    %tanh3A_594 = math.tanh %add3A_593 : vector<1000x128xf32>
    %mul3A_595 = arith.mulf %div3A_590, %tanh3A_594 : vector<1000x128xf32>
    %get3A_596 = arith.constant 0 : index
    %get3A_597 = arith.constant 10 : index
    %get3A_598 = vector.load %arg1[%get3A_596, %get3A_597] : memref<1000x24xf32, #tpu.memory_space<vmem>>, vector<1000x2xf32>
    %get3A_599 = arith.constant 0 : index
    %get3A_600 = arith.constant 0 : index
    %get3A_601 = vector.load %arg2[%get3A_599, %get3A_600] : memref<2x512xf32, #tpu.memory_space<vmem>>, vector<2x512xf32>
    %convert_element_type3A_602 = arith.truncf %get3A_598 : vector<1000x2xf32> to vector<1000x2xbf16>
    %convert_element_type3A_603 = arith.truncf %get3A_601 : vector<2x512xf32> to vector<2x512xbf16>
    %dot_general3A_604 = arith.constant dense<0.000000e+00> : vector<1000x512xf32>
    %dot_general3A_605 = tpu.matmul %convert_element_type3A_602, %convert_element_type3A_603, %dot_general3A_604 {dimension_numbers = #tpu.dot_dimension_numbers<[1], [0], [0], [1], [0, 0, 1, 1], [], []>, transpose_lhs_hint = false} : vector<1000x2xbf16>, vector<2x512xbf16>, vector<1000x512xf32> -> vector<1000x512xf32>
    %get3A_606 = arith.constant 0 : index
    %get3A_607 = arith.constant 0 : index
    %get3A_608 = vector.load %arg3[%get3A_606, %get3A_607] : memref<128x512xf32, #tpu.memory_space<vmem>>, vector<128x512xf32>
    %convert_element_type3A_609 = arith.truncf %mul3A_538 : vector<1000x128xf32> to vector<1000x128xbf16>
    %convert_element_type3A_610 = arith.truncf %get3A_608 : vector<128x512xf32> to vector<128x512xbf16>
    %dot_general3A_611 = arith.constant dense<0.000000e+00> : vector<1000x512xf32>
    %dot_general3A_612 = tpu.matmul %convert_element_type3A_609, %convert_element_type3A_610, %dot_general3A_611 {dimension_numbers = #tpu.dot_dimension_numbers<[1], [0], [0], [1], [0, 0, 1, 1], [], []>, transpose_lhs_hint = false} : vector<1000x128xbf16>, vector<128x512xbf16>, vector<1000x512xf32> -> vector<1000x512xf32>
    %add3A_613 = arith.addf %dot_general3A_605, %dot_general3A_612 : vector<1000x512xf32>
    %add3A_614 = vector.broadcast %add3A : vector<1x512xf32> to vector<1000x512xf32>
    %add3A_615 = arith.addf %add3A_613, %add3A_614 : vector<1000x512xf32>
    %slice3A_616 = vector.extract_strided_slice %add3A_615 {offsets = [0, 0], sizes = [1000, 128], strides = [1, 1]} : vector<1000x512xf32> to vector<1000x128xf32>
    %neg3A_617 = arith.constant 0.000000e+00 : f32
    %neg3A_618 = vector.broadcast %neg3A_617 : f32 to vector<1000x128xf32>
    %neg3A_619 = arith.subf %neg3A_618, %slice3A_616 : vector<1000x128xf32>
    %exp3A_620 = math.exp %neg3A_619 : vector<1000x128xf32>
    %add3A_621 = arith.constant 1.000000e+00 : f32
    %add3A_622 = vector.broadcast %add3A_621 : f32 to vector<1000x128xf32>
    %add3A_623 = arith.addf %add3A_622, %exp3A_620 : vector<1000x128xf32>
    %div3A_624 = arith.constant 1.000000e+00 : f32
    %div3A_625 = vector.broadcast %div3A_624 : f32 to vector<1000x128xf32>
    %div3A_626 = arith.divf %div3A_625, %add3A_623 : vector<1000x128xf32>
    %slice3A_627 = vector.extract_strided_slice %add3A_615 {offsets = [0, 128], sizes = [1000, 128], strides = [1, 1]} : vector<1000x512xf32> to vector<1000x128xf32>
    %neg3A_628 = arith.constant 0.000000e+00 : f32
    %neg3A_629 = vector.broadcast %neg3A_628 : f32 to vector<1000x128xf32>
    %neg3A_630 = arith.subf %neg3A_629, %slice3A_627 : vector<1000x128xf32>
    %exp3A_631 = math.exp %neg3A_630 : vector<1000x128xf32>
    %add3A_632 = arith.constant 1.000000e+00 : f32
    %add3A_633 = vector.broadcast %add3A_632 : f32 to vector<1000x128xf32>
    %add3A_634 = arith.addf %add3A_633, %exp3A_631 : vector<1000x128xf32>
    %div3A_635 = arith.constant 1.000000e+00 : f32
    %div3A_636 = vector.broadcast %div3A_635 : f32 to vector<1000x128xf32>
    %div3A_637 = arith.divf %div3A_636, %add3A_634 : vector<1000x128xf32>
    %slice3A_638 = vector.extract_strided_slice %add3A_615 {offsets = [0, 256], sizes = [1000, 128], strides = [1, 1]} : vector<1000x512xf32> to vector<1000x128xf32>
    %tanh3A_639 = math.tanh %slice3A_638 : vector<1000x128xf32>
    %slice3A_640 = vector.extract_strided_slice %add3A_615 {offsets = [0, 384], sizes = [1000, 128], strides = [1, 1]} : vector<1000x512xf32> to vector<1000x128xf32>
    %neg3A_641 = arith.constant 0.000000e+00 : f32
    %neg3A_642 = vector.broadcast %neg3A_641 : f32 to vector<1000x128xf32>
    %neg3A_643 = arith.subf %neg3A_642, %slice3A_640 : vector<1000x128xf32>
    %exp3A_644 = math.exp %neg3A_643 : vector<1000x128xf32>
    %add3A_645 = arith.constant 1.000000e+00 : f32
    %add3A_646 = vector.broadcast %add3A_645 : f32 to vector<1000x128xf32>
    %add3A_647 = arith.addf %add3A_646, %exp3A_644 : vector<1000x128xf32>
    %div3A_648 = arith.constant 1.000000e+00 : f32
    %div3A_649 = vector.broadcast %div3A_648 : f32 to vector<1000x128xf32>
    %div3A_650 = arith.divf %div3A_649, %add3A_647 : vector<1000x128xf32>
    %mul3A_651 = arith.mulf %div3A_637, %add3A_536 : vector<1000x128xf32>
    %mul3A_652 = arith.mulf %div3A_626, %tanh3A_639 : vector<1000x128xf32>
    %add3A_653 = arith.addf %mul3A_651, %mul3A_652 : vector<1000x128xf32>
    %tanh3A_654 = math.tanh %add3A_653 : vector<1000x128xf32>
    %mul3A_655 = arith.mulf %div3A_650, %tanh3A_654 : vector<1000x128xf32>
    %get3A_656 = arith.constant 0 : index
    %get3A_657 = arith.constant 0 : index
    %get3A_658 = vector.load %arg6[%get3A_656, %get3A_657] : memref<128x512xf32, #tpu.memory_space<vmem>>, vector<128x512xf32>
    %convert_element_type3A_659 = arith.truncf %mul3A_655 : vector<1000x128xf32> to vector<1000x128xbf16>
    %convert_element_type3A_660 = arith.truncf %get3A_658 : vector<128x512xf32> to vector<128x512xbf16>
    %dot_general3A_661 = arith.constant dense<0.000000e+00> : vector<1000x512xf32>
    %dot_general3A_662 = tpu.matmul %convert_element_type3A_659, %convert_element_type3A_660, %dot_general3A_661 {dimension_numbers = #tpu.dot_dimension_numbers<[1], [0], [0], [1], [0, 0, 1, 1], [], []>, transpose_lhs_hint = false} : vector<1000x128xbf16>, vector<128x512xbf16>, vector<1000x512xf32> -> vector<1000x512xf32>
    %get3A_663 = arith.constant 0 : index
    %get3A_664 = arith.constant 0 : index
    %get3A_665 = vector.load %arg7[%get3A_663, %get3A_664] : memref<128x512xf32, #tpu.memory_space<vmem>>, vector<128x512xf32>
    %convert_element_type3A_666 = arith.truncf %mul3A_595 : vector<1000x128xf32> to vector<1000x128xbf16>
    %convert_element_type3A_667 = arith.truncf %get3A_665 : vector<128x512xf32> to vector<128x512xbf16>
    %dot_general3A_668 = arith.constant dense<0.000000e+00> : vector<1000x512xf32>
    %dot_general3A_669 = tpu.matmul %convert_element_type3A_666, %convert_element_type3A_667, %dot_general3A_668 {dimension_numbers = #tpu.dot_dimension_numbers<[1], [0], [0], [1], [0, 0, 1, 1], [], []>, transpose_lhs_hint = false} : vector<1000x128xbf16>, vector<128x512xbf16>, vector<1000x512xf32> -> vector<1000x512xf32>
    %add3A_670 = arith.addf %dot_general3A_662, %dot_general3A_669 : vector<1000x512xf32>
    %add3A_671 = vector.broadcast %add3A_11 : vector<1x512xf32> to vector<1000x512xf32>
    %add3A_672 = arith.addf %add3A_670, %add3A_671 : vector<1000x512xf32>
    %slice3A_673 = vector.extract_strided_slice %add3A_672 {offsets = [0, 0], sizes = [1000, 128], strides = [1, 1]} : vector<1000x512xf32> to vector<1000x128xf32>
    %neg3A_674 = arith.constant 0.000000e+00 : f32
    %neg3A_675 = vector.broadcast %neg3A_674 : f32 to vector<1000x128xf32>
    %neg3A_676 = arith.subf %neg3A_675, %slice3A_673 : vector<1000x128xf32>
    %exp3A_677 = math.exp %neg3A_676 : vector<1000x128xf32>
    %add3A_678 = arith.constant 1.000000e+00 : f32
    %add3A_679 = vector.broadcast %add3A_678 : f32 to vector<1000x128xf32>
    %add3A_680 = arith.addf %add3A_679, %exp3A_677 : vector<1000x128xf32>
    %div3A_681 = arith.constant 1.000000e+00 : f32
    %div3A_682 = vector.broadcast %div3A_681 : f32 to vector<1000x128xf32>
    %div3A_683 = arith.divf %div3A_682, %add3A_680 : vector<1000x128xf32>
    %slice3A_684 = vector.extract_strided_slice %add3A_672 {offsets = [0, 128], sizes = [1000, 128], strides = [1, 1]} : vector<1000x512xf32> to vector<1000x128xf32>
    %neg3A_685 = arith.constant 0.000000e+00 : f32
    %neg3A_686 = vector.broadcast %neg3A_685 : f32 to vector<1000x128xf32>
    %neg3A_687 = arith.subf %neg3A_686, %slice3A_684 : vector<1000x128xf32>
    %exp3A_688 = math.exp %neg3A_687 : vector<1000x128xf32>
    %add3A_689 = arith.constant 1.000000e+00 : f32
    %add3A_690 = vector.broadcast %add3A_689 : f32 to vector<1000x128xf32>
    %add3A_691 = arith.addf %add3A_690, %exp3A_688 : vector<1000x128xf32>
    %div3A_692 = arith.constant 1.000000e+00 : f32
    %div3A_693 = vector.broadcast %div3A_692 : f32 to vector<1000x128xf32>
    %div3A_694 = arith.divf %div3A_693, %add3A_691 : vector<1000x128xf32>
    %slice3A_695 = vector.extract_strided_slice %add3A_672 {offsets = [0, 256], sizes = [1000, 128], strides = [1, 1]} : vector<1000x512xf32> to vector<1000x128xf32>
    %tanh3A_696 = math.tanh %slice3A_695 : vector<1000x128xf32>
    %slice3A_697 = vector.extract_strided_slice %add3A_672 {offsets = [0, 384], sizes = [1000, 128], strides = [1, 1]} : vector<1000x512xf32> to vector<1000x128xf32>
    %neg3A_698 = arith.constant 0.000000e+00 : f32
    %neg3A_699 = vector.broadcast %neg3A_698 : f32 to vector<1000x128xf32>
    %neg3A_700 = arith.subf %neg3A_699, %slice3A_697 : vector<1000x128xf32>
    %exp3A_701 = math.exp %neg3A_700 : vector<1000x128xf32>
    %add3A_702 = arith.constant 1.000000e+00 : f32
    %add3A_703 = vector.broadcast %add3A_702 : f32 to vector<1000x128xf32>
    %add3A_704 = arith.addf %add3A_703, %exp3A_701 : vector<1000x128xf32>
    %div3A_705 = arith.constant 1.000000e+00 : f32
    %div3A_706 = vector.broadcast %div3A_705 : f32 to vector<1000x128xf32>
    %div3A_707 = arith.divf %div3A_706, %add3A_704 : vector<1000x128xf32>
    %mul3A_708 = arith.mulf %div3A_694, %add3A_593 : vector<1000x128xf32>
    %mul3A_709 = arith.mulf %div3A_683, %tanh3A_696 : vector<1000x128xf32>
    %add3A_710 = arith.addf %mul3A_708, %mul3A_709 : vector<1000x128xf32>
    %tanh3A_711 = math.tanh %add3A_710 : vector<1000x128xf32>
    %mul3A_712 = arith.mulf %div3A_707, %tanh3A_711 : vector<1000x128xf32>
    %get3A_713 = arith.constant 0 : index
    %get3A_714 = arith.constant 12 : index
    %get3A_715 = vector.load %arg1[%get3A_713, %get3A_714] : memref<1000x24xf32, #tpu.memory_space<vmem>>, vector<1000x2xf32>
    %get3A_716 = arith.constant 0 : index
    %get3A_717 = arith.constant 0 : index
    %get3A_718 = vector.load %arg2[%get3A_716, %get3A_717] : memref<2x512xf32, #tpu.memory_space<vmem>>, vector<2x512xf32>
    %convert_element_type3A_719 = arith.truncf %get3A_715 : vector<1000x2xf32> to vector<1000x2xbf16>
    %convert_element_type3A_720 = arith.truncf %get3A_718 : vector<2x512xf32> to vector<2x512xbf16>
    %dot_general3A_721 = arith.constant dense<0.000000e+00> : vector<1000x512xf32>
    %dot_general3A_722 = tpu.matmul %convert_element_type3A_719, %convert_element_type3A_720, %dot_general3A_721 {dimension_numbers = #tpu.dot_dimension_numbers<[1], [0], [0], [1], [0, 0, 1, 1], [], []>, transpose_lhs_hint = false} : vector<1000x2xbf16>, vector<2x512xbf16>, vector<1000x512xf32> -> vector<1000x512xf32>
    %get3A_723 = arith.constant 0 : index
    %get3A_724 = arith.constant 0 : index
    %get3A_725 = vector.load %arg3[%get3A_723, %get3A_724] : memref<128x512xf32, #tpu.memory_space<vmem>>, vector<128x512xf32>
    %convert_element_type3A_726 = arith.truncf %mul3A_655 : vector<1000x128xf32> to vector<1000x128xbf16>
    %convert_element_type3A_727 = arith.truncf %get3A_725 : vector<128x512xf32> to vector<128x512xbf16>
    %dot_general3A_728 = arith.constant dense<0.000000e+00> : vector<1000x512xf32>
    %dot_general3A_729 = tpu.matmul %convert_element_type3A_726, %convert_element_type3A_727, %dot_general3A_728 {dimension_numbers = #tpu.dot_dimension_numbers<[1], [0], [0], [1], [0, 0, 1, 1], [], []>, transpose_lhs_hint = false} : vector<1000x128xbf16>, vector<128x512xbf16>, vector<1000x512xf32> -> vector<1000x512xf32>
    %add3A_730 = arith.addf %dot_general3A_722, %dot_general3A_729 : vector<1000x512xf32>
    %add3A_731 = vector.broadcast %add3A : vector<1x512xf32> to vector<1000x512xf32>
    %add3A_732 = arith.addf %add3A_730, %add3A_731 : vector<1000x512xf32>
    %slice3A_733 = vector.extract_strided_slice %add3A_732 {offsets = [0, 0], sizes = [1000, 128], strides = [1, 1]} : vector<1000x512xf32> to vector<1000x128xf32>
    %neg3A_734 = arith.constant 0.000000e+00 : f32
    %neg3A_735 = vector.broadcast %neg3A_734 : f32 to vector<1000x128xf32>
    %neg3A_736 = arith.subf %neg3A_735, %slice3A_733 : vector<1000x128xf32>
    %exp3A_737 = math.exp %neg3A_736 : vector<1000x128xf32>
    %add3A_738 = arith.constant 1.000000e+00 : f32
    %add3A_739 = vector.broadcast %add3A_738 : f32 to vector<1000x128xf32>
    %add3A_740 = arith.addf %add3A_739, %exp3A_737 : vector<1000x128xf32>
    %div3A_741 = arith.constant 1.000000e+00 : f32
    %div3A_742 = vector.broadcast %div3A_741 : f32 to vector<1000x128xf32>
    %div3A_743 = arith.divf %div3A_742, %add3A_740 : vector<1000x128xf32>
    %slice3A_744 = vector.extract_strided_slice %add3A_732 {offsets = [0, 128], sizes = [1000, 128], strides = [1, 1]} : vector<1000x512xf32> to vector<1000x128xf32>
    %neg3A_745 = arith.constant 0.000000e+00 : f32
    %neg3A_746 = vector.broadcast %neg3A_745 : f32 to vector<1000x128xf32>
    %neg3A_747 = arith.subf %neg3A_746, %slice3A_744 : vector<1000x128xf32>
    %exp3A_748 = math.exp %neg3A_747 : vector<1000x128xf32>
    %add3A_749 = arith.constant 1.000000e+00 : f32
    %add3A_750 = vector.broadcast %add3A_749 : f32 to vector<1000x128xf32>
    %add3A_751 = arith.addf %add3A_750, %exp3A_748 : vector<1000x128xf32>
    %div3A_752 = arith.constant 1.000000e+00 : f32
    %div3A_753 = vector.broadcast %div3A_752 : f32 to vector<1000x128xf32>
    %div3A_754 = arith.divf %div3A_753, %add3A_751 : vector<1000x128xf32>
    %slice3A_755 = vector.extract_strided_slice %add3A_732 {offsets = [0, 256], sizes = [1000, 128], strides = [1, 1]} : vector<1000x512xf32> to vector<1000x128xf32>
    %tanh3A_756 = math.tanh %slice3A_755 : vector<1000x128xf32>
    %slice3A_757 = vector.extract_strided_slice %add3A_732 {offsets = [0, 384], sizes = [1000, 128], strides = [1, 1]} : vector<1000x512xf32> to vector<1000x128xf32>
    %neg3A_758 = arith.constant 0.000000e+00 : f32
    %neg3A_759 = vector.broadcast %neg3A_758 : f32 to vector<1000x128xf32>
    %neg3A_760 = arith.subf %neg3A_759, %slice3A_757 : vector<1000x128xf32>
    %exp3A_761 = math.exp %neg3A_760 : vector<1000x128xf32>
    %add3A_762 = arith.constant 1.000000e+00 : f32
    %add3A_763 = vector.broadcast %add3A_762 : f32 to vector<1000x128xf32>
    %add3A_764 = arith.addf %add3A_763, %exp3A_761 : vector<1000x128xf32>
    %div3A_765 = arith.constant 1.000000e+00 : f32
    %div3A_766 = vector.broadcast %div3A_765 : f32 to vector<1000x128xf32>
    %div3A_767 = arith.divf %div3A_766, %add3A_764 : vector<1000x128xf32>
    %mul3A_768 = arith.mulf %div3A_754, %add3A_653 : vector<1000x128xf32>
    %mul3A_769 = arith.mulf %div3A_743, %tanh3A_756 : vector<1000x128xf32>
    %add3A_770 = arith.addf %mul3A_768, %mul3A_769 : vector<1000x128xf32>
    %tanh3A_771 = math.tanh %add3A_770 : vector<1000x128xf32>
    %mul3A_772 = arith.mulf %div3A_767, %tanh3A_771 : vector<1000x128xf32>
    %get3A_773 = arith.constant 0 : index
    %get3A_774 = arith.constant 0 : index
    %get3A_775 = vector.load %arg6[%get3A_773, %get3A_774] : memref<128x512xf32, #tpu.memory_space<vmem>>, vector<128x512xf32>
    %convert_element_type3A_776 = arith.truncf %mul3A_772 : vector<1000x128xf32> to vector<1000x128xbf16>
    %convert_element_type3A_777 = arith.truncf %get3A_775 : vector<128x512xf32> to vector<128x512xbf16>
    %dot_general3A_778 = arith.constant dense<0.000000e+00> : vector<1000x512xf32>
    %dot_general3A_779 = tpu.matmul %convert_element_type3A_776, %convert_element_type3A_777, %dot_general3A_778 {dimension_numbers = #tpu.dot_dimension_numbers<[1], [0], [0], [1], [0, 0, 1, 1], [], []>, transpose_lhs_hint = false} : vector<1000x128xbf16>, vector<128x512xbf16>, vector<1000x512xf32> -> vector<1000x512xf32>
    %get3A_780 = arith.constant 0 : index
    %get3A_781 = arith.constant 0 : index
    %get3A_782 = vector.load %arg7[%get3A_780, %get3A_781] : memref<128x512xf32, #tpu.memory_space<vmem>>, vector<128x512xf32>
    %convert_element_type3A_783 = arith.truncf %mul3A_712 : vector<1000x128xf32> to vector<1000x128xbf16>
    %convert_element_type3A_784 = arith.truncf %get3A_782 : vector<128x512xf32> to vector<128x512xbf16>
    %dot_general3A_785 = arith.constant dense<0.000000e+00> : vector<1000x512xf32>
    %dot_general3A_786 = tpu.matmul %convert_element_type3A_783, %convert_element_type3A_784, %dot_general3A_785 {dimension_numbers = #tpu.dot_dimension_numbers<[1], [0], [0], [1], [0, 0, 1, 1], [], []>, transpose_lhs_hint = false} : vector<1000x128xbf16>, vector<128x512xbf16>, vector<1000x512xf32> -> vector<1000x512xf32>
    %add3A_787 = arith.addf %dot_general3A_779, %dot_general3A_786 : vector<1000x512xf32>
    %add3A_788 = vector.broadcast %add3A_11 : vector<1x512xf32> to vector<1000x512xf32>
    %add3A_789 = arith.addf %add3A_787, %add3A_788 : vector<1000x512xf32>
    %slice3A_790 = vector.extract_strided_slice %add3A_789 {offsets = [0, 0], sizes = [1000, 128], strides = [1, 1]} : vector<1000x512xf32> to vector<1000x128xf32>
    %neg3A_791 = arith.constant 0.000000e+00 : f32
    %neg3A_792 = vector.broadcast %neg3A_791 : f32 to vector<1000x128xf32>
    %neg3A_793 = arith.subf %neg3A_792, %slice3A_790 : vector<1000x128xf32>
    %exp3A_794 = math.exp %neg3A_793 : vector<1000x128xf32>
    %add3A_795 = arith.constant 1.000000e+00 : f32
    %add3A_796 = vector.broadcast %add3A_795 : f32 to vector<1000x128xf32>
    %add3A_797 = arith.addf %add3A_796, %exp3A_794 : vector<1000x128xf32>
    %div3A_798 = arith.constant 1.000000e+00 : f32
    %div3A_799 = vector.broadcast %div3A_798 : f32 to vector<1000x128xf32>
    %div3A_800 = arith.divf %div3A_799, %add3A_797 : vector<1000x128xf32>
    %slice3A_801 = vector.extract_strided_slice %add3A_789 {offsets = [0, 128], sizes = [1000, 128], strides = [1, 1]} : vector<1000x512xf32> to vector<1000x128xf32>
    %neg3A_802 = arith.constant 0.000000e+00 : f32
    %neg3A_803 = vector.broadcast %neg3A_802 : f32 to vector<1000x128xf32>
    %neg3A_804 = arith.subf %neg3A_803, %slice3A_801 : vector<1000x128xf32>
    %exp3A_805 = math.exp %neg3A_804 : vector<1000x128xf32>
    %add3A_806 = arith.constant 1.000000e+00 : f32
    %add3A_807 = vector.broadcast %add3A_806 : f32 to vector<1000x128xf32>
    %add3A_808 = arith.addf %add3A_807, %exp3A_805 : vector<1000x128xf32>
    %div3A_809 = arith.constant 1.000000e+00 : f32
    %div3A_810 = vector.broadcast %div3A_809 : f32 to vector<1000x128xf32>
    %div3A_811 = arith.divf %div3A_810, %add3A_808 : vector<1000x128xf32>
    %slice3A_812 = vector.extract_strided_slice %add3A_789 {offsets = [0, 256], sizes = [1000, 128], strides = [1, 1]} : vector<1000x512xf32> to vector<1000x128xf32>
    %tanh3A_813 = math.tanh %slice3A_812 : vector<1000x128xf32>
    %slice3A_814 = vector.extract_strided_slice %add3A_789 {offsets = [0, 384], sizes = [1000, 128], strides = [1, 1]} : vector<1000x512xf32> to vector<1000x128xf32>
    %neg3A_815 = arith.constant 0.000000e+00 : f32
    %neg3A_816 = vector.broadcast %neg3A_815 : f32 to vector<1000x128xf32>
    %neg3A_817 = arith.subf %neg3A_816, %slice3A_814 : vector<1000x128xf32>
    %exp3A_818 = math.exp %neg3A_817 : vector<1000x128xf32>
    %add3A_819 = arith.constant 1.000000e+00 : f32
    %add3A_820 = vector.broadcast %add3A_819 : f32 to vector<1000x128xf32>
    %add3A_821 = arith.addf %add3A_820, %exp3A_818 : vector<1000x128xf32>
    %div3A_822 = arith.constant 1.000000e+00 : f32
    %div3A_823 = vector.broadcast %div3A_822 : f32 to vector<1000x128xf32>
    %div3A_824 = arith.divf %div3A_823, %add3A_821 : vector<1000x128xf32>
    %mul3A_825 = arith.mulf %div3A_811, %add3A_710 : vector<1000x128xf32>
    %mul3A_826 = arith.mulf %div3A_800, %tanh3A_813 : vector<1000x128xf32>
    %add3A_827 = arith.addf %mul3A_825, %mul3A_826 : vector<1000x128xf32>
    %tanh3A_828 = math.tanh %add3A_827 : vector<1000x128xf32>
    %mul3A_829 = arith.mulf %div3A_824, %tanh3A_828 : vector<1000x128xf32>
    %get3A_830 = arith.constant 0 : index
    %get3A_831 = arith.constant 14 : index
    %get3A_832 = vector.load %arg1[%get3A_830, %get3A_831] : memref<1000x24xf32, #tpu.memory_space<vmem>>, vector<1000x2xf32>
    %get3A_833 = arith.constant 0 : index
    %get3A_834 = arith.constant 0 : index
    %get3A_835 = vector.load %arg2[%get3A_833, %get3A_834] : memref<2x512xf32, #tpu.memory_space<vmem>>, vector<2x512xf32>
    %convert_element_type3A_836 = arith.truncf %get3A_832 : vector<1000x2xf32> to vector<1000x2xbf16>
    %convert_element_type3A_837 = arith.truncf %get3A_835 : vector<2x512xf32> to vector<2x512xbf16>
    %dot_general3A_838 = arith.constant dense<0.000000e+00> : vector<1000x512xf32>
    %dot_general3A_839 = tpu.matmul %convert_element_type3A_836, %convert_element_type3A_837, %dot_general3A_838 {dimension_numbers = #tpu.dot_dimension_numbers<[1], [0], [0], [1], [0, 0, 1, 1], [], []>, transpose_lhs_hint = false} : vector<1000x2xbf16>, vector<2x512xbf16>, vector<1000x512xf32> -> vector<1000x512xf32>
    %get3A_840 = arith.constant 0 : index
    %get3A_841 = arith.constant 0 : index
    %get3A_842 = vector.load %arg3[%get3A_840, %get3A_841] : memref<128x512xf32, #tpu.memory_space<vmem>>, vector<128x512xf32>
    %convert_element_type3A_843 = arith.truncf %mul3A_772 : vector<1000x128xf32> to vector<1000x128xbf16>
    %convert_element_type3A_844 = arith.truncf %get3A_842 : vector<128x512xf32> to vector<128x512xbf16>
    %dot_general3A_845 = arith.constant dense<0.000000e+00> : vector<1000x512xf32>
    %dot_general3A_846 = tpu.matmul %convert_element_type3A_843, %convert_element_type3A_844, %dot_general3A_845 {dimension_numbers = #tpu.dot_dimension_numbers<[1], [0], [0], [1], [0, 0, 1, 1], [], []>, transpose_lhs_hint = false} : vector<1000x128xbf16>, vector<128x512xbf16>, vector<1000x512xf32> -> vector<1000x512xf32>
    %add3A_847 = arith.addf %dot_general3A_839, %dot_general3A_846 : vector<1000x512xf32>
    %add3A_848 = vector.broadcast %add3A : vector<1x512xf32> to vector<1000x512xf32>
    %add3A_849 = arith.addf %add3A_847, %add3A_848 : vector<1000x512xf32>
    %slice3A_850 = vector.extract_strided_slice %add3A_849 {offsets = [0, 0], sizes = [1000, 128], strides = [1, 1]} : vector<1000x512xf32> to vector<1000x128xf32>
    %neg3A_851 = arith.constant 0.000000e+00 : f32
    %neg3A_852 = vector.broadcast %neg3A_851 : f32 to vector<1000x128xf32>
    %neg3A_853 = arith.subf %neg3A_852, %slice3A_850 : vector<1000x128xf32>
    %exp3A_854 = math.exp %neg3A_853 : vector<1000x128xf32>
    %add3A_855 = arith.constant 1.000000e+00 : f32
    %add3A_856 = vector.broadcast %add3A_855 : f32 to vector<1000x128xf32>
    %add3A_857 = arith.addf %add3A_856, %exp3A_854 : vector<1000x128xf32>
    %div3A_858 = arith.constant 1.000000e+00 : f32
    %div3A_859 = vector.broadcast %div3A_858 : f32 to vector<1000x128xf32>
    %div3A_860 = arith.divf %div3A_859, %add3A_857 : vector<1000x128xf32>
    %slice3A_861 = vector.extract_strided_slice %add3A_849 {offsets = [0, 128], sizes = [1000, 128], strides = [1, 1]} : vector<1000x512xf32> to vector<1000x128xf32>
    %neg3A_862 = arith.constant 0.000000e+00 : f32
    %neg3A_863 = vector.broadcast %neg3A_862 : f32 to vector<1000x128xf32>
    %neg3A_864 = arith.subf %neg3A_863, %slice3A_861 : vector<1000x128xf32>
    %exp3A_865 = math.exp %neg3A_864 : vector<1000x128xf32>
    %add3A_866 = arith.constant 1.000000e+00 : f32
    %add3A_867 = vector.broadcast %add3A_866 : f32 to vector<1000x128xf32>
    %add3A_868 = arith.addf %add3A_867, %exp3A_865 : vector<1000x128xf32>
    %div3A_869 = arith.constant 1.000000e+00 : f32
    %div3A_870 = vector.broadcast %div3A_869 : f32 to vector<1000x128xf32>
    %div3A_871 = arith.divf %div3A_870, %add3A_868 : vector<1000x128xf32>
    %slice3A_872 = vector.extract_strided_slice %add3A_849 {offsets = [0, 256], sizes = [1000, 128], strides = [1, 1]} : vector<1000x512xf32> to vector<1000x128xf32>
    %tanh3A_873 = math.tanh %slice3A_872 : vector<1000x128xf32>
    %slice3A_874 = vector.extract_strided_slice %add3A_849 {offsets = [0, 384], sizes = [1000, 128], strides = [1, 1]} : vector<1000x512xf32> to vector<1000x128xf32>
    %neg3A_875 = arith.constant 0.000000e+00 : f32
    %neg3A_876 = vector.broadcast %neg3A_875 : f32 to vector<1000x128xf32>
    %neg3A_877 = arith.subf %neg3A_876, %slice3A_874 : vector<1000x128xf32>
    %exp3A_878 = math.exp %neg3A_877 : vector<1000x128xf32>
    %add3A_879 = arith.constant 1.000000e+00 : f32
    %add3A_880 = vector.broadcast %add3A_879 : f32 to vector<1000x128xf32>
    %add3A_881 = arith.addf %add3A_880, %exp3A_878 : vector<1000x128xf32>
    %div3A_882 = arith.constant 1.000000e+00 : f32
    %div3A_883 = vector.broadcast %div3A_882 : f32 to vector<1000x128xf32>
    %div3A_884 = arith.divf %div3A_883, %add3A_881 : vector<1000x128xf32>
    %mul3A_885 = arith.mulf %div3A_871, %add3A_770 : vector<1000x128xf32>
    %mul3A_886 = arith.mulf %div3A_860, %tanh3A_873 : vector<1000x128xf32>
    %add3A_887 = arith.addf %mul3A_885, %mul3A_886 : vector<1000x128xf32>
    %tanh3A_888 = math.tanh %add3A_887 : vector<1000x128xf32>
    %mul3A_889 = arith.mulf %div3A_884, %tanh3A_888 : vector<1000x128xf32>
    %get3A_890 = arith.constant 0 : index
    %get3A_891 = arith.constant 0 : index
    %get3A_892 = vector.load %arg6[%get3A_890, %get3A_891] : memref<128x512xf32, #tpu.memory_space<vmem>>, vector<128x512xf32>
    %convert_element_type3A_893 = arith.truncf %mul3A_889 : vector<1000x128xf32> to vector<1000x128xbf16>
    %convert_element_type3A_894 = arith.truncf %get3A_892 : vector<128x512xf32> to vector<128x512xbf16>
    %dot_general3A_895 = arith.constant dense<0.000000e+00> : vector<1000x512xf32>
    %dot_general3A_896 = tpu.matmul %convert_element_type3A_893, %convert_element_type3A_894, %dot_general3A_895 {dimension_numbers = #tpu.dot_dimension_numbers<[1], [0], [0], [1], [0, 0, 1, 1], [], []>, transpose_lhs_hint = false} : vector<1000x128xbf16>, vector<128x512xbf16>, vector<1000x512xf32> -> vector<1000x512xf32>
    %get3A_897 = arith.constant 0 : index
    %get3A_898 = arith.constant 0 : index
    %get3A_899 = vector.load %arg7[%get3A_897, %get3A_898] : memref<128x512xf32, #tpu.memory_space<vmem>>, vector<128x512xf32>
    %convert_element_type3A_900 = arith.truncf %mul3A_829 : vector<1000x128xf32> to vector<1000x128xbf16>
    %convert_element_type3A_901 = arith.truncf %get3A_899 : vector<128x512xf32> to vector<128x512xbf16>
    %dot_general3A_902 = arith.constant dense<0.000000e+00> : vector<1000x512xf32>
    %dot_general3A_903 = tpu.matmul %convert_element_type3A_900, %convert_element_type3A_901, %dot_general3A_902 {dimension_numbers = #tpu.dot_dimension_numbers<[1], [0], [0], [1], [0, 0, 1, 1], [], []>, transpose_lhs_hint = false} : vector<1000x128xbf16>, vector<128x512xbf16>, vector<1000x512xf32> -> vector<1000x512xf32>
    %add3A_904 = arith.addf %dot_general3A_896, %dot_general3A_903 : vector<1000x512xf32>
    %add3A_905 = vector.broadcast %add3A_11 : vector<1x512xf32> to vector<1000x512xf32>
    %add3A_906 = arith.addf %add3A_904, %add3A_905 : vector<1000x512xf32>
    %slice3A_907 = vector.extract_strided_slice %add3A_906 {offsets = [0, 0], sizes = [1000, 128], strides = [1, 1]} : vector<1000x512xf32> to vector<1000x128xf32>
    %neg3A_908 = arith.constant 0.000000e+00 : f32
    %neg3A_909 = vector.broadcast %neg3A_908 : f32 to vector<1000x128xf32>
    %neg3A_910 = arith.subf %neg3A_909, %slice3A_907 : vector<1000x128xf32>
    %exp3A_911 = math.exp %neg3A_910 : vector<1000x128xf32>
    %add3A_912 = arith.constant 1.000000e+00 : f32
    %add3A_913 = vector.broadcast %add3A_912 : f32 to vector<1000x128xf32>
    %add3A_914 = arith.addf %add3A_913, %exp3A_911 : vector<1000x128xf32>
    %div3A_915 = arith.constant 1.000000e+00 : f32
    %div3A_916 = vector.broadcast %div3A_915 : f32 to vector<1000x128xf32>
    %div3A_917 = arith.divf %div3A_916, %add3A_914 : vector<1000x128xf32>
    %slice3A_918 = vector.extract_strided_slice %add3A_906 {offsets = [0, 128], sizes = [1000, 128], strides = [1, 1]} : vector<1000x512xf32> to vector<1000x128xf32>
    %neg3A_919 = arith.constant 0.000000e+00 : f32
    %neg3A_920 = vector.broadcast %neg3A_919 : f32 to vector<1000x128xf32>
    %neg3A_921 = arith.subf %neg3A_920, %slice3A_918 : vector<1000x128xf32>
    %exp3A_922 = math.exp %neg3A_921 : vector<1000x128xf32>
    %add3A_923 = arith.constant 1.000000e+00 : f32
    %add3A_924 = vector.broadcast %add3A_923 : f32 to vector<1000x128xf32>
    %add3A_925 = arith.addf %add3A_924, %exp3A_922 : vector<1000x128xf32>
    %div3A_926 = arith.constant 1.000000e+00 : f32
    %div3A_927 = vector.broadcast %div3A_926 : f32 to vector<1000x128xf32>
    %div3A_928 = arith.divf %div3A_927, %add3A_925 : vector<1000x128xf32>
    %slice3A_929 = vector.extract_strided_slice %add3A_906 {offsets = [0, 256], sizes = [1000, 128], strides = [1, 1]} : vector<1000x512xf32> to vector<1000x128xf32>
    %tanh3A_930 = math.tanh %slice3A_929 : vector<1000x128xf32>
    %slice3A_931 = vector.extract_strided_slice %add3A_906 {offsets = [0, 384], sizes = [1000, 128], strides = [1, 1]} : vector<1000x512xf32> to vector<1000x128xf32>
    %neg3A_932 = arith.constant 0.000000e+00 : f32
    %neg3A_933 = vector.broadcast %neg3A_932 : f32 to vector<1000x128xf32>
    %neg3A_934 = arith.subf %neg3A_933, %slice3A_931 : vector<1000x128xf32>
    %exp3A_935 = math.exp %neg3A_934 : vector<1000x128xf32>
    %add3A_936 = arith.constant 1.000000e+00 : f32
    %add3A_937 = vector.broadcast %add3A_936 : f32 to vector<1000x128xf32>
    %add3A_938 = arith.addf %add3A_937, %exp3A_935 : vector<1000x128xf32>
    %div3A_939 = arith.constant 1.000000e+00 : f32
    %div3A_940 = vector.broadcast %div3A_939 : f32 to vector<1000x128xf32>
    %div3A_941 = arith.divf %div3A_940, %add3A_938 : vector<1000x128xf32>
    %mul3A_942 = arith.mulf %div3A_928, %add3A_827 : vector<1000x128xf32>
    %mul3A_943 = arith.mulf %div3A_917, %tanh3A_930 : vector<1000x128xf32>
    %add3A_944 = arith.addf %mul3A_942, %mul3A_943 : vector<1000x128xf32>
    %tanh3A_945 = math.tanh %add3A_944 : vector<1000x128xf32>
    %mul3A_946 = arith.mulf %div3A_941, %tanh3A_945 : vector<1000x128xf32>
    %get3A_947 = arith.constant 0 : index
    %get3A_948 = arith.constant 16 : index
    %get3A_949 = vector.load %arg1[%get3A_947, %get3A_948] : memref<1000x24xf32, #tpu.memory_space<vmem>>, vector<1000x2xf32>
    %get3A_950 = arith.constant 0 : index
    %get3A_951 = arith.constant 0 : index
    %get3A_952 = vector.load %arg2[%get3A_950, %get3A_951] : memref<2x512xf32, #tpu.memory_space<vmem>>, vector<2x512xf32>
    %convert_element_type3A_953 = arith.truncf %get3A_949 : vector<1000x2xf32> to vector<1000x2xbf16>
    %convert_element_type3A_954 = arith.truncf %get3A_952 : vector<2x512xf32> to vector<2x512xbf16>
    %dot_general3A_955 = arith.constant dense<0.000000e+00> : vector<1000x512xf32>
    %dot_general3A_956 = tpu.matmul %convert_element_type3A_953, %convert_element_type3A_954, %dot_general3A_955 {dimension_numbers = #tpu.dot_dimension_numbers<[1], [0], [0], [1], [0, 0, 1, 1], [], []>, transpose_lhs_hint = false} : vector<1000x2xbf16>, vector<2x512xbf16>, vector<1000x512xf32> -> vector<1000x512xf32>
    %get3A_957 = arith.constant 0 : index
    %get3A_958 = arith.constant 0 : index
    %get3A_959 = vector.load %arg3[%get3A_957, %get3A_958] : memref<128x512xf32, #tpu.memory_space<vmem>>, vector<128x512xf32>
    %convert_element_type3A_960 = arith.truncf %mul3A_889 : vector<1000x128xf32> to vector<1000x128xbf16>
    %convert_element_type3A_961 = arith.truncf %get3A_959 : vector<128x512xf32> to vector<128x512xbf16>
    %dot_general3A_962 = arith.constant dense<0.000000e+00> : vector<1000x512xf32>
    %dot_general3A_963 = tpu.matmul %convert_element_type3A_960, %convert_element_type3A_961, %dot_general3A_962 {dimension_numbers = #tpu.dot_dimension_numbers<[1], [0], [0], [1], [0, 0, 1, 1], [], []>, transpose_lhs_hint = false} : vector<1000x128xbf16>, vector<128x512xbf16>, vector<1000x512xf32> -> vector<1000x512xf32>
    %add3A_964 = arith.addf %dot_general3A_956, %dot_general3A_963 : vector<1000x512xf32>
    %add3A_965 = vector.broadcast %add3A : vector<1x512xf32> to vector<1000x512xf32>
    %add3A_966 = arith.addf %add3A_964, %add3A_965 : vector<1000x512xf32>
    %slice3A_967 = vector.extract_strided_slice %add3A_966 {offsets = [0, 0], sizes = [1000, 128], strides = [1, 1]} : vector<1000x512xf32> to vector<1000x128xf32>
    %neg3A_968 = arith.constant 0.000000e+00 : f32
    %neg3A_969 = vector.broadcast %neg3A_968 : f32 to vector<1000x128xf32>
    %neg3A_970 = arith.subf %neg3A_969, %slice3A_967 : vector<1000x128xf32>
    %exp3A_971 = math.exp %neg3A_970 : vector<1000x128xf32>
    %add3A_972 = arith.constant 1.000000e+00 : f32
    %add3A_973 = vector.broadcast %add3A_972 : f32 to vector<1000x128xf32>
    %add3A_974 = arith.addf %add3A_973, %exp3A_971 : vector<1000x128xf32>
    %div3A_975 = arith.constant 1.000000e+00 : f32
    %div3A_976 = vector.broadcast %div3A_975 : f32 to vector<1000x128xf32>
    %div3A_977 = arith.divf %div3A_976, %add3A_974 : vector<1000x128xf32>
    %slice3A_978 = vector.extract_strided_slice %add3A_966 {offsets = [0, 128], sizes = [1000, 128], strides = [1, 1]} : vector<1000x512xf32> to vector<1000x128xf32>
    %neg3A_979 = arith.constant 0.000000e+00 : f32
    %neg3A_980 = vector.broadcast %neg3A_979 : f32 to vector<1000x128xf32>
    %neg3A_981 = arith.subf %neg3A_980, %slice3A_978 : vector<1000x128xf32>
    %exp3A_982 = math.exp %neg3A_981 : vector<1000x128xf32>
    %add3A_983 = arith.constant 1.000000e+00 : f32
    %add3A_984 = vector.broadcast %add3A_983 : f32 to vector<1000x128xf32>
    %add3A_985 = arith.addf %add3A_984, %exp3A_982 : vector<1000x128xf32>
    %div3A_986 = arith.constant 1.000000e+00 : f32
    %div3A_987 = vector.broadcast %div3A_986 : f32 to vector<1000x128xf32>
    %div3A_988 = arith.divf %div3A_987, %add3A_985 : vector<1000x128xf32>
    %slice3A_989 = vector.extract_strided_slice %add3A_966 {offsets = [0, 256], sizes = [1000, 128], strides = [1, 1]} : vector<1000x512xf32> to vector<1000x128xf32>
    %tanh3A_990 = math.tanh %slice3A_989 : vector<1000x128xf32>
    %slice3A_991 = vector.extract_strided_slice %add3A_966 {offsets = [0, 384], sizes = [1000, 128], strides = [1, 1]} : vector<1000x512xf32> to vector<1000x128xf32>
    %neg3A_992 = arith.constant 0.000000e+00 : f32
    %neg3A_993 = vector.broadcast %neg3A_992 : f32 to vector<1000x128xf32>
    %neg3A_994 = arith.subf %neg3A_993, %slice3A_991 : vector<1000x128xf32>
    %exp3A_995 = math.exp %neg3A_994 : vector<1000x128xf32>
    %add3A_996 = arith.constant 1.000000e+00 : f32
    %add3A_997 = vector.broadcast %add3A_996 : f32 to vector<1000x128xf32>
    %add3A_998 = arith.addf %add3A_997, %exp3A_995 : vector<1000x128xf32>
    %div3A_999 = arith.constant 1.000000e+00 : f32
    %div3A_1000 = vector.broadcast %div3A_999 : f32 to vector<1000x128xf32>
    %div3A_1001 = arith.divf %div3A_1000, %add3A_998 : vector<1000x128xf32>
    %mul3A_1002 = arith.mulf %div3A_988, %add3A_887 : vector<1000x128xf32>
    %mul3A_1003 = arith.mulf %div3A_977, %tanh3A_990 : vector<1000x128xf32>
    %add3A_1004 = arith.addf %mul3A_1002, %mul3A_1003 : vector<1000x128xf32>
    %tanh3A_1005 = math.tanh %add3A_1004 : vector<1000x128xf32>
    %mul3A_1006 = arith.mulf %div3A_1001, %tanh3A_1005 : vector<1000x128xf32>
    %get3A_1007 = arith.constant 0 : index
    %get3A_1008 = arith.constant 0 : index
    %get3A_1009 = vector.load %arg6[%get3A_1007, %get3A_1008] : memref<128x512xf32, #tpu.memory_space<vmem>>, vector<128x512xf32>
    %convert_element_type3A_1010 = arith.truncf %mul3A_1006 : vector<1000x128xf32> to vector<1000x128xbf16>
    %convert_element_type3A_1011 = arith.truncf %get3A_1009 : vector<128x512xf32> to vector<128x512xbf16>
    %dot_general3A_1012 = arith.constant dense<0.000000e+00> : vector<1000x512xf32>
    %dot_general3A_1013 = tpu.matmul %convert_element_type3A_1010, %convert_element_type3A_1011, %dot_general3A_1012 {dimension_numbers = #tpu.dot_dimension_numbers<[1], [0], [0], [1], [0, 0, 1, 1], [], []>, transpose_lhs_hint = false} : vector<1000x128xbf16>, vector<128x512xbf16>, vector<1000x512xf32> -> vector<1000x512xf32>
    %get3A_1014 = arith.constant 0 : index
    %get3A_1015 = arith.constant 0 : index
    %get3A_1016 = vector.load %arg7[%get3A_1014, %get3A_1015] : memref<128x512xf32, #tpu.memory_space<vmem>>, vector<128x512xf32>
    %convert_element_type3A_1017 = arith.truncf %mul3A_946 : vector<1000x128xf32> to vector<1000x128xbf16>
    %convert_element_type3A_1018 = arith.truncf %get3A_1016 : vector<128x512xf32> to vector<128x512xbf16>
    %dot_general3A_1019 = arith.constant dense<0.000000e+00> : vector<1000x512xf32>
    %dot_general3A_1020 = tpu.matmul %convert_element_type3A_1017, %convert_element_type3A_1018, %dot_general3A_1019 {dimension_numbers = #tpu.dot_dimension_numbers<[1], [0], [0], [1], [0, 0, 1, 1], [], []>, transpose_lhs_hint = false} : vector<1000x128xbf16>, vector<128x512xbf16>, vector<1000x512xf32> -> vector<1000x512xf32>
    %add3A_1021 = arith.addf %dot_general3A_1013, %dot_general3A_1020 : vector<1000x512xf32>
    %add3A_1022 = vector.broadcast %add3A_11 : vector<1x512xf32> to vector<1000x512xf32>
    %add3A_1023 = arith.addf %add3A_1021, %add3A_1022 : vector<1000x512xf32>
    %slice3A_1024 = vector.extract_strided_slice %add3A_1023 {offsets = [0, 0], sizes = [1000, 128], strides = [1, 1]} : vector<1000x512xf32> to vector<1000x128xf32>
    %neg3A_1025 = arith.constant 0.000000e+00 : f32
    %neg3A_1026 = vector.broadcast %neg3A_1025 : f32 to vector<1000x128xf32>
    %neg3A_1027 = arith.subf %neg3A_1026, %slice3A_1024 : vector<1000x128xf32>
    %exp3A_1028 = math.exp %neg3A_1027 : vector<1000x128xf32>
    %add3A_1029 = arith.constant 1.000000e+00 : f32
    %add3A_1030 = vector.broadcast %add3A_1029 : f32 to vector<1000x128xf32>
    %add3A_1031 = arith.addf %add3A_1030, %exp3A_1028 : vector<1000x128xf32>
    %div3A_1032 = arith.constant 1.000000e+00 : f32
    %div3A_1033 = vector.broadcast %div3A_1032 : f32 to vector<1000x128xf32>
    %div3A_1034 = arith.divf %div3A_1033, %add3A_1031 : vector<1000x128xf32>
    %slice3A_1035 = vector.extract_strided_slice %add3A_1023 {offsets = [0, 128], sizes = [1000, 128], strides = [1, 1]} : vector<1000x512xf32> to vector<1000x128xf32>
    %neg3A_1036 = arith.constant 0.000000e+00 : f32
    %neg3A_1037 = vector.broadcast %neg3A_1036 : f32 to vector<1000x128xf32>
    %neg3A_1038 = arith.subf %neg3A_1037, %slice3A_1035 : vector<1000x128xf32>
    %exp3A_1039 = math.exp %neg3A_1038 : vector<1000x128xf32>
    %add3A_1040 = arith.constant 1.000000e+00 : f32
    %add3A_1041 = vector.broadcast %add3A_1040 : f32 to vector<1000x128xf32>
    %add3A_1042 = arith.addf %add3A_1041, %exp3A_1039 : vector<1000x128xf32>
    %div3A_1043 = arith.constant 1.000000e+00 : f32
    %div3A_1044 = vector.broadcast %div3A_1043 : f32 to vector<1000x128xf32>
    %div3A_1045 = arith.divf %div3A_1044, %add3A_1042 : vector<1000x128xf32>
    %slice3A_1046 = vector.extract_strided_slice %add3A_1023 {offsets = [0, 256], sizes = [1000, 128], strides = [1, 1]} : vector<1000x512xf32> to vector<1000x128xf32>
    %tanh3A_1047 = math.tanh %slice3A_1046 : vector<1000x128xf32>
    %slice3A_1048 = vector.extract_strided_slice %add3A_1023 {offsets = [0, 384], sizes = [1000, 128], strides = [1, 1]} : vector<1000x512xf32> to vector<1000x128xf32>
    %neg3A_1049 = arith.constant 0.000000e+00 : f32
    %neg3A_1050 = vector.broadcast %neg3A_1049 : f32 to vector<1000x128xf32>
    %neg3A_1051 = arith.subf %neg3A_1050, %slice3A_1048 : vector<1000x128xf32>
    %exp3A_1052 = math.exp %neg3A_1051 : vector<1000x128xf32>
    %add3A_1053 = arith.constant 1.000000e+00 : f32
    %add3A_1054 = vector.broadcast %add3A_1053 : f32 to vector<1000x128xf32>
    %add3A_1055 = arith.addf %add3A_1054, %exp3A_1052 : vector<1000x128xf32>
    %div3A_1056 = arith.constant 1.000000e+00 : f32
    %div3A_1057 = vector.broadcast %div3A_1056 : f32 to vector<1000x128xf32>
    %div3A_1058 = arith.divf %div3A_1057, %add3A_1055 : vector<1000x128xf32>
    %mul3A_1059 = arith.mulf %div3A_1045, %add3A_944 : vector<1000x128xf32>
    %mul3A_1060 = arith.mulf %div3A_1034, %tanh3A_1047 : vector<1000x128xf32>
    %add3A_1061 = arith.addf %mul3A_1059, %mul3A_1060 : vector<1000x128xf32>
    %tanh3A_1062 = math.tanh %add3A_1061 : vector<1000x128xf32>
    %mul3A_1063 = arith.mulf %div3A_1058, %tanh3A_1062 : vector<1000x128xf32>
    %get3A_1064 = arith.constant 0 : index
    %get3A_1065 = arith.constant 18 : index
    %get3A_1066 = vector.load %arg1[%get3A_1064, %get3A_1065] : memref<1000x24xf32, #tpu.memory_space<vmem>>, vector<1000x2xf32>
    %get3A_1067 = arith.constant 0 : index
    %get3A_1068 = arith.constant 0 : index
    %get3A_1069 = vector.load %arg2[%get3A_1067, %get3A_1068] : memref<2x512xf32, #tpu.memory_space<vmem>>, vector<2x512xf32>
    %convert_element_type3A_1070 = arith.truncf %get3A_1066 : vector<1000x2xf32> to vector<1000x2xbf16>
    %convert_element_type3A_1071 = arith.truncf %get3A_1069 : vector<2x512xf32> to vector<2x512xbf16>
    %dot_general3A_1072 = arith.constant dense<0.000000e+00> : vector<1000x512xf32>
    %dot_general3A_1073 = tpu.matmul %convert_element_type3A_1070, %convert_element_type3A_1071, %dot_general3A_1072 {dimension_numbers = #tpu.dot_dimension_numbers<[1], [0], [0], [1], [0, 0, 1, 1], [], []>, transpose_lhs_hint = false} : vector<1000x2xbf16>, vector<2x512xbf16>, vector<1000x512xf32> -> vector<1000x512xf32>
    %get3A_1074 = arith.constant 0 : index
    %get3A_1075 = arith.constant 0 : index
    %get3A_1076 = vector.load %arg3[%get3A_1074, %get3A_1075] : memref<128x512xf32, #tpu.memory_space<vmem>>, vector<128x512xf32>
    %convert_element_type3A_1077 = arith.truncf %mul3A_1006 : vector<1000x128xf32> to vector<1000x128xbf16>
    %convert_element_type3A_1078 = arith.truncf %get3A_1076 : vector<128x512xf32> to vector<128x512xbf16>
    %dot_general3A_1079 = arith.constant dense<0.000000e+00> : vector<1000x512xf32>
    %dot_general3A_1080 = tpu.matmul %convert_element_type3A_1077, %convert_element_type3A_1078, %dot_general3A_1079 {dimension_numbers = #tpu.dot_dimension_numbers<[1], [0], [0], [1], [0, 0, 1, 1], [], []>, transpose_lhs_hint = false} : vector<1000x128xbf16>, vector<128x512xbf16>, vector<1000x512xf32> -> vector<1000x512xf32>
    %add3A_1081 = arith.addf %dot_general3A_1073, %dot_general3A_1080 : vector<1000x512xf32>
    %add3A_1082 = vector.broadcast %add3A : vector<1x512xf32> to vector<1000x512xf32>
    %add3A_1083 = arith.addf %add3A_1081, %add3A_1082 : vector<1000x512xf32>
    %slice3A_1084 = vector.extract_strided_slice %add3A_1083 {offsets = [0, 0], sizes = [1000, 128], strides = [1, 1]} : vector<1000x512xf32> to vector<1000x128xf32>
    %neg3A_1085 = arith.constant 0.000000e+00 : f32
    %neg3A_1086 = vector.broadcast %neg3A_1085 : f32 to vector<1000x128xf32>
    %neg3A_1087 = arith.subf %neg3A_1086, %slice3A_1084 : vector<1000x128xf32>
    %exp3A_1088 = math.exp %neg3A_1087 : vector<1000x128xf32>
    %add3A_1089 = arith.constant 1.000000e+00 : f32
    %add3A_1090 = vector.broadcast %add3A_1089 : f32 to vector<1000x128xf32>
    %add3A_1091 = arith.addf %add3A_1090, %exp3A_1088 : vector<1000x128xf32>
    %div3A_1092 = arith.constant 1.000000e+00 : f32
    %div3A_1093 = vector.broadcast %div3A_1092 : f32 to vector<1000x128xf32>
    %div3A_1094 = arith.divf %div3A_1093, %add3A_1091 : vector<1000x128xf32>
    %slice3A_1095 = vector.extract_strided_slice %add3A_1083 {offsets = [0, 128], sizes = [1000, 128], strides = [1, 1]} : vector<1000x512xf32> to vector<1000x128xf32>
    %neg3A_1096 = arith.constant 0.000000e+00 : f32
    %neg3A_1097 = vector.broadcast %neg3A_1096 : f32 to vector<1000x128xf32>
    %neg3A_1098 = arith.subf %neg3A_1097, %slice3A_1095 : vector<1000x128xf32>
    %exp3A_1099 = math.exp %neg3A_1098 : vector<1000x128xf32>
    %add3A_1100 = arith.constant 1.000000e+00 : f32
    %add3A_1101 = vector.broadcast %add3A_1100 : f32 to vector<1000x128xf32>
    %add3A_1102 = arith.addf %add3A_1101, %exp3A_1099 : vector<1000x128xf32>
    %div3A_1103 = arith.constant 1.000000e+00 : f32
    %div3A_1104 = vector.broadcast %div3A_1103 : f32 to vector<1000x128xf32>
    %div3A_1105 = arith.divf %div3A_1104, %add3A_1102 : vector<1000x128xf32>
    %slice3A_1106 = vector.extract_strided_slice %add3A_1083 {offsets = [0, 256], sizes = [1000, 128], strides = [1, 1]} : vector<1000x512xf32> to vector<1000x128xf32>
    %tanh3A_1107 = math.tanh %slice3A_1106 : vector<1000x128xf32>
    %slice3A_1108 = vector.extract_strided_slice %add3A_1083 {offsets = [0, 384], sizes = [1000, 128], strides = [1, 1]} : vector<1000x512xf32> to vector<1000x128xf32>
    %neg3A_1109 = arith.constant 0.000000e+00 : f32
    %neg3A_1110 = vector.broadcast %neg3A_1109 : f32 to vector<1000x128xf32>
    %neg3A_1111 = arith.subf %neg3A_1110, %slice3A_1108 : vector<1000x128xf32>
    %exp3A_1112 = math.exp %neg3A_1111 : vector<1000x128xf32>
    %add3A_1113 = arith.constant 1.000000e+00 : f32
    %add3A_1114 = vector.broadcast %add3A_1113 : f32 to vector<1000x128xf32>
    %add3A_1115 = arith.addf %add3A_1114, %exp3A_1112 : vector<1000x128xf32>
    %div3A_1116 = arith.constant 1.000000e+00 : f32
    %div3A_1117 = vector.broadcast %div3A_1116 : f32 to vector<1000x128xf32>
    %div3A_1118 = arith.divf %div3A_1117, %add3A_1115 : vector<1000x128xf32>
    %mul3A_1119 = arith.mulf %div3A_1105, %add3A_1004 : vector<1000x128xf32>
    %mul3A_1120 = arith.mulf %div3A_1094, %tanh3A_1107 : vector<1000x128xf32>
    %add3A_1121 = arith.addf %mul3A_1119, %mul3A_1120 : vector<1000x128xf32>
    %tanh3A_1122 = math.tanh %add3A_1121 : vector<1000x128xf32>
    %mul3A_1123 = arith.mulf %div3A_1118, %tanh3A_1122 : vector<1000x128xf32>
    %get3A_1124 = arith.constant 0 : index
    %get3A_1125 = arith.constant 0 : index
    %get3A_1126 = vector.load %arg6[%get3A_1124, %get3A_1125] : memref<128x512xf32, #tpu.memory_space<vmem>>, vector<128x512xf32>
    %convert_element_type3A_1127 = arith.truncf %mul3A_1123 : vector<1000x128xf32> to vector<1000x128xbf16>
    %convert_element_type3A_1128 = arith.truncf %get3A_1126 : vector<128x512xf32> to vector<128x512xbf16>
    %dot_general3A_1129 = arith.constant dense<0.000000e+00> : vector<1000x512xf32>
    %dot_general3A_1130 = tpu.matmul %convert_element_type3A_1127, %convert_element_type3A_1128, %dot_general3A_1129 {dimension_numbers = #tpu.dot_dimension_numbers<[1], [0], [0], [1], [0, 0, 1, 1], [], []>, transpose_lhs_hint = false} : vector<1000x128xbf16>, vector<128x512xbf16>, vector<1000x512xf32> -> vector<1000x512xf32>
    %get3A_1131 = arith.constant 0 : index
    %get3A_1132 = arith.constant 0 : index
    %get3A_1133 = vector.load %arg7[%get3A_1131, %get3A_1132] : memref<128x512xf32, #tpu.memory_space<vmem>>, vector<128x512xf32>
    %convert_element_type3A_1134 = arith.truncf %mul3A_1063 : vector<1000x128xf32> to vector<1000x128xbf16>
    %convert_element_type3A_1135 = arith.truncf %get3A_1133 : vector<128x512xf32> to vector<128x512xbf16>
    %dot_general3A_1136 = arith.constant dense<0.000000e+00> : vector<1000x512xf32>
    %dot_general3A_1137 = tpu.matmul %convert_element_type3A_1134, %convert_element_type3A_1135, %dot_general3A_1136 {dimension_numbers = #tpu.dot_dimension_numbers<[1], [0], [0], [1], [0, 0, 1, 1], [], []>, transpose_lhs_hint = false} : vector<1000x128xbf16>, vector<128x512xbf16>, vector<1000x512xf32> -> vector<1000x512xf32>
    %add3A_1138 = arith.addf %dot_general3A_1130, %dot_general3A_1137 : vector<1000x512xf32>
    %add3A_1139 = vector.broadcast %add3A_11 : vector<1x512xf32> to vector<1000x512xf32>
    %add3A_1140 = arith.addf %add3A_1138, %add3A_1139 : vector<1000x512xf32>
    %slice3A_1141 = vector.extract_strided_slice %add3A_1140 {offsets = [0, 0], sizes = [1000, 128], strides = [1, 1]} : vector<1000x512xf32> to vector<1000x128xf32>
    %neg3A_1142 = arith.constant 0.000000e+00 : f32
    %neg3A_1143 = vector.broadcast %neg3A_1142 : f32 to vector<1000x128xf32>
    %neg3A_1144 = arith.subf %neg3A_1143, %slice3A_1141 : vector<1000x128xf32>
    %exp3A_1145 = math.exp %neg3A_1144 : vector<1000x128xf32>
    %add3A_1146 = arith.constant 1.000000e+00 : f32
    %add3A_1147 = vector.broadcast %add3A_1146 : f32 to vector<1000x128xf32>
    %add3A_1148 = arith.addf %add3A_1147, %exp3A_1145 : vector<1000x128xf32>
    %div3A_1149 = arith.constant 1.000000e+00 : f32
    %div3A_1150 = vector.broadcast %div3A_1149 : f32 to vector<1000x128xf32>
    %div3A_1151 = arith.divf %div3A_1150, %add3A_1148 : vector<1000x128xf32>
    %slice3A_1152 = vector.extract_strided_slice %add3A_1140 {offsets = [0, 128], sizes = [1000, 128], strides = [1, 1]} : vector<1000x512xf32> to vector<1000x128xf32>
    %neg3A_1153 = arith.constant 0.000000e+00 : f32
    %neg3A_1154 = vector.broadcast %neg3A_1153 : f32 to vector<1000x128xf32>
    %neg3A_1155 = arith.subf %neg3A_1154, %slice3A_1152 : vector<1000x128xf32>
    %exp3A_1156 = math.exp %neg3A_1155 : vector<1000x128xf32>
    %add3A_1157 = arith.constant 1.000000e+00 : f32
    %add3A_1158 = vector.broadcast %add3A_1157 : f32 to vector<1000x128xf32>
    %add3A_1159 = arith.addf %add3A_1158, %exp3A_1156 : vector<1000x128xf32>
    %div3A_1160 = arith.constant 1.000000e+00 : f32
    %div3A_1161 = vector.broadcast %div3A_1160 : f32 to vector<1000x128xf32>
    %div3A_1162 = arith.divf %div3A_1161, %add3A_1159 : vector<1000x128xf32>
    %slice3A_1163 = vector.extract_strided_slice %add3A_1140 {offsets = [0, 256], sizes = [1000, 128], strides = [1, 1]} : vector<1000x512xf32> to vector<1000x128xf32>
    %tanh3A_1164 = math.tanh %slice3A_1163 : vector<1000x128xf32>
    %slice3A_1165 = vector.extract_strided_slice %add3A_1140 {offsets = [0, 384], sizes = [1000, 128], strides = [1, 1]} : vector<1000x512xf32> to vector<1000x128xf32>
    %neg3A_1166 = arith.constant 0.000000e+00 : f32
    %neg3A_1167 = vector.broadcast %neg3A_1166 : f32 to vector<1000x128xf32>
    %neg3A_1168 = arith.subf %neg3A_1167, %slice3A_1165 : vector<1000x128xf32>
    %exp3A_1169 = math.exp %neg3A_1168 : vector<1000x128xf32>
    %add3A_1170 = arith.constant 1.000000e+00 : f32
    %add3A_1171 = vector.broadcast %add3A_1170 : f32 to vector<1000x128xf32>
    %add3A_1172 = arith.addf %add3A_1171, %exp3A_1169 : vector<1000x128xf32>
    %div3A_1173 = arith.constant 1.000000e+00 : f32
    %div3A_1174 = vector.broadcast %div3A_1173 : f32 to vector<1000x128xf32>
    %div3A_1175 = arith.divf %div3A_1174, %add3A_1172 : vector<1000x128xf32>
    %mul3A_1176 = arith.mulf %div3A_1162, %add3A_1061 : vector<1000x128xf32>
    %mul3A_1177 = arith.mulf %div3A_1151, %tanh3A_1164 : vector<1000x128xf32>
    %add3A_1178 = arith.addf %mul3A_1176, %mul3A_1177 : vector<1000x128xf32>
    %tanh3A_1179 = math.tanh %add3A_1178 : vector<1000x128xf32>
    %mul3A_1180 = arith.mulf %div3A_1175, %tanh3A_1179 : vector<1000x128xf32>
    %get3A_1181 = arith.constant 0 : index
    %get3A_1182 = arith.constant 20 : index
    %get3A_1183 = vector.load %arg1[%get3A_1181, %get3A_1182] : memref<1000x24xf32, #tpu.memory_space<vmem>>, vector<1000x2xf32>
    %get3A_1184 = arith.constant 0 : index
    %get3A_1185 = arith.constant 0 : index
    %get3A_1186 = vector.load %arg2[%get3A_1184, %get3A_1185] : memref<2x512xf32, #tpu.memory_space<vmem>>, vector<2x512xf32>
    %convert_element_type3A_1187 = arith.truncf %get3A_1183 : vector<1000x2xf32> to vector<1000x2xbf16>
    %convert_element_type3A_1188 = arith.truncf %get3A_1186 : vector<2x512xf32> to vector<2x512xbf16>
    %dot_general3A_1189 = arith.constant dense<0.000000e+00> : vector<1000x512xf32>
    %dot_general3A_1190 = tpu.matmul %convert_element_type3A_1187, %convert_element_type3A_1188, %dot_general3A_1189 {dimension_numbers = #tpu.dot_dimension_numbers<[1], [0], [0], [1], [0, 0, 1, 1], [], []>, transpose_lhs_hint = false} : vector<1000x2xbf16>, vector<2x512xbf16>, vector<1000x512xf32> -> vector<1000x512xf32>
    %get3A_1191 = arith.constant 0 : index
    %get3A_1192 = arith.constant 0 : index
    %get3A_1193 = vector.load %arg3[%get3A_1191, %get3A_1192] : memref<128x512xf32, #tpu.memory_space<vmem>>, vector<128x512xf32>
    %convert_element_type3A_1194 = arith.truncf %mul3A_1123 : vector<1000x128xf32> to vector<1000x128xbf16>
    %convert_element_type3A_1195 = arith.truncf %get3A_1193 : vector<128x512xf32> to vector<128x512xbf16>
    %dot_general3A_1196 = arith.constant dense<0.000000e+00> : vector<1000x512xf32>
    %dot_general3A_1197 = tpu.matmul %convert_element_type3A_1194, %convert_element_type3A_1195, %dot_general3A_1196 {dimension_numbers = #tpu.dot_dimension_numbers<[1], [0], [0], [1], [0, 0, 1, 1], [], []>, transpose_lhs_hint = false} : vector<1000x128xbf16>, vector<128x512xbf16>, vector<1000x512xf32> -> vector<1000x512xf32>
    %add3A_1198 = arith.addf %dot_general3A_1190, %dot_general3A_1197 : vector<1000x512xf32>
    %add3A_1199 = vector.broadcast %add3A : vector<1x512xf32> to vector<1000x512xf32>
    %add3A_1200 = arith.addf %add3A_1198, %add3A_1199 : vector<1000x512xf32>
    %slice3A_1201 = vector.extract_strided_slice %add3A_1200 {offsets = [0, 0], sizes = [1000, 128], strides = [1, 1]} : vector<1000x512xf32> to vector<1000x128xf32>
    %neg3A_1202 = arith.constant 0.000000e+00 : f32
    %neg3A_1203 = vector.broadcast %neg3A_1202 : f32 to vector<1000x128xf32>
    %neg3A_1204 = arith.subf %neg3A_1203, %slice3A_1201 : vector<1000x128xf32>
    %exp3A_1205 = math.exp %neg3A_1204 : vector<1000x128xf32>
    %add3A_1206 = arith.constant 1.000000e+00 : f32
    %add3A_1207 = vector.broadcast %add3A_1206 : f32 to vector<1000x128xf32>
    %add3A_1208 = arith.addf %add3A_1207, %exp3A_1205 : vector<1000x128xf32>
    %div3A_1209 = arith.constant 1.000000e+00 : f32
    %div3A_1210 = vector.broadcast %div3A_1209 : f32 to vector<1000x128xf32>
    %div3A_1211 = arith.divf %div3A_1210, %add3A_1208 : vector<1000x128xf32>
    %slice3A_1212 = vector.extract_strided_slice %add3A_1200 {offsets = [0, 128], sizes = [1000, 128], strides = [1, 1]} : vector<1000x512xf32> to vector<1000x128xf32>
    %neg3A_1213 = arith.constant 0.000000e+00 : f32
    %neg3A_1214 = vector.broadcast %neg3A_1213 : f32 to vector<1000x128xf32>
    %neg3A_1215 = arith.subf %neg3A_1214, %slice3A_1212 : vector<1000x128xf32>
    %exp3A_1216 = math.exp %neg3A_1215 : vector<1000x128xf32>
    %add3A_1217 = arith.constant 1.000000e+00 : f32
    %add3A_1218 = vector.broadcast %add3A_1217 : f32 to vector<1000x128xf32>
    %add3A_1219 = arith.addf %add3A_1218, %exp3A_1216 : vector<1000x128xf32>
    %div3A_1220 = arith.constant 1.000000e+00 : f32
    %div3A_1221 = vector.broadcast %div3A_1220 : f32 to vector<1000x128xf32>
    %div3A_1222 = arith.divf %div3A_1221, %add3A_1219 : vector<1000x128xf32>
    %slice3A_1223 = vector.extract_strided_slice %add3A_1200 {offsets = [0, 256], sizes = [1000, 128], strides = [1, 1]} : vector<1000x512xf32> to vector<1000x128xf32>
    %tanh3A_1224 = math.tanh %slice3A_1223 : vector<1000x128xf32>
    %slice3A_1225 = vector.extract_strided_slice %add3A_1200 {offsets = [0, 384], sizes = [1000, 128], strides = [1, 1]} : vector<1000x512xf32> to vector<1000x128xf32>
    %neg3A_1226 = arith.constant 0.000000e+00 : f32
    %neg3A_1227 = vector.broadcast %neg3A_1226 : f32 to vector<1000x128xf32>
    %neg3A_1228 = arith.subf %neg3A_1227, %slice3A_1225 : vector<1000x128xf32>
    %exp3A_1229 = math.exp %neg3A_1228 : vector<1000x128xf32>
    %add3A_1230 = arith.constant 1.000000e+00 : f32
    %add3A_1231 = vector.broadcast %add3A_1230 : f32 to vector<1000x128xf32>
    %add3A_1232 = arith.addf %add3A_1231, %exp3A_1229 : vector<1000x128xf32>
    %div3A_1233 = arith.constant 1.000000e+00 : f32
    %div3A_1234 = vector.broadcast %div3A_1233 : f32 to vector<1000x128xf32>
    %div3A_1235 = arith.divf %div3A_1234, %add3A_1232 : vector<1000x128xf32>
    %mul3A_1236 = arith.mulf %div3A_1222, %add3A_1121 : vector<1000x128xf32>
    %mul3A_1237 = arith.mulf %div3A_1211, %tanh3A_1224 : vector<1000x128xf32>
    %add3A_1238 = arith.addf %mul3A_1236, %mul3A_1237 : vector<1000x128xf32>
    %tanh3A_1239 = math.tanh %add3A_1238 : vector<1000x128xf32>
    %mul3A_1240 = arith.mulf %div3A_1235, %tanh3A_1239 : vector<1000x128xf32>
    %get3A_1241 = arith.constant 0 : index
    %get3A_1242 = arith.constant 0 : index
    %get3A_1243 = vector.load %arg6[%get3A_1241, %get3A_1242] : memref<128x512xf32, #tpu.memory_space<vmem>>, vector<128x512xf32>
    %convert_element_type3A_1244 = arith.truncf %mul3A_1240 : vector<1000x128xf32> to vector<1000x128xbf16>
    %convert_element_type3A_1245 = arith.truncf %get3A_1243 : vector<128x512xf32> to vector<128x512xbf16>
    %dot_general3A_1246 = arith.constant dense<0.000000e+00> : vector<1000x512xf32>
    %dot_general3A_1247 = tpu.matmul %convert_element_type3A_1244, %convert_element_type3A_1245, %dot_general3A_1246 {dimension_numbers = #tpu.dot_dimension_numbers<[1], [0], [0], [1], [0, 0, 1, 1], [], []>, transpose_lhs_hint = false} : vector<1000x128xbf16>, vector<128x512xbf16>, vector<1000x512xf32> -> vector<1000x512xf32>
    %get3A_1248 = arith.constant 0 : index
    %get3A_1249 = arith.constant 0 : index
    %get3A_1250 = vector.load %arg7[%get3A_1248, %get3A_1249] : memref<128x512xf32, #tpu.memory_space<vmem>>, vector<128x512xf32>
    %convert_element_type3A_1251 = arith.truncf %mul3A_1180 : vector<1000x128xf32> to vector<1000x128xbf16>
    %convert_element_type3A_1252 = arith.truncf %get3A_1250 : vector<128x512xf32> to vector<128x512xbf16>
    %dot_general3A_1253 = arith.constant dense<0.000000e+00> : vector<1000x512xf32>
    %dot_general3A_1254 = tpu.matmul %convert_element_type3A_1251, %convert_element_type3A_1252, %dot_general3A_1253 {dimension_numbers = #tpu.dot_dimension_numbers<[1], [0], [0], [1], [0, 0, 1, 1], [], []>, transpose_lhs_hint = false} : vector<1000x128xbf16>, vector<128x512xbf16>, vector<1000x512xf32> -> vector<1000x512xf32>
    %add3A_1255 = arith.addf %dot_general3A_1247, %dot_general3A_1254 : vector<1000x512xf32>
    %add3A_1256 = vector.broadcast %add3A_11 : vector<1x512xf32> to vector<1000x512xf32>
    %add3A_1257 = arith.addf %add3A_1255, %add3A_1256 : vector<1000x512xf32>
    %slice3A_1258 = vector.extract_strided_slice %add3A_1257 {offsets = [0, 0], sizes = [1000, 128], strides = [1, 1]} : vector<1000x512xf32> to vector<1000x128xf32>
    %neg3A_1259 = arith.constant 0.000000e+00 : f32
    %neg3A_1260 = vector.broadcast %neg3A_1259 : f32 to vector<1000x128xf32>
    %neg3A_1261 = arith.subf %neg3A_1260, %slice3A_1258 : vector<1000x128xf32>
    %exp3A_1262 = math.exp %neg3A_1261 : vector<1000x128xf32>
    %add3A_1263 = arith.constant 1.000000e+00 : f32
    %add3A_1264 = vector.broadcast %add3A_1263 : f32 to vector<1000x128xf32>
    %add3A_1265 = arith.addf %add3A_1264, %exp3A_1262 : vector<1000x128xf32>
    %div3A_1266 = arith.constant 1.000000e+00 : f32
    %div3A_1267 = vector.broadcast %div3A_1266 : f32 to vector<1000x128xf32>
    %div3A_1268 = arith.divf %div3A_1267, %add3A_1265 : vector<1000x128xf32>
    %slice3A_1269 = vector.extract_strided_slice %add3A_1257 {offsets = [0, 128], sizes = [1000, 128], strides = [1, 1]} : vector<1000x512xf32> to vector<1000x128xf32>
    %neg3A_1270 = arith.constant 0.000000e+00 : f32
    %neg3A_1271 = vector.broadcast %neg3A_1270 : f32 to vector<1000x128xf32>
    %neg3A_1272 = arith.subf %neg3A_1271, %slice3A_1269 : vector<1000x128xf32>
    %exp3A_1273 = math.exp %neg3A_1272 : vector<1000x128xf32>
    %add3A_1274 = arith.constant 1.000000e+00 : f32
    %add3A_1275 = vector.broadcast %add3A_1274 : f32 to vector<1000x128xf32>
    %add3A_1276 = arith.addf %add3A_1275, %exp3A_1273 : vector<1000x128xf32>
    %div3A_1277 = arith.constant 1.000000e+00 : f32
    %div3A_1278 = vector.broadcast %div3A_1277 : f32 to vector<1000x128xf32>
    %div3A_1279 = arith.divf %div3A_1278, %add3A_1276 : vector<1000x128xf32>
    %slice3A_1280 = vector.extract_strided_slice %add3A_1257 {offsets = [0, 256], sizes = [1000, 128], strides = [1, 1]} : vector<1000x512xf32> to vector<1000x128xf32>
    %tanh3A_1281 = math.tanh %slice3A_1280 : vector<1000x128xf32>
    %slice3A_1282 = vector.extract_strided_slice %add3A_1257 {offsets = [0, 384], sizes = [1000, 128], strides = [1, 1]} : vector<1000x512xf32> to vector<1000x128xf32>
    %neg3A_1283 = arith.constant 0.000000e+00 : f32
    %neg3A_1284 = vector.broadcast %neg3A_1283 : f32 to vector<1000x128xf32>
    %neg3A_1285 = arith.subf %neg3A_1284, %slice3A_1282 : vector<1000x128xf32>
    %exp3A_1286 = math.exp %neg3A_1285 : vector<1000x128xf32>
    %add3A_1287 = arith.constant 1.000000e+00 : f32
    %add3A_1288 = vector.broadcast %add3A_1287 : f32 to vector<1000x128xf32>
    %add3A_1289 = arith.addf %add3A_1288, %exp3A_1286 : vector<1000x128xf32>
    %div3A_1290 = arith.constant 1.000000e+00 : f32
    %div3A_1291 = vector.broadcast %div3A_1290 : f32 to vector<1000x128xf32>
    %div3A_1292 = arith.divf %div3A_1291, %add3A_1289 : vector<1000x128xf32>
    %mul3A_1293 = arith.mulf %div3A_1279, %add3A_1178 : vector<1000x128xf32>
    %mul3A_1294 = arith.mulf %div3A_1268, %tanh3A_1281 : vector<1000x128xf32>
    %add3A_1295 = arith.addf %mul3A_1293, %mul3A_1294 : vector<1000x128xf32>
    %tanh3A_1296 = math.tanh %add3A_1295 : vector<1000x128xf32>
    %mul3A_1297 = arith.mulf %div3A_1292, %tanh3A_1296 : vector<1000x128xf32>
    %get3A_1298 = arith.constant 0 : index
    %get3A_1299 = arith.constant 22 : index
    %get3A_1300 = vector.load %arg1[%get3A_1298, %get3A_1299] : memref<1000x24xf32, #tpu.memory_space<vmem>>, vector<1000x2xf32>
    %get3A_1301 = arith.constant 0 : index
    %get3A_1302 = arith.constant 0 : index
    %get3A_1303 = vector.load %arg2[%get3A_1301, %get3A_1302] : memref<2x512xf32, #tpu.memory_space<vmem>>, vector<2x512xf32>
    %convert_element_type3A_1304 = arith.truncf %get3A_1300 : vector<1000x2xf32> to vector<1000x2xbf16>
    %convert_element_type3A_1305 = arith.truncf %get3A_1303 : vector<2x512xf32> to vector<2x512xbf16>
    %dot_general3A_1306 = arith.constant dense<0.000000e+00> : vector<1000x512xf32>
    %dot_general3A_1307 = tpu.matmul %convert_element_type3A_1304, %convert_element_type3A_1305, %dot_general3A_1306 {dimension_numbers = #tpu.dot_dimension_numbers<[1], [0], [0], [1], [0, 0, 1, 1], [], []>, transpose_lhs_hint = false} : vector<1000x2xbf16>, vector<2x512xbf16>, vector<1000x512xf32> -> vector<1000x512xf32>
    %get3A_1308 = arith.constant 0 : index
    %get3A_1309 = arith.constant 0 : index
    %get3A_1310 = vector.load %arg3[%get3A_1308, %get3A_1309] : memref<128x512xf32, #tpu.memory_space<vmem>>, vector<128x512xf32>
    %convert_element_type3A_1311 = arith.truncf %mul3A_1240 : vector<1000x128xf32> to vector<1000x128xbf16>
    %convert_element_type3A_1312 = arith.truncf %get3A_1310 : vector<128x512xf32> to vector<128x512xbf16>
    %dot_general3A_1313 = arith.constant dense<0.000000e+00> : vector<1000x512xf32>
    %dot_general3A_1314 = tpu.matmul %convert_element_type3A_1311, %convert_element_type3A_1312, %dot_general3A_1313 {dimension_numbers = #tpu.dot_dimension_numbers<[1], [0], [0], [1], [0, 0, 1, 1], [], []>, transpose_lhs_hint = false} : vector<1000x128xbf16>, vector<128x512xbf16>, vector<1000x512xf32> -> vector<1000x512xf32>
    %add3A_1315 = arith.addf %dot_general3A_1307, %dot_general3A_1314 : vector<1000x512xf32>
    %add3A_1316 = vector.broadcast %add3A : vector<1x512xf32> to vector<1000x512xf32>
    %add3A_1317 = arith.addf %add3A_1315, %add3A_1316 : vector<1000x512xf32>
    %slice3A_1318 = vector.extract_strided_slice %add3A_1317 {offsets = [0, 0], sizes = [1000, 128], strides = [1, 1]} : vector<1000x512xf32> to vector<1000x128xf32>
    %neg3A_1319 = arith.constant 0.000000e+00 : f32
    %neg3A_1320 = vector.broadcast %neg3A_1319 : f32 to vector<1000x128xf32>
    %neg3A_1321 = arith.subf %neg3A_1320, %slice3A_1318 : vector<1000x128xf32>
    %exp3A_1322 = math.exp %neg3A_1321 : vector<1000x128xf32>
    %add3A_1323 = arith.constant 1.000000e+00 : f32
    %add3A_1324 = vector.broadcast %add3A_1323 : f32 to vector<1000x128xf32>
    %add3A_1325 = arith.addf %add3A_1324, %exp3A_1322 : vector<1000x128xf32>
    %div3A_1326 = arith.constant 1.000000e+00 : f32
    %div3A_1327 = vector.broadcast %div3A_1326 : f32 to vector<1000x128xf32>
    %div3A_1328 = arith.divf %div3A_1327, %add3A_1325 : vector<1000x128xf32>
    %slice3A_1329 = vector.extract_strided_slice %add3A_1317 {offsets = [0, 128], sizes = [1000, 128], strides = [1, 1]} : vector<1000x512xf32> to vector<1000x128xf32>
    %neg3A_1330 = arith.constant 0.000000e+00 : f32
    %neg3A_1331 = vector.broadcast %neg3A_1330 : f32 to vector<1000x128xf32>
    %neg3A_1332 = arith.subf %neg3A_1331, %slice3A_1329 : vector<1000x128xf32>
    %exp3A_1333 = math.exp %neg3A_1332 : vector<1000x128xf32>
    %add3A_1334 = arith.constant 1.000000e+00 : f32
    %add3A_1335 = vector.broadcast %add3A_1334 : f32 to vector<1000x128xf32>
    %add3A_1336 = arith.addf %add3A_1335, %exp3A_1333 : vector<1000x128xf32>
    %div3A_1337 = arith.constant 1.000000e+00 : f32
    %div3A_1338 = vector.broadcast %div3A_1337 : f32 to vector<1000x128xf32>
    %div3A_1339 = arith.divf %div3A_1338, %add3A_1336 : vector<1000x128xf32>
    %slice3A_1340 = vector.extract_strided_slice %add3A_1317 {offsets = [0, 256], sizes = [1000, 128], strides = [1, 1]} : vector<1000x512xf32> to vector<1000x128xf32>
    %tanh3A_1341 = math.tanh %slice3A_1340 : vector<1000x128xf32>
    %slice3A_1342 = vector.extract_strided_slice %add3A_1317 {offsets = [0, 384], sizes = [1000, 128], strides = [1, 1]} : vector<1000x512xf32> to vector<1000x128xf32>
    %neg3A_1343 = arith.constant 0.000000e+00 : f32
    %neg3A_1344 = vector.broadcast %neg3A_1343 : f32 to vector<1000x128xf32>
    %neg3A_1345 = arith.subf %neg3A_1344, %slice3A_1342 : vector<1000x128xf32>
    %exp3A_1346 = math.exp %neg3A_1345 : vector<1000x128xf32>
    %add3A_1347 = arith.constant 1.000000e+00 : f32
    %add3A_1348 = vector.broadcast %add3A_1347 : f32 to vector<1000x128xf32>
    %add3A_1349 = arith.addf %add3A_1348, %exp3A_1346 : vector<1000x128xf32>
    %div3A_1350 = arith.constant 1.000000e+00 : f32
    %div3A_1351 = vector.broadcast %div3A_1350 : f32 to vector<1000x128xf32>
    %div3A_1352 = arith.divf %div3A_1351, %add3A_1349 : vector<1000x128xf32>
    %mul3A_1353 = arith.mulf %div3A_1339, %add3A_1238 : vector<1000x128xf32>
    %mul3A_1354 = arith.mulf %div3A_1328, %tanh3A_1341 : vector<1000x128xf32>
    %add3A_1355 = arith.addf %mul3A_1353, %mul3A_1354 : vector<1000x128xf32>
    %tanh3A_1356 = math.tanh %add3A_1355 : vector<1000x128xf32>
    %mul3A_1357 = arith.mulf %div3A_1352, %tanh3A_1356 : vector<1000x128xf32>
    %get3A_1358 = arith.constant 0 : index
    %get3A_1359 = arith.constant 0 : index
    %get3A_1360 = vector.load %arg6[%get3A_1358, %get3A_1359] : memref<128x512xf32, #tpu.memory_space<vmem>>, vector<128x512xf32>
    %convert_element_type3A_1361 = arith.truncf %mul3A_1357 : vector<1000x128xf32> to vector<1000x128xbf16>
    %convert_element_type3A_1362 = arith.truncf %get3A_1360 : vector<128x512xf32> to vector<128x512xbf16>
    %dot_general3A_1363 = arith.constant dense<0.000000e+00> : vector<1000x512xf32>
    %dot_general3A_1364 = tpu.matmul %convert_element_type3A_1361, %convert_element_type3A_1362, %dot_general3A_1363 {dimension_numbers = #tpu.dot_dimension_numbers<[1], [0], [0], [1], [0, 0, 1, 1], [], []>, transpose_lhs_hint = false} : vector<1000x128xbf16>, vector<128x512xbf16>, vector<1000x512xf32> -> vector<1000x512xf32>
    %get3A_1365 = arith.constant 0 : index
    %get3A_1366 = arith.constant 0 : index
    %get3A_1367 = vector.load %arg7[%get3A_1365, %get3A_1366] : memref<128x512xf32, #tpu.memory_space<vmem>>, vector<128x512xf32>
    %convert_element_type3A_1368 = arith.truncf %mul3A_1297 : vector<1000x128xf32> to vector<1000x128xbf16>
    %convert_element_type3A_1369 = arith.truncf %get3A_1367 : vector<128x512xf32> to vector<128x512xbf16>
    %dot_general3A_1370 = arith.constant dense<0.000000e+00> : vector<1000x512xf32>
    %dot_general3A_1371 = tpu.matmul %convert_element_type3A_1368, %convert_element_type3A_1369, %dot_general3A_1370 {dimension_numbers = #tpu.dot_dimension_numbers<[1], [0], [0], [1], [0, 0, 1, 1], [], []>, transpose_lhs_hint = false} : vector<1000x128xbf16>, vector<128x512xbf16>, vector<1000x512xf32> -> vector<1000x512xf32>
    %add3A_1372 = arith.addf %dot_general3A_1364, %dot_general3A_1371 : vector<1000x512xf32>
    %add3A_1373 = vector.broadcast %add3A_11 : vector<1x512xf32> to vector<1000x512xf32>
    %add3A_1374 = arith.addf %add3A_1372, %add3A_1373 : vector<1000x512xf32>
    %slice3A_1375 = vector.extract_strided_slice %add3A_1374 {offsets = [0, 0], sizes = [1000, 128], strides = [1, 1]} : vector<1000x512xf32> to vector<1000x128xf32>
    %neg3A_1376 = arith.constant 0.000000e+00 : f32
    %neg3A_1377 = vector.broadcast %neg3A_1376 : f32 to vector<1000x128xf32>
    %neg3A_1378 = arith.subf %neg3A_1377, %slice3A_1375 : vector<1000x128xf32>
    %exp3A_1379 = math.exp %neg3A_1378 : vector<1000x128xf32>
    %add3A_1380 = arith.constant 1.000000e+00 : f32
    %add3A_1381 = vector.broadcast %add3A_1380 : f32 to vector<1000x128xf32>
    %add3A_1382 = arith.addf %add3A_1381, %exp3A_1379 : vector<1000x128xf32>
    %div3A_1383 = arith.constant 1.000000e+00 : f32
    %div3A_1384 = vector.broadcast %div3A_1383 : f32 to vector<1000x128xf32>
    %div3A_1385 = arith.divf %div3A_1384, %add3A_1382 : vector<1000x128xf32>
    %slice3A_1386 = vector.extract_strided_slice %add3A_1374 {offsets = [0, 128], sizes = [1000, 128], strides = [1, 1]} : vector<1000x512xf32> to vector<1000x128xf32>
    %neg3A_1387 = arith.constant 0.000000e+00 : f32
    %neg3A_1388 = vector.broadcast %neg3A_1387 : f32 to vector<1000x128xf32>
    %neg3A_1389 = arith.subf %neg3A_1388, %slice3A_1386 : vector<1000x128xf32>
    %exp3A_1390 = math.exp %neg3A_1389 : vector<1000x128xf32>
    %add3A_1391 = arith.constant 1.000000e+00 : f32
    %add3A_1392 = vector.broadcast %add3A_1391 : f32 to vector<1000x128xf32>
    %add3A_1393 = arith.addf %add3A_1392, %exp3A_1390 : vector<1000x128xf32>
    %div3A_1394 = arith.constant 1.000000e+00 : f32
    %div3A_1395 = vector.broadcast %div3A_1394 : f32 to vector<1000x128xf32>
    %div3A_1396 = arith.divf %div3A_1395, %add3A_1393 : vector<1000x128xf32>
    %slice3A_1397 = vector.extract_strided_slice %add3A_1374 {offsets = [0, 256], sizes = [1000, 128], strides = [1, 1]} : vector<1000x512xf32> to vector<1000x128xf32>
    %tanh3A_1398 = math.tanh %slice3A_1397 : vector<1000x128xf32>
    %slice3A_1399 = vector.extract_strided_slice %add3A_1374 {offsets = [0, 384], sizes = [1000, 128], strides = [1, 1]} : vector<1000x512xf32> to vector<1000x128xf32>
    %neg3A_1400 = arith.constant 0.000000e+00 : f32
    %neg3A_1401 = vector.broadcast %neg3A_1400 : f32 to vector<1000x128xf32>
    %neg3A_1402 = arith.subf %neg3A_1401, %slice3A_1399 : vector<1000x128xf32>
    %exp3A_1403 = math.exp %neg3A_1402 : vector<1000x128xf32>
    %add3A_1404 = arith.constant 1.000000e+00 : f32
    %add3A_1405 = vector.broadcast %add3A_1404 : f32 to vector<1000x128xf32>
    %add3A_1406 = arith.addf %add3A_1405, %exp3A_1403 : vector<1000x128xf32>
    %div3A_1407 = arith.constant 1.000000e+00 : f32
    %div3A_1408 = vector.broadcast %div3A_1407 : f32 to vector<1000x128xf32>
    %div3A_1409 = arith.divf %div3A_1408, %add3A_1406 : vector<1000x128xf32>
    %mul3A_1410 = arith.mulf %div3A_1396, %add3A_1295 : vector<1000x128xf32>
    %mul3A_1411 = arith.mulf %div3A_1385, %tanh3A_1398 : vector<1000x128xf32>
    %add3A_1412 = arith.addf %mul3A_1410, %mul3A_1411 : vector<1000x128xf32>
    %tanh3A_1413 = math.tanh %add3A_1412 : vector<1000x128xf32>
    %mul3A_1414 = arith.mulf %div3A_1409, %tanh3A_1413 : vector<1000x128xf32>
    %swap3A = arith.constant 0 : index
    %swap3A_1415 = arith.constant 0 : index
    %swap3A_1416 = vector.load %arg10[%swap3A, %swap3A_1415] : memref<1000x128xf32, #tpu.memory_space<vmem>>, vector<1000x128xf32>
    tpu.vector_store %arg10[%swap3A, %swap3A_1415], %mul3A_1414 {strides = array<i32>} : memref<1000x128xf32, #tpu.memory_space<vmem>>, vector<1000x128xf32>,
    return
  }
  func.func @transform_0(%arg0: i32) -> (i32, i32) {
    %c0_i32 = arith.constant 0 : i32
    %c0_i32_0 = arith.constant 0 : i32
    return %arg0, %c0_i32 : i32, i32
  }
  func.func @transform_1(%arg0: i32) -> (i32, i32) {
    %c0_i32 = arith.constant 0 : i32
    %c0_i32_0 = arith.constant 0 : i32
    %c0_i32_1 = arith.constant 0 : i32
    return %c0_i32, %c0_i32_0 : i32, i32
  }
  func.func @transform_2(%arg0: i32) -> (i32, i32) {
    %c0_i32 = arith.constant 0 : i32
    %c0_i32_0 = arith.constant 0 : i32
    %c0_i32_1 = arith.constant 0 : i32
    return %c0_i32, %c0_i32_0 : i32, i32
  }
  func.func @transform_3(%arg0: i32) -> (i32, i32) {
    %c0_i32 = arith.constant 0 : i32
    %c0_i32_0 = arith.constant 0 : i32
    %c0_i32_1 = arith.constant 0 : i32
    return %c0_i32, %c0_i32_0 : i32, i32
  }
  func.func @transform_4(%arg0: i32) -> (i32, i32) {
    %c0_i32 = arith.constant 0 : i32
    %c0_i32_0 = arith.constant 0 : i32
    %c0_i32_1 = arith.constant 0 : i32
    return %c0_i32, %c0_i32_0 : i32, i32
  }
  func.func @transform_5(%arg0: i32) -> (i32, i32) {
    %c0_i32 = arith.constant 0 : i32
    %c0_i32_0 = arith.constant 0 : i32
    %c0_i32_1 = arith.constant 0 : i32
    return %c0_i32, %c0_i32_0 : i32, i32
  }
  func.func @transform_6(%arg0: i32) -> (i32, i32) {
    %c0_i32 = arith.constant 0 : i32
    %c0_i32_0 = arith.constant 0 : i32
    %c0_i32_1 = arith.constant 0 : i32
    return %c0_i32, %c0_i32_0 : i32, i32
  }
  func.func @transform_7(%arg0: i32) -> (i32, i32) {
    %c0_i32 = arith.constant 0 : i32
    %c0_i32_0 = arith.constant 0 : i32
    %c0_i32_1 = arith.constant 0 : i32
    return %c0_i32, %c0_i32_0 : i32, i32
  }
  func.func @transform_8(%arg0: i32) -> (i32, i32) {
    %c0_i32 = arith.constant 0 : i32
    %c0_i32_0 = arith.constant 0 : i32
    %c0_i32_1 = arith.constant 0 : i32
    return %c0_i32, %c0_i32_0 : i32, i32
  }
  func.func @transform_9(%arg0: i32) -> (i32, i32) {
    %c0_i32 = arith.constant 0 : i32
    %c0_i32_0 = arith.constant 0 : i32
    return %arg0, %c0_i32 : i32, i32
  }
}

module attributes {stable_mosaic.version = 14 : i64} {
  func.func @_mm_first_body(%arg0: i32, %arg1: memref<2000x128xf32, #tpu.memory_space<vmem>>, %arg2: memref<128x128xf32, #tpu.memory_space<vmem>>, %arg3: memref<2000x128xf32, #tpu.memory_space<vmem>>, %arg4: memref<2000x128xf32, #tpu.memory_space<vmem>>, %arg5: memref<2000x16xf32, #tpu.memory_space<vmem>>) attributes {dimension_semantics = [#tpu.dimension_semantics<arbitrary>], iteration_bounds = array<i64: 5>, scalar_prefetch = 0 : i64, scratch_operands = 0 : i64, tpu.core_type = #tpu.core_type<tc>, window_params = [{transform_indices = @transform_0, window_bounds = array<i64: 2000, 128>}, {pipeline_mode = #tpu.pipeline_mode<synchronous>, transform_indices = @transform_1, window_bounds = array<i64: 128, 128>}, {transform_indices = @transform_2, window_bounds = array<i64: 2000, 128>}, {transform_indices = @transform_3, window_bounds = array<i64: 2000, 128>}, {transform_indices = @transform_4, window_bounds = array<i64: 2000, 16>}]} {
    %get3A = arith.constant 0 : index
    %get3A_0 = arith.constant 0 : index
    %get3A_1 = vector.load %arg3[%get3A, %get3A_0] : memref<2000x128xf32, #tpu.memory_space<vmem>>, vector<2000x1xf32>
    %add3A = arith.constant 1.000000e+00 : f32
    %add3A_2 = vector.broadcast %add3A : f32 to vector<2000x1xf32>
    %add3A_3 = arith.addf %get3A_1, %add3A_2 : vector<2000x1xf32>
    %rsqrt3A = math.rsqrt %add3A_3 : vector<2000x1xf32>
    %broadcast_in_dim3A = vector.shape_cast %rsqrt3A : vector<2000x1xf32> to vector<2000x1xf32>
    %broadcast_in_dim3A_4 = vector.broadcast %broadcast_in_dim3A : vector<2000x1xf32> to vector<2000x16xf32>
    %swap3A = arith.constant 0 : index
    %swap3A_5 = arith.constant 0 : index
    %swap3A_6 = vector.load %arg5[%swap3A, %swap3A_5] : memref<2000x16xf32, #tpu.memory_space<vmem>>, vector<2000x16xf32>
    tpu.vector_store %arg5[%swap3A, %swap3A_5], %broadcast_in_dim3A_4 {strides = array<i32>} : memref<2000x16xf32, #tpu.memory_space<vmem>>, vector<2000x16xf32>,
    %get3A_7 = arith.constant 0 : index
    %get3A_8 = arith.constant 0 : index
    %get3A_9 = vector.load %arg1[%get3A_7, %get3A_8] : memref<2000x128xf32, #tpu.memory_space<vmem>>, vector<2000x128xf32>
    %get3A_10 = arith.constant 0 : index
    %get3A_11 = arith.constant 0 : index
    %get3A_12 = vector.load %arg2[%get3A_10, %get3A_11] : memref<128x128xf32, #tpu.memory_space<vmem>>, vector<128x128xf32>
    %dot_general3A = arith.constant dense<0.000000e+00> : vector<2000x128xf32>
    %dot_general3A_13 = tpu.matmul %get3A_9, %get3A_12, %dot_general3A {dimension_numbers = #tpu.dot_dimension_numbers<[1], [0], [0], [1], [0, 0, 1, 1], [], []>, transpose_lhs_hint = false} : vector<2000x128xf32>, vector<128x128xf32>, vector<2000x128xf32> -> vector<2000x128xf32>
    %mul3A = vector.broadcast %rsqrt3A : vector<2000x1xf32> to vector<2000x128xf32>
    %mul3A_14 = arith.mulf %dot_general3A_13, %mul3A : vector<2000x128xf32>
    %swap3A_15 = arith.constant 0 : index
    %swap3A_16 = arith.constant 0 : index
    %swap3A_17 = vector.load %arg4[%swap3A_15, %swap3A_16] : memref<2000x128xf32, #tpu.memory_space<vmem>>, vector<2000x128xf32>
    tpu.vector_store %arg4[%swap3A_15, %swap3A_16], %mul3A_14 {strides = array<i32>} : memref<2000x128xf32, #tpu.memory_space<vmem>>, vector<2000x128xf32>,
    return
  }
  func.func @transform_0(%arg0: i32) -> (i32, i32) {
    %c0_i32 = arith.constant 0 : i32
    %c0_i32_0 = arith.constant 0 : i32
    return %arg0, %c0_i32 : i32, i32
  }
  func.func @transform_1(%arg0: i32) -> (i32, i32) {
    %c0_i32 = arith.constant 0 : i32
    %c0_i32_0 = arith.constant 0 : i32
    %c0_i32_1 = arith.constant 0 : i32
    return %c0_i32, %c0_i32_0 : i32, i32
  }
  func.func @transform_2(%arg0: i32) -> (i32, i32) {
    %c0_i32 = arith.constant 0 : i32
    %c0_i32_0 = arith.constant 0 : i32
    return %arg0, %c0_i32 : i32, i32
  }
  func.func @transform_3(%arg0: i32) -> (i32, i32) {
    %c0_i32 = arith.constant 0 : i32
    %c0_i32_0 = arith.constant 0 : i32
    return %arg0, %c0_i32 : i32, i32
  }
  func.func @transform_4(%arg0: i32) -> (i32, i32) {
    %c0_i32 = arith.constant 0 : i32
    %c0_i32_0 = arith.constant 0 : i32
    return %arg0, %c0_i32 : i32, i32
  }
}

module attributes {stable_mosaic.version = 14 : i64} {
  func.func @_mm_mid_body(%arg0: i32, %arg1: memref<2000x128xf32, #tpu.memory_space<vmem>>, %arg2: memref<2000x128xf32, #tpu.memory_space<vmem>>, %arg3: memref<2000x16xf32, #tpu.memory_space<vmem>>, %arg4: memref<1x128xf32, #tpu.memory_space<vmem>>, %arg5: memref<128x128xf32, #tpu.memory_space<vmem>>, %arg6: memref<2000x128xf32, #tpu.memory_space<vmem>>) attributes {dimension_semantics = [#tpu.dimension_semantics<arbitrary>], iteration_bounds = array<i64: 5>, scalar_prefetch = 0 : i64, scratch_operands = 0 : i64, tpu.core_type = #tpu.core_type<tc>, window_params = [{transform_indices = @transform_0, window_bounds = array<i64: 2000, 128>}, {transform_indices = @transform_1, window_bounds = array<i64: 2000, 128>}, {transform_indices = @transform_2, window_bounds = array<i64: 2000, 16>}, {pipeline_mode = #tpu.pipeline_mode<synchronous>, transform_indices = @transform_3, window_bounds = array<i64: 1, 128>}, {pipeline_mode = #tpu.pipeline_mode<synchronous>, transform_indices = @transform_4, window_bounds = array<i64: 128, 128>}, {transform_indices = @transform_5, window_bounds = array<i64: 2000, 128>}]} {
    %get3A = arith.constant 0 : index
    %get3A_0 = arith.constant 0 : index
    %get3A_1 = vector.load %arg3[%get3A, %get3A_0] : memref<2000x16xf32, #tpu.memory_space<vmem>>, vector<2000x1xf32>
    %get3A_2 = arith.constant 0 : index
    %get3A_3 = arith.constant 0 : index
    %get3A_4 = vector.load %arg1[%get3A_2, %get3A_3] : memref<2000x128xf32, #tpu.memory_space<vmem>>, vector<2000x128xf32>
    %get3A_5 = arith.constant 0 : index
    %get3A_6 = arith.constant 0 : index
    %get3A_7 = vector.load %arg2[%get3A_5, %get3A_6] : memref<2000x128xf32, #tpu.memory_space<vmem>>, vector<2000x128xf32>
    %add3A = arith.addf %get3A_4, %get3A_7 : vector<2000x128xf32>
    %mul3A = vector.broadcast %get3A_1 : vector<2000x1xf32> to vector<2000x128xf32>
    %mul3A_8 = arith.mulf %add3A, %mul3A : vector<2000x128xf32>
    %get3A_9 = arith.constant 0 : index
    %get3A_10 = arith.constant 0 : index
    %get3A_11 = vector.load %arg4[%get3A_9, %get3A_10] : memref<1x128xf32, #tpu.memory_space<vmem>>, vector<1x128xf32>
    %add3A_12 = vector.broadcast %get3A_11 : vector<1x128xf32> to vector<2000x128xf32>
    %add3A_13 = arith.addf %mul3A_8, %add3A_12 : vector<2000x128xf32>
    %max3A = arith.constant 0.000000e+00 : f32
    %max3A_14 = vector.broadcast %max3A : f32 to vector<2000x128xf32>
    %max3A_15 = arith.maximumf %add3A_13, %max3A_14 : vector<2000x128xf32>
    %get3A_16 = arith.constant 0 : index
    %get3A_17 = arith.constant 0 : index
    %get3A_18 = vector.load %arg5[%get3A_16, %get3A_17] : memref<128x128xf32, #tpu.memory_space<vmem>>, vector<128x128xf32>
    %dot_general3A = arith.constant dense<0.000000e+00> : vector<2000x128xf32>
    %dot_general3A_19 = tpu.matmul %max3A_15, %get3A_18, %dot_general3A {dimension_numbers = #tpu.dot_dimension_numbers<[1], [0], [0], [1], [0, 0, 1, 1], [], []>, transpose_lhs_hint = false} : vector<2000x128xf32>, vector<128x128xf32>, vector<2000x128xf32> -> vector<2000x128xf32>
    %mul3A_20 = vector.broadcast %get3A_1 : vector<2000x1xf32> to vector<2000x128xf32>
    %mul3A_21 = arith.mulf %dot_general3A_19, %mul3A_20 : vector<2000x128xf32>
    %swap3A = arith.constant 0 : index
    %swap3A_22 = arith.constant 0 : index
    %swap3A_23 = vector.load %arg6[%swap3A, %swap3A_22] : memref<2000x128xf32, #tpu.memory_space<vmem>>, vector<2000x128xf32>
    tpu.vector_store %arg6[%swap3A, %swap3A_22], %mul3A_21 {strides = array<i32>} : memref<2000x128xf32, #tpu.memory_space<vmem>>, vector<2000x128xf32>,
    return
  }
  func.func @transform_0(%arg0: i32) -> (i32, i32) {
    %c0_i32 = arith.constant 0 : i32
    %c0_i32_0 = arith.constant 0 : i32
    return %arg0, %c0_i32 : i32, i32
  }
  func.func @transform_1(%arg0: i32) -> (i32, i32) {
    %c0_i32 = arith.constant 0 : i32
    %c0_i32_0 = arith.constant 0 : i32
    return %arg0, %c0_i32 : i32, i32
  }
  func.func @transform_2(%arg0: i32) -> (i32, i32) {
    %c0_i32 = arith.constant 0 : i32
    %c0_i32_0 = arith.constant 0 : i32
    return %arg0, %c0_i32 : i32, i32
  }
  func.func @transform_3(%arg0: i32) -> (i32, i32) {
    %c0_i32 = arith.constant 0 : i32
    %c0_i32_0 = arith.constant 0 : i32
    %c0_i32_1 = arith.constant 0 : i32
    return %c0_i32, %c0_i32_0 : i32, i32
  }
  func.func @transform_4(%arg0: i32) -> (i32, i32) {
    %c0_i32 = arith.constant 0 : i32
    %c0_i32_0 = arith.constant 0 : i32
    %c0_i32_1 = arith.constant 0 : i32
    return %c0_i32, %c0_i32_0 : i32, i32
  }
  func.func @transform_5(%arg0: i32) -> (i32, i32) {
    %c0_i32 = arith.constant 0 : i32
    %c0_i32_0 = arith.constant 0 : i32
    return %arg0, %c0_i32 : i32, i32
  }
}

module attributes {stable_mosaic.version = 14 : i64} {
  func.func @_mm_scale_body(%arg0: i32, %arg1: memref<2000x128xf32, #tpu.memory_space<vmem>>, %arg2: memref<2000x128xf32, #tpu.memory_space<vmem>>, %arg3: memref<2000x16xf32, #tpu.memory_space<vmem>>, %arg4: memref<1x128xf32, #tpu.memory_space<vmem>>, %arg5: memref<2000x128xf32, #tpu.memory_space<vmem>>) attributes {dimension_semantics = [#tpu.dimension_semantics<arbitrary>], iteration_bounds = array<i64: 5>, scalar_prefetch = 0 : i64, scratch_operands = 0 : i64, tpu.core_type = #tpu.core_type<tc>, window_params = [{transform_indices = @transform_0, window_bounds = array<i64: 2000, 128>}, {transform_indices = @transform_1, window_bounds = array<i64: 2000, 128>}, {transform_indices = @transform_2, window_bounds = array<i64: 2000, 16>}, {pipeline_mode = #tpu.pipeline_mode<synchronous>, transform_indices = @transform_3, window_bounds = array<i64: 1, 128>}, {transform_indices = @transform_4, window_bounds = array<i64: 2000, 128>}]} {
    %get3A = arith.constant 0 : index
    %get3A_0 = arith.constant 0 : index
    %get3A_1 = vector.load %arg3[%get3A, %get3A_0] : memref<2000x16xf32, #tpu.memory_space<vmem>>, vector<2000x1xf32>
    %get3A_2 = arith.constant 0 : index
    %get3A_3 = arith.constant 0 : index
    %get3A_4 = vector.load %arg1[%get3A_2, %get3A_3] : memref<2000x128xf32, #tpu.memory_space<vmem>>, vector<2000x128xf32>
    %get3A_5 = arith.constant 0 : index
    %get3A_6 = arith.constant 0 : index
    %get3A_7 = vector.load %arg2[%get3A_5, %get3A_6] : memref<2000x128xf32, #tpu.memory_space<vmem>>, vector<2000x128xf32>
    %add3A = arith.addf %get3A_4, %get3A_7 : vector<2000x128xf32>
    %mul3A = vector.broadcast %get3A_1 : vector<2000x1xf32> to vector<2000x128xf32>
    %mul3A_8 = arith.mulf %add3A, %mul3A : vector<2000x128xf32>
    %get3A_9 = arith.constant 0 : index
    %get3A_10 = arith.constant 0 : index
    %get3A_11 = vector.load %arg4[%get3A_9, %get3A_10] : memref<1x128xf32, #tpu.memory_space<vmem>>, vector<1x128xf32>
    %add3A_12 = vector.broadcast %get3A_11 : vector<1x128xf32> to vector<2000x128xf32>
    %add3A_13 = arith.addf %mul3A_8, %add3A_12 : vector<2000x128xf32>
    %max3A = arith.constant 0.000000e+00 : f32
    %max3A_14 = vector.broadcast %max3A : f32 to vector<2000x128xf32>
    %max3A_15 = arith.maximumf %add3A_13, %max3A_14 : vector<2000x128xf32>
    %mul3A_16 = vector.broadcast %get3A_1 : vector<2000x1xf32> to vector<2000x128xf32>
    %mul3A_17 = arith.mulf %max3A_15, %mul3A_16 : vector<2000x128xf32>
    %swap3A = arith.constant 0 : index
    %swap3A_18 = arith.constant 0 : index
    %swap3A_19 = vector.load %arg5[%swap3A, %swap3A_18] : memref<2000x128xf32, #tpu.memory_space<vmem>>, vector<2000x128xf32>
    tpu.vector_store %arg5[%swap3A, %swap3A_18], %mul3A_17 {strides = array<i32>} : memref<2000x128xf32, #tpu.memory_space<vmem>>, vector<2000x128xf32>,
    return
  }
  func.func @transform_0(%arg0: i32) -> (i32, i32) {
    %c0_i32 = arith.constant 0 : i32
    %c0_i32_0 = arith.constant 0 : i32
    return %arg0, %c0_i32 : i32, i32
  }
  func.func @transform_1(%arg0: i32) -> (i32, i32) {
    %c0_i32 = arith.constant 0 : i32
    %c0_i32_0 = arith.constant 0 : i32
    return %arg0, %c0_i32 : i32, i32
  }
  func.func @transform_2(%arg0: i32) -> (i32, i32) {
    %c0_i32 = arith.constant 0 : i32
    %c0_i32_0 = arith.constant 0 : i32
    return %arg0, %c0_i32 : i32, i32
  }
  func.func @transform_3(%arg0: i32) -> (i32, i32) {
    %c0_i32 = arith.constant 0 : i32
    %c0_i32_0 = arith.constant 0 : i32
    %c0_i32_1 = arith.constant 0 : i32
    return %c0_i32, %c0_i32_0 : i32, i32
  }
  func.func @transform_4(%arg0: i32) -> (i32, i32) {
    %c0_i32 = arith.constant 0 : i32
    %c0_i32_0 = arith.constant 0 : i32
    return %arg0, %c0_i32 : i32, i32
  }
}

module attributes {stable_mosaic.version = 14 : i64} {
  func.func @_final_body(%arg0: i32, %arg1: memref<2000x128xf32, #tpu.memory_space<vmem>>, %arg2: memref<2000x128xf32, #tpu.memory_space<vmem>>, %arg3: memref<2000x16xf32, #tpu.memory_space<vmem>>, %arg4: memref<128x16xf32, #tpu.memory_space<vmem>>, %arg5: memref<1x16xf32, #tpu.memory_space<vmem>>, %arg6: memref<2000x16xf32, #tpu.memory_space<vmem>>) attributes {dimension_semantics = [#tpu.dimension_semantics<arbitrary>], iteration_bounds = array<i64: 5>, scalar_prefetch = 0 : i64, scratch_operands = 0 : i64, tpu.core_type = #tpu.core_type<tc>, window_params = [{transform_indices = @transform_0, window_bounds = array<i64: 2000, 128>}, {transform_indices = @transform_1, window_bounds = array<i64: 2000, 128>}, {transform_indices = @transform_2, window_bounds = array<i64: 2000, 16>}, {pipeline_mode = #tpu.pipeline_mode<synchronous>, transform_indices = @transform_3, window_bounds = array<i64: 128, 16>}, {pipeline_mode = #tpu.pipeline_mode<synchronous>, transform_indices = @transform_4, window_bounds = array<i64: 1, 16>}, {transform_indices = @transform_5, window_bounds = array<i64: 2000, 16>}]} {
    %get3A = arith.constant 0 : index
    %get3A_0 = arith.constant 0 : index
    %get3A_1 = vector.load %arg1[%get3A, %get3A_0] : memref<2000x128xf32, #tpu.memory_space<vmem>>, vector<2000x128xf32>
    %get3A_2 = arith.constant 0 : index
    %get3A_3 = arith.constant 0 : index
    %get3A_4 = vector.load %arg2[%get3A_2, %get3A_3] : memref<2000x128xf32, #tpu.memory_space<vmem>>, vector<2000x128xf32>
    %add3A = arith.addf %get3A_1, %get3A_4 : vector<2000x128xf32>
    %get3A_5 = arith.constant 0 : index
    %get3A_6 = arith.constant 0 : index
    %get3A_7 = vector.load %arg3[%get3A_5, %get3A_6] : memref<2000x16xf32, #tpu.memory_space<vmem>>, vector<2000x1xf32>
    %mul3A = vector.broadcast %get3A_7 : vector<2000x1xf32> to vector<2000x128xf32>
    %mul3A_8 = arith.mulf %add3A, %mul3A : vector<2000x128xf32>
    %get3A_9 = arith.constant 0 : index
    %get3A_10 = arith.constant 0 : index
    %get3A_11 = vector.load %arg4[%get3A_9, %get3A_10] : memref<128x16xf32, #tpu.memory_space<vmem>>, vector<128x16xf32>
    %dot_general3A = arith.constant dense<0.000000e+00> : vector<2000x16xf32>
    %dot_general3A_12 = tpu.matmul %mul3A_8, %get3A_11, %dot_general3A {dimension_numbers = #tpu.dot_dimension_numbers<[1], [0], [0], [1], [0, 0, 1, 1], [], []>, transpose_lhs_hint = false} : vector<2000x128xf32>, vector<128x16xf32>, vector<2000x16xf32> -> vector<2000x16xf32>
    %get3A_13 = arith.constant 0 : index
    %get3A_14 = arith.constant 0 : index
    %get3A_15 = vector.load %arg5[%get3A_13, %get3A_14] : memref<1x16xf32, #tpu.memory_space<vmem>>, vector<1x16xf32>
    %add3A_16 = vector.broadcast %get3A_15 : vector<1x16xf32> to vector<2000x16xf32>
    %add3A_17 = arith.addf %dot_general3A_12, %add3A_16 : vector<2000x16xf32>
    %swap3A = arith.constant 0 : index
    %swap3A_18 = arith.constant 0 : index
    %swap3A_19 = vector.load %arg6[%swap3A, %swap3A_18] : memref<2000x16xf32, #tpu.memory_space<vmem>>, vector<2000x16xf32>
    tpu.vector_store %arg6[%swap3A, %swap3A_18], %add3A_17 {strides = array<i32>} : memref<2000x16xf32, #tpu.memory_space<vmem>>, vector<2000x16xf32>,
    return
  }
  func.func @transform_0(%arg0: i32) -> (i32, i32) {
    %c0_i32 = arith.constant 0 : i32
    %c0_i32_0 = arith.constant 0 : i32
    return %arg0, %c0_i32 : i32, i32
  }
  func.func @transform_1(%arg0: i32) -> (i32, i32) {
    %c0_i32 = arith.constant 0 : i32
    %c0_i32_0 = arith.constant 0 : i32
    return %arg0, %c0_i32 : i32, i32
  }
  func.func @transform_2(%arg0: i32) -> (i32, i32) {
    %c0_i32 = arith.constant 0 : i32
    %c0_i32_0 = arith.constant 0 : i32
    return %arg0, %c0_i32 : i32, i32
  }
  func.func @transform_3(%arg0: i32) -> (i32, i32) {
    %c0_i32 = arith.constant 0 : i32
    %c0_i32_0 = arith.constant 0 : i32
    %c0_i32_1 = arith.constant 0 : i32
    return %c0_i32, %c0_i32_0 : i32, i32
  }
  func.func @transform_4(%arg0: i32) -> (i32, i32) {
    %c0_i32 = arith.constant 0 : i32
    %c0_i32_0 = arith.constant 0 : i32
    %c0_i32_1 = arith.constant 0 : i32
    return %c0_i32, %c0_i32_0 : i32, i32
  }
  func.func @transform_5(%arg0: i32) -> (i32, i32) {
    %c0_i32 = arith.constant 0 : i32
    %c0_i32_0 = arith.constant 0 : i32
    return %arg0, %c0_i32 : i32, i32
  }
}

</mosaic_0001>

<sc_bundles>
// kernel: kernel.12.cloned.1.call-start
scs
__scs_entry_jumppad:
0x0: {  	(pc) =	sbr.rel $0x88, $3  }
0x1: {  	(tag) =	ssettag $0x0;
	lr =	simm.s32 $0x1  }
0x2: {  	[smem:$0x3F91] =	sst lr;
	_ =	strace $0xD0000000  }
0x3: {  	_ = 	snop  }
0x4: {  	_ = 	snop  }
0x5: {  	_ = 	snop  }
0x6: {  	_ = 	snop  }
0x7: {  	_ = 	snop  }
__scs_overlays_trampoline_lowered:
0x8: {  	[smem:$0x3FA0] =	sst s0  }
0x9: {  	[smem:$0x3FA1] =	sst s1  }
0xa: {  	[smem:$0x3FA2] =	sst s2  }
0xb: {  	[smem:$0x3FA3] =	sst s3  }
0xc: {  	[smem:$0x3FA4] =	sst s4  }
0xd: {  	[smem:$0x3FA5] =	sst s5  }
0xe: {  	[smem:$0x3FA6] =	sst s6  }
0xf: {  	[smem:$0x3FA7] =	sst s7  }
0x10: {  	[smem:$0x3FA8] =	sst s8  }
0x11: {  	[smem:$0x3FA9] =	sst s9;
	s0 =	simm.s32 @!p0 $0x0  }
0x12: {  	s1 =	sld [smem:$0x3F8F];
	s0 =	simm.s32 @p0 $0x1  }
0x13: {  	[smem:$0x3FAA] =	sst s0;
	s0 =	simm.s32 @!p1 $0x0  }
0x14: {  	s2 =	sld [smem:$0x3F8E];
	s0 =	simm.s32 @p1 $0x1  }
0x15: {  	[smem:$0x3FAB] =	sst s0;
	s0 =	simm.s32 @!p2 $0x0  }
0x16: {  	s3 =	sld [smem:$0x3FDB];
	s0 =	simm.s32 @p2 $0x1  }
0x17: {  	s4 =	simm.s32 $0x1BF5;
	[smem:$0x3FAD] =	sst s0  }
0x18: {  	s0 =	sld [smem:$0x3F90];
	_ =	swait.ge [sflag:s4], $0x0  }
0x19: {  	s7 =	sld [smem:$0x3F91]  }
0x1a: {  	s8 =	sadd.s32 $0xFFFFE003, lr  }
0x1b: {  	s9 =	sadd.s32 $0xFFFFFEF7, lr;
	s5 =	simm.s32 $0xFFFFFFFF;
	p2 =	slt.u32 s8, $0xFFFFF086  }
0x1c: {  	p1 =	slt.u32 s9, $0xF7A;
	s5 =	simm.s32 @!p2 $0x0  }
0x1d: {  	s5 =	simm.s32 @p1 $0x1;
	p0 =	seq.s32 s7, s2  }
0x1e: {  	s7 =	smul.u32 @!p0 $0xF7A, s2;
	p2 =	seq.s32 @!p0 s5, $0x0  }
0x1f: {  	s9 =	smul.u32 $0xF7A, s1;
	s8 =	simm.s32 @!p0 $0x1BF5;
	p2 =	por !p2, p0  }
0x20: {  	[sflag:s8] =	ssyncset.s32 @!p0 $0xFFFFF086;
	s6 =	sadd.s32 @!p0 s3, s7;
	s7 =	simm.s32 @!p0 $0x108  }
0x21: {  	s3 =	sadd.s32 s3, s9;
	s6 =	sadd.s32 @!p0 $0x88, s6;
	s7 =	simm.s32 @p2 $0x1082  }
0x22: {  	[simem:s7], [sflag:s8] =	dma.local @!p0 [hbm:s6], $0xF7A  }
0x23: {  	s9 =	sor.u32 $0xD0000000, s2;
	s6 =	simm.s32 $0x108;
	_ =	swait.ge @!p0 [sflag:s8], $0x0  }
0x24: {  	s3 =	sadd.s32 $0x88, s3;
	s6 =	simm.s32 @!p1 $0x1082;
	[sflag:s4] =	ssyncset.s32 $0xFFFFF086  }
0x25: {  	[simem:s6], [sflag:s4] =	dma.local [hbm:s3], $0xF7A  }
0x26: {  	[smem:$0x3F91] =	sst s1;
	(tag) =	ssettag s2;
	_ =	strace s9  }
0x27: {  	s1 =	sld [smem:$0x3FA1]  }
0x28: {  	s2 =	sld [smem:$0x3FA2]  }
0x29: {  	s4 =	sld [smem:$0x3FA4]  }
0x2a: {  	p0 =	seq.s32 s5, $0x0;
	s5 =	sld [smem:$0x3FA5]  }
0x2b: {  	s6 =	sld [smem:$0x3FA6]  }
0x2c: {  	s7 =	sld [smem:$0x3FA7]  }
0x2d: {  	s3 =	simm.s32 $0x108;
	s8 =	sld [smem:$0x3FA8]  }
0x2e: {  	s3 =	simm.s32 @!p0 $0x1082;
	s9 =	sld [smem:$0x3FA9]  }
0x2f: {  	lr =	sadd.s32 s0, s3;
	s0 =	sld [smem:$0x3FA0]  }
0x30: {  	s3 =	sld [smem:$0x3FA3]  }
0x31: {  	[smem:$0x3FAC] =	sst s10  }
0x32: {  	s10 =	sld [smem:$0x3FAA];
	_ =	sdelay $0x3  }
0x33: {  	p0 =	seq.s32 s10, $0x1;
	s10 =	sld [smem:$0x3FAC];
	_ =	sdelay $0x3  }
0x34: {  	[smem:$0x3FAC] =	sst s10  }
0x35: {  	s10 =	sld [smem:$0x3FAB];
	_ =	sdelay $0x3  }
0x36: {  	p1 =	seq.s32 s10, $0x1;
	s10 =	sld [smem:$0x3FAC];
	_ =	sdelay $0x3  }
0x37: {  	[smem:$0x3FAC] =	sst s10  }
0x38: {  	s10 =	sld [smem:$0x3FAD]  }
0x39: {  	_ = 	snop;
	(pc) =	sbr.ind lr, $3  }
0x3a: {  	_ = 	snop  }
0x3b: {  	_ = 	snop  }
0x3c: {  	p2 =	seq.s32 s10, $0x1;
	s10 =	sld [smem:$0x3FAC]  }
0x3d: {  	_ =	shalt  }
0x3e: {  	_ =	shalt  }
0x3f: {  	_ =	shalt  }
0x40: {  	_ =	shalt  }
0x41: {  	_ =	shalt  }
0x42: {  	_ =	shalt  }
0x43: {  	_ =	shalt  }
0x44: {  	_ =	shalt  }
0x45: {  	_ =	shalt  }
0x46: {  	_ =	shalt  }
0x47: {  	_ =	shalt  }
0x48: {  	_ =	shalt  }
0x49: {  	_ =	shalt  }
0x4a: {  	_ =	shalt  }
0x4b: {  	_ =	shalt  }
0x4c: {  	_ =	shalt  }
0x4d: {  	_ =	shalt  }
0x4e: {  	_ =	shalt  }
0x4f: {  	_ =	shalt  }
0x50: {  	_ =	shalt  }
0x51: {  	_ =	shalt  }
0x52: {  	_ =	shalt  }
0x53: {  	_ =	shalt  }
0x54: {  	_ =	shalt  }
0x55: {  	_ =	shalt  }
0x56: {  	_ =	shalt  }
0x57: {  	_ =	shalt  }
0x58: {  	_ =	shalt  }
0x59: {  	_ =	shalt  }
0x5a: {  	_ =	shalt  }
0x5b: {  	_ =	shalt  }
0x5c: {  	_ =	shalt  }
0x5d: {  	_ =	shalt  }
0x5e: {  	_ =	shalt  }
0x5f: {  	_ =	shalt  }
0x60: {  	_ =	shalt  }
0x61: {  	_ =	shalt  }
0x62: {  	_ =	shalt  }
0x63: {  	_ =	shalt  }
0x64: {  	_ =	shalt  }
0x65: {  	_ =	shalt  }
0x66: {  	_ =	shalt  }
0x67: {  	_ =	shalt  }
0x68: {  	_ =	shalt  }
0x69: {  	_ =	shalt  }
0x6a: {  	_ =	shalt  }
0x6b: {  	_ =	shalt  }
0x6c: {  	_ =	shalt  }
0x6d: {  	_ =	shalt  }
0x6e: {  	_ =	shalt  }
0x6f: {  	_ =	shalt  }
0x70: {  	_ =	shalt  }
0x71: {  	_ =	shalt  }
0x72: {  	_ =	shalt  }
0x73: {  	_ =	shalt  }
0x74: {  	_ =	shalt  }
0x75: {  	_ =	shalt  }
0x76: {  	_ =	shalt  }
0x77: {  	_ =	shalt  }
0x78: {  	_ =	shalt  }
0x79: {  	_ =	shalt  }
0x7a: {  	_ =	shalt  }
0x7b: {  	_ =	shalt  }
0x7c: {  	_ =	shalt  }
0x7d: {  	_ =	shalt  }
0x7e: {  	_ =	shalt  }
0x7f: {  	_ =	shalt  }
0x80: {  	_ =	shalt  }
0x81: {  	_ =	shalt  }
0x82: {  	_ =	shalt  }
0x83: {  	_ =	shalt  }
0x84: {  	_ =	shalt  }
0x85: {  	_ =	shalt  }
0x86: {  	_ =	shalt  }
0x87: {  	_ =	shalt  }
.Lfunc_end0:
.L_simem_size_0:
called_computation_lowered:
.L_overlay_start_0:
0x88: {  	s2 =	sld [smem:$0x3FD9]  }
0x89: {  	s3 =	sld [smem:$0x3FFE];
	_ =	sdelay $0x1  }
0x8a: {  	s1 =	srdreg.scid  }
0x8b: {  	s0 =	sand.u32 $0x1, s1  }
0x8c: {  	s16 =	sshll.u32 s0, $0xA;
	s2 =	sadd.s32 s3, s2  }
0x8d: {  	s2 =	sadd.s32 s2, s16  }
0x8e: {  	[smem:$0x3FB8] =	sst s2  }
0x8f: {  	_ = 	snop  }
0x90: {  	(tm) =	ssettm $0x1  }
0x91: {  	s17 =	sld [smem:$0x3FFB];
	_ =	sdelay $0x3  }
0x92: {  	_ =	strace s17  }
0x93: {  	s2 =	sld [smem:$0x3FFC];
	_ =	sdelay $0x3  }
0x94: {  	_ =	strace s2  }
0x95: {  	s2 =	sld [smem:$0x3FFD];
	_ =	sdelay $0x3  }
0x96: {  	_ =	strace s2  }
0x97: {  	_ =	strace $0x8FFFFFFF  }
0x98: {  	s18 =	sld [smem:$0x3FDB];
	_ =	sdelay $0x1  }
0x99: {  	s19 =	simm.s32 $_scs_section_size  }
0x9a: {  	s4 =	simm.s32 $_size__tile_overlayer_lowered;
	s5 =	simm.s32 $_tile_overlayer_lowered  }
0x9b: {  	s22 =	simm.s32 $0x1BFF;
	s21 =	sshll.u32 s5, $0x1;
	s2 =	sadd.s32 s19, s18  }
0x9c: {  	s6 =	simm.s32 $0x0;
	s20 =	sshll.u32 s4, $0x1;
	s4 =	sadd.s32 s21, s2  }
0x9d: {  	[timem:s6], [sflag:s22] =	dma.local [hbm:s4], s20  }
0x9e: {  	_ =	swait.ge [sflag:s22], s20  }
0x9f: {  	s3 =	ssub.s32 $0x0, s20;
	[sflag:s22] =	ssyncset.done $0x0  }
0xa0: {  	[sflag:s22] =	ssyncadd.s32 s3;
	_ =	sdelay $0x1  }
0xa1: {  	s23 =	simm.s32 $0x1B8B  }
0xa2: {  	_ =	swait.ge [sflag:s23], $0x1  }
0xa3: {  	[sflag:s23] =	ssyncset.done $0x0  }
0xa4: {  	s25 =	simm.s32 $0x1B8E;
	s24 =	sld [smem:$0x3FFE];
	[sflag:s23] =	ssyncadd.s32 $0xFFFFFFFF  }
0xa5: {  	s26 =	simm.s32 $execute0_lowered;
	[smem:$0x3FD2] =	sst s25  }
0xa6: {  	s4 =	sshll.u32 s26, $0x1;
	_ =	strace $0x80000046;
	[dreg:$0x1] =	wrdreg $0xFFFFFFFF  }
0xa7: {  	s28 =	simm.s32 $_size_execute0_lowered;
	s2 =	sadd.s32 s2, s4;
	[dreg:$0x0] =	wrdreg $0x0  }
0xa8: {  	s4 =	sshll.u32 s28, $0x1;
	[dreg:$0x2] =	wrdreg s2  }
0xa9: {  	[dreg:$0x3] =	wrdreg s4  }
0xaa: {  	[dreg:$0x4] =	wrdreg $0xC0  }
0xab: {  	_ =	task [dreg:s6], $0x5FFFF  }
0xac: {  	[dreg:$0x1] =	wrdreg $0xFFFFFFFF  }
0xad: {  	[dreg:$0x0] =	wrdreg $0x60  }
0xae: {  	[dreg:$0x2] =	wrdreg s24  }
0xaf: {  	[dreg:$0x3] =	wrdreg $0x9  }
0xb0: {  	_ =	task.clear_ibuf [dreg:s6], $0x4FFFF;
	_ =	strace $0x90000046  }
0xb1: {  	s29 =	simm.s32 $0x9;
	_ =	strace $0x80000048  }
0xb2: {  	_ =	swait.ge [sflag:s29], $0x1  }
0xb3: {  	[sflag:s29] =	ssyncadd.s32 $0xFFFFFFFF  }
0xb4: {  	_ =	strace $0x90000048  }
0xb5: {  	_ =	sfence  }
0xb6: {  	s30 =	sld [smem:$0x0];
	_ =	sdelay $0x2  }
0xb7: {  	s31 =	sshll.u32 s1, $0xD;
	s1 =	sshrl.u32 s1, $0x2  }
0xb8: {  	s3 =	sand.u32 $0x4000, s31;
	s1 =	sadd.s32 s1, s30  }
0xb9: {  	s0 =	sor.u32 s3, s0;
	s1 =	sshll.u32 s1, $0x11  }
0xba: {  	s0 =	sor.u32 s1, s0  }
0xbb: {  	s0 =	sadd.s32 $0x8F2B, s0  }
0xbc: {  	[sflag:s0] =	ssyncadd.remote.s32 $0x1  }
0xbd: {  	_ =	sfence.sel $0xFFFF  }
0xbe: {  	[dreg:$0x0] =	wrdreg $0xFFFFFFFF;
	(pc) =	sbr.abs _section_cstart, $3  }
0xbf: {  	[dreg:$0x1] =	wrdreg $0xFFFFFFFF  }
0xc0: {  	_ =	task.clear_ibuf [dreg:s6], $0x2FFFF;
	_ =	strace $0x9FFFFFFF  }
0xc1: {  	(tm) =	ssettm $0x7FFFFFFF  }
tec
execute0_lowered:
.L_overlay_start_1:
0x0: {  	(tag) =	ssettag $0x1  }
0x1: {  	v0 =	vimm.s32 $0xEDCBA987  }
0x2: {  	v1 =	vimm.s32 $0x65432100;
	v2 =	vunpack.c.l.s4.s8 v0  }
0x3: {  	v4 =	vimm.s32 $0xDCBA9876;
	v5 =	vimm.s32 $0x54321000;
	v3 =	vunpack.c.l.s4.s8 v1  }
0x4: {  	s0 =	srdreg.scid;
	v6 =	vimm.s32 $0xBA987654;
	vm0 =	vmmov $0x3;
	v2 =	vunpack.c.0.s8.s32 v2  }
0x5: {  	vm2 =	vcmask $0x3F30;
	vm1 =	vmmov $0xf;
	s3 =	sand.u32 $0x1, s0;
	v3 =	vunpack.c.0.s8.s32 v3  }
0x6: {  	s4 =	rddreg [dreg:$0x0];
	v1 =	vimm.s32 $0x0;
	v4 =	vunpack.c.l.s4.s8 v4;
	s0 =	smul.u32 $0xFFFFEC78, s3;
	v2 =	vand.u32 $0xF, v2  }
0x7: {  	s1 =	rddreg [dreg:$0x1];
	s8 =	simm.s32 $0x80;
	s9 =	simm.s32 $0x400;
	v6 =	vunpack.c.l.s4.s8 v6;
	v2 =	vcombine.low v3, v2;
	v3 =	vunpack.c.l.s4.s8 v5  }
0x8: {  	s10 =	simm.s32 $0x1;
	s11 =	simm.s32 $0x4E80;
	s12 =	simm.s32 $0x9D00;
	v4 =	vunpack.c.0.s8.s32 v4;
	v0 =	vmov s0;
	v5 =	vimm.s32 $0xE40000  }
0x9: {  	s13 =	simm.s32 $0xEC80;
	s14 =	simm.s32 $0x13C00;
	s0 =	stileid.u32;
	v5 =	vunpack.c.l.s2.s4 v5;
	v7 =	vunpack.c.0.s8.s32 v3;
	v3 =	vimm.s32 $0x32100000  }
0xa: {  	s15 =	simm.s32 $0x18C00;
	s7 =	sshll.u32 s3, $0x4;
	v6 =	vunpack.c.0.s8.s32 v6;
	s2 =	sshrl.u32 s0, $0x3;
	v4 =	vand.u32 $0xF, v4;
	v8 =	vunpack.c.l.s4.s8 v3  }
0xb: {  	s3 =	ssub.s32 $0x2, s3;
	s6 =	sshll.u32 s0, $0x7;
	s5 =	smul.u32 $0x27400, s2;
	v5 =	vunpack.c.l.s4.s8 v5;
	v3 =	vlaneseq.u32;
	v4 =	vcombine.low v7, v4  }
0xc: {  	s16 =	simm.s32 $0x0;
	s30 =	sshrl.u32 s3, $0x1;
	s6 =	sand.u32 $0x380, s6;
	v10 =	vadd.s32 $0x13A8, v3;
	v11 =	vadd.s32 $0x13B8, v3;
	v12 =	vadd.s32 $0x13C8, v3  }
0xd: {  	s31 =	ssub.s32 s3, s30;
	s7 =	sor.u32 s0, s7;
	s5 =	sor.u32 s6, s5;
	v13 =	vadd.s32 $0x13D8, v3;
	v14 =	vadd.s32 $0x13E8, v3;
	v15 =	vadd.s32 $0x13F8, v3  }
0xe: {  	s2 =	simm.s32 $0x0;
	s29 =	smul.u32 $0xA00, s7;
	s5 =	sshrl.u32 s5, $0x3;
	v7 =	vunpack.c.0.s8.s32 v8;
	v8 =	vimm.s32 $0x7060504;
	v9 =	vunpack.c.0.s8.s32 v5  }
0xf: {  	s7 =	smax.u32 s31, $0x1;
	[smem:$0x7FF] =	sst s2;
	s5 =	sadd.s32 s5, s4;
	v5 =	vand.u32 $0xF, v6;
	v6 =	vunpack.c.0.s8.s32 v8;
	v8 =	vadd.s32 $0x1388, v3  }
0x10: {  	_ =	strace $0x80000047;
	s6 =	sadd.s32 s29, s4;
	s3 =	sadd.s32 $0x4400, s5;
	v5 =	vcombine.low v7, v5;
	v7 =	vand.u32 $0x3, v9;
	v9 =	vadd.s32 $0x1398, v3  }
0x11: {  	s4 =	sadd.s32 $0xE200, s5;
	s5 =	sadd.s32 $0x18000, s6;
	s6 =	sadd.s32 $0x2C000, s6;
	v6 =	vsel vm2, v6, v7;
	vm2 =	vmmov $0xff;
	v7 =	vor.u32 $0x4F00, v3  }
.LBB2_1:
0x12: {  	[tilespmem:s2], [sflag:$0x1] =	stream.strided.gather [hbm4b:s3+s8], $0x4E80, s9, s8, $0x38;
	[tilespmem:$0x1DC00] =	vst v63  }
0x13: {  	_ =	swait.ge [sflag:s10], $0x4E80  }
0x14: {  	[sflag:s10] =	ssyncset.done $0x0  }
0x15: {  	[sflag:s10] =	ssyncadd.s32 $0xFFFFB180  }
0x16: {  	[tilespmem:s11], [sflag:$0x1] =	stream.strided.gather [hbm4b:s4+s8], $0x4E80, s9, s8, $0x38;
	[tilespmem:$0x1DC00] =	vst v63  }
0x17: {  	_ =	swait.ge [sflag:s10], $0x4E80  }
0x18: {  	[sflag:s10] =	ssyncset.done $0x0  }
0x19: {  	s17 =	simm.s32 $0x0;
	[sflag:s10] =	ssyncadd.s32 $0xFFFFB180  }
0x1a: {  	v16 =	vld [tilespmem:s17+$0x4E80];
	_ =	sdelay $0x4  }
0x1b: {  	v16 =	vadd.s32 v0, v16  }
0x1c: {  	vm4 =	vlt.u32 v16, $0x1388  }
0x1d: {  	v17 =	vsel vm4, $0x1, v1  }
0x1e: {  	v18 =	vperm.xlane v17, v2  }
0x1f: {  	vm3 =	veq.s32 v3, $0x0  }
0x20: {  	v18 =	vsel vm3, $0x0, v18  }
0x21: {  	v17 =	vadd.s32 v17, v18  }
0x22: {  	v18 =	vperm.xlane v17, v4;
	_ =	sdelay $0x1  }
0x23: {  	v18 =	vsel vm0, $0x0, v18  }
0x24: {  	v17 =	vadd.s32 v18, v17  }
0x25: {  	v18 =	vperm.xlane v17, v5;
	_ =	sdelay $0x1  }
0x26: {  	v18 =	vsel vm1, $0x0, v18  }
0x27: {  	v17 =	vadd.s32 v18, v17  }
0x28: {  	v62 =	vmov s2;
	v19 =	vperm.xlane v17, v6  }
0x29: {  	v18 =	vadd.s32 $0xFFFFFFFF, v62  }
0x2a: {  	v18 =	vbroadcast v18, $0x0;
	v19 =	vsel vm2, $0x0, v19  }
0x2b: {  	v17 =	vadd.s32 v19, v17  }
0x2c: {  	v18 =	vadd.s32 v17, v18;
	(v2sf) =	vpush v17, $0xF  }
0x2d: {  	v63 =	vld [tilespmem:s17+$0x0];
	v18 =	vsel vm4, v18, v7;
	_ =	sdelay $0x4  }
0x2e: {  	[tilespmem:v18+s12+$0x0] =	vst.idx.msk $0xffff, v63  }
0x2f: {  	s18 =	simm.s32 $0x10;
	s19 =	simm.s32 $0x80;
	s17 =	simm.s32 $0x0;
	[tilespmem:v18+s13+$0x0] =	vst.idx.msk $0xffff, v16  }
.LBB2_2:
0x30: {  	p0 =	sne.s32 s19, $0x13840;
	v16 =	vld [tilespmem:s18+$0x4E80];
	_ =	sdelay $0x4  }
0x31: {  	v16 =	vadd.s32 v0, v16  }
0x32: {  	vm4 =	vlt.u32 v16, $0x1388  }
0x33: {  	v17 =	vsel vm4, $0x1, v1;
	s20 =	spop (v2sf)  }
0x34: {  	v18 =	vperm.xlane v17, v2;
	s17 =	sadd.s32 s17, s20  }
0x35: {  	v19 =	vmov s17  }
0x36: {  	v18 =	vsel vm3, $0x0, v18;
	v19 =	vadd.s32 $0xFFFFFFFF, v19  }
0x37: {  	v17 =	vadd.s32 v17, v18;
	v18 =	vbroadcast v19, $0x0  }
0x38: {  	v19 =	vperm.xlane v17, v4;
	_ =	sdelay $0x1  }
0x39: {  	v19 =	vsel vm0, $0x0, v19  }
0x3a: {  	v17 =	vadd.s32 v19, v17  }
0x3b: {  	v19 =	vperm.xlane v17, v5;
	_ =	sdelay $0x1  }
0x3c: {  	v19 =	vsel vm1, $0x0, v19  }
0x3d: {  	v17 =	vadd.s32 v19, v17  }
0x3e: {  	v19 =	vperm.xlane v17, v6;
	_ =	sdelay $0x1  }
0x3f: {  	v19 =	vsel vm2, $0x0, v19  }
0x40: {  	v17 =	vadd.s32 v19, v17  }
0x41: {  	v18 =	vadd.s32 v17, v18;
	(v2sf) =	vpush v17, $0xF  }
0x42: {  	v17 =	vld [tilespmem:s18+$0x0];
	v18 =	vsel vm4, v18, v7;
	_ =	sdelay $0x1  }
.Ltmp0:
0x43: {  	(pc) =	sbr.rel @p0 .LBB2_2-.Ltmp0, $3  }
0x44: {  	_ =	sdelay $0x1  }
0x45: {  	[tilespmem:v18+s12+$0x0] =	vst.idx.msk $0xffff, v17  }
0x46: {  	s18 =	sshra.s32 s19, $0x2;
	s19 =	sadd.s32 $0x40, s19;
	[tilespmem:v18+s13+$0x0] =	vst.idx.msk $0xffff, v16  }
0x47: {  	v16 =	vld [tilespmem:s18+$0x4E80];
	_ =	sdelay $0x4  }
0x48: {  	v16 =	vadd.s32 v0, v16  }
0x49: {  	vm3 =	vlt.u32 v16, $0x1388  }
0x4a: {  	v17 =	vsel vm3, $0x1, v1  }
0x4b: {  	v18 =	vperm.xlane v17, v2  }
0x4c: {  	vm4 =	veq.s32 v3, $0x0  }
0x4d: {  	v18 =	vsel vm4, $0x0, v18  }
0x4e: {  	v17 =	vadd.s32 v17, v18  }
0x4f: {  	v18 =	vperm.xlane v17, v4;
	_ =	sdelay $0x1  }
0x50: {  	v18 =	vsel vm0, $0x0, v18  }
0x51: {  	v17 =	vadd.s32 v18, v17  }
0x52: {  	v18 =	vperm.xlane v17, v5;
	_ =	sdelay $0x1  }
0x53: {  	v18 =	vsel vm1, $0x0, v18  }
0x54: {  	v17 =	vadd.s32 v18, v17  }
0x55: {  	v18 =	vperm.xlane v17, v6;
	_ =	sdelay $0x1  }
0x56: {  	v18 =	vsel vm2, $0x0, v18  }
0x57: {  	v17 =	vadd.s32 v18, v17  }
0x58: {  	(v2sf) =	vpush v17, $0xF;
	_ =	sdelay $0x2  }
0x59: {  	s19 =	spop (v2sf)  }
0x5a: {  	s17 =	sadd.s32 s17, s19  }
0x5b: {  	v18 =	vmov s17  }
0x5c: {  	v18 =	vadd.s32 $0xFFFFFFFF, v18  }
0x5d: {  	v18 =	vbroadcast v18, $0x0;
	_ =	sdelay $0x1  }
0x5e: {  	v17 =	vadd.s32 v17, v18  }
0x5f: {  	v18 =	vld [tilespmem:s18+$0x0];
	v17 =	vsel vm3, v17, v7;
	_ =	sdelay $0x4  }
0x60: {  	[tilespmem:v17+s12+$0x0] =	vst.idx.msk $0xffff, v18;
	s29 =	spop (v2sf)  }
0x61: {  	[tilespmem:v17+s13+$0x0] =	vst.idx.msk $0xffff, v16;
	s17 =	sadd.s32 s17, s29  }
0x62: {  	[tilespmem:s17+$0x9D00] =	vst v1  }
0x63: {  	[tilespmem:s17+$0xEC80] =	vst v8  }
0x64: {  	[tilespmem:s17+$0x9D10] =	vst v1  }
0x65: {  	[tilespmem:s17+$0xEC90] =	vst v9  }
0x66: {  	[tilespmem:s17+$0x9D20] =	vst v1  }
0x67: {  	[tilespmem:s17+$0xECA0] =	vst v10  }
0x68: {  	[tilespmem:s17+$0x9D30] =	vst v1  }
0x69: {  	[tilespmem:s17+$0xECB0] =	vst v11  }
0x6a: {  	[tilespmem:s17+$0x9D40] =	vst v1;
	s18 =	sadd.s32 $0x7F, s17  }
0x6b: {  	[tilespmem:s17+$0xECC0] =	vst v12;
	s30 =	sand.u32 $0x7F, s18  }
0x6c: {  	[tilespmem:s17+$0x9D50] =	vst v1;
	s31 =	sshra.s32 s18, $0x1F;
	p1 =	slt.s32 s18, $0x1;
	p0 =	sne.s32 s30, $0x0  }
0x6d: {  	[tilespmem:s17+$0xECD0] =	vst v13;
	s19 =	sshrl.u32 s31, $0x19;
	p0 =	por !p1, !p0  }
0x6e: {  	[tilespmem:s17+$0x9D60] =	vst v1;
	s18 =	sadd.s32 s19, s18;
	s19 =	simm.s32 $0x1;
	p0 =	por !p0, !p0  }
0x6f: {  	[tilespmem:s17+$0xECE0] =	vst v14;
	s18 =	sshra.s32 s18, $0x7;
	s19 =	simm.s32 @!p0 $0x0  }
0x70: {  	[tilespmem:s17+$0x9D70] =	vst v1;
	s18 =	ssub.s32 s18, s19  }
0x71: {  	[tilespmem:s17+$0xECF0] =	vst v15;
	v16 =	vmov s18  }
0x72: {  	s17 =	simm.s32 $0x70;
	[tilespmem:$0x1DB00] =	vst v16  }
0x73: {  	v16 =	vld [tilespmem:s17+$0xEC80]  }
0x74: {  	v17 =	vld [tilespmem:s17+$0x9C90]  }
0x75: {  	v18 =	vld [tilespmem:s17+$0xEC10]  }
0x76: {  	v19 =	vld [tilespmem:s17+$0x9CA0]  }
0x77: {  	v20 =	vld [tilespmem:s17+$0xEC20]  }
0x78: {  	v21 =	vld [tilespmem:s17+$0x9CB0];
	[tilespmem:s17+$0x18C00] =	vst v16  }
0x79: {  	[tilespmem:s17+$0x13B90] =	vst v17;
	v16 =	vld [tilespmem:s17+$0xEC30]  }
0x7a: {  	[tilespmem:s17+$0x18B90] =	vst v18;
	v17 =	vld [tilespmem:s17+$0x9CC0]  }
0x7b: {  	[tilespmem:s17+$0x13BA0] =	vst v19;
	v18 =	vld [tilespmem:s17+$0xEC40]  }
0x7c: {  	[tilespmem:s17+$0x18BA0] =	vst v20;
	v19 =	vld [tilespmem:s17+$0x9CD0]  }
0x7d: {  	[tilespmem:s17+$0x13BB0] =	vst v21;
	v20 =	vld [tilespmem:s17+$0xEC50]  }
0x7e: {  	[tilespmem:s17+$0x18BB0] =	vst v16;
	v16 =	vld [tilespmem:s17+$0x9CE0]  }
0x7f: {  	[tilespmem:s17+$0x13BC0] =	vst v17;
	v17 =	vld [tilespmem:s17+$0xEC60]  }
0x80: {  	[tilespmem:s17+$0x18BC0] =	vst v18;
	v18 =	vld [tilespmem:s17+$0x9CF0]  }
0x81: {  	[tilespmem:s17+$0x13BD0] =	vst v19;
	v19 =	vld [tilespmem:s17+$0xEC70]  }
0x82: {  	s19 =	simm.s32 $0x5C0;
	s18 =	simm.s32 $0xF0;
	[tilespmem:s17+$0x18BD0] =	vst v20;
	v20 =	vld [tilespmem:s17+$0x9D00]  }
.LBB2_4:
0x83: {  	p0 =	sne.s32 s19, $0x13BC0;
	v21 =	vld [tilespmem:s18+$0xEC80];
	[tilespmem:s17+$0x13BE0] =	vst v16  }
0x84: {  	v16 =	vld [tilespmem:s18+$0x9C90];
	[tilespmem:s17+$0x18BE0] =	vst v17  }
0x85: {  	v17 =	vld [tilespmem:s18+$0xEC10];
	[tilespmem:s17+$0x13BF0] =	vst v18  }
0x86: {  	v18 =	vld [tilespmem:s18+$0x9CA0];
	[tilespmem:s17+$0x18BF0] =	vst v19  }
0x87: {  	v19 =	vld [tilespmem:s18+$0xEC20];
	[tilespmem:s17+$0x13C00] =	vst v20;
	s17 =	smov.u32 s18  }
0x88: {  	v20 =	vld [tilespmem:s17+$0x9CB0];
	[tilespmem:s17+$0x18C00] =	vst v21  }
0x89: {  	[tilespmem:s17+$0x13B90] =	vst v16;
	v16 =	vld [tilespmem:s17+$0xEC30]  }
0x8a: {  	[tilespmem:s17+$0x18B90] =	vst v17;
	v17 =	vld [tilespmem:s17+$0x9CC0]  }
0x8b: {  	[tilespmem:s17+$0x13BA0] =	vst v18;
	v18 =	vld [tilespmem:s17+$0xEC40]  }
0x8c: {  	[tilespmem:s17+$0x18BA0] =	vst v19;
	v19 =	vld [tilespmem:s17+$0x9CD0]  }
0x8d: {  	[tilespmem:s17+$0x13BB0] =	vst v20;
	v20 =	vld [tilespmem:s17+$0xEC50]  }
.Ltmp1:
0x8e: {  	[tilespmem:s17+$0x18BB0] =	vst v16;
	v16 =	vld [tilespmem:s17+$0x9CE0];
	(pc) =	sbr.rel @p0 .LBB2_4-.Ltmp1, $4  }
0x8f: {  	[tilespmem:s17+$0x13BC0] =	vst v17;
	v17 =	vld [tilespmem:s17+$0xEC60]  }
0x90: {  	[tilespmem:s17+$0x18BC0] =	vst v18;
	v18 =	vld [tilespmem:s17+$0x9CF0]  }
0x91: {  	[tilespmem:s17+$0x13BD0] =	vst v19;
	v19 =	vld [tilespmem:s17+$0xEC70]  }
0x92: {  	s18 =	sshra.s32 s19, $0x2;
	s19 =	sadd.s32 $0x200, s19;
	[tilespmem:s17+$0x18BD0] =	vst v20;
	v20 =	vld [tilespmem:s17+$0x9D00]  }
0x93: {  	v21 =	vld [tilespmem:s18+$0xEC80];
	[tilespmem:s17+$0x13BE0] =	vst v16  }
0x94: {  	v16 =	vld [tilespmem:s18+$0x9C90];
	[tilespmem:s17+$0x18BE0] =	vst v17  }
0x95: {  	v17 =	vld [tilespmem:s18+$0xEC10];
	[tilespmem:s17+$0x13BF0] =	vst v18  }
0x96: {  	v18 =	vld [tilespmem:s18+$0x9CA0];
	[tilespmem:s17+$0x18BF0] =	vst v19  }
0x97: {  	v19 =	vld [tilespmem:s18+$0xEC20];
	[tilespmem:s17+$0x13C00] =	vst v20  }
0x98: {  	v20 =	vld [tilespmem:s18+$0x9CB0];
	[tilespmem:s18+$0x18C00] =	vst v21  }
0x99: {  	v58 =	vld [tilespmem:s18+$0xEC40];
	[tilespmem:s18+$0x13B90] =	vst v16  }
0x9a: {  	v59 =	vld [tilespmem:s18+$0x9CD0];
	[tilespmem:s18+$0x18B90] =	vst v17  }
0x9b: {  	v60 =	vld [tilespmem:s18+$0xEC50];
	[tilespmem:s18+$0x13BA0] =	vst v18  }
0x9c: {  	v16 =	vld [tilespmem:s18+$0xEC30];
	[tilespmem:s18+$0x18BA0] =	vst v19  }
0x9d: {  	v17 =	vld [tilespmem:s18+$0x9CC0];
	[tilespmem:s18+$0x13BB0] =	vst v20  }
0x9e: {  	v61 =	vld [tilespmem:s18+$0x9CF0];
	[tilespmem:s18+$0x18BC0] =	vst v58  }
0x9f: {  	v62 =	vld [tilespmem:s18+$0xEC70];
	[tilespmem:s18+$0x13BD0] =	vst v59  }
0xa0: {  	v63 =	vld [tilespmem:s18+$0x9D00];
	[tilespmem:s18+$0x18BD0] =	vst v60  }
0xa1: {  	[tilespmem:s18+$0x18BB0] =	vst v16;
	v16 =	vld [tilespmem:s18+$0x9CE0]  }
0xa2: {  	[tilespmem:s18+$0x13BC0] =	vst v17;
	v17 =	vld [tilespmem:s18+$0xEC60]  }
0xa3: {  	[tilespmem:s18+$0x13BF0] =	vst v61  }
0xa4: {  	[tilespmem:s18+$0x18BF0] =	vst v62  }
0xa5: {  	[tilespmem:s18+$0x13C00] =	vst v63  }
0xa6: {  	[tilespmem:s18+$0x13BE0] =	vst v16  }
0xa7: {  	[tilespmem:s18+$0x18BE0] =	vst v17  }
0xa8: {  	[hbm4b:s5+s2] =	stream.linear.scatter [tilespmem:s14], [sflag:$0x1], $0x4F00, $0x38;
	[tilespmem:$0x1DC00] =	vst v63  }
0xa9: {  	s16 =	sadd.s32 $0x1, s16;
	_ =	swait.ge [sflag:s10], $0x4F00  }
0xaa: {  	p0 =	sne.s32 s16, s7;
	[sflag:s10] =	ssyncset.done $0x0  }
.Ltmp2:
0xab: {  	[sflag:s10] =	ssyncadd.s32 $0xFFFFB100;
	(pc) =	sbr.rel @p0 .LBB2_1-.Ltmp2, $4  }
0xac: {  	[hbm4b:s6+s2] =	stream.linear.scatter [tilespmem:s15], [sflag:$0x1], $0x4F80, $0x38;
	[tilespmem:$0x1DC00] =	vst v63  }
0xad: {  	_ =	swait.ge [sflag:s10], $0x4F80  }
0xae: {  	[sflag:s10] =	ssyncset.done $0x0  }
0xaf: {  	[sflag:s10] =	ssyncadd.s32 $0xFFFFB080  }
0xb0: {  	_ =	sfence.sel $0x180000  }
0xb1: {  	[bflag:$0x0] =	sbarrier.arrive $0xFFFF  }
0xb2: {  	p0 =	sne.s32 s0, $0x0;
	_ =	strace $0x90000047  }
0xb3: {  	s0 =	sadd.s32 @!p0 $0x100000, s1;
	[bflag:$0x2] =	sbarrier.arrive $0xFFFF  }
0xb4: {  	[sflag:s0] =	ssyncadd.tile.s32 @!p0 $0x1;
	_ =	shalt  }
.Lfunc_end2:
_tile_overlayer_lowered:
.L_overlay_start_2:
0xb5: {  	(tag) =	ssettag $0x2  }
0xb6: {  	s0 =	rddreg [dreg:$0x0];
	s2 =	stileid.u32  }
0xb7: {  	s1 =	rddreg [dreg:$0x1];
	p0 =	sne.s32 s2, $0x0  }
0xb8: {  	s3 =	rddreg [dreg:$0x2];
	[bflag:$0x3] =	sbarrier.arrive $0xFFFF;
	s2 =	simm.s32 @!p0 $0x1C01  }
0xb9: {  	[timem:s3], [sflag:s2] =	dma.local @!p0 [hbm:s0], s1  }
0xba: {  	s0 =	simm.s32 @!p0 $0x1  }
0xbb: {  	_ =	swait.ge @!p0 [sflag:s0], s1  }
0xbc: {  	s1 =	ssub.s32 @!p0 $0x0, s1;
	[sflag:s0] =	ssyncset.done @!p0 $0x0  }
0xbd: {  	[sflag:s0] =	ssyncadd.s32 @!p0 s1  }
0xbe: {  	[bflag:$0x3] =	sbarrier.arrive $0xFFFF  }
0xbf: {  	_ =	shalt  }

// kernel: kernel.15.cloned.1.call-start
scs
__scs_entry_jumppad:
0x0: {  	(pc) =	sbr.rel $0x88, $3  }
0x1: {  	(tag) =	ssettag $0x0;
	lr =	simm.s32 $0x1  }
0x2: {  	[smem:$0x3F91] =	sst lr;
	_ =	strace $0xD0000000  }
0x3: {  	_ = 	snop  }
0x4: {  	_ = 	snop  }
0x5: {  	_ = 	snop  }
0x6: {  	_ = 	snop  }
0x7: {  	_ = 	snop  }
__scs_overlays_trampoline_lowered:
0x8: {  	[smem:$0x3FA0] =	sst s0  }
0x9: {  	[smem:$0x3FA1] =	sst s1  }
0xa: {  	[smem:$0x3FA2] =	sst s2  }
0xb: {  	[smem:$0x3FA3] =	sst s3  }
0xc: {  	[smem:$0x3FA4] =	sst s4  }
0xd: {  	[smem:$0x3FA5] =	sst s5  }
0xe: {  	[smem:$0x3FA6] =	sst s6  }
0xf: {  	[smem:$0x3FA7] =	sst s7  }
0x10: {  	[smem:$0x3FA8] =	sst s8  }
0x11: {  	[smem:$0x3FA9] =	sst s9;
	s0 =	simm.s32 @!p0 $0x0  }
0x12: {  	s1 =	sld [smem:$0x3F8F];
	s0 =	simm.s32 @p0 $0x1  }
0x13: {  	[smem:$0x3FAA] =	sst s0;
	s0 =	simm.s32 @!p1 $0x0  }
0x14: {  	s2 =	sld [smem:$0x3F8E];
	s0 =	simm.s32 @p1 $0x1  }
0x15: {  	[smem:$0x3FAB] =	sst s0;
	s0 =	simm.s32 @!p2 $0x0  }
0x16: {  	s3 =	sld [smem:$0x3FDB];
	s0 =	simm.s32 @p2 $0x1  }
0x17: {  	s4 =	simm.s32 $0x1BF5;
	[smem:$0x3FAD] =	sst s0  }
0x18: {  	s0 =	sld [smem:$0x3F90];
	_ =	swait.ge [sflag:s4], $0x0  }
0x19: {  	s7 =	sld [smem:$0x3F91]  }
0x1a: {  	s8 =	sadd.s32 $0xFFFFE003, lr  }
0x1b: {  	s9 =	sadd.s32 $0xFFFFFEF7, lr;
	s5 =	simm.s32 $0xFFFFFFFF;
	p2 =	slt.u32 s8, $0xFFFFF086  }
0x1c: {  	p1 =	slt.u32 s9, $0xF7A;
	s5 =	simm.s32 @!p2 $0x0  }
0x1d: {  	s5 =	simm.s32 @p1 $0x1;
	p0 =	seq.s32 s7, s2  }
0x1e: {  	s7 =	smul.u32 @!p0 $0xF7A, s2;
	p2 =	seq.s32 @!p0 s5, $0x0  }
0x1f: {  	s9 =	smul.u32 $0xF7A, s1;
	s8 =	simm.s32 @!p0 $0x1BF5;
	p2 =	por !p2, p0  }
0x20: {  	[sflag:s8] =	ssyncset.s32 @!p0 $0xFFFFF086;
	s6 =	sadd.s32 @!p0 s3, s7;
	s7 =	simm.s32 @!p0 $0x108  }
0x21: {  	s3 =	sadd.s32 s3, s9;
	s6 =	sadd.s32 @!p0 $0x88, s6;
	s7 =	simm.s32 @p2 $0x1082  }
0x22: {  	[simem:s7], [sflag:s8] =	dma.local @!p0 [hbm:s6], $0xF7A  }
0x23: {  	s9 =	sor.u32 $0xD0000000, s2;
	s6 =	simm.s32 $0x108;
	_ =	swait.ge @!p0 [sflag:s8], $0x0  }
0x24: {  	s3 =	sadd.s32 $0x88, s3;
	s6 =	simm.s32 @!p1 $0x1082;
	[sflag:s4] =	ssyncset.s32 $0xFFFFF086  }
0x25: {  	[simem:s6], [sflag:s4] =	dma.local [hbm:s3], $0xF7A  }
0x26: {  	[smem:$0x3F91] =	sst s1;
	(tag) =	ssettag s2;
	_ =	strace s9  }
0x27: {  	s1 =	sld [smem:$0x3FA1]  }
0x28: {  	s2 =	sld [smem:$0x3FA2]  }
0x29: {  	s4 =	sld [smem:$0x3FA4]  }
0x2a: {  	p0 =	seq.s32 s5, $0x0;
	s5 =	sld [smem:$0x3FA5]  }
0x2b: {  	s6 =	sld [smem:$0x3FA6]  }
0x2c: {  	s7 =	sld [smem:$0x3FA7]  }
0x2d: {  	s3 =	simm.s32 $0x108;
	s8 =	sld [smem:$0x3FA8]  }
0x2e: {  	s3 =	simm.s32 @!p0 $0x1082;
	s9 =	sld [smem:$0x3FA9]  }
0x2f: {  	lr =	sadd.s32 s0, s3;
	s0 =	sld [smem:$0x3FA0]  }
0x30: {  	s3 =	sld [smem:$0x3FA3]  }
0x31: {  	[smem:$0x3FAC] =	sst s10  }
0x32: {  	s10 =	sld [smem:$0x3FAA];
	_ =	sdelay $0x3  }
0x33: {  	p0 =	seq.s32 s10, $0x1;
	s10 =	sld [smem:$0x3FAC];
	_ =	sdelay $0x3  }
0x34: {  	[smem:$0x3FAC] =	sst s10  }
0x35: {  	s10 =	sld [smem:$0x3FAB];
	_ =	sdelay $0x3  }
0x36: {  	p1 =	seq.s32 s10, $0x1;
	s10 =	sld [smem:$0x3FAC];
	_ =	sdelay $0x3  }
0x37: {  	[smem:$0x3FAC] =	sst s10  }
0x38: {  	s10 =	sld [smem:$0x3FAD]  }
0x39: {  	_ = 	snop;
	(pc) =	sbr.ind lr, $3  }
0x3a: {  	_ = 	snop  }
0x3b: {  	_ = 	snop  }
0x3c: {  	p2 =	seq.s32 s10, $0x1;
	s10 =	sld [smem:$0x3FAC]  }
0x3d: {  	_ =	shalt  }
0x3e: {  	_ =	shalt  }
0x3f: {  	_ =	shalt  }
0x40: {  	_ =	shalt  }
0x41: {  	_ =	shalt  }
0x42: {  	_ =	shalt  }
0x43: {  	_ =	shalt  }
0x44: {  	_ =	shalt  }
0x45: {  	_ =	shalt  }
0x46: {  	_ =	shalt  }
0x47: {  	_ =	shalt  }
0x48: {  	_ =	shalt  }
0x49: {  	_ =	shalt  }
0x4a: {  	_ =	shalt  }
0x4b: {  	_ =	shalt  }
0x4c: {  	_ =	shalt  }
0x4d: {  	_ =	shalt  }
0x4e: {  	_ =	shalt  }
0x4f: {  	_ =	shalt  }
0x50: {  	_ =	shalt  }
0x51: {  	_ =	shalt  }
0x52: {  	_ =	shalt  }
0x53: {  	_ =	shalt  }
0x54: {  	_ =	shalt  }
0x55: {  	_ =	shalt  }
0x56: {  	_ =	shalt  }
0x57: {  	_ =	shalt  }
0x58: {  	_ =	shalt  }
0x59: {  	_ =	shalt  }
0x5a: {  	_ =	shalt  }
0x5b: {  	_ =	shalt  }
0x5c: {  	_ =	shalt  }
0x5d: {  	_ =	shalt  }
0x5e: {  	_ =	shalt  }
0x5f: {  	_ =	shalt  }
0x60: {  	_ =	shalt  }
0x61: {  	_ =	shalt  }
0x62: {  	_ =	shalt  }
0x63: {  	_ =	shalt  }
0x64: {  	_ =	shalt  }
0x65: {  	_ =	shalt  }
0x66: {  	_ =	shalt  }
0x67: {  	_ =	shalt  }
0x68: {  	_ =	shalt  }
0x69: {  	_ =	shalt  }
0x6a: {  	_ =	shalt  }
0x6b: {  	_ =	shalt  }
0x6c: {  	_ =	shalt  }
0x6d: {  	_ =	shalt  }
0x6e: {  	_ =	shalt  }
0x6f: {  	_ =	shalt  }
0x70: {  	_ =	shalt  }
0x71: {  	_ =	shalt  }
0x72: {  	_ =	shalt  }
0x73: {  	_ =	shalt  }
0x74: {  	_ =	shalt  }
0x75: {  	_ =	shalt  }
0x76: {  	_ =	shalt  }
0x77: {  	_ =	shalt  }
0x78: {  	_ =	shalt  }
0x79: {  	_ =	shalt  }
0x7a: {  	_ =	shalt  }
0x7b: {  	_ =	shalt  }
0x7c: {  	_ =	shalt  }
0x7d: {  	_ =	shalt  }
0x7e: {  	_ =	shalt  }
0x7f: {  	_ =	shalt  }
0x80: {  	_ =	shalt  }
0x81: {  	_ =	shalt  }
0x82: {  	_ =	shalt  }
0x83: {  	_ =	shalt  }
0x84: {  	_ =	shalt  }
0x85: {  	_ =	shalt  }
0x86: {  	_ =	shalt  }
0x87: {  	_ =	shalt  }
.Lfunc_end0:
.L_simem_size_0:
called_computation.1_lowered:
.L_overlay_start_0:
0x88: {  	s2 =	sld [smem:$0x3FD9]  }
0x89: {  	s3 =	sld [smem:$0x3FFE];
	_ =	sdelay $0x1  }
0x8a: {  	s1 =	srdreg.scid  }
0x8b: {  	s0 =	sand.u32 $0x1, s1  }
0x8c: {  	s17 =	sshll.u32 s0, $0xA;
	s2 =	sadd.s32 s3, s2  }
0x8d: {  	s2 =	sadd.s32 s2, s17  }
0x8e: {  	[smem:$0x3FB8] =	sst s2  }
0x8f: {  	_ = 	snop  }
0x90: {  	s2 =	sld [smem:$0x3FD0];
	(tm) =	ssettm $0x1  }
0x91: {  	s18 =	sld [smem:$0x3FFB];
	_ =	sdelay $0x3  }
0x92: {  	_ =	strace s18  }
0x93: {  	s3 =	sld [smem:$0x3FFC];
	_ =	sdelay $0x3  }
0x94: {  	_ =	strace s3  }
0x95: {  	s3 =	sld [smem:$0x3FFD];
	_ =	sdelay $0x3  }
0x96: {  	_ =	strace s3  }
0x97: {  	_ =	strace $0x8FFFFFFF  }
0x98: {  	s19 =	sld [smem:$0x3FDB];
	_ =	sdelay $0x1  }
0x99: {  	s4 =	simm.s32 $_scs_section_size  }
0x9a: {  	s5 =	simm.s32 $_size__tile_overlayer_lowered;
	s6 =	simm.s32 $_tile_overlayer_lowered  }
0x9b: {  	s22 =	simm.s32 $0x1BFF;
	s21 =	sshll.u32 s6, $0x1;
	s3 =	sadd.s32 s4, s19  }
0x9c: {  	s7 =	simm.s32 $0x0;
	s20 =	sshll.u32 s5, $0x1;
	s5 =	sadd.s32 s21, s3  }
0x9d: {  	[timem:s7], [sflag:s22] =	dma.local [hbm:s5], s20  }
0x9e: {  	_ =	swait.ge [sflag:s22], s20  }
0x9f: {  	s4 =	ssub.s32 $0x0, s20;
	[sflag:s22] =	ssyncset.done $0x0  }
0xa0: {  	[sflag:s22] =	ssyncadd.s32 s4;
	_ =	sdelay $0x1  }
0xa1: {  	s23 =	simm.s32 $0x1B8B  }
0xa2: {  	_ =	swait.ge [sflag:s23], $0x1  }
0xa3: {  	[sflag:s23] =	ssyncset.done $0x0  }
0xa4: {  	s25 =	simm.s32 $0x1B8E;
	s24 =	sld [smem:$0x3FFE];
	[sflag:s23] =	ssyncadd.s32 $0xFFFFFFFF  }
0xa5: {  	s26 =	simm.s32 $execute0_lowered;
	[smem:$0x3FD2] =	sst s25  }
0xa6: {  	s5 =	sshll.u32 s26, $0x1;
	_ =	strace $0x80000049;
	[dreg:$0x1] =	wrdreg $0xFFFFFFFF  }
0xa7: {  	s28 =	simm.s32 $_size_execute0_lowered;
	s3 =	sadd.s32 s3, s5;
	[dreg:$0x0] =	wrdreg $0x0  }
0xa8: {  	s5 =	sshll.u32 s28, $0x1;
	[dreg:$0x2] =	wrdreg s3  }
0xa9: {  	[dreg:$0x3] =	wrdreg s5  }
0xaa: {  	[dreg:$0x4] =	wrdreg $0xC0  }
0xab: {  	_ =	task [dreg:s7], $0x5FFFF  }
0xac: {  	[dreg:$0x1] =	wrdreg $0xFFFFFFFF  }
0xad: {  	[dreg:$0x0] =	wrdreg $0x60  }
0xae: {  	[dreg:$0x2] =	wrdreg s24  }
0xaf: {  	[dreg:$0x3] =	wrdreg s2  }
0xb0: {  	[dreg:$0x4] =	wrdreg $0x90000  }
0xb1: {  	[dreg:$0x5] =	wrdreg $0x9  }
0xb2: {  	_ =	task.clear_ibuf [dreg:s7], $0x6FFFF;
	_ =	strace $0x90000049  }
0xb3: {  	s29 =	simm.s32 $0x9;
	_ =	strace $0x8000004B  }
0xb4: {  	_ =	swait.ge [sflag:s29], $0x1  }
0xb5: {  	[sflag:s29] =	ssyncadd.s32 $0xFFFFFFFF  }
0xb6: {  	_ =	strace $0x9000004B  }
0xb7: {  	_ =	sfence  }
0xb8: {  	s30 =	sld [smem:$0x0];
	_ =	sdelay $0x2  }
0xb9: {  	s31 =	sshll.u32 s1, $0xD;
	s1 =	sshrl.u32 s1, $0x2  }
0xba: {  	s3 =	sand.u32 $0x4000, s31;
	s1 =	sadd.s32 s1, s30  }
0xbb: {  	s0 =	sor.u32 s3, s0;
	s1 =	sshll.u32 s1, $0x11  }
0xbc: {  	s0 =	sor.u32 s1, s0  }
0xbd: {  	s0 =	sadd.s32 $0x8F2B, s0  }
0xbe: {  	[sflag:s0] =	ssyncadd.remote.s32 $0x1  }
0xbf: {  	_ =	sfence.sel $0xFFFF  }
0xc0: {  	[dreg:$0x0] =	wrdreg $0xFFFFFFFF;
	(pc) =	sbr.abs _section_cstart, $3  }
0xc1: {  	[dreg:$0x1] =	wrdreg $0xFFFFFFFF  }
0xc2: {  	_ =	task.clear_ibuf [dreg:s7], $0x2FFFF;
	_ =	strace $0x9FFFFFFF  }
0xc3: {  	(tm) =	ssettm $0x7FFFFFFF  }
tec
execute0_lowered:
.L_overlay_start_1:
0x0: {  	(tag) =	ssettag $0x1  }
0x1: {  	s7 =	rddreg [dreg:$0x0]  }
0x2: {  	s2 =	rddreg [dreg:$0x1]  }
0x3: {  	s0 =	srdreg.scid;
	s3 =	rddreg [dreg:$0x2]  }
0x4: {  	s4 =	simm.s32 $0x0;
	s5 =	sand.u32 $0x1, s0;
	s0 =	stileid.u32  }
0x5: {  	s16 =	simm.s32 $0x80;
	s20 =	simm.s32 $0x0;
	s8 =	smul.u32 $0x1400, s0  }
0x6: {  	[smem:$0x7FF] =	sst s4;
	s11 =	sadd.s32 $0x54000, s7;
	s10 =	smul.u32 $0x28000, s0  }
0x7: {  	s14 =	sadd.s32 $0x96000, s3;
	s19 =	sadd.s32 $0x9C000, s3;
	s13 =	smul.u32 $0x9C400, s5  }
0x8: {  	s1 =	sshll.u32 s5, $0x4;
	s9 =	ssub.s32 $0x2, s5;
	s28 =	smul.u32 $0x9C00, s0  }
0x9: {  	s30 =	smul.u32 $0x27000, s0;
	p0 =	seq.s32 s0, $0xF;
	s17 =	sshll.u32 s0, $0x6  }
0xa: {  	p1 =	sne.s32 s0, $0xF;
	s6 =	sor.u32 s0, s1;
	s1 =	rddreg [dreg:$0x3]  }
0xb: {  	_ =	strace $0x8000004A;
	s12 =	sshrl.u32 s9, $0x1;
	s17 =	sor.u32 $0x1C01, s17  }
0xc: {  	s19 =	sshrl.u32 @!p1 s19, $0x3;
	s6 =	smul.u32 $0xA00, s6;
	s8 =	sadd.s32 s8, s7  }
0xd: {  	s12 =	ssub.s32 s9, s12;
	s26 =	sshrl.u32 s10, $0x2;
	s29 =	sadd.s32 s28, s13  }
0xe: {  	s31 =	sshrl.u32 s13, $0x3;
	s9 =	sshrl.u32 s30, $0x2;
	s13 =	sshrl.u32 @p0 s14, $0x3  }
0xf: {  	s14 =	sshll.u32 @!p0 s0, $0x6;
	s15 =	sadd.s32 s26, s3;
	s10 =	sadd.s32 s11, s31  }
.Ltmp0:
0x10: {  	s18 =	sadd.s32 s9, s3;
	s14 =	sor.u32 @!p0 $0x1C01, s14;
	(pc) =	sbr.rel .LBB2_1-.Ltmp0, $4  }
0x11: {  	s6 =	sadd.s32 s6, s7;
	s7 =	sadd.s32 $0x52C00, s7;
	s9 =	sadd.s32 $0x13800, s10  }
0x12: {  	s10 =	smax.u32 s12, $0x1;
	s12 =	simm.s32 $0x5000;
	s15 =	sshrl.u32 @!p0 s15, $0x3  }
0x13: {  	s5 =	sadd.s32 $0x2C000, s6;
	s6 =	sadd.s32 $0x40000, s8;
	s8 =	sshrl.u32 s29, $0x3  }
0x14: {  	s18 =	sshrl.u32 s18, $0x3;
	s8 =	sadd.s32 s11, s8;
	s11 =	simm.s32 $0x1  }
.LBB2_4:
0x15: {  	[sflag:s11] =	ssyncadd.s32 $0xFFFFC000  }
.LBB2_5:
0x16: {  	[bflag:$0x0] =	sbarrier.arrive $0xFFFF  }
0x17: {  	[hbm:s8], [sflag:s17] =	dma.local [spmem:s18], $0x1380  }
0x18: {  	s20 =	sadd.s32 $0x1, s20;
	_ =	swait.ge [sflag:s11], $0x1380  }
0x19: {  	p2 =	sne.s32 s20, s10;
	[sflag:s11] =	ssyncset.done $0x0  }
.Ltmp1:
0x1a: {  	s21 =	simm.s32 @!p1 $0x1;
	[sflag:s11] =	ssyncadd.s32 $0xFFFFEC80;
	(pc) =	sbr.rel @!p2 .LBB2_6-.Ltmp1, $4  }
0x1b: {  	[hbm:s9], [sflag:s17] =	dma.local @!p1 [spmem:s19], $0x80  }
0x1c: {  	_ =	swait.ge @!p1 [sflag:s21], $0x80  }
0x1d: {  	[sflag:s21] =	ssyncset.done @!p1 $0x0  }
0x1e: {  	[sflag:s21] =	ssyncadd.s32 @!p1 $0xFFFFFF80  }
.LBB2_1:
0x1f: {  	[tilespmem:s4], [sflag:$0x1] =	stream.linear.gather [hbm4b:s5+s4], $0x4F80, $0x38;
	[tilespmem:$0x12F40] =	vst v63  }
0x20: {  	_ =	swait.ge [sflag:s11], $0x4F80  }
0x21: {  	[sflag:s11] =	ssyncset.done $0x0  }
0x22: {  	[sflag:s11] =	ssyncadd.s32 $0xFFFFB080  }
0x23: {  	[tilespmem:s12], [sflag:$0x1] =	stream.linear.gather [hbm4b:s2+s4], $0x4000, $0x38;
	[tilespmem:$0x12F40] =	vst v63  }
0x24: {  	_ =	swait.ge [sflag:s11], $0x4000  }
0x25: {  	[sflag:s11] =	ssyncset.done $0x0  }
0x26: {  	[sflag:s11] =	ssyncadd.s32 $0xFFFFC000  }
0x27: {  	v0 =	vld [tilespmem:$0x4F00];
	_ =	sdelay $0x4  }
0x28: {  	(v2sf) =	vpush v0, $0x0;
	_ =	sdelay $0xe  }
0x29: {  	s22 =	simm.s32 @p0 $0x1FC1;
	s21 =	spop (v2sf)  }
0x2a: {  	[spmem:s13], [sflag:s22] =	dma.local @p0 [hbm:s7], $0x1280  }
0x2b: {  	s22 =	simm.s32 @p0 $0x1  }
0x2c: {  	_ =	swait.ge @p0 [sflag:s22], $0x1280  }
0x2d: {  	[sflag:s22] =	ssyncset.done @p0 $0x0  }
0x2e: {  	p2 =	slt.s32 s21, $0x1;
	[sflag:s22] =	ssyncadd.s32 @p0 $0xFFFFED80;
	s22 =	simm.s32 @!p0 $0x1  }
0x2f: {  	[spmem:s15], [sflag:s14] =	dma.local @!p0 [hbm:s6], $0x1400  }
.Ltmp2:
0x30: {  	_ =	swait.ge @!p0 [sflag:s22], $0x1400;
	(pc) =	sbr.rel @p2 .LBB2_5-.Ltmp2, $3  }
0x31: {  	[sflag:s22] =	ssyncset.done @!p0 $0x0  }
0x32: {  	[sflag:s22] =	ssyncadd.s32 @!p0 $0xFFFFEC00  }
0x33: {  	[bflag:$0x0] =	sbarrier.arrive $0xFFFF;
	_ =	sdelay $0x1  }
0x34: {  	p2 =	sne.s32 s21, $0x1  }
.Ltmp3:
0x35: {  	_ = 	snop;
	(pc) =	sbr.rel @!p2 .LBB2_4-.Ltmp3, $4  }
0x36: {  	_ = 	snop  }
0x37: {  	[spmem:s3] =	stream.indirect.scatter.add.f32 [tilespmem:s12], [sflag:$0x1], $0x80, s4, s16, $0xb8;
	[tilespmem:$0x12F40] =	vst v63  }
0x38: {  	_ =	swait.ge [sflag:s11], $0x4000  }
0x39: {  	s21 =	sadd.s32 $0xFFFFFFFF, s21;
	s22 =	simm.s32 $0x0;
	[sflag:s11] =	ssyncset.done $0x0  }
.LBB2_3:
0x3a: {  	p2 =	sne.s32 s21, $0x1;
	[sflag:s11] =	ssyncadd.s32 $0xFFFFC000;
	s22 =	sadd.s32 $0x80, s22  }
.Ltmp4:
0x3b: {  	s21 =	sadd.s32 $0xFFFFFFFF, s21;
	(pc) =	sbr.rel @p2 .LBB2_3-.Ltmp4, $4  }
0x3c: {  	_ = 	snop  }
0x3d: {  	[spmem:s3] =	stream.indirect.scatter.add.f32 [tilespmem:s12], [sflag:$0x1], $0x80, s22, s16, $0xb8;
	[tilespmem:$0x12F40] =	vst v63  }
0x3e: {  	_ =	swait.ge [sflag:s11], $0x4000  }
0x3f: {  	[sflag:s11] =	ssyncset.done $0x0  }
.Ltmp5:
0x40: {  	_ = 	snop;
	(pc) =	sbr.rel .LBB2_4-.Ltmp5, $1  }
0x41: {  	_ =	sdelay $0x3  }
.LBB2_6:
0x42: {  	_ =	sfence.sel $0x180000  }
0x43: {  	[bflag:$0x0] =	sbarrier.arrive $0xFFFF  }
0x44: {  	p0 =	sne.s32 s0, $0x0;
	_ =	strace $0x9000004A  }
0x45: {  	s0 =	sadd.s32 @!p0 $0x100000, s1;
	[bflag:$0x2] =	sbarrier.arrive $0xFFFF  }
0x46: {  	[sflag:s0] =	ssyncadd.tile.s32 @!p0 $0x1;
	_ =	shalt  }
.Lfunc_end2:
_tile_overlayer_lowered:
.L_overlay_start_2:
0x47: {  	(tag) =	ssettag $0x2  }
0x48: {  	s0 =	rddreg [dreg:$0x0];
	s2 =	stileid.u32  }
0x49: {  	s1 =	rddreg [dreg:$0x1];
	p0 =	sne.s32 s2, $0x0  }
0x4a: {  	s3 =	rddreg [dreg:$0x2];
	[bflag:$0x3] =	sbarrier.arrive $0xFFFF;
	s2 =	simm.s32 @!p0 $0x1C01  }
0x4b: {  	[timem:s3], [sflag:s2] =	dma.local @!p0 [hbm:s0], s1  }
0x4c: {  	s0 =	simm.s32 @!p0 $0x1  }
0x4d: {  	_ =	swait.ge @!p0 [sflag:s0], s1  }
0x4e: {  	s1 =	ssub.s32 @!p0 $0x0, s1;
	[sflag:s0] =	ssyncset.done @!p0 $0x0  }
0x4f: {  	[sflag:s0] =	ssyncadd.s32 @!p0 s1  }
0x50: {  	[bflag:$0x3] =	sbarrier.arrive $0xFFFF  }
0x51: {  	_ =	shalt  }

// kernel: kernel.18.cloned.1.call-start
scs
__scs_entry_jumppad:
0x0: {  	(pc) =	sbr.rel $0x88, $3  }
0x1: {  	(tag) =	ssettag $0x0;
	lr =	simm.s32 $0x1  }
0x2: {  	[smem:$0x3F91] =	sst lr;
	_ =	strace $0xD0000000  }
0x3: {  	_ = 	snop  }
0x4: {  	_ = 	snop  }
0x5: {  	_ = 	snop  }
0x6: {  	_ = 	snop  }
0x7: {  	_ = 	snop  }
__scs_overlays_trampoline_lowered:
0x8: {  	[smem:$0x3FA0] =	sst s0  }
0x9: {  	[smem:$0x3FA1] =	sst s1  }
0xa: {  	[smem:$0x3FA2] =	sst s2  }
0xb: {  	[smem:$0x3FA3] =	sst s3  }
0xc: {  	[smem:$0x3FA4] =	sst s4  }
0xd: {  	[smem:$0x3FA5] =	sst s5  }
0xe: {  	[smem:$0x3FA6] =	sst s6  }
0xf: {  	[smem:$0x3FA7] =	sst s7  }
0x10: {  	[smem:$0x3FA8] =	sst s8  }
0x11: {  	[smem:$0x3FA9] =	sst s9;
	s0 =	simm.s32 @!p0 $0x0  }
0x12: {  	s1 =	sld [smem:$0x3F8F];
	s0 =	simm.s32 @p0 $0x1  }
0x13: {  	[smem:$0x3FAA] =	sst s0;
	s0 =	simm.s32 @!p1 $0x0  }
0x14: {  	s2 =	sld [smem:$0x3F8E];
	s0 =	simm.s32 @p1 $0x1  }
0x15: {  	[smem:$0x3FAB] =	sst s0;
	s0 =	simm.s32 @!p2 $0x0  }
0x16: {  	s3 =	sld [smem:$0x3FDB];
	s0 =	simm.s32 @p2 $0x1  }
0x17: {  	s4 =	simm.s32 $0x1BF5;
	[smem:$0x3FAD] =	sst s0  }
0x18: {  	s0 =	sld [smem:$0x3F90];
	_ =	swait.ge [sflag:s4], $0x0  }
0x19: {  	s7 =	sld [smem:$0x3F91]  }
0x1a: {  	s8 =	sadd.s32 $0xFFFFE003, lr  }
0x1b: {  	s9 =	sadd.s32 $0xFFFFFEF7, lr;
	s5 =	simm.s32 $0xFFFFFFFF;
	p2 =	slt.u32 s8, $0xFFFFF086  }
0x1c: {  	p1 =	slt.u32 s9, $0xF7A;
	s5 =	simm.s32 @!p2 $0x0  }
0x1d: {  	s5 =	simm.s32 @p1 $0x1;
	p0 =	seq.s32 s7, s2  }
0x1e: {  	s7 =	smul.u32 @!p0 $0xF7A, s2;
	p2 =	seq.s32 @!p0 s5, $0x0  }
0x1f: {  	s9 =	smul.u32 $0xF7A, s1;
	s8 =	simm.s32 @!p0 $0x1BF5;
	p2 =	por !p2, p0  }
0x20: {  	[sflag:s8] =	ssyncset.s32 @!p0 $0xFFFFF086;
	s6 =	sadd.s32 @!p0 s3, s7;
	s7 =	simm.s32 @!p0 $0x108  }
0x21: {  	s3 =	sadd.s32 s3, s9;
	s6 =	sadd.s32 @!p0 $0x88, s6;
	s7 =	simm.s32 @p2 $0x1082  }
0x22: {  	[simem:s7], [sflag:s8] =	dma.local @!p0 [hbm:s6], $0xF7A  }
0x23: {  	s9 =	sor.u32 $0xD0000000, s2;
	s6 =	simm.s32 $0x108;
	_ =	swait.ge @!p0 [sflag:s8], $0x0  }
0x24: {  	s3 =	sadd.s32 $0x88, s3;
	s6 =	simm.s32 @!p1 $0x1082;
	[sflag:s4] =	ssyncset.s32 $0xFFFFF086  }
0x25: {  	[simem:s6], [sflag:s4] =	dma.local [hbm:s3], $0xF7A  }
0x26: {  	[smem:$0x3F91] =	sst s1;
	(tag) =	ssettag s2;
	_ =	strace s9  }
0x27: {  	s1 =	sld [smem:$0x3FA1]  }
0x28: {  	s2 =	sld [smem:$0x3FA2]  }
0x29: {  	s4 =	sld [smem:$0x3FA4]  }
0x2a: {  	p0 =	seq.s32 s5, $0x0;
	s5 =	sld [smem:$0x3FA5]  }
0x2b: {  	s6 =	sld [smem:$0x3FA6]  }
0x2c: {  	s7 =	sld [smem:$0x3FA7]  }
0x2d: {  	s3 =	simm.s32 $0x108;
	s8 =	sld [smem:$0x3FA8]  }
0x2e: {  	s3 =	simm.s32 @!p0 $0x1082;
	s9 =	sld [smem:$0x3FA9]  }
0x2f: {  	lr =	sadd.s32 s0, s3;
	s0 =	sld [smem:$0x3FA0]  }
0x30: {  	s3 =	sld [smem:$0x3FA3]  }
0x31: {  	[smem:$0x3FAC] =	sst s10  }
0x32: {  	s10 =	sld [smem:$0x3FAA];
	_ =	sdelay $0x3  }
0x33: {  	p0 =	seq.s32 s10, $0x1;
	s10 =	sld [smem:$0x3FAC];
	_ =	sdelay $0x3  }
0x34: {  	[smem:$0x3FAC] =	sst s10  }
0x35: {  	s10 =	sld [smem:$0x3FAB];
	_ =	sdelay $0x3  }
0x36: {  	p1 =	seq.s32 s10, $0x1;
	s10 =	sld [smem:$0x3FAC];
	_ =	sdelay $0x3  }
0x37: {  	[smem:$0x3FAC] =	sst s10  }
0x38: {  	s10 =	sld [smem:$0x3FAD]  }
0x39: {  	_ = 	snop;
	(pc) =	sbr.ind lr, $3  }
0x3a: {  	_ = 	snop  }
0x3b: {  	_ = 	snop  }
0x3c: {  	p2 =	seq.s32 s10, $0x1;
	s10 =	sld [smem:$0x3FAC]  }
0x3d: {  	_ =	shalt  }
0x3e: {  	_ =	shalt  }
0x3f: {  	_ =	shalt  }
0x40: {  	_ =	shalt  }
0x41: {  	_ =	shalt  }
0x42: {  	_ =	shalt  }
0x43: {  	_ =	shalt  }
0x44: {  	_ =	shalt  }
0x45: {  	_ =	shalt  }
0x46: {  	_ =	shalt  }
0x47: {  	_ =	shalt  }
0x48: {  	_ =	shalt  }
0x49: {  	_ =	shalt  }
0x4a: {  	_ =	shalt  }
0x4b: {  	_ =	shalt  }
0x4c: {  	_ =	shalt  }
0x4d: {  	_ =	shalt  }
0x4e: {  	_ =	shalt  }
0x4f: {  	_ =	shalt  }
0x50: {  	_ =	shalt  }
0x51: {  	_ =	shalt  }
0x52: {  	_ =	shalt  }
0x53: {  	_ =	shalt  }
0x54: {  	_ =	shalt  }
0x55: {  	_ =	shalt  }
0x56: {  	_ =	shalt  }
0x57: {  	_ =	shalt  }
0x58: {  	_ =	shalt  }
0x59: {  	_ =	shalt  }
0x5a: {  	_ =	shalt  }
0x5b: {  	_ =	shalt  }
0x5c: {  	_ =	shalt  }
0x5d: {  	_ =	shalt  }
0x5e: {  	_ =	shalt  }
0x5f: {  	_ =	shalt  }
0x60: {  	_ =	shalt  }
0x61: {  	_ =	shalt  }
0x62: {  	_ =	shalt  }
0x63: {  	_ =	shalt  }
0x64: {  	_ =	shalt  }
0x65: {  	_ =	shalt  }
0x66: {  	_ =	shalt  }
0x67: {  	_ =	shalt  }
0x68: {  	_ =	shalt  }
0x69: {  	_ =	shalt  }
0x6a: {  	_ =	shalt  }
0x6b: {  	_ =	shalt  }
0x6c: {  	_ =	shalt  }
0x6d: {  	_ =	shalt  }
0x6e: {  	_ =	shalt  }
0x6f: {  	_ =	shalt  }
0x70: {  	_ =	shalt  }
0x71: {  	_ =	shalt  }
0x72: {  	_ =	shalt  }
0x73: {  	_ =	shalt  }
0x74: {  	_ =	shalt  }
0x75: {  	_ =	shalt  }
0x76: {  	_ =	shalt  }
0x77: {  	_ =	shalt  }
0x78: {  	_ =	shalt  }
0x79: {  	_ =	shalt  }
0x7a: {  	_ =	shalt  }
0x7b: {  	_ =	shalt  }
0x7c: {  	_ =	shalt  }
0x7d: {  	_ =	shalt  }
0x7e: {  	_ =	shalt  }
0x7f: {  	_ =	shalt  }
0x80: {  	_ =	shalt  }
0x81: {  	_ =	shalt  }
0x82: {  	_ =	shalt  }
0x83: {  	_ =	shalt  }
0x84: {  	_ =	shalt  }
0x85: {  	_ =	shalt  }
0x86: {  	_ =	shalt  }
0x87: {  	_ =	shalt  }
.Lfunc_end0:
.L_simem_size_0:
called_computation.2_lowered:
.L_overlay_start_0:
0x88: {  	s2 =	sld [smem:$0x3FD9]  }
0x89: {  	s3 =	sld [smem:$0x3FFE];
	_ =	sdelay $0x1  }
0x8a: {  	s1 =	srdreg.scid  }
0x8b: {  	s0 =	sand.u32 $0x1, s1  }
0x8c: {  	s16 =	sshll.u32 s0, $0xA;
	s2 =	sadd.s32 s3, s2  }
0x8d: {  	s2 =	sadd.s32 s2, s16  }
0x8e: {  	[smem:$0x3FB8] =	sst s2  }
0x8f: {  	_ = 	snop  }
0x90: {  	(tm) =	ssettm $0x1  }
0x91: {  	s17 =	sld [smem:$0x3FFB];
	_ =	sdelay $0x3  }
0x92: {  	_ =	strace s17  }
0x93: {  	s2 =	sld [smem:$0x3FFC];
	_ =	sdelay $0x3  }
0x94: {  	_ =	strace s2  }
0x95: {  	s2 =	sld [smem:$0x3FFD];
	_ =	sdelay $0x3  }
0x96: {  	_ =	strace s2  }
0x97: {  	_ =	strace $0x8FFFFFFF  }
0x98: {  	s18 =	sld [smem:$0x3FDB];
	_ =	sdelay $0x1  }
0x99: {  	s19 =	simm.s32 $_scs_section_size  }
0x9a: {  	s4 =	simm.s32 $_size__tile_overlayer_lowered;
	s5 =	simm.s32 $_tile_overlayer_lowered  }
0x9b: {  	s22 =	simm.s32 $0x1BFF;
	s21 =	sshll.u32 s5, $0x1;
	s2 =	sadd.s32 s19, s18  }
0x9c: {  	s6 =	simm.s32 $0x0;
	s20 =	sshll.u32 s4, $0x1;
	s4 =	sadd.s32 s21, s2  }
0x9d: {  	[timem:s6], [sflag:s22] =	dma.local [hbm:s4], s20  }
0x9e: {  	_ =	swait.ge [sflag:s22], s20  }
0x9f: {  	s3 =	ssub.s32 $0x0, s20;
	[sflag:s22] =	ssyncset.done $0x0  }
0xa0: {  	[sflag:s22] =	ssyncadd.s32 s3;
	_ =	sdelay $0x1  }
0xa1: {  	s23 =	simm.s32 $0x1B8B  }
0xa2: {  	_ =	swait.ge [sflag:s23], $0x1  }
0xa3: {  	[sflag:s23] =	ssyncset.done $0x0  }
0xa4: {  	s25 =	simm.s32 $0x1B8E;
	s24 =	sld [smem:$0x3FFE];
	[sflag:s23] =	ssyncadd.s32 $0xFFFFFFFF  }
0xa5: {  	s26 =	simm.s32 $execute0_lowered;
	[smem:$0x3FD2] =	sst s25  }
0xa6: {  	s4 =	sshll.u32 s26, $0x1;
	_ =	strace $0x8000004C;
	[dreg:$0x1] =	wrdreg $0xFFFFFFFF  }
0xa7: {  	s28 =	simm.s32 $_size_execute0_lowered;
	s2 =	sadd.s32 s2, s4;
	[dreg:$0x0] =	wrdreg $0x0  }
0xa8: {  	s4 =	sshll.u32 s28, $0x1;
	[dreg:$0x2] =	wrdreg s2  }
0xa9: {  	[dreg:$0x3] =	wrdreg s4  }
0xaa: {  	[dreg:$0x4] =	wrdreg $0xC0  }
0xab: {  	_ =	task [dreg:s6], $0x5FFFF  }
0xac: {  	[dreg:$0x1] =	wrdreg $0xFFFFFFFF  }
0xad: {  	[dreg:$0x0] =	wrdreg $0x60  }
0xae: {  	[dreg:$0x2] =	wrdreg s24  }
0xaf: {  	[dreg:$0x3] =	wrdreg $0x120000  }
0xb0: {  	[dreg:$0x4] =	wrdreg $0x9  }
0xb1: {  	_ =	task.clear_ibuf [dreg:s6], $0x5FFFF;
	_ =	strace $0x9000004C  }
0xb2: {  	s29 =	simm.s32 $0x9;
	_ =	strace $0x8000004E  }
0xb3: {  	_ =	swait.ge [sflag:s29], $0x1  }
0xb4: {  	[sflag:s29] =	ssyncadd.s32 $0xFFFFFFFF  }
0xb5: {  	_ =	strace $0x9000004E  }
0xb6: {  	_ =	sfence  }
0xb7: {  	s30 =	sld [smem:$0x0];
	_ =	sdelay $0x2  }
0xb8: {  	s31 =	sshll.u32 s1, $0xD;
	s1 =	sshrl.u32 s1, $0x2  }
0xb9: {  	s3 =	sand.u32 $0x4000, s31;
	s1 =	sadd.s32 s1, s30  }
0xba: {  	s0 =	sor.u32 s3, s0;
	s1 =	sshll.u32 s1, $0x11  }
0xbb: {  	s0 =	sor.u32 s1, s0  }
0xbc: {  	s0 =	sadd.s32 $0x8F2B, s0  }
0xbd: {  	[sflag:s0] =	ssyncadd.remote.s32 $0x1  }
0xbe: {  	_ =	sfence.sel $0xFFFF  }
0xbf: {  	[dreg:$0x0] =	wrdreg $0xFFFFFFFF;
	(pc) =	sbr.abs _section_cstart, $3  }
0xc0: {  	[dreg:$0x1] =	wrdreg $0xFFFFFFFF  }
0xc1: {  	_ =	task.clear_ibuf [dreg:s6], $0x2FFFF;
	_ =	strace $0x9FFFFFFF  }
0xc2: {  	(tm) =	ssettm $0x7FFFFFFF  }
0xc3: {  	_ =	shalt  }
tec
execute0_lowered:
.L_overlay_start_1:
0x0: {  	(tag) =	ssettag $0x1  }
0x1: {  	s8 =	rddreg [dreg:$0x0]  }
0x2: {  	s0 =	srdreg.scid;
	s2 =	rddreg [dreg:$0x1]  }
0x3: {  	s3 =	simm.s32 $0x0;
	s6 =	sand.u32 $0x1, s0;
	s0 =	stileid.u32  }
0x4: {  	s17 =	simm.s32 $0x80;
	s18 =	simm.s32 $0xA000;
	s5 =	smul.u32 $0x1400, s0  }
0x5: {  	s22 =	simm.s32 $0x0;
	[smem:$0x7FF] =	sst s3;
	s12 =	smul.u32 $0x28000, s0  }
0x6: {  	s10 =	sadd.s32 $0x7B200, s8;
	s14 =	sadd.s32 $0x96000, s2;
	s13 =	smul.u32 $0x9C400, s6  }
0x7: {  	s21 =	sadd.s32 $0x9C000, s2;
	s1 =	sshll.u32 s6, $0x4;
	s30 =	smul.u32 $0x9C00, s0  }
0x8: {  	s28 =	ssub.s32 $0x2, s6;
	s31 =	smul.u32 $0x27000, s0;
	p0 =	seq.s32 s0, $0xF  }
0x9: {  	s19 =	sshll.u32 s0, $0x6;
	p1 =	sne.s32 s0, $0xF;
	s4 =	sor.u32 s0, s1  }
0xa: {  	s1 =	rddreg [dreg:$0x2];
	_ =	strace $0x8000004D;
	s11 =	sshrl.u32 s28, $0x1  }
0xb: {  	s14 =	sshrl.u32 @p0 s14, $0x3;
	s19 =	sor.u32 $0x1C03, s19;
	s21 =	sshrl.u32 @!p1 s21, $0x3  }
0xc: {  	s4 =	smul.u32 $0xA00, s4;
	s9 =	sadd.s32 s5, s8;
	s11 =	ssub.s32 s28, s11  }
0xd: {  	s29 =	sshrl.u32 s12, $0x2;
	s12 =	sadd.s32 s30, s13;
	s15 =	sshrl.u32 s31, $0x2  }
0xe: {  	s13 =	sshrl.u32 s13, $0x3;
	s16 =	sadd.s32 s29, s2;
	s12 =	sshrl.u32 s12, $0x3  }
0xf: {  	s20 =	sadd.s32 s15, s2;
	s11 =	smax.u32 s11, $0x1;
	s15 =	sshll.u32 @!p0 s0, $0x6  }
.Ltmp0:
0x10: {  	s7 =	sadd.s32 s4, s8;
	s4 =	sadd.s32 $0x54000, s8;
	(pc) =	sbr.rel .LBB2_1-.Ltmp0, $4  }
0x11: {  	s8 =	sadd.s32 $0x52C00, s8;
	s15 =	sor.u32 @!p0 $0x1C03, s15;
	s16 =	sshrl.u32 @!p0 s16, $0x3  }
0x12: {  	s20 =	sshrl.u32 s20, $0x3;
	s5 =	sadd.s32 $0x18000, s7;
	s6 =	sadd.s32 $0x2C000, s7  }
0x13: {  	s7 =	sadd.s32 $0x40000, s9;
	s9 =	sadd.s32 s10, s12;
	s10 =	sadd.s32 s10, s13  }
0x14: {  	s12 =	simm.s32 $0x3;
	s13 =	simm.s32 $0x5000;
	s10 =	sadd.s32 $0x13800, s10  }
.LBB2_4:
0x15: {  	[bflag:$0x0] =	sbarrier.arrive $0xFFFF  }
0x16: {  	[hbm:s9], [sflag:s19] =	dma.local [spmem:s20], $0x1380  }
0x17: {  	s22 =	sadd.s32 $0x1, s22;
	_ =	swait.ge [sflag:s12], $0x1380  }
0x18: {  	p2 =	sne.s32 s22, s11;
	[sflag:s12] =	ssyncset.done $0x0  }
.Ltmp1:
0x19: {  	s23 =	simm.s32 @!p1 $0x3;
	[sflag:s12] =	ssyncadd.s32 $0xFFFFEC80;
	(pc) =	sbr.rel @!p2 .LBB2_5-.Ltmp1, $4  }
0x1a: {  	[hbm:s10], [sflag:s19] =	dma.local @!p1 [spmem:s21], $0x80  }
0x1b: {  	_ =	swait.ge @!p1 [sflag:s23], $0x80  }
0x1c: {  	[sflag:s23] =	ssyncset.done @!p1 $0x0  }
0x1d: {  	[sflag:s23] =	ssyncadd.s32 @!p1 $0xFFFFFF80  }
.LBB2_1:
0x1e: {  	[tilespmem:s3], [sflag:$0x3] =	stream.linear.gather [hbm4b:s5+s3], $0x4F00, $0x38;
	[tilespmem:$0x1BF40] =	vst v63  }
0x1f: {  	_ =	swait.ge [sflag:s12], $0x4F00  }
0x20: {  	[sflag:s12] =	ssyncset.done $0x0  }
0x21: {  	[sflag:s12] =	ssyncadd.s32 $0xFFFFB100  }
0x22: {  	[tilespmem:s13], [sflag:$0x3] =	stream.linear.gather [hbm4b:s6+s3], $0x4F80, $0x38;
	[tilespmem:$0x1BF40] =	vst v63  }
0x23: {  	_ =	swait.ge [sflag:s12], $0x4F80  }
0x24: {  	[sflag:s12] =	ssyncset.done $0x0  }
0x25: {  	[sflag:s12] =	ssyncadd.s32 $0xFFFFB080  }
0x26: {  	v0 =	vld [tilespmem:$0x9F00];
	_ =	sdelay $0x4  }
0x27: {  	(v2sf) =	vpush v0, $0x0;
	_ =	sdelay $0xe  }
0x28: {  	s24 =	simm.s32 @p0 $0x1FC3;
	s23 =	spop (v2sf)  }
0x29: {  	[spmem:s14], [sflag:s24] =	dma.local @p0 [hbm:s8], $0x1280  }
0x2a: {  	s24 =	simm.s32 @p0 $0x3  }
0x2b: {  	_ =	swait.ge @p0 [sflag:s24], $0x1280  }
0x2c: {  	[sflag:s24] =	ssyncset.done @p0 $0x0  }
0x2d: {  	p2 =	slt.s32 s23, $0x1;
	[sflag:s24] =	ssyncadd.s32 @p0 $0xFFFFED80;
	s24 =	simm.s32 @!p0 $0x3  }
0x2e: {  	[spmem:s16], [sflag:s15] =	dma.local @!p0 [hbm:s7], $0x1400  }
.Ltmp2:
0x2f: {  	_ =	swait.ge @!p0 [sflag:s24], $0x1400;
	(pc) =	sbr.rel @p2 .LBB2_4-.Ltmp2, $3  }
0x30: {  	[sflag:s24] =	ssyncset.done @!p0 $0x0  }
0x31: {  	[sflag:s24] =	ssyncadd.s32 @!p0 $0xFFFFEC00  }
0x32: {  	[bflag:$0x0] =	sbarrier.arrive $0xFFFF;
	_ =	sdelay $0x1  }
0x33: {  	s24 =	simm.s32 $0x0  }
0x34: {  	[tilespmem:s18], [sflag:$0x1] =	stream.indirect.gather [hbm4b:s4+s17], $0x80, s24, s17, $0xb8;
	[tilespmem:$0x1BF40] =	vst v63  }
.LBB2_3:
0x35: {  	s25 =	sand.u32 $0x1, s24  }
0x36: {  	p2 =	seq.s32 s25, $0x1  }
0x37: {  	s25 =	simm.s32 @p2 $0x2;
	s26 =	sadd.s32 @p2 $0x1, s24  }
0x38: {  	_ =	swait.ge @p2 [sflag:s25], $0x4000;
	p3 =	sge.s32 @p2 s26, s23  }
0x39: {  	[sflag:s25] =	ssyncset.done @p2 $0x0;
	p3 =	por p3, !p2  }
0x3a: {  	[sflag:s25] =	ssyncadd.s32 @p2 $0xFFFFC000;
	s25 =	sshll.u32 @!p3 s26, $0x9  }
0x3b: {  	s28 =	simm.s32 @!p3 $0x80;
	s29 =	simm.s32 @!p3 $0xA000;
	s25 =	sshra.s32 @!p3 s25, $0x2  }
0x3c: {  	[tilespmem:s29], [sflag:$0x1] =	stream.indirect.gather @!p3 [hbm4b:s4+s28], $0x80, s25, s28, $0xb8;
	[tilespmem:$0x1BF40] =	vst v63  }
0x3d: {  	s25 =	sshll.u32 @p2 s24, $0x9  }
0x3e: {  	s25 =	sshra.s32 @p2 s25, $0x2  }
0x3f: {  	s28 =	simm.s32 @p2 $0x80;
	s29 =	simm.s32 @p2 $0xE000;
	s25 =	sadd.s32 @p2 $0x5000, s25  }
0x40: {  	[spmem:s2] =	stream.indirect.scatter.add.f32 @p2 [tilespmem:s29], [sflag:$0x3], $0x80, s25, s28, $0xb8;
	[tilespmem:$0x1BF40] =	vst v63  }
0x41: {  	s25 =	simm.s32 @p2 $0x3  }
0x42: {  	_ =	swait.ge @p2 [sflag:s25], $0x4000  }
0x43: {  	s28 =	sor.u32 @!p2 $0x1, s24;
	[sflag:s25] =	ssyncset.done @p2 $0x0  }
0x44: {  	s24 =	sshll.u32 @!p2 s24, $0x9;
	[sflag:s25] =	ssyncadd.s32 @p2 $0xFFFFC000;
	s25 =	simm.s32 @!p2 $0x1  }
0x45: {  	p3 =	sge.s32 @!p2 s28, s23;
	s24 =	sshra.s32 @!p2 s24, $0x2;
	_ =	swait.ge @!p2 [sflag:s25], $0x4000  }
0x46: {  	p3 =	por p3, p2;
	s24 =	sadd.s32 @!p2 $0x5000, s24;
	[sflag:s25] =	ssyncset.done @!p2 $0x0  }
0x47: {  	s29 =	simm.s32 @!p3 $0x80;
	[sflag:s25] =	ssyncadd.s32 @!p2 $0xFFFFC000;
	s25 =	sshll.u32 @!p3 s28, $0x9  }
0x48: {  	s30 =	simm.s32 @!p3 $0xE000;
	s28 =	smov.u32 @p2 s26;
	s25 =	sshra.s32 @!p3 s25, $0x2  }
0x49: {  	[tilespmem:s30], [sflag:$0x2] =	stream.indirect.gather @!p3 [hbm4b:s4+s29], $0x80, s25, s29, $0xb8;
	[tilespmem:$0x1BF40] =	vst v63  }
0x4a: {  	s25 =	simm.s32 @!p2 $0x80;
	s29 =	simm.s32 @!p2 $0xA000;
	p3 =	sne.s32 s28, s23  }
0x4b: {  	[spmem:s2] =	stream.indirect.scatter.add.f32 @!p2 [tilespmem:s29], [sflag:$0x4], $0x80, s24, s25, $0xb8;
	[tilespmem:$0x1BF40] =	vst v63  }
.Ltmp3:
0x4c: {  	_ = 	snop;
	(pc) =	sbr.rel @p3 .LBB2_3-.Ltmp3, $4  }
0x4d: {  	s24 =	simm.s32 @!p2 $0x4  }
0x4e: {  	_ =	swait.ge @!p2 [sflag:s24], $0x4000  }
0x4f: {  	[sflag:s24] =	ssyncset.done @!p2 $0x0  }
0x50: {  	[sflag:s24] =	ssyncadd.s32 @!p2 $0xFFFFC000;
	s24 =	smov.u32 s28  }
.Ltmp4:
0x51: {  	_ = 	snop;
	(pc) =	sbr.rel .LBB2_4-.Ltmp4, $1  }
0x52: {  	_ =	sdelay $0x3  }
.LBB2_5:
0x53: {  	_ =	sfence.sel $0x180000  }
0x54: {  	[bflag:$0x0] =	sbarrier.arrive $0xFFFF  }
0x55: {  	p0 =	sne.s32 s0, $0x0;
	_ =	strace $0x9000004D  }
0x56: {  	s0 =	sadd.s32 @!p0 $0x100000, s1;
	[bflag:$0x2] =	sbarrier.arrive $0xFFFF  }
0x57: {  	[sflag:s0] =	ssyncadd.tile.s32 @!p0 $0x1;
	_ =	shalt  }
.Lfunc_end2:
_tile_overlayer_lowered:
.L_overlay_start_2:
0x58: {  	(tag) =	ssettag $0x2  }
0x59: {  	s0 =	rddreg [dreg:$0x0];
	s2 =	stileid.u32  }
0x5a: {  	s1 =	rddreg [dreg:$0x1];
	p0 =	sne.s32 s2, $0x0  }
0x5b: {  	s3 =	rddreg [dreg:$0x2];
	[bflag:$0x3] =	sbarrier.arrive $0xFFFF;
	s2 =	simm.s32 @!p0 $0x1C03  }
0x5c: {  	[timem:s3], [sflag:s2] =	dma.local @!p0 [hbm:s0], s1  }
0x5d: {  	s0 =	simm.s32 @!p0 $0x3  }
0x5e: {  	_ =	swait.ge @!p0 [sflag:s0], s1  }
0x5f: {  	s1 =	ssub.s32 @!p0 $0x0, s1;
	[sflag:s0] =	ssyncset.done @!p0 $0x0  }
0x60: {  	[sflag:s0] =	ssyncadd.s32 @!p0 s1  }
0x61: {  	[bflag:$0x3] =	sbarrier.arrive $0xFFFF  }
0x62: {  	_ =	shalt  }

// kernel: kernel.21.cloned.1.call-start
scs
__scs_entry_jumppad:
0x0: {  	(pc) =	sbr.rel $0x88, $3  }
0x1: {  	(tag) =	ssettag $0x0;
	lr =	simm.s32 $0x1  }
0x2: {  	[smem:$0x3F91] =	sst lr;
	_ =	strace $0xD0000000  }
0x3: {  	_ = 	snop  }
0x4: {  	_ = 	snop  }
0x5: {  	_ = 	snop  }
0x6: {  	_ = 	snop  }
0x7: {  	_ = 	snop  }
__scs_overlays_trampoline_lowered:
0x8: {  	[smem:$0x3FA0] =	sst s0  }
0x9: {  	[smem:$0x3FA1] =	sst s1  }
0xa: {  	[smem:$0x3FA2] =	sst s2  }
0xb: {  	[smem:$0x3FA3] =	sst s3  }
0xc: {  	[smem:$0x3FA4] =	sst s4  }
0xd: {  	[smem:$0x3FA5] =	sst s5  }
0xe: {  	[smem:$0x3FA6] =	sst s6  }
0xf: {  	[smem:$0x3FA7] =	sst s7  }
0x10: {  	[smem:$0x3FA8] =	sst s8  }
0x11: {  	[smem:$0x3FA9] =	sst s9;
	s0 =	simm.s32 @!p0 $0x0  }
0x12: {  	s1 =	sld [smem:$0x3F8F];
	s0 =	simm.s32 @p0 $0x1  }
0x13: {  	[smem:$0x3FAA] =	sst s0;
	s0 =	simm.s32 @!p1 $0x0  }
0x14: {  	s2 =	sld [smem:$0x3F8E];
	s0 =	simm.s32 @p1 $0x1  }
0x15: {  	[smem:$0x3FAB] =	sst s0;
	s0 =	simm.s32 @!p2 $0x0  }
0x16: {  	s3 =	sld [smem:$0x3FDB];
	s0 =	simm.s32 @p2 $0x1  }
0x17: {  	s4 =	simm.s32 $0x1BF5;
	[smem:$0x3FAD] =	sst s0  }
0x18: {  	s0 =	sld [smem:$0x3F90];
	_ =	swait.ge [sflag:s4], $0x0  }
0x19: {  	s7 =	sld [smem:$0x3F91]  }
0x1a: {  	s8 =	sadd.s32 $0xFFFFE003, lr  }
0x1b: {  	s9 =	sadd.s32 $0xFFFFFEF7, lr;
	s5 =	simm.s32 $0xFFFFFFFF;
	p2 =	slt.u32 s8, $0xFFFFF086  }
0x1c: {  	p1 =	slt.u32 s9, $0xF7A;
	s5 =	simm.s32 @!p2 $0x0  }
0x1d: {  	s5 =	simm.s32 @p1 $0x1;
	p0 =	seq.s32 s7, s2  }
0x1e: {  	s7 =	smul.u32 @!p0 $0xF7A, s2;
	p2 =	seq.s32 @!p0 s5, $0x0  }
0x1f: {  	s9 =	smul.u32 $0xF7A, s1;
	s8 =	simm.s32 @!p0 $0x1BF5;
	p2 =	por !p2, p0  }
0x20: {  	[sflag:s8] =	ssyncset.s32 @!p0 $0xFFFFF086;
	s6 =	sadd.s32 @!p0 s3, s7;
	s7 =	simm.s32 @!p0 $0x108  }
0x21: {  	s3 =	sadd.s32 s3, s9;
	s6 =	sadd.s32 @!p0 $0x88, s6;
	s7 =	simm.s32 @p2 $0x1082  }
0x22: {  	[simem:s7], [sflag:s8] =	dma.local @!p0 [hbm:s6], $0xF7A  }
0x23: {  	s9 =	sor.u32 $0xD0000000, s2;
	s6 =	simm.s32 $0x108;
	_ =	swait.ge @!p0 [sflag:s8], $0x0  }
0x24: {  	s3 =	sadd.s32 $0x88, s3;
	s6 =	simm.s32 @!p1 $0x1082;
	[sflag:s4] =	ssyncset.s32 $0xFFFFF086  }
0x25: {  	[simem:s6], [sflag:s4] =	dma.local [hbm:s3], $0xF7A  }
0x26: {  	[smem:$0x3F91] =	sst s1;
	(tag) =	ssettag s2;
	_ =	strace s9  }
0x27: {  	s1 =	sld [smem:$0x3FA1]  }
0x28: {  	s2 =	sld [smem:$0x3FA2]  }
0x29: {  	s4 =	sld [smem:$0x3FA4]  }
0x2a: {  	p0 =	seq.s32 s5, $0x0;
	s5 =	sld [smem:$0x3FA5]  }
0x2b: {  	s6 =	sld [smem:$0x3FA6]  }
0x2c: {  	s7 =	sld [smem:$0x3FA7]  }
0x2d: {  	s3 =	simm.s32 $0x108;
	s8 =	sld [smem:$0x3FA8]  }
0x2e: {  	s3 =	simm.s32 @!p0 $0x1082;
	s9 =	sld [smem:$0x3FA9]  }
0x2f: {  	lr =	sadd.s32 s0, s3;
	s0 =	sld [smem:$0x3FA0]  }
0x30: {  	s3 =	sld [smem:$0x3FA3]  }
0x31: {  	[smem:$0x3FAC] =	sst s10  }
0x32: {  	s10 =	sld [smem:$0x3FAA];
	_ =	sdelay $0x3  }
0x33: {  	p0 =	seq.s32 s10, $0x1;
	s10 =	sld [smem:$0x3FAC];
	_ =	sdelay $0x3  }
0x34: {  	[smem:$0x3FAC] =	sst s10  }
0x35: {  	s10 =	sld [smem:$0x3FAB];
	_ =	sdelay $0x3  }
0x36: {  	p1 =	seq.s32 s10, $0x1;
	s10 =	sld [smem:$0x3FAC];
	_ =	sdelay $0x3  }
0x37: {  	[smem:$0x3FAC] =	sst s10  }
0x38: {  	s10 =	sld [smem:$0x3FAD]  }
0x39: {  	_ = 	snop;
	(pc) =	sbr.ind lr, $3  }
0x3a: {  	_ = 	snop  }
0x3b: {  	_ = 	snop  }
0x3c: {  	p2 =	seq.s32 s10, $0x1;
	s10 =	sld [smem:$0x3FAC]  }
0x3d: {  	_ =	shalt  }
0x3e: {  	_ =	shalt  }
0x3f: {  	_ =	shalt  }
0x40: {  	_ =	shalt  }
0x41: {  	_ =	shalt  }
0x42: {  	_ =	shalt  }
0x43: {  	_ =	shalt  }
0x44: {  	_ =	shalt  }
0x45: {  	_ =	shalt  }
0x46: {  	_ =	shalt  }
0x47: {  	_ =	shalt  }
0x48: {  	_ =	shalt  }
0x49: {  	_ =	shalt  }
0x4a: {  	_ =	shalt  }
0x4b: {  	_ =	shalt  }
0x4c: {  	_ =	shalt  }
0x4d: {  	_ =	shalt  }
0x4e: {  	_ =	shalt  }
0x4f: {  	_ =	shalt  }
0x50: {  	_ =	shalt  }
0x51: {  	_ =	shalt  }
0x52: {  	_ =	shalt  }
0x53: {  	_ =	shalt  }
0x54: {  	_ =	shalt  }
0x55: {  	_ =	shalt  }
0x56: {  	_ =	shalt  }
0x57: {  	_ =	shalt  }
0x58: {  	_ =	shalt  }
0x59: {  	_ =	shalt  }
0x5a: {  	_ =	shalt  }
0x5b: {  	_ =	shalt  }
0x5c: {  	_ =	shalt  }
0x5d: {  	_ =	shalt  }
0x5e: {  	_ =	shalt  }
0x5f: {  	_ =	shalt  }
0x60: {  	_ =	shalt  }
0x61: {  	_ =	shalt  }
0x62: {  	_ =	shalt  }
0x63: {  	_ =	shalt  }
0x64: {  	_ =	shalt  }
0x65: {  	_ =	shalt  }
0x66: {  	_ =	shalt  }
0x67: {  	_ =	shalt  }
0x68: {  	_ =	shalt  }
0x69: {  	_ =	shalt  }
0x6a: {  	_ =	shalt  }
0x6b: {  	_ =	shalt  }
0x6c: {  	_ =	shalt  }
0x6d: {  	_ =	shalt  }
0x6e: {  	_ =	shalt  }
0x6f: {  	_ =	shalt  }
0x70: {  	_ =	shalt  }
0x71: {  	_ =	shalt  }
0x72: {  	_ =	shalt  }
0x73: {  	_ =	shalt  }
0x74: {  	_ =	shalt  }
0x75: {  	_ =	shalt  }
0x76: {  	_ =	shalt  }
0x77: {  	_ =	shalt  }
0x78: {  	_ =	shalt  }
0x79: {  	_ =	shalt  }
0x7a: {  	_ =	shalt  }
0x7b: {  	_ =	shalt  }
0x7c: {  	_ =	shalt  }
0x7d: {  	_ =	shalt  }
0x7e: {  	_ =	shalt  }
0x7f: {  	_ =	shalt  }
0x80: {  	_ =	shalt  }
0x81: {  	_ =	shalt  }
0x82: {  	_ =	shalt  }
0x83: {  	_ =	shalt  }
0x84: {  	_ =	shalt  }
0x85: {  	_ =	shalt  }
0x86: {  	_ =	shalt  }
0x87: {  	_ =	shalt  }
.Lfunc_end0:
.L_simem_size_0:
called_computation.3_lowered:
.L_overlay_start_0:
0x88: {  	s2 =	sld [smem:$0x3FD9]  }
0x89: {  	s3 =	sld [smem:$0x3FFE];
	_ =	sdelay $0x1  }
0x8a: {  	s1 =	srdreg.scid  }
0x8b: {  	s0 =	sand.u32 $0x1, s1  }
0x8c: {  	s16 =	sshll.u32 s0, $0xA;
	s2 =	sadd.s32 s3, s2  }
0x8d: {  	s2 =	sadd.s32 s2, s16  }
0x8e: {  	[smem:$0x3FB8] =	sst s2  }
0x8f: {  	_ = 	snop  }
0x90: {  	(tm) =	ssettm $0x1  }
0x91: {  	s17 =	sld [smem:$0x3FFB];
	_ =	sdelay $0x3  }
0x92: {  	_ =	strace s17  }
0x93: {  	s2 =	sld [smem:$0x3FFC];
	_ =	sdelay $0x3  }
0x94: {  	_ =	strace s2  }
0x95: {  	s2 =	sld [smem:$0x3FFD];
	_ =	sdelay $0x3  }
0x96: {  	_ =	strace s2  }
0x97: {  	_ =	strace $0x8FFFFFFF  }
0x98: {  	s18 =	sld [smem:$0x3FDB];
	_ =	sdelay $0x1  }
0x99: {  	s19 =	simm.s32 $_scs_section_size  }
0x9a: {  	s4 =	simm.s32 $_size__tile_overlayer_lowered;
	s5 =	simm.s32 $_tile_overlayer_lowered  }
0x9b: {  	s22 =	simm.s32 $0x1BFF;
	s21 =	sshll.u32 s5, $0x1;
	s2 =	sadd.s32 s19, s18  }
0x9c: {  	s6 =	simm.s32 $0x0;
	s20 =	sshll.u32 s4, $0x1;
	s4 =	sadd.s32 s21, s2  }
0x9d: {  	[timem:s6], [sflag:s22] =	dma.local [hbm:s4], s20  }
0x9e: {  	_ =	swait.ge [sflag:s22], s20  }
0x9f: {  	s3 =	ssub.s32 $0x0, s20;
	[sflag:s22] =	ssyncset.done $0x0  }
0xa0: {  	[sflag:s22] =	ssyncadd.s32 s3;
	_ =	sdelay $0x1  }
0xa1: {  	s23 =	simm.s32 $0x1B8B  }
0xa2: {  	_ =	swait.ge [sflag:s23], $0x1  }
0xa3: {  	[sflag:s23] =	ssyncset.done $0x0  }
0xa4: {  	s25 =	simm.s32 $0x1B8E;
	s24 =	sld [smem:$0x3FFE];
	[sflag:s23] =	ssyncadd.s32 $0xFFFFFFFF  }
0xa5: {  	s26 =	simm.s32 $execute0_lowered;
	[smem:$0x3FD2] =	sst s25  }
0xa6: {  	s4 =	sshll.u32 s26, $0x1;
	_ =	strace $0x8000004F;
	[dreg:$0x1] =	wrdreg $0xFFFFFFFF  }
0xa7: {  	s28 =	simm.s32 $_size_execute0_lowered;
	s2 =	sadd.s32 s2, s4;
	[dreg:$0x0] =	wrdreg $0x0  }
0xa8: {  	s4 =	sshll.u32 s28, $0x1;
	[dreg:$0x2] =	wrdreg s2  }
0xa9: {  	[dreg:$0x3] =	wrdreg s4  }
0xaa: {  	[dreg:$0x4] =	wrdreg $0xC0  }
0xab: {  	_ =	task [dreg:s6], $0x5FFFF  }
0xac: {  	[dreg:$0x1] =	wrdreg $0xFFFFFFFF  }
0xad: {  	[dreg:$0x0] =	wrdreg $0x60  }
0xae: {  	[dreg:$0x2] =	wrdreg s24  }
0xaf: {  	[dreg:$0x3] =	wrdreg $0x120000  }
0xb0: {  	[dreg:$0x4] =	wrdreg $0x9  }
0xb1: {  	_ =	task.clear_ibuf [dreg:s6], $0x5FFFF;
	_ =	strace $0x9000004F  }
0xb2: {  	s29 =	simm.s32 $0x9;
	_ =	strace $0x80000051  }
0xb3: {  	_ =	swait.ge [sflag:s29], $0x1  }
0xb4: {  	[sflag:s29] =	ssyncadd.s32 $0xFFFFFFFF  }
0xb5: {  	_ =	strace $0x90000051  }
0xb6: {  	_ =	sfence  }
0xb7: {  	s30 =	sld [smem:$0x0];
	_ =	sdelay $0x2  }
0xb8: {  	s31 =	sshll.u32 s1, $0xD;
	s1 =	sshrl.u32 s1, $0x2  }
0xb9: {  	s3 =	sand.u32 $0x4000, s31;
	s1 =	sadd.s32 s1, s30  }
0xba: {  	s0 =	sor.u32 s3, s0;
	s1 =	sshll.u32 s1, $0x11  }
0xbb: {  	s0 =	sor.u32 s1, s0  }
0xbc: {  	s0 =	sadd.s32 $0x8F2B, s0  }
0xbd: {  	[sflag:s0] =	ssyncadd.remote.s32 $0x1  }
0xbe: {  	_ =	sfence.sel $0xFFFF  }
0xbf: {  	[dreg:$0x0] =	wrdreg $0xFFFFFFFF;
	(pc) =	sbr.abs _section_cstart, $3  }
0xc0: {  	[dreg:$0x1] =	wrdreg $0xFFFFFFFF  }
0xc1: {  	_ =	task.clear_ibuf [dreg:s6], $0x2FFFF;
	_ =	strace $0x9FFFFFFF  }
0xc2: {  	(tm) =	ssettm $0x7FFFFFFF  }
0xc3: {  	_ =	shalt  }
tec
execute0_lowered:
.L_overlay_start_1:
0x0: {  	(tag) =	ssettag $0x1  }
0x1: {  	s8 =	rddreg [dreg:$0x0]  }
0x2: {  	s0 =	srdreg.scid;
	s2 =	rddreg [dreg:$0x1]  }
0x3: {  	s3 =	simm.s32 $0x0;
	s6 =	sand.u32 $0x1, s0;
	s0 =	stileid.u32  }
0x4: {  	s17 =	simm.s32 $0x80;
	s18 =	simm.s32 $0xA000;
	s5 =	smul.u32 $0x1400, s0  }
0x5: {  	s22 =	simm.s32 $0x0;
	[smem:$0x7FF] =	sst s3;
	s12 =	smul.u32 $0x28000, s0  }
0x6: {  	s10 =	sadd.s32 $0x7B200, s8;
	s14 =	sadd.s32 $0x96000, s2;
	s13 =	smul.u32 $0x9C400, s6  }
0x7: {  	s21 =	sadd.s32 $0x9C000, s2;
	s1 =	sshll.u32 s6, $0x4;
	s30 =	smul.u32 $0x9C00, s0  }
0x8: {  	s28 =	ssub.s32 $0x2, s6;
	s31 =	smul.u32 $0x27000, s0;
	p0 =	seq.s32 s0, $0xF  }
0x9: {  	s19 =	sshll.u32 s0, $0x6;
	p1 =	sne.s32 s0, $0xF;
	s4 =	sor.u32 s0, s1  }
0xa: {  	s1 =	rddreg [dreg:$0x2];
	_ =	strace $0x80000050;
	s11 =	sshrl.u32 s28, $0x1  }
0xb: {  	s14 =	sshrl.u32 @p0 s14, $0x3;
	s19 =	sor.u32 $0x1C03, s19;
	s21 =	sshrl.u32 @!p1 s21, $0x3  }
0xc: {  	s4 =	smul.u32 $0xA00, s4;
	s9 =	sadd.s32 s5, s8;
	s11 =	ssub.s32 s28, s11  }
0xd: {  	s29 =	sshrl.u32 s12, $0x2;
	s12 =	sadd.s32 s30, s13;
	s15 =	sshrl.u32 s31, $0x2  }
0xe: {  	s13 =	sshrl.u32 s13, $0x3;
	s16 =	sadd.s32 s29, s2;
	s12 =	sshrl.u32 s12, $0x3  }
0xf: {  	s20 =	sadd.s32 s15, s2;
	s11 =	smax.u32 s11, $0x1;
	s15 =	sshll.u32 @!p0 s0, $0x6  }
.Ltmp0:
0x10: {  	s7 =	sadd.s32 s4, s8;
	s4 =	sadd.s32 $0x54000, s8;
	(pc) =	sbr.rel .LBB2_1-.Ltmp0, $4  }
0x11: {  	s8 =	sadd.s32 $0x52C00, s8;
	s15 =	sor.u32 @!p0 $0x1C03, s15;
	s16 =	sshrl.u32 @!p0 s16, $0x3  }
0x12: {  	s20 =	sshrl.u32 s20, $0x3;
	s5 =	sadd.s32 $0x18000, s7;
	s6 =	sadd.s32 $0x2C000, s7  }
0x13: {  	s7 =	sadd.s32 $0x40000, s9;
	s9 =	sadd.s32 s10, s12;
	s10 =	sadd.s32 s10, s13  }
0x14: {  	s12 =	simm.s32 $0x3;
	s13 =	simm.s32 $0x5000;
	s10 =	sadd.s32 $0x13800, s10  }
.LBB2_4:
0x15: {  	[bflag:$0x0] =	sbarrier.arrive $0xFFFF  }
0x16: {  	[hbm:s9], [sflag:s19] =	dma.local [spmem:s20], $0x1380  }
0x17: {  	s22 =	sadd.s32 $0x1, s22;
	_ =	swait.ge [sflag:s12], $0x1380  }
0x18: {  	p2 =	sne.s32 s22, s11;
	[sflag:s12] =	ssyncset.done $0x0  }
.Ltmp1:
0x19: {  	s23 =	simm.s32 @!p1 $0x3;
	[sflag:s12] =	ssyncadd.s32 $0xFFFFEC80;
	(pc) =	sbr.rel @!p2 .LBB2_5-.Ltmp1, $4  }
0x1a: {  	[hbm:s10], [sflag:s19] =	dma.local @!p1 [spmem:s21], $0x80  }
0x1b: {  	_ =	swait.ge @!p1 [sflag:s23], $0x80  }
0x1c: {  	[sflag:s23] =	ssyncset.done @!p1 $0x0  }
0x1d: {  	[sflag:s23] =	ssyncadd.s32 @!p1 $0xFFFFFF80  }
.LBB2_1:
0x1e: {  	[tilespmem:s3], [sflag:$0x3] =	stream.linear.gather [hbm4b:s5+s3], $0x4F00, $0x38;
	[tilespmem:$0x1BF40] =	vst v63  }
0x1f: {  	_ =	swait.ge [sflag:s12], $0x4F00  }
0x20: {  	[sflag:s12] =	ssyncset.done $0x0  }
0x21: {  	[sflag:s12] =	ssyncadd.s32 $0xFFFFB100  }
0x22: {  	[tilespmem:s13], [sflag:$0x3] =	stream.linear.gather [hbm4b:s6+s3], $0x4F80, $0x38;
	[tilespmem:$0x1BF40] =	vst v63  }
0x23: {  	_ =	swait.ge [sflag:s12], $0x4F80  }
0x24: {  	[sflag:s12] =	ssyncset.done $0x0  }
0x25: {  	[sflag:s12] =	ssyncadd.s32 $0xFFFFB080  }
0x26: {  	v0 =	vld [tilespmem:$0x9F00];
	_ =	sdelay $0x4  }
0x27: {  	(v2sf) =	vpush v0, $0x0;
	_ =	sdelay $0xe  }
0x28: {  	s24 =	simm.s32 @p0 $0x1FC3;
	s23 =	spop (v2sf)  }
0x29: {  	[spmem:s14], [sflag:s24] =	dma.local @p0 [hbm:s8], $0x1280  }
0x2a: {  	s24 =	simm.s32 @p0 $0x3  }
0x2b: {  	_ =	swait.ge @p0 [sflag:s24], $0x1280  }
0x2c: {  	[sflag:s24] =	ssyncset.done @p0 $0x0  }
0x2d: {  	p2 =	slt.s32 s23, $0x1;
	[sflag:s24] =	ssyncadd.s32 @p0 $0xFFFFED80;
	s24 =	simm.s32 @!p0 $0x3  }
0x2e: {  	[spmem:s16], [sflag:s15] =	dma.local @!p0 [hbm:s7], $0x1400  }
.Ltmp2:
0x2f: {  	_ =	swait.ge @!p0 [sflag:s24], $0x1400;
	(pc) =	sbr.rel @p2 .LBB2_4-.Ltmp2, $3  }
0x30: {  	[sflag:s24] =	ssyncset.done @!p0 $0x0  }
0x31: {  	[sflag:s24] =	ssyncadd.s32 @!p0 $0xFFFFEC00  }
0x32: {  	[bflag:$0x0] =	sbarrier.arrive $0xFFFF;
	_ =	sdelay $0x1  }
0x33: {  	s24 =	simm.s32 $0x0  }
0x34: {  	[tilespmem:s18], [sflag:$0x1] =	stream.indirect.gather [hbm4b:s4+s17], $0x80, s24, s17, $0xb8;
	[tilespmem:$0x1BF40] =	vst v63  }
.LBB2_3:
0x35: {  	s25 =	sand.u32 $0x1, s24  }
0x36: {  	p2 =	seq.s32 s25, $0x1  }
0x37: {  	s25 =	simm.s32 @p2 $0x2;
	s26 =	sadd.s32 @p2 $0x1, s24  }
0x38: {  	_ =	swait.ge @p2 [sflag:s25], $0x4000;
	p3 =	sge.s32 @p2 s26, s23  }
0x39: {  	[sflag:s25] =	ssyncset.done @p2 $0x0;
	p3 =	por p3, !p2  }
0x3a: {  	[sflag:s25] =	ssyncadd.s32 @p2 $0xFFFFC000;
	s25 =	sshll.u32 @!p3 s26, $0x9  }
0x3b: {  	s28 =	simm.s32 @!p3 $0x80;
	s29 =	simm.s32 @!p3 $0xA000;
	s25 =	sshra.s32 @!p3 s25, $0x2  }
0x3c: {  	[tilespmem:s29], [sflag:$0x1] =	stream.indirect.gather @!p3 [hbm4b:s4+s28], $0x80, s25, s28, $0xb8;
	[tilespmem:$0x1BF40] =	vst v63  }
0x3d: {  	s25 =	sshll.u32 @p2 s24, $0x9  }
0x3e: {  	s25 =	sshra.s32 @p2 s25, $0x2  }
0x3f: {  	s28 =	simm.s32 @p2 $0x80;
	s29 =	simm.s32 @p2 $0xE000;
	s25 =	sadd.s32 @p2 $0x5000, s25  }
0x40: {  	[spmem:s2] =	stream.indirect.scatter.add.f32 @p2 [tilespmem:s29], [sflag:$0x3], $0x80, s25, s28, $0xb8;
	[tilespmem:$0x1BF40] =	vst v63  }
0x41: {  	s25 =	simm.s32 @p2 $0x3  }
0x42: {  	_ =	swait.ge @p2 [sflag:s25], $0x4000  }
0x43: {  	s28 =	sor.u32 @!p2 $0x1, s24;
	[sflag:s25] =	ssyncset.done @p2 $0x0  }
0x44: {  	s24 =	sshll.u32 @!p2 s24, $0x9;
	[sflag:s25] =	ssyncadd.s32 @p2 $0xFFFFC000;
	s25 =	simm.s32 @!p2 $0x1  }
0x45: {  	p3 =	sge.s32 @!p2 s28, s23;
	s24 =	sshra.s32 @!p2 s24, $0x2;
	_ =	swait.ge @!p2 [sflag:s25], $0x4000  }
0x46: {  	p3 =	por p3, p2;
	s24 =	sadd.s32 @!p2 $0x5000, s24;
	[sflag:s25] =	ssyncset.done @!p2 $0x0  }
0x47: {  	s29 =	simm.s32 @!p3 $0x80;
	[sflag:s25] =	ssyncadd.s32 @!p2 $0xFFFFC000;
	s25 =	sshll.u32 @!p3 s28, $0x9  }
0x48: {  	s30 =	simm.s32 @!p3 $0xE000;
	s28 =	smov.u32 @p2 s26;
	s25 =	sshra.s32 @!p3 s25, $0x2  }
0x49: {  	[tilespmem:s30], [sflag:$0x2] =	stream.indirect.gather @!p3 [hbm4b:s4+s29], $0x80, s25, s29, $0xb8;
	[tilespmem:$0x1BF40] =	vst v63  }
0x4a: {  	s25 =	simm.s32 @!p2 $0x80;
	s29 =	simm.s32 @!p2 $0xA000;
	p3 =	sne.s32 s28, s23  }
0x4b: {  	[spmem:s2] =	stream.indirect.scatter.add.f32 @!p2 [tilespmem:s29], [sflag:$0x4], $0x80, s24, s25, $0xb8;
	[tilespmem:$0x1BF40] =	vst v63  }
.Ltmp3:
0x4c: {  	_ = 	snop;
	(pc) =	sbr.rel @p3 .LBB2_3-.Ltmp3, $4  }
0x4d: {  	s24 =	simm.s32 @!p2 $0x4  }
0x4e: {  	_ =	swait.ge @!p2 [sflag:s24], $0x4000  }
0x4f: {  	[sflag:s24] =	ssyncset.done @!p2 $0x0  }
0x50: {  	[sflag:s24] =	ssyncadd.s32 @!p2 $0xFFFFC000;
	s24 =	smov.u32 s28  }
.Ltmp4:
0x51: {  	_ = 	snop;
	(pc) =	sbr.rel .LBB2_4-.Ltmp4, $1  }
0x52: {  	_ =	sdelay $0x3  }
.LBB2_5:
0x53: {  	_ =	sfence.sel $0x180000  }
0x54: {  	[bflag:$0x0] =	sbarrier.arrive $0xFFFF  }
0x55: {  	p0 =	sne.s32 s0, $0x0;
	_ =	strace $0x90000050  }
0x56: {  	s0 =	sadd.s32 @!p0 $0x100000, s1;
	[bflag:$0x2] =	sbarrier.arrive $0xFFFF  }
0x57: {  	[sflag:s0] =	ssyncadd.tile.s32 @!p0 $0x1;
	_ =	shalt  }
.Lfunc_end2:
_tile_overlayer_lowered:
.L_overlay_start_2:
0x58: {  	(tag) =	ssettag $0x2  }
0x59: {  	s0 =	rddreg [dreg:$0x0];
	s2 =	stileid.u32  }
0x5a: {  	s1 =	rddreg [dreg:$0x1];
	p0 =	sne.s32 s2, $0x0  }
0x5b: {  	s3 =	rddreg [dreg:$0x2];
	[bflag:$0x3] =	sbarrier.arrive $0xFFFF;
	s2 =	simm.s32 @!p0 $0x1C03  }
0x5c: {  	[timem:s3], [sflag:s2] =	dma.local @!p0 [hbm:s0], s1  }
0x5d: {  	s0 =	simm.s32 @!p0 $0x3  }
0x5e: {  	_ =	swait.ge @!p0 [sflag:s0], s1  }
0x5f: {  	s1 =	ssub.s32 @!p0 $0x0, s1;
	[sflag:s0] =	ssyncset.done @!p0 $0x0  }
0x60: {  	[sflag:s0] =	ssyncadd.s32 @!p0 s1  }
0x61: {  	[bflag:$0x3] =	sbarrier.arrive $0xFFFF  }
0x62: {  	_ =	shalt  }

// kernel: kernel.24.cloned.1.call-start
scs
__scs_entry_jumppad:
0x0: {  	(pc) =	sbr.rel $0x88, $3  }
0x1: {  	(tag) =	ssettag $0x0;
	lr =	simm.s32 $0x1  }
0x2: {  	[smem:$0x3F91] =	sst lr;
	_ =	strace $0xD0000000  }
0x3: {  	_ = 	snop  }
0x4: {  	_ = 	snop  }
0x5: {  	_ = 	snop  }
0x6: {  	_ = 	snop  }
0x7: {  	_ = 	snop  }
__scs_overlays_trampoline_lowered:
0x8: {  	[smem:$0x3FA0] =	sst s0  }
0x9: {  	[smem:$0x3FA1] =	sst s1  }
0xa: {  	[smem:$0x3FA2] =	sst s2  }
0xb: {  	[smem:$0x3FA3] =	sst s3  }
0xc: {  	[smem:$0x3FA4] =	sst s4  }
0xd: {  	[smem:$0x3FA5] =	sst s5  }
0xe: {  	[smem:$0x3FA6] =	sst s6  }
0xf: {  	[smem:$0x3FA7] =	sst s7  }
0x10: {  	[smem:$0x3FA8] =	sst s8  }
0x11: {  	[smem:$0x3FA9] =	sst s9;
	s0 =	simm.s32 @!p0 $0x0  }
0x12: {  	s1 =	sld [smem:$0x3F8F];
	s0 =	simm.s32 @p0 $0x1  }
0x13: {  	[smem:$0x3FAA] =	sst s0;
	s0 =	simm.s32 @!p1 $0x0  }
0x14: {  	s2 =	sld [smem:$0x3F8E];
	s0 =	simm.s32 @p1 $0x1  }
0x15: {  	[smem:$0x3FAB] =	sst s0;
	s0 =	simm.s32 @!p2 $0x0  }
0x16: {  	s3 =	sld [smem:$0x3FDB];
	s0 =	simm.s32 @p2 $0x1  }
0x17: {  	s4 =	simm.s32 $0x1BF5;
	[smem:$0x3FAD] =	sst s0  }
0x18: {  	s0 =	sld [smem:$0x3F90];
	_ =	swait.ge [sflag:s4], $0x0  }
0x19: {  	s7 =	sld [smem:$0x3F91]  }
0x1a: {  	s8 =	sadd.s32 $0xFFFFE003, lr  }
0x1b: {  	s9 =	sadd.s32 $0xFFFFFEF7, lr;
	s5 =	simm.s32 $0xFFFFFFFF;
	p2 =	slt.u32 s8, $0xFFFFF086  }
0x1c: {  	p1 =	slt.u32 s9, $0xF7A;
	s5 =	simm.s32 @!p2 $0x0  }
0x1d: {  	s5 =	simm.s32 @p1 $0x1;
	p0 =	seq.s32 s7, s2  }
0x1e: {  	s7 =	smul.u32 @!p0 $0xF7A, s2;
	p2 =	seq.s32 @!p0 s5, $0x0  }
0x1f: {  	s9 =	smul.u32 $0xF7A, s1;
	s8 =	simm.s32 @!p0 $0x1BF5;
	p2 =	por !p2, p0  }
0x20: {  	[sflag:s8] =	ssyncset.s32 @!p0 $0xFFFFF086;
	s6 =	sadd.s32 @!p0 s3, s7;
	s7 =	simm.s32 @!p0 $0x108  }
0x21: {  	s3 =	sadd.s32 s3, s9;
	s6 =	sadd.s32 @!p0 $0x88, s6;
	s7 =	simm.s32 @p2 $0x1082  }
0x22: {  	[simem:s7], [sflag:s8] =	dma.local @!p0 [hbm:s6], $0xF7A  }
0x23: {  	s9 =	sor.u32 $0xD0000000, s2;
	s6 =	simm.s32 $0x108;
	_ =	swait.ge @!p0 [sflag:s8], $0x0  }
0x24: {  	s3 =	sadd.s32 $0x88, s3;
	s6 =	simm.s32 @!p1 $0x1082;
	[sflag:s4] =	ssyncset.s32 $0xFFFFF086  }
0x25: {  	[simem:s6], [sflag:s4] =	dma.local [hbm:s3], $0xF7A  }
0x26: {  	[smem:$0x3F91] =	sst s1;
	(tag) =	ssettag s2;
	_ =	strace s9  }
0x27: {  	s1 =	sld [smem:$0x3FA1]  }
0x28: {  	s2 =	sld [smem:$0x3FA2]  }
0x29: {  	s4 =	sld [smem:$0x3FA4]  }
0x2a: {  	p0 =	seq.s32 s5, $0x0;
	s5 =	sld [smem:$0x3FA5]  }
0x2b: {  	s6 =	sld [smem:$0x3FA6]  }
0x2c: {  	s7 =	sld [smem:$0x3FA7]  }
0x2d: {  	s3 =	simm.s32 $0x108;
	s8 =	sld [smem:$0x3FA8]  }
0x2e: {  	s3 =	simm.s32 @!p0 $0x1082;
	s9 =	sld [smem:$0x3FA9]  }
0x2f: {  	lr =	sadd.s32 s0, s3;
	s0 =	sld [smem:$0x3FA0]  }
0x30: {  	s3 =	sld [smem:$0x3FA3]  }
0x31: {  	[smem:$0x3FAC] =	sst s10  }
0x32: {  	s10 =	sld [smem:$0x3FAA];
	_ =	sdelay $0x3  }
0x33: {  	p0 =	seq.s32 s10, $0x1;
	s10 =	sld [smem:$0x3FAC];
	_ =	sdelay $0x3  }
0x34: {  	[smem:$0x3FAC] =	sst s10  }
0x35: {  	s10 =	sld [smem:$0x3FAB];
	_ =	sdelay $0x3  }
0x36: {  	p1 =	seq.s32 s10, $0x1;
	s10 =	sld [smem:$0x3FAC];
	_ =	sdelay $0x3  }
0x37: {  	[smem:$0x3FAC] =	sst s10  }
0x38: {  	s10 =	sld [smem:$0x3FAD]  }
0x39: {  	_ = 	snop;
	(pc) =	sbr.ind lr, $3  }
0x3a: {  	_ = 	snop  }
0x3b: {  	_ = 	snop  }
0x3c: {  	p2 =	seq.s32 s10, $0x1;
	s10 =	sld [smem:$0x3FAC]  }
0x3d: {  	_ =	shalt  }
0x3e: {  	_ =	shalt  }
0x3f: {  	_ =	shalt  }
0x40: {  	_ =	shalt  }
0x41: {  	_ =	shalt  }
0x42: {  	_ =	shalt  }
0x43: {  	_ =	shalt  }
0x44: {  	_ =	shalt  }
0x45: {  	_ =	shalt  }
0x46: {  	_ =	shalt  }
0x47: {  	_ =	shalt  }
0x48: {  	_ =	shalt  }
0x49: {  	_ =	shalt  }
0x4a: {  	_ =	shalt  }
0x4b: {  	_ =	shalt  }
0x4c: {  	_ =	shalt  }
0x4d: {  	_ =	shalt  }
0x4e: {  	_ =	shalt  }
0x4f: {  	_ =	shalt  }
0x50: {  	_ =	shalt  }
0x51: {  	_ =	shalt  }
0x52: {  	_ =	shalt  }
0x53: {  	_ =	shalt  }
0x54: {  	_ =	shalt  }
0x55: {  	_ =	shalt  }
0x56: {  	_ =	shalt  }
0x57: {  	_ =	shalt  }
0x58: {  	_ =	shalt  }
0x59: {  	_ =	shalt  }
0x5a: {  	_ =	shalt  }
0x5b: {  	_ =	shalt  }
0x5c: {  	_ =	shalt  }
0x5d: {  	_ =	shalt  }
0x5e: {  	_ =	shalt  }
0x5f: {  	_ =	shalt  }
0x60: {  	_ =	shalt  }
0x61: {  	_ =	shalt  }
0x62: {  	_ =	shalt  }
0x63: {  	_ =	shalt  }
0x64: {  	_ =	shalt  }
0x65: {  	_ =	shalt  }
0x66: {  	_ =	shalt  }
0x67: {  	_ =	shalt  }
0x68: {  	_ =	shalt  }
0x69: {  	_ =	shalt  }
0x6a: {  	_ =	shalt  }
0x6b: {  	_ =	shalt  }
0x6c: {  	_ =	shalt  }
0x6d: {  	_ =	shalt  }
0x6e: {  	_ =	shalt  }
0x6f: {  	_ =	shalt  }
0x70: {  	_ =	shalt  }
0x71: {  	_ =	shalt  }
0x72: {  	_ =	shalt  }
0x73: {  	_ =	shalt  }
0x74: {  	_ =	shalt  }
0x75: {  	_ =	shalt  }
0x76: {  	_ =	shalt  }
0x77: {  	_ =	shalt  }
0x78: {  	_ =	shalt  }
0x79: {  	_ =	shalt  }
0x7a: {  	_ =	shalt  }
0x7b: {  	_ =	shalt  }
0x7c: {  	_ =	shalt  }
0x7d: {  	_ =	shalt  }
0x7e: {  	_ =	shalt  }
0x7f: {  	_ =	shalt  }
0x80: {  	_ =	shalt  }
0x81: {  	_ =	shalt  }
0x82: {  	_ =	shalt  }
0x83: {  	_ =	shalt  }
0x84: {  	_ =	shalt  }
0x85: {  	_ =	shalt  }
0x86: {  	_ =	shalt  }
0x87: {  	_ =	shalt  }
.Lfunc_end0:
.L_simem_size_0:
called_computation.4_lowered:
.L_overlay_start_0:
0x88: {  	s2 =	sld [smem:$0x3FD9]  }
0x89: {  	s3 =	sld [smem:$0x3FFE];
	_ =	sdelay $0x1  }
0x8a: {  	s1 =	srdreg.scid  }
0x8b: {  	s0 =	sand.u32 $0x1, s1  }
0x8c: {  	s16 =	sshll.u32 s0, $0xA;
	s2 =	sadd.s32 s3, s2  }
0x8d: {  	s2 =	sadd.s32 s2, s16  }
0x8e: {  	[smem:$0x3FB8] =	sst s2  }
0x8f: {  	_ = 	snop  }
0x90: {  	(tm) =	ssettm $0x1  }
0x91: {  	s17 =	sld [smem:$0x3FFB];
	_ =	sdelay $0x3  }
0x92: {  	_ =	strace s17  }
0x93: {  	s2 =	sld [smem:$0x3FFC];
	_ =	sdelay $0x3  }
0x94: {  	_ =	strace s2  }
0x95: {  	s2 =	sld [smem:$0x3FFD];
	_ =	sdelay $0x3  }
0x96: {  	_ =	strace s2  }
0x97: {  	_ =	strace $0x8FFFFFFF  }
0x98: {  	s18 =	sld [smem:$0x3FDB];
	_ =	sdelay $0x1  }
0x99: {  	s19 =	simm.s32 $_scs_section_size  }
0x9a: {  	s4 =	simm.s32 $_size__tile_overlayer_lowered;
	s5 =	simm.s32 $_tile_overlayer_lowered  }
0x9b: {  	s22 =	simm.s32 $0x1BFF;
	s21 =	sshll.u32 s5, $0x1;
	s2 =	sadd.s32 s19, s18  }
0x9c: {  	s6 =	simm.s32 $0x0;
	s20 =	sshll.u32 s4, $0x1;
	s4 =	sadd.s32 s21, s2  }
0x9d: {  	[timem:s6], [sflag:s22] =	dma.local [hbm:s4], s20  }
0x9e: {  	_ =	swait.ge [sflag:s22], s20  }
0x9f: {  	s3 =	ssub.s32 $0x0, s20;
	[sflag:s22] =	ssyncset.done $0x0  }
0xa0: {  	[sflag:s22] =	ssyncadd.s32 s3;
	_ =	sdelay $0x1  }
0xa1: {  	s23 =	simm.s32 $0x1B8B  }
0xa2: {  	_ =	swait.ge [sflag:s23], $0x1  }
0xa3: {  	[sflag:s23] =	ssyncset.done $0x0  }
0xa4: {  	s25 =	simm.s32 $0x1B8E;
	s24 =	sld [smem:$0x3FFE];
	[sflag:s23] =	ssyncadd.s32 $0xFFFFFFFF  }
0xa5: {  	s26 =	simm.s32 $execute0_lowered;
	[smem:$0x3FD2] =	sst s25  }
0xa6: {  	s4 =	sshll.u32 s26, $0x1;
	_ =	strace $0x80000052;
	[dreg:$0x1] =	wrdreg $0xFFFFFFFF  }
0xa7: {  	s28 =	simm.s32 $_size_execute0_lowered;
	s2 =	sadd.s32 s2, s4;
	[dreg:$0x0] =	wrdreg $0x0  }
0xa8: {  	s4 =	sshll.u32 s28, $0x1;
	[dreg:$0x2] =	wrdreg s2  }
0xa9: {  	[dreg:$0x3] =	wrdreg s4  }
0xaa: {  	[dreg:$0x4] =	wrdreg $0xC0  }
0xab: {  	_ =	task [dreg:s6], $0x5FFFF  }
0xac: {  	[dreg:$0x1] =	wrdreg $0xFFFFFFFF  }
0xad: {  	[dreg:$0x0] =	wrdreg $0x60  }
0xae: {  	[dreg:$0x2] =	wrdreg s24  }
0xaf: {  	[dreg:$0x3] =	wrdreg $0x120000  }
0xb0: {  	[dreg:$0x4] =	wrdreg $0x9  }
0xb1: {  	_ =	task.clear_ibuf [dreg:s6], $0x5FFFF;
	_ =	strace $0x90000052  }
0xb2: {  	s29 =	simm.s32 $0x9;
	_ =	strace $0x80000054  }
0xb3: {  	_ =	swait.ge [sflag:s29], $0x1  }
0xb4: {  	[sflag:s29] =	ssyncadd.s32 $0xFFFFFFFF  }
0xb5: {  	_ =	strace $0x90000054  }
0xb6: {  	_ =	sfence  }
0xb7: {  	s30 =	sld [smem:$0x0];
	_ =	sdelay $0x2  }
0xb8: {  	s31 =	sshll.u32 s1, $0xD;
	s1 =	sshrl.u32 s1, $0x2  }
0xb9: {  	s3 =	sand.u32 $0x4000, s31;
	s1 =	sadd.s32 s1, s30  }
0xba: {  	s0 =	sor.u32 s3, s0;
	s1 =	sshll.u32 s1, $0x11  }
0xbb: {  	s0 =	sor.u32 s1, s0  }
0xbc: {  	s0 =	sadd.s32 $0x8F2B, s0  }
0xbd: {  	[sflag:s0] =	ssyncadd.remote.s32 $0x1  }
0xbe: {  	_ =	sfence.sel $0xFFFF  }
0xbf: {  	[dreg:$0x0] =	wrdreg $0xFFFFFFFF;
	(pc) =	sbr.abs _section_cstart, $3  }
0xc0: {  	[dreg:$0x1] =	wrdreg $0xFFFFFFFF  }
0xc1: {  	_ =	task.clear_ibuf [dreg:s6], $0x2FFFF;
	_ =	strace $0x9FFFFFFF  }
0xc2: {  	(tm) =	ssettm $0x7FFFFFFF  }
0xc3: {  	_ =	shalt  }
tec
execute0_lowered:
.L_overlay_start_1:
0x0: {  	(tag) =	ssettag $0x1  }
0x1: {  	s8 =	rddreg [dreg:$0x0]  }
0x2: {  	s0 =	srdreg.scid;
	s2 =	rddreg [dreg:$0x1]  }
0x3: {  	s3 =	simm.s32 $0x0;
	s6 =	sand.u32 $0x1, s0;
	s0 =	stileid.u32  }
0x4: {  	s17 =	simm.s32 $0x80;
	s18 =	simm.s32 $0xA000;
	s5 =	smul.u32 $0x1400, s0  }
0x5: {  	s22 =	simm.s32 $0x0;
	[smem:$0x7FF] =	sst s3;
	s12 =	smul.u32 $0x28000, s0  }
0x6: {  	s10 =	sadd.s32 $0x7B200, s8;
	s14 =	sadd.s32 $0x96000, s2;
	s13 =	smul.u32 $0x9C400, s6  }
0x7: {  	s21 =	sadd.s32 $0x9C000, s2;
	s1 =	sshll.u32 s6, $0x4;
	s30 =	smul.u32 $0x9C00, s0  }
0x8: {  	s28 =	ssub.s32 $0x2, s6;
	s31 =	smul.u32 $0x27000, s0;
	p0 =	seq.s32 s0, $0xF  }
0x9: {  	s19 =	sshll.u32 s0, $0x6;
	p1 =	sne.s32 s0, $0xF;
	s4 =	sor.u32 s0, s1  }
0xa: {  	s1 =	rddreg [dreg:$0x2];
	_ =	strace $0x80000053;
	s11 =	sshrl.u32 s28, $0x1  }
0xb: {  	s14 =	sshrl.u32 @p0 s14, $0x3;
	s19 =	sor.u32 $0x1C03, s19;
	s21 =	sshrl.u32 @!p1 s21, $0x3  }
0xc: {  	s4 =	smul.u32 $0xA00, s4;
	s9 =	sadd.s32 s5, s8;
	s11 =	ssub.s32 s28, s11  }
0xd: {  	s29 =	sshrl.u32 s12, $0x2;
	s12 =	sadd.s32 s30, s13;
	s15 =	sshrl.u32 s31, $0x2  }
0xe: {  	s13 =	sshrl.u32 s13, $0x3;
	s16 =	sadd.s32 s29, s2;
	s12 =	sshrl.u32 s12, $0x3  }
0xf: {  	s20 =	sadd.s32 s15, s2;
	s11 =	smax.u32 s11, $0x1;
	s15 =	sshll.u32 @!p0 s0, $0x6  }
.Ltmp0:
0x10: {  	s7 =	sadd.s32 s4, s8;
	s4 =	sadd.s32 $0x54000, s8;
	(pc) =	sbr.rel .LBB2_1-.Ltmp0, $4  }
0x11: {  	s8 =	sadd.s32 $0x52C00, s8;
	s15 =	sor.u32 @!p0 $0x1C03, s15;
	s16 =	sshrl.u32 @!p0 s16, $0x3  }
0x12: {  	s20 =	sshrl.u32 s20, $0x3;
	s5 =	sadd.s32 $0x18000, s7;
	s6 =	sadd.s32 $0x2C000, s7  }
0x13: {  	s7 =	sadd.s32 $0x40000, s9;
	s9 =	sadd.s32 s10, s12;
	s10 =	sadd.s32 s10, s13  }
0x14: {  	s12 =	simm.s32 $0x3;
	s13 =	simm.s32 $0x5000;
	s10 =	sadd.s32 $0x13800, s10  }
.LBB2_4:
0x15: {  	[bflag:$0x0] =	sbarrier.arrive $0xFFFF  }
0x16: {  	[hbm:s9], [sflag:s19] =	dma.local [spmem:s20], $0x1380  }
0x17: {  	s22 =	sadd.s32 $0x1, s22;
	_ =	swait.ge [sflag:s12], $0x1380  }
0x18: {  	p2 =	sne.s32 s22, s11;
	[sflag:s12] =	ssyncset.done $0x0  }
.Ltmp1:
0x19: {  	s23 =	simm.s32 @!p1 $0x3;
	[sflag:s12] =	ssyncadd.s32 $0xFFFFEC80;
	(pc) =	sbr.rel @!p2 .LBB2_5-.Ltmp1, $4  }
0x1a: {  	[hbm:s10], [sflag:s19] =	dma.local @!p1 [spmem:s21], $0x80  }
0x1b: {  	_ =	swait.ge @!p1 [sflag:s23], $0x80  }
0x1c: {  	[sflag:s23] =	ssyncset.done @!p1 $0x0  }
0x1d: {  	[sflag:s23] =	ssyncadd.s32 @!p1 $0xFFFFFF80  }
.LBB2_1:
0x1e: {  	[tilespmem:s3], [sflag:$0x3] =	stream.linear.gather [hbm4b:s5+s3], $0x4F00, $0x38;
	[tilespmem:$0x1BF40] =	vst v63  }
0x1f: {  	_ =	swait.ge [sflag:s12], $0x4F00  }
0x20: {  	[sflag:s12] =	ssyncset.done $0x0  }
0x21: {  	[sflag:s12] =	ssyncadd.s32 $0xFFFFB100  }
0x22: {  	[tilespmem:s13], [sflag:$0x3] =	stream.linear.gather [hbm4b:s6+s3], $0x4F80, $0x38;
	[tilespmem:$0x1BF40] =	vst v63  }
0x23: {  	_ =	swait.ge [sflag:s12], $0x4F80  }
0x24: {  	[sflag:s12] =	ssyncset.done $0x0  }
0x25: {  	[sflag:s12] =	ssyncadd.s32 $0xFFFFB080  }
0x26: {  	v0 =	vld [tilespmem:$0x9F00];
	_ =	sdelay $0x4  }
0x27: {  	(v2sf) =	vpush v0, $0x0;
	_ =	sdelay $0xe  }
0x28: {  	s24 =	simm.s32 @p0 $0x1FC3;
	s23 =	spop (v2sf)  }
0x29: {  	[spmem:s14], [sflag:s24] =	dma.local @p0 [hbm:s8], $0x1280  }
0x2a: {  	s24 =	simm.s32 @p0 $0x3  }
0x2b: {  	_ =	swait.ge @p0 [sflag:s24], $0x1280  }
0x2c: {  	[sflag:s24] =	ssyncset.done @p0 $0x0  }
0x2d: {  	p2 =	slt.s32 s23, $0x1;
	[sflag:s24] =	ssyncadd.s32 @p0 $0xFFFFED80;
	s24 =	simm.s32 @!p0 $0x3  }
0x2e: {  	[spmem:s16], [sflag:s15] =	dma.local @!p0 [hbm:s7], $0x1400  }
.Ltmp2:
0x2f: {  	_ =	swait.ge @!p0 [sflag:s24], $0x1400;
	(pc) =	sbr.rel @p2 .LBB2_4-.Ltmp2, $3  }
0x30: {  	[sflag:s24] =	ssyncset.done @!p0 $0x0  }
0x31: {  	[sflag:s24] =	ssyncadd.s32 @!p0 $0xFFFFEC00  }
0x32: {  	[bflag:$0x0] =	sbarrier.arrive $0xFFFF;
	_ =	sdelay $0x1  }
0x33: {  	s24 =	simm.s32 $0x0  }
0x34: {  	[tilespmem:s18], [sflag:$0x1] =	stream.indirect.gather [hbm4b:s4+s17], $0x80, s24, s17, $0xb8;
	[tilespmem:$0x1BF40] =	vst v63  }
.LBB2_3:
0x35: {  	s25 =	sand.u32 $0x1, s24  }
0x36: {  	p2 =	seq.s32 s25, $0x1  }
0x37: {  	s25 =	simm.s32 @p2 $0x2;
	s26 =	sadd.s32 @p2 $0x1, s24  }
0x38: {  	_ =	swait.ge @p2 [sflag:s25], $0x4000;
	p3 =	sge.s32 @p2 s26, s23  }
0x39: {  	[sflag:s25] =	ssyncset.done @p2 $0x0;
	p3 =	por p3, !p2  }
0x3a: {  	[sflag:s25] =	ssyncadd.s32 @p2 $0xFFFFC000;
	s25 =	sshll.u32 @!p3 s26, $0x9  }
0x3b: {  	s28 =	simm.s32 @!p3 $0x80;
	s29 =	simm.s32 @!p3 $0xA000;
	s25 =	sshra.s32 @!p3 s25, $0x2  }
0x3c: {  	[tilespmem:s29], [sflag:$0x1] =	stream.indirect.gather @!p3 [hbm4b:s4+s28], $0x80, s25, s28, $0xb8;
	[tilespmem:$0x1BF40] =	vst v63  }
0x3d: {  	s25 =	sshll.u32 @p2 s24, $0x9  }
0x3e: {  	s25 =	sshra.s32 @p2 s25, $0x2  }
0x3f: {  	s28 =	simm.s32 @p2 $0x80;
	s29 =	simm.s32 @p2 $0xE000;
	s25 =	sadd.s32 @p2 $0x5000, s25  }
0x40: {  	[spmem:s2] =	stream.indirect.scatter.add.f32 @p2 [tilespmem:s29], [sflag:$0x3], $0x80, s25, s28, $0xb8;
	[tilespmem:$0x1BF40] =	vst v63  }
0x41: {  	s25 =	simm.s32 @p2 $0x3  }
0x42: {  	_ =	swait.ge @p2 [sflag:s25], $0x4000  }
0x43: {  	s28 =	sor.u32 @!p2 $0x1, s24;
	[sflag:s25] =	ssyncset.done @p2 $0x0  }
0x44: {  	s24 =	sshll.u32 @!p2 s24, $0x9;
	[sflag:s25] =	ssyncadd.s32 @p2 $0xFFFFC000;
	s25 =	simm.s32 @!p2 $0x1  }
0x45: {  	p3 =	sge.s32 @!p2 s28, s23;
	s24 =	sshra.s32 @!p2 s24, $0x2;
	_ =	swait.ge @!p2 [sflag:s25], $0x4000  }
0x46: {  	p3 =	por p3, p2;
	s24 =	sadd.s32 @!p2 $0x5000, s24;
	[sflag:s25] =	ssyncset.done @!p2 $0x0  }
0x47: {  	s29 =	simm.s32 @!p3 $0x80;
	[sflag:s25] =	ssyncadd.s32 @!p2 $0xFFFFC000;
	s25 =	sshll.u32 @!p3 s28, $0x9  }
0x48: {  	s30 =	simm.s32 @!p3 $0xE000;
	s28 =	smov.u32 @p2 s26;
	s25 =	sshra.s32 @!p3 s25, $0x2  }
0x49: {  	[tilespmem:s30], [sflag:$0x2] =	stream.indirect.gather @!p3 [hbm4b:s4+s29], $0x80, s25, s29, $0xb8;
	[tilespmem:$0x1BF40] =	vst v63  }
0x4a: {  	s25 =	simm.s32 @!p2 $0x80;
	s29 =	simm.s32 @!p2 $0xA000;
	p3 =	sne.s32 s28, s23  }
0x4b: {  	[spmem:s2] =	stream.indirect.scatter.add.f32 @!p2 [tilespmem:s29], [sflag:$0x4], $0x80, s24, s25, $0xb8;
	[tilespmem:$0x1BF40] =	vst v63  }
.Ltmp3:
0x4c: {  	_ = 	snop;
	(pc) =	sbr.rel @p3 .LBB2_3-.Ltmp3, $4  }
0x4d: {  	s24 =	simm.s32 @!p2 $0x4  }
0x4e: {  	_ =	swait.ge @!p2 [sflag:s24], $0x4000  }
0x4f: {  	[sflag:s24] =	ssyncset.done @!p2 $0x0  }
0x50: {  	[sflag:s24] =	ssyncadd.s32 @!p2 $0xFFFFC000;
	s24 =	smov.u32 s28  }
.Ltmp4:
0x51: {  	_ = 	snop;
	(pc) =	sbr.rel .LBB2_4-.Ltmp4, $1  }
0x52: {  	_ =	sdelay $0x3  }
.LBB2_5:
0x53: {  	_ =	sfence.sel $0x180000  }
0x54: {  	[bflag:$0x0] =	sbarrier.arrive $0xFFFF  }
0x55: {  	p0 =	sne.s32 s0, $0x0;
	_ =	strace $0x90000053  }
0x56: {  	s0 =	sadd.s32 @!p0 $0x100000, s1;
	[bflag:$0x2] =	sbarrier.arrive $0xFFFF  }
0x57: {  	[sflag:s0] =	ssyncadd.tile.s32 @!p0 $0x1;
	_ =	shalt  }
.Lfunc_end2:
_tile_overlayer_lowered:
.L_overlay_start_2:
0x58: {  	(tag) =	ssettag $0x2  }
0x59: {  	s0 =	rddreg [dreg:$0x0];
	s2 =	stileid.u32  }
0x5a: {  	s1 =	rddreg [dreg:$0x1];
	p0 =	sne.s32 s2, $0x0  }
0x5b: {  	s3 =	rddreg [dreg:$0x2];
	[bflag:$0x3] =	sbarrier.arrive $0xFFFF;
	s2 =	simm.s32 @!p0 $0x1C03  }
0x5c: {  	[timem:s3], [sflag:s2] =	dma.local @!p0 [hbm:s0], s1  }
0x5d: {  	s0 =	simm.s32 @!p0 $0x3  }
0x5e: {  	_ =	swait.ge @!p0 [sflag:s0], s1  }
0x5f: {  	s1 =	ssub.s32 @!p0 $0x0, s1;
	[sflag:s0] =	ssyncset.done @!p0 $0x0  }
0x60: {  	[sflag:s0] =	ssyncadd.s32 @!p0 s1  }
0x61: {  	[bflag:$0x3] =	sbarrier.arrive $0xFFFF  }
0x62: {  	_ =	shalt  }

</sc_bundles>
